<compile_context>
chip_gen: v7x
topology: tpu7x:2x2x1
jax: 0.10.2.dev20260603
libtpu: 0.0.44.dev20260713+nightly
codegen_flags: <defaults>
</compile_context>

<pallas_src>
import jax
import jax.numpy as jnp
from jax import lax
from jax.experimental import pallas as pl
from jax.experimental.pallas import tpu as pltpu
from jax.experimental.pallas import tpu_sc as plsc

N = 10000
E = 320000
C = 128
NPAD = 10240
RPT = 640
K = 80
R = 5000
EPW = E // 32
NBLK = EPW // 80

_mesh = plsc.VectorSubcoreMesh(core_axis_name="c", subcore_axis_name="s")
f32 = jnp.float32


NR = NPAD // C


def _zero_2d(ref, rows):
    def body(r, _):
        for c4 in range(C // 16):
            ref[r, pl.ds(c4 * 16, 16)] = jnp.zeros((16,), f32)
        return 0
    lax.fori_loop(0, rows, body, 0)


def _fill_iota(ref, n):
    def body(j, _):
        ref[pl.ds(j * 16, 16)] = jnp.arange(16, dtype=jnp.int32) + j * 16
        return 0
    lax.fori_loop(0, n // 16, body, 0)


def _drain_and_writeback(acc_l, acc_s, idt, out_hbm, cid, sid, wbuf):
    pltpu.sync_copy(acc_l, acc_s.at[idt], add=True)
    plsc.subcore_barrier()
    rows = NR // 16
    pltpu.sync_copy(acc_s.at[pl.ds(sid * rows, rows)], wbuf)
    pltpu.sync_copy(wbuf, out_hbm.at[cid, pl.ds(sid * rows, rows)])


def _deg_body(dst_hbm, d_hbm, acc_s, acc_l, idt, dbig, wbuf):
    cid = lax.axis_index("c")
    sid = lax.axis_index("s")
    _zero_2d(acc_l, NR)
    _fill_iota(idt, NR)
    rows = NR // 16
    pltpu.sync_copy(acc_l.at[pl.ds(0, rows)], acc_s.at[pl.ds(sid * rows, rows)])
    wid = sid * 2 + cid
    pltpu.sync_copy(dst_hbm.at[pl.ds(wid * NBLK, NBLK)], dbig)
    plsc.subcore_barrier()

    ones16 = jnp.ones((16,), f32)

    def ebody(i, _):
        for j in range(K // 16):
            d16 = dbig[i, pl.ds(j * 16, 16)]
            row = lax.shift_right_logical(d16, 7)
            col = jnp.bitwise_and(d16, 127)
            plsc.addupdate_scatter(acc_l, [row, col], ones16)
        return 0
    lax.fori_loop(0, NBLK, ebody, 0)
    plsc.subcore_barrier()
    _drain_and_writeback(acc_l, acc_s, idt, d_hbm, cid, sid, wbuf)


_deg_call = pl.kernel(
    _deg_body,
    out_type=jax.ShapeDtypeStruct((2, NR, C), f32),
    mesh=_mesh,
    compiler_params=pltpu.CompilerParams(use_tc_tiling_on_sc=False, needs_layout_passes=False),
    scratch_types=[
        pltpu.VMEM_SHARED((NR, C), f32),
        pltpu.VMEM((NR, C), f32),
        pltpu.VMEM((NR,), jnp.int32),
        pltpu.VMEM((NBLK, K), jnp.int32),
        pltpu.VMEM((NR // 16, C), f32),
    ],
)


def _edge_body(g_hbm, src_hbm, dst_hbm, p_hbm, acc_s,
               buf0, buf1, sbig, dbig, sem0, sem1, zsem):
    cid = lax.axis_index("c")
    sid = lax.axis_index("s")

    wid = sid * 2 + cid

    pltpu.async_copy(src_hbm.at[pl.ds(wid * NBLK, NBLK)], sbig, sem0)
    pltpu.async_copy(dst_hbm.at[pl.ds(wid * NBLK, NBLK)], dbig, sem1)

    def zrow(r, _):
        for c4 in range(C // 16):
            buf0[r, pl.ds(c4 * 16, 16)] = jnp.zeros((16,), f32)
        return 0
    lax.fori_loop(0, K, zrow, 0)

    for k in range(RPT // K):
        pltpu.async_copy(buf0, acc_s.at[pl.ds(sid * RPT + k * K, K)], zsem)
    for k in range(RPT // K):
        pltpu.make_async_copy(
            buf0, acc_s.at[pl.ds(sid * RPT + k * K, K)], zsem).wait()
    pltpu.make_async_copy(src_hbm.at[pl.ds(wid * NBLK, NBLK)], sbig, sem0).wait()
    pltpu.make_async_copy(dst_hbm.at[pl.ds(wid * NBLK, NBLK)], dbig, sem1).wait()
    plsc.subcore_barrier()

    def start(b, bf, sem):
        pltpu.async_copy(g_hbm.at[sbig.at[b]], bf, sem)

    def drain(b, bf, sem):
        pltpu.make_async_copy(g_hbm.at[sbig.at[b]], bf, sem).wait()
        pltpu.sync_copy(bf, acc_s.at[dbig.at[b]], add=True)

    start(0, buf0, sem0)

    def pair(o, _):
        start(2 * o + 1, buf1, sem1)
        drain(2 * o, buf0, sem0)
        start(2 * o + 2, buf0, sem0)
        drain(2 * o + 1, buf1, sem1)
        return 0
    lax.fori_loop(0, NBLK // 2, pair, 0)
    drain(NBLK - 1, buf0, sem0)
    plsc.subcore_barrier()

    def s2v(k, bf, sem):
        pltpu.async_copy(acc_s.at[pl.ds(sid * RPT + k * K, K)], bf, sem)

    def s2v_wait(k, bf, sem):
        pltpu.make_async_copy(
            acc_s.at[pl.ds(sid * RPT + k * K, K)], bf, sem).wait()

    def v2h(k, bf, sem):
        pltpu.async_copy(bf, p_hbm.at[cid, pl.ds(sid * RPT + k * K, K)], sem)

    def v2h_wait(k, bf, sem):
        pltpu.make_async_copy(
            bf, p_hbm.at[cid, pl.ds(sid * RPT + k * K, K)], sem).wait()

    nwb = RPT // K
    bufs = [(buf0, sem0), (buf1, sem1)]
    s2v(0, *bufs[0])
    for k in range(nwb):
        cur = bufs[k % 2]
        oth = bufs[(k + 1) % 2]
        s2v_wait(k, *cur)
        if k >= 1:
            v2h_wait(k - 1, *oth)
        if k < nwb - 1:
            s2v(k + 1, *oth)
        v2h(k, *cur)
    v2h_wait(nwb - 1, *bufs[(nwb - 1) % 2])


_edge_call = pl.kernel(
    _edge_body,
    out_type=jax.ShapeDtypeStruct((2, NPAD, C), f32),
    mesh=_mesh,
    compiler_params=pltpu.CompilerParams(use_tc_tiling_on_sc=False, needs_layout_passes=False),
    scratch_types=[
        pltpu.VMEM_SHARED((NPAD, C), f32),
        pltpu.VMEM((K, C), f32),
        pltpu.VMEM((K, C), f32),
        pltpu.VMEM((NBLK, K), jnp.int32),
        pltpu.VMEM((NBLK, K), jnp.int32),
        pltpu.SemaphoreType.DMA,
        pltpu.SemaphoreType.DMA,
        pltpu.SemaphoreType.DMA,
    ],
)


NBLK2 = (E // K) // 16


def _fin_body(gf_hbm, src_hbm, dst_hbm, dinv_hbm, bf_hbm, o_hbm,
              acc_s, acc_l, gf_v, idt, sbig, dbig, cbuf, dv, obuf, bfv):
    cid = lax.axis_index("c")
    sid = lax.axis_index("s")
    _zero_2d(acc_l, NR)
    _fill_iota(idt, NR)
    rows = NR // 16
    pltpu.sync_copy(acc_l.at[pl.ds(0, rows)], acc_s.at[pl.ds(sid * rows, rows)])
    pltpu.sync_copy(gf_hbm, gf_v.at[pl.ds(0, N)])
    pltpu.sync_copy(src_hbm.at[pl.ds(sid * NBLK2, NBLK2)], sbig)
    pltpu.sync_copy(dst_hbm.at[pl.ds(sid * NBLK2, NBLK2)], dbig)
    plsc.subcore_barrier()

    def ebody(i, _):
        for j in range(K // 16):
            s16 = sbig[i, pl.ds(j * 16, 16)]
            d16 = dbig[i, pl.ds(j * 16, 16)]
            vals = plsc.load_gather(gf_v, [s16])
            row = lax.shift_right_logical(d16, 7)
            col = jnp.bitwise_and(d16, 127)
            plsc.addupdate_scatter(acc_l, [row, col], vals)
        return 0
    lax.fori_loop(0, NBLK2, ebody, 0)
    plsc.subcore_barrier()
    pltpu.sync_copy(acc_l, acc_s.at[idt], add=True)
    plsc.subcore_barrier()

    @pl.when(cid == 0)
    def _():
        pltpu.sync_copy(acc_s.at[pl.ds(sid * (NR // 16), NR // 16)], cbuf)
        pltpu.sync_copy(dinv_hbm.at[pl.ds(sid * RPT, RPT)], dv)
        pltpu.sync_copy(bf_hbm, bfv)
        b16 = bfv[...]

        def comb(j, _):
            row = lax.shift_right_logical(j, 3)
            col = jnp.bitwise_and(j, 7) * 16
            a16 = cbuf[row, pl.ds(col, 16)]
            g16 = gf_v[pl.ds(sid * RPT + j * 16, 16)]
            d16 = dv[pl.ds(j * 16, 16)]
            obuf[pl.ds(j * 16, 16)] = d16 * (a16 + g16) + b16
            return 0
        lax.fori_loop(0, RPT // 16, comb, 0)
        pltpu.sync_copy(obuf, o_hbm.at[pl.ds(sid * RPT, RPT)])


_fin_call = pl.kernel(
    _fin_body,
    out_type=jax.ShapeDtypeStruct((NPAD,), f32),
    mesh=_mesh,
    compiler_params=pltpu.CompilerParams(use_tc_tiling_on_sc=False, needs_layout_passes=False),
    scratch_types=[
        pltpu.VMEM_SHARED((NR, C), f32),
        pltpu.VMEM((NR, C), f32),
        pltpu.VMEM((NPAD,), f32),
        pltpu.VMEM((NR,), jnp.int32),
        pltpu.VMEM((NBLK2, K), jnp.int32),
        pltpu.VMEM((NBLK2, K), jnp.int32),
        pltpu.VMEM((NR // 16, C), f32),
        pltpu.VMEM((RPT,), f32),
        pltpu.VMEM((RPT,), f32),
        pltpu.VMEM((16,), f32),
    ],
)


def _tc1_body(x_ref, w_ref, d0_ref, d1_ref, g_ref, dinv_ref):
    dinv = lax.rsqrt(d0_ref[0] + d1_ref[0] + 1.0)
    g_ref[...] = jnp.dot(x_ref[...], w_ref[...],
                         preferred_element_type=f32) * dinv
    dinv_ref[...] = dinv


def _tc2_body(p0_ref, p1_ref, g_ref, dinv_ref, b_ref, w_ref, o_ref):
    dinv = dinv_ref[...]
    h = jnp.maximum(
        dinv * (p0_ref[0] + p1_ref[0] + g_ref[...]) + b_ref[...], 0.0)
    o_ref[...] = jnp.dot(h, w_ref[...], preferred_element_type=f32) * dinv


def _row_spec(w):
    return pl.BlockSpec((R, w), lambda i: (i, 0))


def _const_spec(h, w):
    return pl.BlockSpec((h, w), lambda i: (0, 0))


def _half_spec(c, w):
    return pl.BlockSpec((1, R, w), lambda i, c=c: (c, i, 0))


_GRID = N // R

_tc1_call = pl.pallas_call(
    _tc1_body,
    grid=(_GRID,),
    in_specs=[_row_spec(C), _const_spec(C, C), _half_spec(0, 1),
              _half_spec(1, 1)],
    out_specs=[_row_spec(C), _row_spec(1)],
    out_shape=[jax.ShapeDtypeStruct((N, C), f32),
               jax.ShapeDtypeStruct((NPAD, 1), f32)],
)


def _make_tc2(cout):
    return pl.pallas_call(
        _tc2_body,
        grid=(_GRID,),
        in_specs=[_half_spec(0, C), _half_spec(1, C), _row_spec(C),
                  _row_spec(1), _const_spec(1, C), _const_spec(C, cout)],
        out_specs=_row_spec(cout),
        out_shape=jax.ShapeDtypeStruct((N, cout), f32),
    )


_tc2_call = _make_tc2(C)
_tc3_call = _make_tc2(1)

@jax.jit
def kernel(x, edge_index, batch, W0, b0, W1, b1, Wf, bf):
    src = edge_index[0].reshape(E // K, K)
    dst = edge_index[1].reshape(E // K, K)

    d = _deg_call(dst).reshape(2, NPAD, 1)
    g0, dinv = _tc1_call(x, W0, d, d)
    p = _edge_call(g0, src, dst)
    g1 = _tc2_call(p, p, g0, dinv, b0.reshape(1, C), W1)
    q = _edge_call(g1, src, dst)
    gf = _tc3_call(q, q, g1, dinv, b1.reshape(1, C), Wf)
    outp = _fin_call(gf.reshape(N), src, dst, dinv.reshape(NPAD),
                     jnp.broadcast_to(bf, (16,)))
    return outp[:N].reshape(N, 1)

# --- scband reference (transcript-rebuilt; emitter-appended) ---
"""Pipeline reference for scband-gnn-model-15899968930143 (READ-ONLY COPY).

The authoritative reference and input builder live on the scoring server;
editing this copy changes nothing except your own understanding.
"""

import jax, jax.numpy as jnp
import numpy as np

N = 10000
E = 320000
C_IN = 128
C = 128


def setup_inputs(seed: int = 0) -> dict:
    key = jax.random.key(seed)
    ks = jax.random.split(key, 8)
    x = jax.random.normal(ks[0], (N, C_IN), dtype=jnp.float32)
    edge_index = jax.random.randint(ks[1], (2, E), 0, N, dtype=jnp.int32)
    batch = jnp.zeros((N,), dtype=jnp.int32)
    # GCNConv weights (glorot-ish scaling) for first_convs (2 convs, depth=0 so no down/up) + final_conv
    W0 = jax.random.normal(ks[2], (C_IN, C), dtype=jnp.float32) * (1.0 / np.sqrt(C_IN))
    b0 = jnp.zeros((C,), dtype=jnp.float32)
    W1 = jax.random.normal(ks[3], (C, C), dtype=jnp.float32) * (1.0 / np.sqrt(C))
    b1 = jnp.zeros((C,), dtype=jnp.float32)
    Wf = jax.random.normal(ks[4], (C, 1), dtype=jnp.float32) * (1.0 / np.sqrt(C))
    bf = jnp.zeros((1,), dtype=jnp.float32)
    return {"x": x, "edge_index": edge_index, "batch": batch,
            "W0": W0, "b0": b0, "W1": W1, "b1": b1, "Wf": Wf, "bf": bf}


def gcn_conv(x, src, dst, W, b, n):
    # PyG GCNConv: add self-loops, symmetric normalization D^-1/2 (A+I) D^-1/2 X W + b
    h = x @ W
    loop = jnp.arange(n, dtype=src.dtype)
    s = jnp.concatenate([src, loop])
    d = jnp.concatenate([dst, loop])
    deg = jnp.zeros((n,), dtype=x.dtype).at[d].add(1.0)
    dinv = jnp.where(deg > 0, 1.0 / jnp.sqrt(deg), 0.0)
    norm = dinv[s] * dinv[d]
    msg = h[s] * norm[:, None]
    out = jnp.zeros((n, h.shape[1]), dtype=x.dtype).at[d].add(msg)
    return out + b


def reference(x, edge_index, batch, W0, b0, W1, b1, Wf, bf):
    # depth=0: forward = doGCNBlock(first_convs) with relu activation, then final_conv (no activation).
    # threshold=0 (falsy) -> no thresholding; last_1x1=False -> final conv uses edge_index.
    src = edge_index[0]
    dst = edge_index[1]
    h = jax.nn.relu(gcn_conv(x, src, dst, W0, b0, N))
    h = jax.nn.relu(gcn_conv(h, src, dst, W1, b1, N))
    out = gcn_conv(h, src, dst, Wf, bf, N)
    return out

if __name__ == "__main__":
    import jax
    _d = setup_inputs()
    print(jax.jit(kernel)(*tuple(_d.values())))

</pallas_src>

<mosaic_0001>
#map = affine_map<(d0, d1) -> (0, 0)>
#map1 = affine_map<(d0, d1) -> (0, 0, 0)>
module attributes {stable_mosaic.version = 14 : i64} {
  func.func @_edge_body(%arg0: i32, %arg1: i32, %arg2: memref<10000x128xf32, #tpu.memory_space<hbm>>, %arg3: memref<4000x80xi32, #tpu.memory_space<hbm>>, %arg4: memref<4000x80xi32, #tpu.memory_space<hbm>>, %arg5: memref<2x10240x128xf32, #tpu.memory_space<hbm>>, %arg6: memref<10240x128xf32, #tpu.memory_space<vmem_shared>>, %arg7: memref<80x128xf32, #tpu.memory_space<vmem>>, %arg8: memref<80x128xf32, #tpu.memory_space<vmem>>, %arg9: memref<125x80xi32, #tpu.memory_space<vmem>>, %arg10: memref<125x80xi32, #tpu.memory_space<vmem>>, %arg11: memref<!tpu.dma_semaphore, #tpu.memory_space<semaphore_mem>>, %arg12: memref<!tpu.dma_semaphore, #tpu.memory_space<semaphore_mem>>, %arg13: memref<!tpu.dma_semaphore, #tpu.memory_space<semaphore_mem>>) attributes {dimension_semantics = [#tpu.dimension_semantics<core_parallel>, #tpu.dimension_semantics<subcore_parallel>], iteration_bounds = array<i64: 2, 16>, scalar_prefetch = 0 : i64, scratch_operands = 8 : i64, tpu.core_type = #tpu.core_type<sc_vector_subcore>, window_params = [{transform_indices = #map}, {transform_indices = #map}, {transform_indices = #map}, {transform_indices = #map1}]} {
    %mul3A = arith.constant 2 : i32
    %mul3A_0 = arith.muli %arg1, %mul3A : i32
    %add3A = arith.addi %mul3A_0, %arg0 : i32
    %mul3A_1 = arith.constant 125 : i32
    %mul3A_2 = arith.muli %add3A, %mul3A_1 : i32
    %dma_start3A = arith.constant 0 : i32
    %dma_start3A_3 = tpu.memref_slice %arg3[%mul3A_2, %dma_start3A] : memref<4000x80xi32, #tpu.memory_space<hbm>> -> memref<125x80xi32, #tpu.memory_space<hbm>>
    %dma_start3A_4 = arith.constant 0 : i32
    %dma_start3A_5 = tpu.memref_slice %arg3[%mul3A_2, %dma_start3A_4] : memref<4000x80xi32, #tpu.memory_space<hbm>> -> memref<125x80xi32, #tpu.memory_space<hbm>>
    tpu.enqueue_dma source(%dma_start3A_5 : memref<125x80xi32, #tpu.memory_space<hbm>>) target(%arg9 : memref<125x80xi32, #tpu.memory_space<vmem>>) target_semaphore(%arg11 : memref<!tpu.dma_semaphore, #tpu.memory_space<semaphore_mem>>)
    %mul3A_6 = arith.constant 125 : i32
    %mul3A_7 = arith.muli %add3A, %mul3A_6 : i32
    %dma_start3A_8 = arith.constant 0 : i32
    %dma_start3A_9 = tpu.memref_slice %arg4[%mul3A_7, %dma_start3A_8] : memref<4000x80xi32, #tpu.memory_space<hbm>> -> memref<125x80xi32, #tpu.memory_space<hbm>>
    %dma_start3A_10 = arith.constant 0 : i32
    %dma_start3A_11 = tpu.memref_slice %arg4[%mul3A_7, %dma_start3A_10] : memref<4000x80xi32, #tpu.memory_space<hbm>> -> memref<125x80xi32, #tpu.memory_space<hbm>>
    tpu.enqueue_dma source(%dma_start3A_11 : memref<125x80xi32, #tpu.memory_space<hbm>>) target(%arg10 : memref<125x80xi32, #tpu.memory_space<vmem>>) target_semaphore(%arg12 : memref<!tpu.dma_semaphore, #tpu.memory_space<semaphore_mem>>)
    %scan3A = arith.constant 0 : i32
    %scan3A_12 = arith.constant 0 : i32
    %scan3A_13 = arith.constant 80 : i32
    %scan3A_14 = arith.addi %scan3A_12, %scan3A_13 : i32
    %scan3A_15 = arith.constant 1 : i32
    %scan3A_16 = scf.for %scan3A_467 = %scan3A_12 to %scan3A_14 step %scan3A_15 iter_args(%scan3A_468 = %scan3A) -> (i32)  : i32 {
      %broadcast_in_dim3A = arith.constant 0.000000e+00 : f32
      %broadcast_in_dim3A_469 = vector.broadcast %broadcast_in_dim3A : f32 to vector<16xf32>
      %swap3A = arith.index_cast %scan3A_467 : i32 to index
      %swap3A_470 = arith.constant 0 : index
      %swap3A_471 = tpu.vector_load %arg7[%swap3A, %swap3A_470] {strides = array<i32>} : memref<80x128xf32, #tpu.memory_space<vmem>>, vector<16xf32>,
      tpu.vector_store %arg7[%swap3A, %swap3A_470], %broadcast_in_dim3A_469 {strides = array<i32>} : memref<80x128xf32, #tpu.memory_space<vmem>>, vector<16xf32>,
      %broadcast_in_dim3A_472 = arith.constant 0.000000e+00 : f32
      %broadcast_in_dim3A_473 = vector.broadcast %broadcast_in_dim3A_472 : f32 to vector<16xf32>
      %swap3A_474 = arith.index_cast %scan3A_467 : i32 to index
      %swap3A_475 = arith.constant 16 : index
      %swap3A_476 = tpu.vector_load %arg7[%swap3A_474, %swap3A_475] {strides = array<i32>} : memref<80x128xf32, #tpu.memory_space<vmem>>, vector<16xf32>,
      tpu.vector_store %arg7[%swap3A_474, %swap3A_475], %broadcast_in_dim3A_473 {strides = array<i32>} : memref<80x128xf32, #tpu.memory_space<vmem>>, vector<16xf32>,
      %broadcast_in_dim3A_477 = arith.constant 0.000000e+00 : f32
      %broadcast_in_dim3A_478 = vector.broadcast %broadcast_in_dim3A_477 : f32 to vector<16xf32>
      %swap3A_479 = arith.index_cast %scan3A_467 : i32 to index
      %swap3A_480 = arith.constant 32 : index
      %swap3A_481 = tpu.vector_load %arg7[%swap3A_479, %swap3A_480] {strides = array<i32>} : memref<80x128xf32, #tpu.memory_space<vmem>>, vector<16xf32>,
      tpu.vector_store %arg7[%swap3A_479, %swap3A_480], %broadcast_in_dim3A_478 {strides = array<i32>} : memref<80x128xf32, #tpu.memory_space<vmem>>, vector<16xf32>,
      %broadcast_in_dim3A_482 = arith.constant 0.000000e+00 : f32
      %broadcast_in_dim3A_483 = vector.broadcast %broadcast_in_dim3A_482 : f32 to vector<16xf32>
      %swap3A_484 = arith.index_cast %scan3A_467 : i32 to index
      %swap3A_485 = arith.constant 48 : index
      %swap3A_486 = tpu.vector_load %arg7[%swap3A_484, %swap3A_485] {strides = array<i32>} : memref<80x128xf32, #tpu.memory_space<vmem>>, vector<16xf32>,
      tpu.vector_store %arg7[%swap3A_484, %swap3A_485], %broadcast_in_dim3A_483 {strides = array<i32>} : memref<80x128xf32, #tpu.memory_space<vmem>>, vector<16xf32>,
      %broadcast_in_dim3A_487 = arith.constant 0.000000e+00 : f32
      %broadcast_in_dim3A_488 = vector.broadcast %broadcast_in_dim3A_487 : f32 to vector<16xf32>
      %swap3A_489 = arith.index_cast %scan3A_467 : i32 to index
      %swap3A_490 = arith.constant 64 : index
      %swap3A_491 = tpu.vector_load %arg7[%swap3A_489, %swap3A_490] {strides = array<i32>} : memref<80x128xf32, #tpu.memory_space<vmem>>, vector<16xf32>,
      tpu.vector_store %arg7[%swap3A_489, %swap3A_490], %broadcast_in_dim3A_488 {strides = array<i32>} : memref<80x128xf32, #tpu.memory_space<vmem>>, vector<16xf32>,
      %broadcast_in_dim3A_492 = arith.constant 0.000000e+00 : f32
      %broadcast_in_dim3A_493 = vector.broadcast %broadcast_in_dim3A_492 : f32 to vector<16xf32>
      %swap3A_494 = arith.index_cast %scan3A_467 : i32 to index
      %swap3A_495 = arith.constant 80 : index
      %swap3A_496 = tpu.vector_load %arg7[%swap3A_494, %swap3A_495] {strides = array<i32>} : memref<80x128xf32, #tpu.memory_space<vmem>>, vector<16xf32>,
      tpu.vector_store %arg7[%swap3A_494, %swap3A_495], %broadcast_in_dim3A_493 {strides = array<i32>} : memref<80x128xf32, #tpu.memory_space<vmem>>, vector<16xf32>,
      %broadcast_in_dim3A_497 = arith.constant 0.000000e+00 : f32
      %broadcast_in_dim3A_498 = vector.broadcast %broadcast_in_dim3A_497 : f32 to vector<16xf32>
      %swap3A_499 = arith.index_cast %scan3A_467 : i32 to index
      %swap3A_500 = arith.constant 96 : index
      %swap3A_501 = tpu.vector_load %arg7[%swap3A_499, %swap3A_500] {strides = array<i32>} : memref<80x128xf32, #tpu.memory_space<vmem>>, vector<16xf32>,
      tpu.vector_store %arg7[%swap3A_499, %swap3A_500], %broadcast_in_dim3A_498 {strides = array<i32>} : memref<80x128xf32, #tpu.memory_space<vmem>>, vector<16xf32>,
      %broadcast_in_dim3A_502 = arith.constant 0.000000e+00 : f32
      %broadcast_in_dim3A_503 = vector.broadcast %broadcast_in_dim3A_502 : f32 to vector<16xf32>
      %swap3A_504 = arith.index_cast %scan3A_467 : i32 to index
      %swap3A_505 = arith.constant 112 : index
      %swap3A_506 = tpu.vector_load %arg7[%swap3A_504, %swap3A_505] {strides = array<i32>} : memref<80x128xf32, #tpu.memory_space<vmem>>, vector<16xf32>,
      tpu.vector_store %arg7[%swap3A_504, %swap3A_505], %broadcast_in_dim3A_503 {strides = array<i32>} : memref<80x128xf32, #tpu.memory_space<vmem>>, vector<16xf32>,
      %scan3A_507 = arith.constant 0 : i32
      scf.yield %scan3A_507 : i32
    }
    %scan3A_17 = arith.constant 80 : i32
    %mul3A_18 = arith.constant 640 : i32
    %mul3A_19 = arith.muli %arg1, %mul3A_18 : i32
    %add3A_20 = arith.constant 0 : i32
    %add3A_21 = arith.addi %mul3A_19, %add3A_20 : i32
    %dma_start3A_22 = arith.constant 0 : i32
    %dma_start3A_23 = tpu.memref_slice %arg6[%add3A_21, %dma_start3A_22] : memref<10240x128xf32, #tpu.memory_space<vmem_shared>> -> memref<80x128xf32, #tpu.memory_space<vmem_shared>>
    %dma_start3A_24 = arith.constant 0 : i32
    %dma_start3A_25 = tpu.memref_slice %arg6[%add3A_21, %dma_start3A_24] : memref<10240x128xf32, #tpu.memory_space<vmem_shared>> -> memref<80x128xf32, #tpu.memory_space<vmem_shared>>
    tpu.enqueue_dma source(%arg7 : memref<80x128xf32, #tpu.memory_space<vmem>>) target(%dma_start3A_25 : memref<80x128xf32, #tpu.memory_space<vmem_shared>>) target_semaphore(%arg13 : memref<!tpu.dma_semaphore, #tpu.memory_space<semaphore_mem>>)
    %mul3A_26 = arith.constant 640 : i32
    %mul3A_27 = arith.muli %arg1, %mul3A_26 : i32
    %add3A_28 = arith.constant 80 : i32
    %add3A_29 = arith.addi %mul3A_27, %add3A_28 : i32
    %dma_start3A_30 = arith.constant 0 : i32
    %dma_start3A_31 = tpu.memref_slice %arg6[%add3A_29, %dma_start3A_30] : memref<10240x128xf32, #tpu.memory_space<vmem_shared>> -> memref<80x128xf32, #tpu.memory_space<vmem_shared>>
    %dma_start3A_32 = arith.constant 0 : i32
    %dma_start3A_33 = tpu.memref_slice %arg6[%add3A_29, %dma_start3A_32] : memref<10240x128xf32, #tpu.memory_space<vmem_shared>> -> memref<80x128xf32, #tpu.memory_space<vmem_shared>>
    tpu.enqueue_dma source(%arg7 : memref<80x128xf32, #tpu.memory_space<vmem>>) target(%dma_start3A_33 : memref<80x128xf32, #tpu.memory_space<vmem_shared>>) target_semaphore(%arg13 : memref<!tpu.dma_semaphore, #tpu.memory_space<semaphore_mem>>)
    %mul3A_34 = arith.constant 640 : i32
    %mul3A_35 = arith.muli %arg1, %mul3A_34 : i32
    %add3A_36 = arith.constant 160 : i32
    %add3A_37 = arith.addi %mul3A_35, %add3A_36 : i32
    %dma_start3A_38 = arith.constant 0 : i32
    %dma_start3A_39 = tpu.memref_slice %arg6[%add3A_37, %dma_start3A_38] : memref<10240x128xf32, #tpu.memory_space<vmem_shared>> -> memref<80x128xf32, #tpu.memory_space<vmem_shared>>
    %dma_start3A_40 = arith.constant 0 : i32
    %dma_start3A_41 = tpu.memref_slice %arg6[%add3A_37, %dma_start3A_40] : memref<10240x128xf32, #tpu.memory_space<vmem_shared>> -> memref<80x128xf32, #tpu.memory_space<vmem_shared>>
    tpu.enqueue_dma source(%arg7 : memref<80x128xf32, #tpu.memory_space<vmem>>) target(%dma_start3A_41 : memref<80x128xf32, #tpu.memory_space<vmem_shared>>) target_semaphore(%arg13 : memref<!tpu.dma_semaphore, #tpu.memory_space<semaphore_mem>>)
    %mul3A_42 = arith.constant 640 : i32
    %mul3A_43 = arith.muli %arg1, %mul3A_42 : i32
    %add3A_44 = arith.constant 240 : i32
    %add3A_45 = arith.addi %mul3A_43, %add3A_44 : i32
    %dma_start3A_46 = arith.constant 0 : i32
    %dma_start3A_47 = tpu.memref_slice %arg6[%add3A_45, %dma_start3A_46] : memref<10240x128xf32, #tpu.memory_space<vmem_shared>> -> memref<80x128xf32, #tpu.memory_space<vmem_shared>>
    %dma_start3A_48 = arith.constant 0 : i32
    %dma_start3A_49 = tpu.memref_slice %arg6[%add3A_45, %dma_start3A_48] : memref<10240x128xf32, #tpu.memory_space<vmem_shared>> -> memref<80x128xf32, #tpu.memory_space<vmem_shared>>
    tpu.enqueue_dma source(%arg7 : memref<80x128xf32, #tpu.memory_space<vmem>>) target(%dma_start3A_49 : memref<80x128xf32, #tpu.memory_space<vmem_shared>>) target_semaphore(%arg13 : memref<!tpu.dma_semaphore, #tpu.memory_space<semaphore_mem>>)
    %mul3A_50 = arith.constant 640 : i32
    %mul3A_51 = arith.muli %arg1, %mul3A_50 : i32
    %add3A_52 = arith.constant 320 : i32
    %add3A_53 = arith.addi %mul3A_51, %add3A_52 : i32
    %dma_start3A_54 = arith.constant 0 : i32
    %dma_start3A_55 = tpu.memref_slice %arg6[%add3A_53, %dma_start3A_54] : memref<10240x128xf32, #tpu.memory_space<vmem_shared>> -> memref<80x128xf32, #tpu.memory_space<vmem_shared>>
    %dma_start3A_56 = arith.constant 0 : i32
    %dma_start3A_57 = tpu.memref_slice %arg6[%add3A_53, %dma_start3A_56] : memref<10240x128xf32, #tpu.memory_space<vmem_shared>> -> memref<80x128xf32, #tpu.memory_space<vmem_shared>>
    tpu.enqueue_dma source(%arg7 : memref<80x128xf32, #tpu.memory_space<vmem>>) target(%dma_start3A_57 : memref<80x128xf32, #tpu.memory_space<vmem_shared>>) target_semaphore(%arg13 : memref<!tpu.dma_semaphore, #tpu.memory_space<semaphore_mem>>)
    %mul3A_58 = arith.constant 640 : i32
    %mul3A_59 = arith.muli %arg1, %mul3A_58 : i32
    %add3A_60 = arith.constant 400 : i32
    %add3A_61 = arith.addi %mul3A_59, %add3A_60 : i32
    %dma_start3A_62 = arith.constant 0 : i32
    %dma_start3A_63 = tpu.memref_slice %arg6[%add3A_61, %dma_start3A_62] : memref<10240x128xf32, #tpu.memory_space<vmem_shared>> -> memref<80x128xf32, #tpu.memory_space<vmem_shared>>
    %dma_start3A_64 = arith.constant 0 : i32
    %dma_start3A_65 = tpu.memref_slice %arg6[%add3A_61, %dma_start3A_64] : memref<10240x128xf32, #tpu.memory_space<vmem_shared>> -> memref<80x128xf32, #tpu.memory_space<vmem_shared>>
    tpu.enqueue_dma source(%arg7 : memref<80x128xf32, #tpu.memory_space<vmem>>) target(%dma_start3A_65 : memref<80x128xf32, #tpu.memory_space<vmem_shared>>) target_semaphore(%arg13 : memref<!tpu.dma_semaphore, #tpu.memory_space<semaphore_mem>>)
    %mul3A_66 = arith.constant 640 : i32
    %mul3A_67 = arith.muli %arg1, %mul3A_66 : i32
    %add3A_68 = arith.constant 480 : i32
    %add3A_69 = arith.addi %mul3A_67, %add3A_68 : i32
    %dma_start3A_70 = arith.constant 0 : i32
    %dma_start3A_71 = tpu.memref_slice %arg6[%add3A_69, %dma_start3A_70] : memref<10240x128xf32, #tpu.memory_space<vmem_shared>> -> memref<80x128xf32, #tpu.memory_space<vmem_shared>>
    %dma_start3A_72 = arith.constant 0 : i32
    %dma_start3A_73 = tpu.memref_slice %arg6[%add3A_69, %dma_start3A_72] : memref<10240x128xf32, #tpu.memory_space<vmem_shared>> -> memref<80x128xf32, #tpu.memory_space<vmem_shared>>
    tpu.enqueue_dma source(%arg7 : memref<80x128xf32, #tpu.memory_space<vmem>>) target(%dma_start3A_73 : memref<80x128xf32, #tpu.memory_space<vmem_shared>>) target_semaphore(%arg13 : memref<!tpu.dma_semaphore, #tpu.memory_space<semaphore_mem>>)
    %mul3A_74 = arith.constant 640 : i32
    %mul3A_75 = arith.muli %arg1, %mul3A_74 : i32
    %add3A_76 = arith.constant 560 : i32
    %add3A_77 = arith.addi %mul3A_75, %add3A_76 : i32
    %dma_start3A_78 = arith.constant 0 : i32
    %dma_start3A_79 = tpu.memref_slice %arg6[%add3A_77, %dma_start3A_78] : memref<10240x128xf32, #tpu.memory_space<vmem_shared>> -> memref<80x128xf32, #tpu.memory_space<vmem_shared>>
    %dma_start3A_80 = arith.constant 0 : i32
    %dma_start3A_81 = tpu.memref_slice %arg6[%add3A_77, %dma_start3A_80] : memref<10240x128xf32, #tpu.memory_space<vmem_shared>> -> memref<80x128xf32, #tpu.memory_space<vmem_shared>>
    tpu.enqueue_dma source(%arg7 : memref<80x128xf32, #tpu.memory_space<vmem>>) target(%dma_start3A_81 : memref<80x128xf32, #tpu.memory_space<vmem_shared>>) target_semaphore(%arg13 : memref<!tpu.dma_semaphore, #tpu.memory_space<semaphore_mem>>)
    %mul3A_82 = arith.constant 640 : i32
    %mul3A_83 = arith.muli %arg1, %mul3A_82 : i32
    %add3A_84 = arith.constant 0 : i32
    %add3A_85 = arith.addi %mul3A_83, %add3A_84 : i32
    %dma_wait3A = arith.constant 0 : i32
    %dma_wait3A_86 = tpu.memref_slice %arg6[%add3A_85, %dma_wait3A] : memref<10240x128xf32, #tpu.memory_space<vmem_shared>> -> memref<80x128xf32, #tpu.memory_space<vmem_shared>>
    %dma_wait3A_87 = arith.constant 0 : i32
    %dma_wait3A_88 = tpu.memref_slice %arg6[%add3A_85, %dma_wait3A_87] : memref<10240x128xf32, #tpu.memory_space<vmem_shared>> -> memref<80x128xf32, #tpu.memory_space<vmem_shared>>
    tpu.wait_dma2 semaphore(%arg13 : memref<!tpu.dma_semaphore, #tpu.memory_space<semaphore_mem>>) src(%arg7 : memref<80x128xf32, #tpu.memory_space<vmem>>) dst(%dma_wait3A_88 : memref<80x128xf32, #tpu.memory_space<vmem_shared>>)
    %mul3A_89 = arith.constant 640 : i32
    %mul3A_90 = arith.muli %arg1, %mul3A_89 : i32
    %add3A_91 = arith.constant 80 : i32
    %add3A_92 = arith.addi %mul3A_90, %add3A_91 : i32
    %dma_wait3A_93 = arith.constant 0 : i32
    %dma_wait3A_94 = tpu.memref_slice %arg6[%add3A_92, %dma_wait3A_93] : memref<10240x128xf32, #tpu.memory_space<vmem_shared>> -> memref<80x128xf32, #tpu.memory_space<vmem_shared>>
    %dma_wait3A_95 = arith.constant 0 : i32
    %dma_wait3A_96 = tpu.memref_slice %arg6[%add3A_92, %dma_wait3A_95] : memref<10240x128xf32, #tpu.memory_space<vmem_shared>> -> memref<80x128xf32, #tpu.memory_space<vmem_shared>>
    tpu.wait_dma2 semaphore(%arg13 : memref<!tpu.dma_semaphore, #tpu.memory_space<semaphore_mem>>) src(%arg7 : memref<80x128xf32, #tpu.memory_space<vmem>>) dst(%dma_wait3A_96 : memref<80x128xf32, #tpu.memory_space<vmem_shared>>)
    %mul3A_97 = arith.constant 640 : i32
    %mul3A_98 = arith.muli %arg1, %mul3A_97 : i32
    %add3A_99 = arith.constant 160 : i32
    %add3A_100 = arith.addi %mul3A_98, %add3A_99 : i32
    %dma_wait3A_101 = arith.constant 0 : i32
    %dma_wait3A_102 = tpu.memref_slice %arg6[%add3A_100, %dma_wait3A_101] : memref<10240x128xf32, #tpu.memory_space<vmem_shared>> -> memref<80x128xf32, #tpu.memory_space<vmem_shared>>
    %dma_wait3A_103 = arith.constant 0 : i32
    %dma_wait3A_104 = tpu.memref_slice %arg6[%add3A_100, %dma_wait3A_103] : memref<10240x128xf32, #tpu.memory_space<vmem_shared>> -> memref<80x128xf32, #tpu.memory_space<vmem_shared>>
    tpu.wait_dma2 semaphore(%arg13 : memref<!tpu.dma_semaphore, #tpu.memory_space<semaphore_mem>>) src(%arg7 : memref<80x128xf32, #tpu.memory_space<vmem>>) dst(%dma_wait3A_104 : memref<80x128xf32, #tpu.memory_space<vmem_shared>>)
    %mul3A_105 = arith.constant 640 : i32
    %mul3A_106 = arith.muli %arg1, %mul3A_105 : i32
    %add3A_107 = arith.constant 240 : i32
    %add3A_108 = arith.addi %mul3A_106, %add3A_107 : i32
    %dma_wait3A_109 = arith.constant 0 : i32
    %dma_wait3A_110 = tpu.memref_slice %arg6[%add3A_108, %dma_wait3A_109] : memref<10240x128xf32, #tpu.memory_space<vmem_shared>> -> memref<80x128xf32, #tpu.memory_space<vmem_shared>>
    %dma_wait3A_111 = arith.constant 0 : i32
    %dma_wait3A_112 = tpu.memref_slice %arg6[%add3A_108, %dma_wait3A_111] : memref<10240x128xf32, #tpu.memory_space<vmem_shared>> -> memref<80x128xf32, #tpu.memory_space<vmem_shared>>
    tpu.wait_dma2 semaphore(%arg13 : memref<!tpu.dma_semaphore, #tpu.memory_space<semaphore_mem>>) src(%arg7 : memref<80x128xf32, #tpu.memory_space<vmem>>) dst(%dma_wait3A_112 : memref<80x128xf32, #tpu.memory_space<vmem_shared>>)
    %mul3A_113 = arith.constant 640 : i32
    %mul3A_114 = arith.muli %arg1, %mul3A_113 : i32
    %add3A_115 = arith.constant 320 : i32
    %add3A_116 = arith.addi %mul3A_114, %add3A_115 : i32
    %dma_wait3A_117 = arith.constant 0 : i32
    %dma_wait3A_118 = tpu.memref_slice %arg6[%add3A_116, %dma_wait3A_117] : memref<10240x128xf32, #tpu.memory_space<vmem_shared>> -> memref<80x128xf32, #tpu.memory_space<vmem_shared>>
    %dma_wait3A_119 = arith.constant 0 : i32
    %dma_wait3A_120 = tpu.memref_slice %arg6[%add3A_116, %dma_wait3A_119] : memref<10240x128xf32, #tpu.memory_space<vmem_shared>> -> memref<80x128xf32, #tpu.memory_space<vmem_shared>>
    tpu.wait_dma2 semaphore(%arg13 : memref<!tpu.dma_semaphore, #tpu.memory_space<semaphore_mem>>) src(%arg7 : memref<80x128xf32, #tpu.memory_space<vmem>>) dst(%dma_wait3A_120 : memref<80x128xf32, #tpu.memory_space<vmem_shared>>)
    %mul3A_121 = arith.constant 640 : i32
    %mul3A_122 = arith.muli %arg1, %mul3A_121 : i32
    %add3A_123 = arith.constant 400 : i32
    %add3A_124 = arith.addi %mul3A_122, %add3A_123 : i32
    %dma_wait3A_125 = arith.constant 0 : i32
    %dma_wait3A_126 = tpu.memref_slice %arg6[%add3A_124, %dma_wait3A_125] : memref<10240x128xf32, #tpu.memory_space<vmem_shared>> -> memref<80x128xf32, #tpu.memory_space<vmem_shared>>
    %dma_wait3A_127 = arith.constant 0 : i32
    %dma_wait3A_128 = tpu.memref_slice %arg6[%add3A_124, %dma_wait3A_127] : memref<10240x128xf32, #tpu.memory_space<vmem_shared>> -> memref<80x128xf32, #tpu.memory_space<vmem_shared>>
    tpu.wait_dma2 semaphore(%arg13 : memref<!tpu.dma_semaphore, #tpu.memory_space<semaphore_mem>>) src(%arg7 : memref<80x128xf32, #tpu.memory_space<vmem>>) dst(%dma_wait3A_128 : memref<80x128xf32, #tpu.memory_space<vmem_shared>>)
    %mul3A_129 = arith.constant 640 : i32
    %mul3A_130 = arith.muli %arg1, %mul3A_129 : i32
    %add3A_131 = arith.constant 480 : i32
    %add3A_132 = arith.addi %mul3A_130, %add3A_131 : i32
    %dma_wait3A_133 = arith.constant 0 : i32
    %dma_wait3A_134 = tpu.memref_slice %arg6[%add3A_132, %dma_wait3A_133] : memref<10240x128xf32, #tpu.memory_space<vmem_shared>> -> memref<80x128xf32, #tpu.memory_space<vmem_shared>>
    %dma_wait3A_135 = arith.constant 0 : i32
    %dma_wait3A_136 = tpu.memref_slice %arg6[%add3A_132, %dma_wait3A_135] : memref<10240x128xf32, #tpu.memory_space<vmem_shared>> -> memref<80x128xf32, #tpu.memory_space<vmem_shared>>
    tpu.wait_dma2 semaphore(%arg13 : memref<!tpu.dma_semaphore, #tpu.memory_space<semaphore_mem>>) src(%arg7 : memref<80x128xf32, #tpu.memory_space<vmem>>) dst(%dma_wait3A_136 : memref<80x128xf32, #tpu.memory_space<vmem_shared>>)
    %mul3A_137 = arith.constant 640 : i32
    %mul3A_138 = arith.muli %arg1, %mul3A_137 : i32
    %add3A_139 = arith.constant 560 : i32
    %add3A_140 = arith.addi %mul3A_138, %add3A_139 : i32
    %dma_wait3A_141 = arith.constant 0 : i32
    %dma_wait3A_142 = tpu.memref_slice %arg6[%add3A_140, %dma_wait3A_141] : memref<10240x128xf32, #tpu.memory_space<vmem_shared>> -> memref<80x128xf32, #tpu.memory_space<vmem_shared>>
    %dma_wait3A_143 = arith.constant 0 : i32
    %dma_wait3A_144 = tpu.memref_slice %arg6[%add3A_140, %dma_wait3A_143] : memref<10240x128xf32, #tpu.memory_space<vmem_shared>> -> memref<80x128xf32, #tpu.memory_space<vmem_shared>>
    tpu.wait_dma2 semaphore(%arg13 : memref<!tpu.dma_semaphore, #tpu.memory_space<semaphore_mem>>) src(%arg7 : memref<80x128xf32, #tpu.memory_space<vmem>>) dst(%dma_wait3A_144 : memref<80x128xf32, #tpu.memory_space<vmem_shared>>)
    %mul3A_145 = arith.constant 125 : i32
    %mul3A_146 = arith.muli %add3A, %mul3A_145 : i32
    %dma_wait3A_147 = arith.constant 0 : i32
    %dma_wait3A_148 = tpu.memref_slice %arg3[%mul3A_146, %dma_wait3A_147] : memref<4000x80xi32, #tpu.memory_space<hbm>> -> memref<125x80xi32, #tpu.memory_space<hbm>>
    %dma_wait3A_149 = arith.constant 0 : i32
    %dma_wait3A_150 = tpu.memref_slice %arg3[%mul3A_146, %dma_wait3A_149] : memref<4000x80xi32, #tpu.memory_space<hbm>> -> memref<125x80xi32, #tpu.memory_space<hbm>>
    tpu.wait_dma2 semaphore(%arg11 : memref<!tpu.dma_semaphore, #tpu.memory_space<semaphore_mem>>) src(%dma_wait3A_150 : memref<125x80xi32, #tpu.memory_space<hbm>>) dst(%arg9 : memref<125x80xi32, #tpu.memory_space<vmem>>)
    %mul3A_151 = arith.constant 125 : i32
    %mul3A_152 = arith.muli %add3A, %mul3A_151 : i32
    %dma_wait3A_153 = arith.constant 0 : i32
    %dma_wait3A_154 = tpu.memref_slice %arg4[%mul3A_152, %dma_wait3A_153] : memref<4000x80xi32, #tpu.memory_space<hbm>> -> memref<125x80xi32, #tpu.memory_space<hbm>>
    %dma_wait3A_155 = arith.constant 0 : i32
    %dma_wait3A_156 = tpu.memref_slice %arg4[%mul3A_152, %dma_wait3A_155] : memref<4000x80xi32, #tpu.memory_space<hbm>> -> memref<125x80xi32, #tpu.memory_space<hbm>>
    tpu.wait_dma2 semaphore(%arg12 : memref<!tpu.dma_semaphore, #tpu.memory_space<semaphore_mem>>) src(%dma_wait3A_156 : memref<125x80xi32, #tpu.memory_space<hbm>>) dst(%arg10 : memref<125x80xi32, #tpu.memory_space<vmem>>)
    %barrier3A = arith.constant 0 : index
    tpu.barrier barrier_id(%barrier3A)
    %dma_start3A_157 = arith.constant 0 : i32
    %dma_start3A_158 = arith.constant 0 : i32
    %dma_start3A_159 = tpu.memref_slice %arg9[%dma_start3A_157, %dma_start3A_158] : memref<125x80xi32, #tpu.memory_space<vmem>> -> memref<1x80xi32, #tpu.memory_space<vmem>>
    %dma_start3A_160 = tpu.memref_squeeze %dma_start3A_159 : memref<1x80xi32, #tpu.memory_space<vmem>> -> memref<80xi32, #tpu.memory_space<vmem>>
    %dma_start3A_161 = arith.constant 0 : i32
    %dma_start3A_162 = arith.constant 0 : i32
    %dma_start3A_163 = tpu.memref_slice %arg2[%dma_start3A_161, %dma_start3A_162] : memref<10000x128xf32, #tpu.memory_space<hbm>> -> memref<10000x128xf32, #tpu.memory_space<hbm>>
    tpu.enqueue_indirect_dma source(%dma_start3A_163 : memref<10000x128xf32, #tpu.memory_space<hbm>>) target(%arg7 : memref<80x128xf32, #tpu.memory_space<vmem>>) offsets(%dma_start3A_160 : memref<80xi32, #tpu.memory_space<vmem>>) semaphore(%arg11 : memref<!tpu.dma_semaphore, #tpu.memory_space<semaphore_mem>>)
    %scan3A_164 = arith.constant 0 : i32
    %scan3A_165 = arith.constant 0 : i32
    %scan3A_166 = arith.constant 62 : i32
    %scan3A_167 = arith.addi %scan3A_165, %scan3A_166 : i32
    %scan3A_168 = arith.constant 1 : i32
    %scan3A_169 = scf.for %scan3A_467 = %scan3A_165 to %scan3A_167 step %scan3A_168 iter_args(%scan3A_468 = %scan3A_164) -> (i32)  : i32 {
      %mul3A_469 = arith.constant 2 : i32
      %mul3A_470 = arith.muli %mul3A_469, %scan3A_467 : i32
      %add3A_471 = arith.constant 1 : i32
      %add3A_472 = arith.addi %mul3A_470, %add3A_471 : i32
      %dma_start3A_473 = arith.constant 0 : i32
      %dma_start3A_474 = tpu.memref_slice %arg9[%add3A_472, %dma_start3A_473] : memref<125x80xi32, #tpu.memory_space<vmem>> -> memref<1x80xi32, #tpu.memory_space<vmem>>
      %dma_start3A_475 = tpu.memref_squeeze %dma_start3A_474 : memref<1x80xi32, #tpu.memory_space<vmem>> -> memref<80xi32, #tpu.memory_space<vmem>>
      %dma_start3A_476 = arith.constant 0 : i32
      %dma_start3A_477 = arith.constant 0 : i32
      %dma_start3A_478 = tpu.memref_slice %arg2[%dma_start3A_476, %dma_start3A_477] : memref<10000x128xf32, #tpu.memory_space<hbm>> -> memref<10000x128xf32, #tpu.memory_space<hbm>>
      tpu.enqueue_indirect_dma source(%dma_start3A_478 : memref<10000x128xf32, #tpu.memory_space<hbm>>) target(%arg8 : memref<80x128xf32, #tpu.memory_space<vmem>>) offsets(%dma_start3A_475 : memref<80xi32, #tpu.memory_space<vmem>>) semaphore(%arg12 : memref<!tpu.dma_semaphore, #tpu.memory_space<semaphore_mem>>)
      %mul3A_479 = arith.constant 2 : i32
      %mul3A_480 = arith.muli %mul3A_479, %scan3A_467 : i32
      %dma_wait3A_481 = arith.constant 0 : i32
      %dma_wait3A_482 = tpu.memref_slice %arg9[%mul3A_480, %dma_wait3A_481] : memref<125x80xi32, #tpu.memory_space<vmem>> -> memref<1x80xi32, #tpu.memory_space<vmem>>
      %dma_wait3A_483 = tpu.memref_squeeze %dma_wait3A_482 : memref<1x80xi32, #tpu.memory_space<vmem>> -> memref<80xi32, #tpu.memory_space<vmem>>
      %dma_wait3A_484 = arith.constant 0 : i32
      %dma_wait3A_485 = arith.constant 0 : i32
      %dma_wait3A_486 = tpu.memref_slice %arg2[%dma_wait3A_484, %dma_wait3A_485] : memref<10000x128xf32, #tpu.memory_space<hbm>> -> memref<10000x128xf32, #tpu.memory_space<hbm>>
      tpu.wait_indirect_dma semaphore(%arg11 : memref<!tpu.dma_semaphore, #tpu.memory_space<semaphore_mem>>) src(%dma_wait3A_486 : memref<10000x128xf32, #tpu.memory_space<hbm>>) dst(%arg7 : memref<80x128xf32, #tpu.memory_space<vmem>>)
      "tpu.region"() ({
        %run_scoped3A_508 = tpu.sem_alloc : memref<!tpu.dma_semaphore, #tpu.memory_space<semaphore_mem>>
        %dma_start3A_509 = arith.constant 0 : i32
        %dma_start3A_510 = tpu.memref_slice %arg10[%mul3A_480, %dma_start3A_509] : memref<125x80xi32, #tpu.memory_space<vmem>> -> memref<1x80xi32, #tpu.memory_space<vmem>>
        %dma_start3A_511 = tpu.memref_squeeze %dma_start3A_510 : memref<1x80xi32, #tpu.memory_space<vmem>> -> memref<80xi32, #tpu.memory_space<vmem>>
        %dma_start3A_512 = arith.constant 0 : i32
        %dma_start3A_513 = arith.constant 0 : i32
        %dma_start3A_514 = tpu.memref_slice %arg6[%dma_start3A_512, %dma_start3A_513] : memref<10240x128xf32, #tpu.memory_space<vmem_shared>> -> memref<10240x128xf32, #tpu.memory_space<vmem_shared>>
        tpu.enqueue_indirect_dma source(%arg7 : memref<80x128xf32, #tpu.memory_space<vmem>>) target(%dma_start3A_514 : memref<10240x128xf32, #tpu.memory_space<vmem_shared>>) offsets(%dma_start3A_511 : memref<80xi32, #tpu.memory_space<vmem>>) semaphore(%run_scoped3A_508 : memref<!tpu.dma_semaphore, #tpu.memory_space<semaphore_mem>>) {add = true}
        %dma_wait3A_515 = arith.constant 0 : i32
        %dma_wait3A_516 = tpu.memref_slice %arg10[%mul3A_480, %dma_wait3A_515] : memref<125x80xi32, #tpu.memory_space<vmem>> -> memref<1x80xi32, #tpu.memory_space<vmem>>
        %dma_wait3A_517 = tpu.memref_squeeze %dma_wait3A_516 : memref<1x80xi32, #tpu.memory_space<vmem>> -> memref<80xi32, #tpu.memory_space<vmem>>
        %dma_wait3A_518 = arith.constant 0 : i32
        %dma_wait3A_519 = arith.constant 0 : i32
        %dma_wait3A_520 = tpu.memref_slice %arg6[%dma_wait3A_518, %dma_wait3A_519] : memref<10240x128xf32, #tpu.memory_space<vmem_shared>> -> memref<10240x128xf32, #tpu.memory_space<vmem_shared>>
        tpu.wait_indirect_dma semaphore(%run_scoped3A_508 : memref<!tpu.dma_semaphore, #tpu.memory_space<semaphore_mem>>) src(%arg7 : memref<80x128xf32, #tpu.memory_space<vmem>>) dst(%dma_wait3A_520 : memref<10240x128xf32, #tpu.memory_space<vmem_shared>>)
        tpu.yield
      }) : () -> ()
      %mul3A_487 = arith.constant 2 : i32
      %mul3A_488 = arith.muli %mul3A_487, %scan3A_467 : i32
      %add3A_489 = arith.constant 2 : i32
      %add3A_490 = arith.addi %mul3A_488, %add3A_489 : i32
      %dma_start3A_491 = arith.constant 0 : i32
      %dma_start3A_492 = tpu.memref_slice %arg9[%add3A_490, %dma_start3A_491] : memref<125x80xi32, #tpu.memory_space<vmem>> -> memref<1x80xi32, #tpu.memory_space<vmem>>
      %dma_start3A_493 = tpu.memref_squeeze %dma_start3A_492 : memref<1x80xi32, #tpu.memory_space<vmem>> -> memref<80xi32, #tpu.memory_space<vmem>>
      %dma_start3A_494 = arith.constant 0 : i32
      %dma_start3A_495 = arith.constant 0 : i32
      %dma_start3A_496 = tpu.memref_slice %arg2[%dma_start3A_494, %dma_start3A_495] : memref<10000x128xf32, #tpu.memory_space<hbm>> -> memref<10000x128xf32, #tpu.memory_space<hbm>>
      tpu.enqueue_indirect_dma source(%dma_start3A_496 : memref<10000x128xf32, #tpu.memory_space<hbm>>) target(%arg7 : memref<80x128xf32, #tpu.memory_space<vmem>>) offsets(%dma_start3A_493 : memref<80xi32, #tpu.memory_space<vmem>>) semaphore(%arg11 : memref<!tpu.dma_semaphore, #tpu.memory_space<semaphore_mem>>)
      %mul3A_497 = arith.constant 2 : i32
      %mul3A_498 = arith.muli %mul3A_497, %scan3A_467 : i32
      %add3A_499 = arith.constant 1 : i32
      %add3A_500 = arith.addi %mul3A_498, %add3A_499 : i32
      %dma_wait3A_501 = arith.constant 0 : i32
      %dma_wait3A_502 = tpu.memref_slice %arg9[%add3A_500, %dma_wait3A_501] : memref<125x80xi32, #tpu.memory_space<vmem>> -> memref<1x80xi32, #tpu.memory_space<vmem>>
      %dma_wait3A_503 = tpu.memref_squeeze %dma_wait3A_502 : memref<1x80xi32, #tpu.memory_space<vmem>> -> memref<80xi32, #tpu.memory_space<vmem>>
      %dma_wait3A_504 = arith.constant 0 : i32
      %dma_wait3A_505 = arith.constant 0 : i32
      %dma_wait3A_506 = tpu.memref_slice %arg2[%dma_wait3A_504, %dma_wait3A_505] : memref<10000x128xf32, #tpu.memory_space<hbm>> -> memref<10000x128xf32, #tpu.memory_space<hbm>>
      tpu.wait_indirect_dma semaphore(%arg12 : memref<!tpu.dma_semaphore, #tpu.memory_space<semaphore_mem>>) src(%dma_wait3A_506 : memref<10000x128xf32, #tpu.memory_space<hbm>>) dst(%arg8 : memref<80x128xf32, #tpu.memory_space<vmem>>)
      "tpu.region"() ({
        %run_scoped3A_508 = tpu.sem_alloc : memref<!tpu.dma_semaphore, #tpu.memory_space<semaphore_mem>>
        %dma_start3A_509 = arith.constant 0 : i32
        %dma_start3A_510 = tpu.memref_slice %arg10[%add3A_500, %dma_start3A_509] : memref<125x80xi32, #tpu.memory_space<vmem>> -> memref<1x80xi32, #tpu.memory_space<vmem>>
        %dma_start3A_511 = tpu.memref_squeeze %dma_start3A_510 : memref<1x80xi32, #tpu.memory_space<vmem>> -> memref<80xi32, #tpu.memory_space<vmem>>
        %dma_start3A_512 = arith.constant 0 : i32
        %dma_start3A_513 = arith.constant 0 : i32
        %dma_start3A_514 = tpu.memref_slice %arg6[%dma_start3A_512, %dma_start3A_513] : memref<10240x128xf32, #tpu.memory_space<vmem_shared>> -> memref<10240x128xf32, #tpu.memory_space<vmem_shared>>
        tpu.enqueue_indirect_dma source(%arg8 : memref<80x128xf32, #tpu.memory_space<vmem>>) target(%dma_start3A_514 : memref<10240x128xf32, #tpu.memory_space<vmem_shared>>) offsets(%dma_start3A_511 : memref<80xi32, #tpu.memory_space<vmem>>) semaphore(%run_scoped3A_508 : memref<!tpu.dma_semaphore, #tpu.memory_space<semaphore_mem>>) {add = true}
        %dma_wait3A_515 = arith.constant 0 : i32
        %dma_wait3A_516 = tpu.memref_slice %arg10[%add3A_500, %dma_wait3A_515] : memref<125x80xi32, #tpu.memory_space<vmem>> -> memref<1x80xi32, #tpu.memory_space<vmem>>
        %dma_wait3A_517 = tpu.memref_squeeze %dma_wait3A_516 : memref<1x80xi32, #tpu.memory_space<vmem>> -> memref<80xi32, #tpu.memory_space<vmem>>
        %dma_wait3A_518 = arith.constant 0 : i32
        %dma_wait3A_519 = arith.constant 0 : i32
        %dma_wait3A_520 = tpu.memref_slice %arg6[%dma_wait3A_518, %dma_wait3A_519] : memref<10240x128xf32, #tpu.memory_space<vmem_shared>> -> memref<10240x128xf32, #tpu.memory_space<vmem_shared>>
        tpu.wait_indirect_dma semaphore(%run_scoped3A_508 : memref<!tpu.dma_semaphore, #tpu.memory_space<semaphore_mem>>) src(%arg8 : memref<80x128xf32, #tpu.memory_space<vmem>>) dst(%dma_wait3A_520 : memref<10240x128xf32, #tpu.memory_space<vmem_shared>>)
        tpu.yield
      }) : () -> ()
      %scan3A_507 = arith.constant 0 : i32
      scf.yield %scan3A_507 : i32
    }
    %scan3A_170 = arith.constant 62 : i32
    %dma_wait3A_171 = arith.constant 124 : i32
    %dma_wait3A_172 = arith.constant 0 : i32
    %dma_wait3A_173 = tpu.memref_slice %arg9[%dma_wait3A_171, %dma_wait3A_172] : memref<125x80xi32, #tpu.memory_space<vmem>> -> memref<1x80xi32, #tpu.memory_space<vmem>>
    %dma_wait3A_174 = tpu.memref_squeeze %dma_wait3A_173 : memref<1x80xi32, #tpu.memory_space<vmem>> -> memref<80xi32, #tpu.memory_space<vmem>>
    %dma_wait3A_175 = arith.constant 0 : i32
    %dma_wait3A_176 = arith.constant 0 : i32
    %dma_wait3A_177 = tpu.memref_slice %arg2[%dma_wait3A_175, %dma_wait3A_176] : memref<10000x128xf32, #tpu.memory_space<hbm>> -> memref<10000x128xf32, #tpu.memory_space<hbm>>
    tpu.wait_indirect_dma semaphore(%arg11 : memref<!tpu.dma_semaphore, #tpu.memory_space<semaphore_mem>>) src(%dma_wait3A_177 : memref<10000x128xf32, #tpu.memory_space<hbm>>) dst(%arg7 : memref<80x128xf32, #tpu.memory_space<vmem>>)
    %run_scoped3A = arith.constant 124 : i32
    "tpu.region"() ({
      %run_scoped3A_467 = tpu.sem_alloc : memref<!tpu.dma_semaphore, #tpu.memory_space<semaphore_mem>>
      %dma_start3A_468 = arith.constant 0 : i32
      %dma_start3A_469 = tpu.memref_slice %arg10[%run_scoped3A, %dma_start3A_468] : memref<125x80xi32, #tpu.memory_space<vmem>> -> memref<1x80xi32, #tpu.memory_space<vmem>>
      %dma_start3A_470 = tpu.memref_squeeze %dma_start3A_469 : memref<1x80xi32, #tpu.memory_space<vmem>> -> memref<80xi32, #tpu.memory_space<vmem>>
      %dma_start3A_471 = arith.constant 0 : i32
      %dma_start3A_472 = arith.constant 0 : i32
      %dma_start3A_473 = tpu.memref_slice %arg6[%dma_start3A_471, %dma_start3A_472] : memref<10240x128xf32, #tpu.memory_space<vmem_shared>> -> memref<10240x128xf32, #tpu.memory_space<vmem_shared>>
      tpu.enqueue_indirect_dma source(%arg7 : memref<80x128xf32, #tpu.memory_space<vmem>>) target(%dma_start3A_473 : memref<10240x128xf32, #tpu.memory_space<vmem_shared>>) offsets(%dma_start3A_470 : memref<80xi32, #tpu.memory_space<vmem>>) semaphore(%run_scoped3A_467 : memref<!tpu.dma_semaphore, #tpu.memory_space<semaphore_mem>>) {add = true}
      %dma_wait3A_474 = arith.constant 0 : i32
      %dma_wait3A_475 = tpu.memref_slice %arg10[%run_scoped3A, %dma_wait3A_474] : memref<125x80xi32, #tpu.memory_space<vmem>> -> memref<1x80xi32, #tpu.memory_space<vmem>>
      %dma_wait3A_476 = tpu.memref_squeeze %dma_wait3A_475 : memref<1x80xi32, #tpu.memory_space<vmem>> -> memref<80xi32, #tpu.memory_space<vmem>>
      %dma_wait3A_477 = arith.constant 0 : i32
      %dma_wait3A_478 = arith.constant 0 : i32
      %dma_wait3A_479 = tpu.memref_slice %arg6[%dma_wait3A_477, %dma_wait3A_478] : memref<10240x128xf32, #tpu.memory_space<vmem_shared>> -> memref<10240x128xf32, #tpu.memory_space<vmem_shared>>
      tpu.wait_indirect_dma semaphore(%run_scoped3A_467 : memref<!tpu.dma_semaphore, #tpu.memory_space<semaphore_mem>>) src(%arg7 : memref<80x128xf32, #tpu.memory_space<vmem>>) dst(%dma_wait3A_479 : memref<10240x128xf32, #tpu.memory_space<vmem_shared>>)
      tpu.yield
    }) : () -> ()
    %barrier3A_178 = arith.constant 0 : index
    tpu.barrier barrier_id(%barrier3A_178)
    %mul3A_179 = arith.constant 640 : i32
    %mul3A_180 = arith.muli %arg1, %mul3A_179 : i32
    %add3A_181 = arith.constant 0 : i32
    %add3A_182 = arith.addi %mul3A_180, %add3A_181 : i32
    %dma_start3A_183 = arith.constant 0 : i32
    %dma_start3A_184 = tpu.memref_slice %arg6[%add3A_182, %dma_start3A_183] : memref<10240x128xf32, #tpu.memory_space<vmem_shared>> -> memref<80x128xf32, #tpu.memory_space<vmem_shared>>
    %dma_start3A_185 = arith.constant 0 : i32
    %dma_start3A_186 = tpu.memref_slice %arg6[%add3A_182, %dma_start3A_185] : memref<10240x128xf32, #tpu.memory_space<vmem_shared>> -> memref<80x128xf32, #tpu.memory_space<vmem_shared>>
    tpu.enqueue_dma source(%dma_start3A_186 : memref<80x128xf32, #tpu.memory_space<vmem_shared>>) target(%arg7 : memref<80x128xf32, #tpu.memory_space<vmem>>) target_semaphore(%arg11 : memref<!tpu.dma_semaphore, #tpu.memory_space<semaphore_mem>>)
    %mul3A_187 = arith.constant 640 : i32
    %mul3A_188 = arith.muli %arg1, %mul3A_187 : i32
    %add3A_189 = arith.constant 0 : i32
    %add3A_190 = arith.addi %mul3A_188, %add3A_189 : i32
    %dma_wait3A_191 = arith.constant 0 : i32
    %dma_wait3A_192 = tpu.memref_slice %arg6[%add3A_190, %dma_wait3A_191] : memref<10240x128xf32, #tpu.memory_space<vmem_shared>> -> memref<80x128xf32, #tpu.memory_space<vmem_shared>>
    %dma_wait3A_193 = arith.constant 0 : i32
    %dma_wait3A_194 = tpu.memref_slice %arg6[%add3A_190, %dma_wait3A_193] : memref<10240x128xf32, #tpu.memory_space<vmem_shared>> -> memref<80x128xf32, #tpu.memory_space<vmem_shared>>
    tpu.wait_dma2 semaphore(%arg11 : memref<!tpu.dma_semaphore, #tpu.memory_space<semaphore_mem>>) src(%dma_wait3A_194 : memref<80x128xf32, #tpu.memory_space<vmem_shared>>) dst(%arg7 : memref<80x128xf32, #tpu.memory_space<vmem>>)
    %mul3A_195 = arith.constant 640 : i32
    %mul3A_196 = arith.muli %arg1, %mul3A_195 : i32
    %add3A_197 = arith.constant 80 : i32
    %add3A_198 = arith.addi %mul3A_196, %add3A_197 : i32
    %dma_start3A_199 = arith.constant 0 : i32
    %dma_start3A_200 = tpu.memref_slice %arg6[%add3A_198, %dma_start3A_199] : memref<10240x128xf32, #tpu.memory_space<vmem_shared>> -> memref<80x128xf32, #tpu.memory_space<vmem_shared>>
    %dma_start3A_201 = arith.constant 0 : i32
    %dma_start3A_202 = tpu.memref_slice %arg6[%add3A_198, %dma_start3A_201] : memref<10240x128xf32, #tpu.memory_space<vmem_shared>> -> memref<80x128xf32, #tpu.memory_space<vmem_shared>>
    tpu.enqueue_dma source(%dma_start3A_202 : memref<80x128xf32, #tpu.memory_space<vmem_shared>>) target(%arg8 : memref<80x128xf32, #tpu.memory_space<vmem>>) target_semaphore(%arg12 : memref<!tpu.dma_semaphore, #tpu.memory_space<semaphore_mem>>)
    %mul3A_203 = arith.constant 640 : i32
    %mul3A_204 = arith.muli %arg1, %mul3A_203 : i32
    %add3A_205 = arith.constant 0 : i32
    %add3A_206 = arith.addi %mul3A_204, %add3A_205 : i32
    %dma_start3A_207 = arith.constant 0 : i32
    %dma_start3A_208 = tpu.memref_slice %arg5[%arg0, %add3A_206, %dma_start3A_207] : memref<2x10240x128xf32, #tpu.memory_space<hbm>> -> memref<1x80x128xf32, #tpu.memory_space<hbm>>
    %dma_start3A_209 = tpu.memref_squeeze %dma_start3A_208 : memref<1x80x128xf32, #tpu.memory_space<hbm>> -> memref<80x128xf32, #tpu.memory_space<hbm>>
    %dma_start3A_210 = arith.constant 0 : i32
    %dma_start3A_211 = tpu.memref_slice %arg5[%arg0, %add3A_206, %dma_start3A_210] : memref<2x10240x128xf32, #tpu.memory_space<hbm>> -> memref<1x80x128xf32, #tpu.memory_space<hbm>>
    %dma_start3A_212 = tpu.memref_squeeze %dma_start3A_211 : memref<1x80x128xf32, #tpu.memory_space<hbm>> -> memref<80x128xf32, #tpu.memory_space<hbm>>
    tpu.enqueue_dma source(%arg7 : memref<80x128xf32, #tpu.memory_space<vmem>>) target(%dma_start3A_212 : memref<80x128xf32, #tpu.memory_space<hbm>>) target_semaphore(%arg11 : memref<!tpu.dma_semaphore, #tpu.memory_space<semaphore_mem>>)
    %mul3A_213 = arith.constant 640 : i32
    %mul3A_214 = arith.muli %arg1, %mul3A_213 : i32
    %add3A_215 = arith.constant 80 : i32
    %add3A_216 = arith.addi %mul3A_214, %add3A_215 : i32
    %dma_wait3A_217 = arith.constant 0 : i32
    %dma_wait3A_218 = tpu.memref_slice %arg6[%add3A_216, %dma_wait3A_217] : memref<10240x128xf32, #tpu.memory_space<vmem_shared>> -> memref<80x128xf32, #tpu.memory_space<vmem_shared>>
    %dma_wait3A_219 = arith.constant 0 : i32
    %dma_wait3A_220 = tpu.memref_slice %arg6[%add3A_216, %dma_wait3A_219] : memref<10240x128xf32, #tpu.memory_space<vmem_shared>> -> memref<80x128xf32, #tpu.memory_space<vmem_shared>>
    tpu.wait_dma2 semaphore(%arg12 : memref<!tpu.dma_semaphore, #tpu.memory_space<semaphore_mem>>) src(%dma_wait3A_220 : memref<80x128xf32, #tpu.memory_space<vmem_shared>>) dst(%arg8 : memref<80x128xf32, #tpu.memory_space<vmem>>)
    %mul3A_221 = arith.constant 640 : i32
    %mul3A_222 = arith.muli %arg1, %mul3A_221 : i32
    %add3A_223 = arith.constant 0 : i32
    %add3A_224 = arith.addi %mul3A_222, %add3A_223 : i32
    %dma_wait3A_225 = arith.constant 0 : i32
    %dma_wait3A_226 = tpu.memref_slice %arg5[%arg0, %add3A_224, %dma_wait3A_225] : memref<2x10240x128xf32, #tpu.memory_space<hbm>> -> memref<1x80x128xf32, #tpu.memory_space<hbm>>
    %dma_wait3A_227 = tpu.memref_squeeze %dma_wait3A_226 : memref<1x80x128xf32, #tpu.memory_space<hbm>> -> memref<80x128xf32, #tpu.memory_space<hbm>>
    %dma_wait3A_228 = arith.constant 0 : i32
    %dma_wait3A_229 = tpu.memref_slice %arg5[%arg0, %add3A_224, %dma_wait3A_228] : memref<2x10240x128xf32, #tpu.memory_space<hbm>> -> memref<1x80x128xf32, #tpu.memory_space<hbm>>
    %dma_wait3A_230 = tpu.memref_squeeze %dma_wait3A_229 : memref<1x80x128xf32, #tpu.memory_space<hbm>> -> memref<80x128xf32, #tpu.memory_space<hbm>>
    tpu.wait_dma2 semaphore(%arg11 : memref<!tpu.dma_semaphore, #tpu.memory_space<semaphore_mem>>) src(%arg7 : memref<80x128xf32, #tpu.memory_space<vmem>>) dst(%dma_wait3A_230 : memref<80x128xf32, #tpu.memory_space<hbm>>)
    %mul3A_231 = arith.constant 640 : i32
    %mul3A_232 = arith.muli %arg1, %mul3A_231 : i32
    %add3A_233 = arith.constant 160 : i32
    %add3A_234 = arith.addi %mul3A_232, %add3A_233 : i32
    %dma_start3A_235 = arith.constant 0 : i32
    %dma_start3A_236 = tpu.memref_slice %arg6[%add3A_234, %dma_start3A_235] : memref<10240x128xf32, #tpu.memory_space<vmem_shared>> -> memref<80x128xf32, #tpu.memory_space<vmem_shared>>
    %dma_start3A_237 = arith.constant 0 : i32
    %dma_start3A_238 = tpu.memref_slice %arg6[%add3A_234, %dma_start3A_237] : memref<10240x128xf32, #tpu.memory_space<vmem_shared>> -> memref<80x128xf32, #tpu.memory_space<vmem_shared>>
    tpu.enqueue_dma source(%dma_start3A_238 : memref<80x128xf32, #tpu.memory_space<vmem_shared>>) target(%arg7 : memref<80x128xf32, #tpu.memory_space<vmem>>) target_semaphore(%arg11 : memref<!tpu.dma_semaphore, #tpu.memory_space<semaphore_mem>>)
    %mul3A_239 = arith.constant 640 : i32
    %mul3A_240 = arith.muli %arg1, %mul3A_239 : i32
    %add3A_241 = arith.constant 80 : i32
    %add3A_242 = arith.addi %mul3A_240, %add3A_241 : i32
    %dma_start3A_243 = arith.constant 0 : i32
    %dma_start3A_244 = tpu.memref_slice %arg5[%arg0, %add3A_242, %dma_start3A_243] : memref<2x10240x128xf32, #tpu.memory_space<hbm>> -> memref<1x80x128xf32, #tpu.memory_space<hbm>>
    %dma_start3A_245 = tpu.memref_squeeze %dma_start3A_244 : memref<1x80x128xf32, #tpu.memory_space<hbm>> -> memref<80x128xf32, #tpu.memory_space<hbm>>
    %dma_start3A_246 = arith.constant 0 : i32
    %dma_start3A_247 = tpu.memref_slice %arg5[%arg0, %add3A_242, %dma_start3A_246] : memref<2x10240x128xf32, #tpu.memory_space<hbm>> -> memref<1x80x128xf32, #tpu.memory_space<hbm>>
    %dma_start3A_248 = tpu.memref_squeeze %dma_start3A_247 : memref<1x80x128xf32, #tpu.memory_space<hbm>> -> memref<80x128xf32, #tpu.memory_space<hbm>>
    tpu.enqueue_dma source(%arg8 : memref<80x128xf32, #tpu.memory_space<vmem>>) target(%dma_start3A_248 : memref<80x128xf32, #tpu.memory_space<hbm>>) target_semaphore(%arg12 : memref<!tpu.dma_semaphore, #tpu.memory_space<semaphore_mem>>)
    %mul3A_249 = arith.constant 640 : i32
    %mul3A_250 = arith.muli %arg1, %mul3A_249 : i32
    %add3A_251 = arith.constant 160 : i32
    %add3A_252 = arith.addi %mul3A_250, %add3A_251 : i32
    %dma_wait3A_253 = arith.constant 0 : i32
    %dma_wait3A_254 = tpu.memref_slice %arg6[%add3A_252, %dma_wait3A_253] : memref<10240x128xf32, #tpu.memory_space<vmem_shared>> -> memref<80x128xf32, #tpu.memory_space<vmem_shared>>
    %dma_wait3A_255 = arith.constant 0 : i32
    %dma_wait3A_256 = tpu.memref_slice %arg6[%add3A_252, %dma_wait3A_255] : memref<10240x128xf32, #tpu.memory_space<vmem_shared>> -> memref<80x128xf32, #tpu.memory_space<vmem_shared>>
    tpu.wait_dma2 semaphore(%arg11 : memref<!tpu.dma_semaphore, #tpu.memory_space<semaphore_mem>>) src(%dma_wait3A_256 : memref<80x128xf32, #tpu.memory_space<vmem_shared>>) dst(%arg7 : memref<80x128xf32, #tpu.memory_space<vmem>>)
    %mul3A_257 = arith.constant 640 : i32
    %mul3A_258 = arith.muli %arg1, %mul3A_257 : i32
    %add3A_259 = arith.constant 80 : i32
    %add3A_260 = arith.addi %mul3A_258, %add3A_259 : i32
    %dma_wait3A_261 = arith.constant 0 : i32
    %dma_wait3A_262 = tpu.memref_slice %arg5[%arg0, %add3A_260, %dma_wait3A_261] : memref<2x10240x128xf32, #tpu.memory_space<hbm>> -> memref<1x80x128xf32, #tpu.memory_space<hbm>>
    %dma_wait3A_263 = tpu.memref_squeeze %dma_wait3A_262 : memref<1x80x128xf32, #tpu.memory_space<hbm>> -> memref<80x128xf32, #tpu.memory_space<hbm>>
    %dma_wait3A_264 = arith.constant 0 : i32
    %dma_wait3A_265 = tpu.memref_slice %arg5[%arg0, %add3A_260, %dma_wait3A_264] : memref<2x10240x128xf32, #tpu.memory_space<hbm>> -> memref<1x80x128xf32, #tpu.memory_space<hbm>>
    %dma_wait3A_266 = tpu.memref_squeeze %dma_wait3A_265 : memref<1x80x128xf32, #tpu.memory_space<hbm>> -> memref<80x128xf32, #tpu.memory_space<hbm>>
    tpu.wait_dma2 semaphore(%arg12 : memref<!tpu.dma_semaphore, #tpu.memory_space<semaphore_mem>>) src(%arg8 : memref<80x128xf32, #tpu.memory_space<vmem>>) dst(%dma_wait3A_266 : memref<80x128xf32, #tpu.memory_space<hbm>>)
    %mul3A_267 = arith.constant 640 : i32
    %mul3A_268 = arith.muli %arg1, %mul3A_267 : i32
    %add3A_269 = arith.constant 240 : i32
    %add3A_270 = arith.addi %mul3A_268, %add3A_269 : i32
    %dma_start3A_271 = arith.constant 0 : i32
    %dma_start3A_272 = tpu.memref_slice %arg6[%add3A_270, %dma_start3A_271] : memref<10240x128xf32, #tpu.memory_space<vmem_shared>> -> memref<80x128xf32, #tpu.memory_space<vmem_shared>>
    %dma_start3A_273 = arith.constant 0 : i32
    %dma_start3A_274 = tpu.memref_slice %arg6[%add3A_270, %dma_start3A_273] : memref<10240x128xf32, #tpu.memory_space<vmem_shared>> -> memref<80x128xf32, #tpu.memory_space<vmem_shared>>
    tpu.enqueue_dma source(%dma_start3A_274 : memref<80x128xf32, #tpu.memory_space<vmem_shared>>) target(%arg8 : memref<80x128xf32, #tpu.memory_space<vmem>>) target_semaphore(%arg12 : memref<!tpu.dma_semaphore, #tpu.memory_space<semaphore_mem>>)
    %mul3A_275 = arith.constant 640 : i32
    %mul3A_276 = arith.muli %arg1, %mul3A_275 : i32
    %add3A_277 = arith.constant 160 : i32
    %add3A_278 = arith.addi %mul3A_276, %add3A_277 : i32
    %dma_start3A_279 = arith.constant 0 : i32
    %dma_start3A_280 = tpu.memref_slice %arg5[%arg0, %add3A_278, %dma_start3A_279] : memref<2x10240x128xf32, #tpu.memory_space<hbm>> -> memref<1x80x128xf32, #tpu.memory_space<hbm>>
    %dma_start3A_281 = tpu.memref_squeeze %dma_start3A_280 : memref<1x80x128xf32, #tpu.memory_space<hbm>> -> memref<80x128xf32, #tpu.memory_space<hbm>>
    %dma_start3A_282 = arith.constant 0 : i32
    %dma_start3A_283 = tpu.memref_slice %arg5[%arg0, %add3A_278, %dma_start3A_282] : memref<2x10240x128xf32, #tpu.memory_space<hbm>> -> memref<1x80x128xf32, #tpu.memory_space<hbm>>
    %dma_start3A_284 = tpu.memref_squeeze %dma_start3A_283 : memref<1x80x128xf32, #tpu.memory_space<hbm>> -> memref<80x128xf32, #tpu.memory_space<hbm>>
    tpu.enqueue_dma source(%arg7 : memref<80x128xf32, #tpu.memory_space<vmem>>) target(%dma_start3A_284 : memref<80x128xf32, #tpu.memory_space<hbm>>) target_semaphore(%arg11 : memref<!tpu.dma_semaphore, #tpu.memory_space<semaphore_mem>>)
    %mul3A_285 = arith.constant 640 : i32
    %mul3A_286 = arith.muli %arg1, %mul3A_285 : i32
    %add3A_287 = arith.constant 240 : i32
    %add3A_288 = arith.addi %mul3A_286, %add3A_287 : i32
    %dma_wait3A_289 = arith.constant 0 : i32
    %dma_wait3A_290 = tpu.memref_slice %arg6[%add3A_288, %dma_wait3A_289] : memref<10240x128xf32, #tpu.memory_space<vmem_shared>> -> memref<80x128xf32, #tpu.memory_space<vmem_shared>>
    %dma_wait3A_291 = arith.constant 0 : i32
    %dma_wait3A_292 = tpu.memref_slice %arg6[%add3A_288, %dma_wait3A_291] : memref<10240x128xf32, #tpu.memory_space<vmem_shared>> -> memref<80x128xf32, #tpu.memory_space<vmem_shared>>
    tpu.wait_dma2 semaphore(%arg12 : memref<!tpu.dma_semaphore, #tpu.memory_space<semaphore_mem>>) src(%dma_wait3A_292 : memref<80x128xf32, #tpu.memory_space<vmem_shared>>) dst(%arg8 : memref<80x128xf32, #tpu.memory_space<vmem>>)
    %mul3A_293 = arith.constant 640 : i32
    %mul3A_294 = arith.muli %arg1, %mul3A_293 : i32
    %add3A_295 = arith.constant 160 : i32
    %add3A_296 = arith.addi %mul3A_294, %add3A_295 : i32
    %dma_wait3A_297 = arith.constant 0 : i32
    %dma_wait3A_298 = tpu.memref_slice %arg5[%arg0, %add3A_296, %dma_wait3A_297] : memref<2x10240x128xf32, #tpu.memory_space<hbm>> -> memref<1x80x128xf32, #tpu.memory_space<hbm>>
    %dma_wait3A_299 = tpu.memref_squeeze %dma_wait3A_298 : memref<1x80x128xf32, #tpu.memory_space<hbm>> -> memref<80x128xf32, #tpu.memory_space<hbm>>
    %dma_wait3A_300 = arith.constant 0 : i32
    %dma_wait3A_301 = tpu.memref_slice %arg5[%arg0, %add3A_296, %dma_wait3A_300] : memref<2x10240x128xf32, #tpu.memory_space<hbm>> -> memref<1x80x128xf32, #tpu.memory_space<hbm>>
    %dma_wait3A_302 = tpu.memref_squeeze %dma_wait3A_301 : memref<1x80x128xf32, #tpu.memory_space<hbm>> -> memref<80x128xf32, #tpu.memory_space<hbm>>
    tpu.wait_dma2 semaphore(%arg11 : memref<!tpu.dma_semaphore, #tpu.memory_space<semaphore_mem>>) src(%arg7 : memref<80x128xf32, #tpu.memory_space<vmem>>) dst(%dma_wait3A_302 : memref<80x128xf32, #tpu.memory_space<hbm>>)
    %mul3A_303 = arith.constant 640 : i32
    %mul3A_304 = arith.muli %arg1, %mul3A_303 : i32
    %add3A_305 = arith.constant 320 : i32
    %add3A_306 = arith.addi %mul3A_304, %add3A_305 : i32
    %dma_start3A_307 = arith.constant 0 : i32
    %dma_start3A_308 = tpu.memref_slice %arg6[%add3A_306, %dma_start3A_307] : memref<10240x128xf32, #tpu.memory_space<vmem_shared>> -> memref<80x128xf32, #tpu.memory_space<vmem_shared>>
    %dma_start3A_309 = arith.constant 0 : i32
    %dma_start3A_310 = tpu.memref_slice %arg6[%add3A_306, %dma_start3A_309] : memref<10240x128xf32, #tpu.memory_space<vmem_shared>> -> memref<80x128xf32, #tpu.memory_space<vmem_shared>>
    tpu.enqueue_dma source(%dma_start3A_310 : memref<80x128xf32, #tpu.memory_space<vmem_shared>>) target(%arg7 : memref<80x128xf32, #tpu.memory_space<vmem>>) target_semaphore(%arg11 : memref<!tpu.dma_semaphore, #tpu.memory_space<semaphore_mem>>)
    %mul3A_311 = arith.constant 640 : i32
    %mul3A_312 = arith.muli %arg1, %mul3A_311 : i32
    %add3A_313 = arith.constant 240 : i32
    %add3A_314 = arith.addi %mul3A_312, %add3A_313 : i32
    %dma_start3A_315 = arith.constant 0 : i32
    %dma_start3A_316 = tpu.memref_slice %arg5[%arg0, %add3A_314, %dma_start3A_315] : memref<2x10240x128xf32, #tpu.memory_space<hbm>> -> memref<1x80x128xf32, #tpu.memory_space<hbm>>
    %dma_start3A_317 = tpu.memref_squeeze %dma_start3A_316 : memref<1x80x128xf32, #tpu.memory_space<hbm>> -> memref<80x128xf32, #tpu.memory_space<hbm>>
    %dma_start3A_318 = arith.constant 0 : i32
    %dma_start3A_319 = tpu.memref_slice %arg5[%arg0, %add3A_314, %dma_start3A_318] : memref<2x10240x128xf32, #tpu.memory_space<hbm>> -> memref<1x80x128xf32, #tpu.memory_space<hbm>>
    %dma_start3A_320 = tpu.memref_squeeze %dma_start3A_319 : memref<1x80x128xf32, #tpu.memory_space<hbm>> -> memref<80x128xf32, #tpu.memory_space<hbm>>
    tpu.enqueue_dma source(%arg8 : memref<80x128xf32, #tpu.memory_space<vmem>>) target(%dma_start3A_320 : memref<80x128xf32, #tpu.memory_space<hbm>>) target_semaphore(%arg12 : memref<!tpu.dma_semaphore, #tpu.memory_space<semaphore_mem>>)
    %mul3A_321 = arith.constant 640 : i32
    %mul3A_322 = arith.muli %arg1, %mul3A_321 : i32
    %add3A_323 = arith.constant 320 : i32
    %add3A_324 = arith.addi %mul3A_322, %add3A_323 : i32
    %dma_wait3A_325 = arith.constant 0 : i32
    %dma_wait3A_326 = tpu.memref_slice %arg6[%add3A_324, %dma_wait3A_325] : memref<10240x128xf32, #tpu.memory_space<vmem_shared>> -> memref<80x128xf32, #tpu.memory_space<vmem_shared>>
    %dma_wait3A_327 = arith.constant 0 : i32
    %dma_wait3A_328 = tpu.memref_slice %arg6[%add3A_324, %dma_wait3A_327] : memref<10240x128xf32, #tpu.memory_space<vmem_shared>> -> memref<80x128xf32, #tpu.memory_space<vmem_shared>>
    tpu.wait_dma2 semaphore(%arg11 : memref<!tpu.dma_semaphore, #tpu.memory_space<semaphore_mem>>) src(%dma_wait3A_328 : memref<80x128xf32, #tpu.memory_space<vmem_shared>>) dst(%arg7 : memref<80x128xf32, #tpu.memory_space<vmem>>)
    %mul3A_329 = arith.constant 640 : i32
    %mul3A_330 = arith.muli %arg1, %mul3A_329 : i32
    %add3A_331 = arith.constant 240 : i32
    %add3A_332 = arith.addi %mul3A_330, %add3A_331 : i32
    %dma_wait3A_333 = arith.constant 0 : i32
    %dma_wait3A_334 = tpu.memref_slice %arg5[%arg0, %add3A_332, %dma_wait3A_333] : memref<2x10240x128xf32, #tpu.memory_space<hbm>> -> memref<1x80x128xf32, #tpu.memory_space<hbm>>
    %dma_wait3A_335 = tpu.memref_squeeze %dma_wait3A_334 : memref<1x80x128xf32, #tpu.memory_space<hbm>> -> memref<80x128xf32, #tpu.memory_space<hbm>>
    %dma_wait3A_336 = arith.constant 0 : i32
    %dma_wait3A_337 = tpu.memref_slice %arg5[%arg0, %add3A_332, %dma_wait3A_336] : memref<2x10240x128xf32, #tpu.memory_space<hbm>> -> memref<1x80x128xf32, #tpu.memory_space<hbm>>
    %dma_wait3A_338 = tpu.memref_squeeze %dma_wait3A_337 : memref<1x80x128xf32, #tpu.memory_space<hbm>> -> memref<80x128xf32, #tpu.memory_space<hbm>>
    tpu.wait_dma2 semaphore(%arg12 : memref<!tpu.dma_semaphore, #tpu.memory_space<semaphore_mem>>) src(%arg8 : memref<80x128xf32, #tpu.memory_space<vmem>>) dst(%dma_wait3A_338 : memref<80x128xf32, #tpu.memory_space<hbm>>)
    %mul3A_339 = arith.constant 640 : i32
    %mul3A_340 = arith.muli %arg1, %mul3A_339 : i32
    %add3A_341 = arith.constant 400 : i32
    %add3A_342 = arith.addi %mul3A_340, %add3A_341 : i32
    %dma_start3A_343 = arith.constant 0 : i32
    %dma_start3A_344 = tpu.memref_slice %arg6[%add3A_342, %dma_start3A_343] : memref<10240x128xf32, #tpu.memory_space<vmem_shared>> -> memref<80x128xf32, #tpu.memory_space<vmem_shared>>
    %dma_start3A_345 = arith.constant 0 : i32
    %dma_start3A_346 = tpu.memref_slice %arg6[%add3A_342, %dma_start3A_345] : memref<10240x128xf32, #tpu.memory_space<vmem_shared>> -> memref<80x128xf32, #tpu.memory_space<vmem_shared>>
    tpu.enqueue_dma source(%dma_start3A_346 : memref<80x128xf32, #tpu.memory_space<vmem_shared>>) target(%arg8 : memref<80x128xf32, #tpu.memory_space<vmem>>) target_semaphore(%arg12 : memref<!tpu.dma_semaphore, #tpu.memory_space<semaphore_mem>>)
    %mul3A_347 = arith.constant 640 : i32
    %mul3A_348 = arith.muli %arg1, %mul3A_347 : i32
    %add3A_349 = arith.constant 320 : i32
    %add3A_350 = arith.addi %mul3A_348, %add3A_349 : i32
    %dma_start3A_351 = arith.constant 0 : i32
    %dma_start3A_352 = tpu.memref_slice %arg5[%arg0, %add3A_350, %dma_start3A_351] : memref<2x10240x128xf32, #tpu.memory_space<hbm>> -> memref<1x80x128xf32, #tpu.memory_space<hbm>>
    %dma_start3A_353 = tpu.memref_squeeze %dma_start3A_352 : memref<1x80x128xf32, #tpu.memory_space<hbm>> -> memref<80x128xf32, #tpu.memory_space<hbm>>
    %dma_start3A_354 = arith.constant 0 : i32
    %dma_start3A_355 = tpu.memref_slice %arg5[%arg0, %add3A_350, %dma_start3A_354] : memref<2x10240x128xf32, #tpu.memory_space<hbm>> -> memref<1x80x128xf32, #tpu.memory_space<hbm>>
    %dma_start3A_356 = tpu.memref_squeeze %dma_start3A_355 : memref<1x80x128xf32, #tpu.memory_space<hbm>> -> memref<80x128xf32, #tpu.memory_space<hbm>>
    tpu.enqueue_dma source(%arg7 : memref<80x128xf32, #tpu.memory_space<vmem>>) target(%dma_start3A_356 : memref<80x128xf32, #tpu.memory_space<hbm>>) target_semaphore(%arg11 : memref<!tpu.dma_semaphore, #tpu.memory_space<semaphore_mem>>)
    %mul3A_357 = arith.constant 640 : i32
    %mul3A_358 = arith.muli %arg1, %mul3A_357 : i32
    %add3A_359 = arith.constant 400 : i32
    %add3A_360 = arith.addi %mul3A_358, %add3A_359 : i32
    %dma_wait3A_361 = arith.constant 0 : i32
    %dma_wait3A_362 = tpu.memref_slice %arg6[%add3A_360, %dma_wait3A_361] : memref<10240x128xf32, #tpu.memory_space<vmem_shared>> -> memref<80x128xf32, #tpu.memory_space<vmem_shared>>
    %dma_wait3A_363 = arith.constant 0 : i32
    %dma_wait3A_364 = tpu.memref_slice %arg6[%add3A_360, %dma_wait3A_363] : memref<10240x128xf32, #tpu.memory_space<vmem_shared>> -> memref<80x128xf32, #tpu.memory_space<vmem_shared>>
    tpu.wait_dma2 semaphore(%arg12 : memref<!tpu.dma_semaphore, #tpu.memory_space<semaphore_mem>>) src(%dma_wait3A_364 : memref<80x128xf32, #tpu.memory_space<vmem_shared>>) dst(%arg8 : memref<80x128xf32, #tpu.memory_space<vmem>>)
    %mul3A_365 = arith.constant 640 : i32
    %mul3A_366 = arith.muli %arg1, %mul3A_365 : i32
    %add3A_367 = arith.constant 320 : i32
    %add3A_368 = arith.addi %mul3A_366, %add3A_367 : i32
    %dma_wait3A_369 = arith.constant 0 : i32
    %dma_wait3A_370 = tpu.memref_slice %arg5[%arg0, %add3A_368, %dma_wait3A_369] : memref<2x10240x128xf32, #tpu.memory_space<hbm>> -> memref<1x80x128xf32, #tpu.memory_space<hbm>>
    %dma_wait3A_371 = tpu.memref_squeeze %dma_wait3A_370 : memref<1x80x128xf32, #tpu.memory_space<hbm>> -> memref<80x128xf32, #tpu.memory_space<hbm>>
    %dma_wait3A_372 = arith.constant 0 : i32
    %dma_wait3A_373 = tpu.memref_slice %arg5[%arg0, %add3A_368, %dma_wait3A_372] : memref<2x10240x128xf32, #tpu.memory_space<hbm>> -> memref<1x80x128xf32, #tpu.memory_space<hbm>>
    %dma_wait3A_374 = tpu.memref_squeeze %dma_wait3A_373 : memref<1x80x128xf32, #tpu.memory_space<hbm>> -> memref<80x128xf32, #tpu.memory_space<hbm>>
    tpu.wait_dma2 semaphore(%arg11 : memref<!tpu.dma_semaphore, #tpu.memory_space<semaphore_mem>>) src(%arg7 : memref<80x128xf32, #tpu.memory_space<vmem>>) dst(%dma_wait3A_374 : memref<80x128xf32, #tpu.memory_space<hbm>>)
    %mul3A_375 = arith.constant 640 : i32
    %mul3A_376 = arith.muli %arg1, %mul3A_375 : i32
    %add3A_377 = arith.constant 480 : i32
    %add3A_378 = arith.addi %mul3A_376, %add3A_377 : i32
    %dma_start3A_379 = arith.constant 0 : i32
    %dma_start3A_380 = tpu.memref_slice %arg6[%add3A_378, %dma_start3A_379] : memref<10240x128xf32, #tpu.memory_space<vmem_shared>> -> memref<80x128xf32, #tpu.memory_space<vmem_shared>>
    %dma_start3A_381 = arith.constant 0 : i32
    %dma_start3A_382 = tpu.memref_slice %arg6[%add3A_378, %dma_start3A_381] : memref<10240x128xf32, #tpu.memory_space<vmem_shared>> -> memref<80x128xf32, #tpu.memory_space<vmem_shared>>
    tpu.enqueue_dma source(%dma_start3A_382 : memref<80x128xf32, #tpu.memory_space<vmem_shared>>) target(%arg7 : memref<80x128xf32, #tpu.memory_space<vmem>>) target_semaphore(%arg11 : memref<!tpu.dma_semaphore, #tpu.memory_space<semaphore_mem>>)
    %mul3A_383 = arith.constant 640 : i32
    %mul3A_384 = arith.muli %arg1, %mul3A_383 : i32
    %add3A_385 = arith.constant 400 : i32
    %add3A_386 = arith.addi %mul3A_384, %add3A_385 : i32
    %dma_start3A_387 = arith.constant 0 : i32
    %dma_start3A_388 = tpu.memref_slice %arg5[%arg0, %add3A_386, %dma_start3A_387] : memref<2x10240x128xf32, #tpu.memory_space<hbm>> -> memref<1x80x128xf32, #tpu.memory_space<hbm>>
    %dma_start3A_389 = tpu.memref_squeeze %dma_start3A_388 : memref<1x80x128xf32, #tpu.memory_space<hbm>> -> memref<80x128xf32, #tpu.memory_space<hbm>>
    %dma_start3A_390 = arith.constant 0 : i32
    %dma_start3A_391 = tpu.memref_slice %arg5[%arg0, %add3A_386, %dma_start3A_390] : memref<2x10240x128xf32, #tpu.memory_space<hbm>> -> memref<1x80x128xf32, #tpu.memory_space<hbm>>
    %dma_start3A_392 = tpu.memref_squeeze %dma_start3A_391 : memref<1x80x128xf32, #tpu.memory_space<hbm>> -> memref<80x128xf32, #tpu.memory_space<hbm>>
    tpu.enqueue_dma source(%arg8 : memref<80x128xf32, #tpu.memory_space<vmem>>) target(%dma_start3A_392 : memref<80x128xf32, #tpu.memory_space<hbm>>) target_semaphore(%arg12 : memref<!tpu.dma_semaphore, #tpu.memory_space<semaphore_mem>>)
    %mul3A_393 = arith.constant 640 : i32
    %mul3A_394 = arith.muli %arg1, %mul3A_393 : i32
    %add3A_395 = arith.constant 480 : i32
    %add3A_396 = arith.addi %mul3A_394, %add3A_395 : i32
    %dma_wait3A_397 = arith.constant 0 : i32
    %dma_wait3A_398 = tpu.memref_slice %arg6[%add3A_396, %dma_wait3A_397] : memref<10240x128xf32, #tpu.memory_space<vmem_shared>> -> memref<80x128xf32, #tpu.memory_space<vmem_shared>>
    %dma_wait3A_399 = arith.constant 0 : i32
    %dma_wait3A_400 = tpu.memref_slice %arg6[%add3A_396, %dma_wait3A_399] : memref<10240x128xf32, #tpu.memory_space<vmem_shared>> -> memref<80x128xf32, #tpu.memory_space<vmem_shared>>
    tpu.wait_dma2 semaphore(%arg11 : memref<!tpu.dma_semaphore, #tpu.memory_space<semaphore_mem>>) src(%dma_wait3A_400 : memref<80x128xf32, #tpu.memory_space<vmem_shared>>) dst(%arg7 : memref<80x128xf32, #tpu.memory_space<vmem>>)
    %mul3A_401 = arith.constant 640 : i32
    %mul3A_402 = arith.muli %arg1, %mul3A_401 : i32
    %add3A_403 = arith.constant 400 : i32
    %add3A_404 = arith.addi %mul3A_402, %add3A_403 : i32
    %dma_wait3A_405 = arith.constant 0 : i32
    %dma_wait3A_406 = tpu.memref_slice %arg5[%arg0, %add3A_404, %dma_wait3A_405] : memref<2x10240x128xf32, #tpu.memory_space<hbm>> -> memref<1x80x128xf32, #tpu.memory_space<hbm>>
    %dma_wait3A_407 = tpu.memref_squeeze %dma_wait3A_406 : memref<1x80x128xf32, #tpu.memory_space<hbm>> -> memref<80x128xf32, #tpu.memory_space<hbm>>
    %dma_wait3A_408 = arith.constant 0 : i32
    %dma_wait3A_409 = tpu.memref_slice %arg5[%arg0, %add3A_404, %dma_wait3A_408] : memref<2x10240x128xf32, #tpu.memory_space<hbm>> -> memref<1x80x128xf32, #tpu.memory_space<hbm>>
    %dma_wait3A_410 = tpu.memref_squeeze %dma_wait3A_409 : memref<1x80x128xf32, #tpu.memory_space<hbm>> -> memref<80x128xf32, #tpu.memory_space<hbm>>
    tpu.wait_dma2 semaphore(%arg12 : memref<!tpu.dma_semaphore, #tpu.memory_space<semaphore_mem>>) src(%arg8 : memref<80x128xf32, #tpu.memory_space<vmem>>) dst(%dma_wait3A_410 : memref<80x128xf32, #tpu.memory_space<hbm>>)
    %mul3A_411 = arith.constant 640 : i32
    %mul3A_412 = arith.muli %arg1, %mul3A_411 : i32
    %add3A_413 = arith.constant 560 : i32
    %add3A_414 = arith.addi %mul3A_412, %add3A_413 : i32
    %dma_start3A_415 = arith.constant 0 : i32
    %dma_start3A_416 = tpu.memref_slice %arg6[%add3A_414, %dma_start3A_415] : memref<10240x128xf32, #tpu.memory_space<vmem_shared>> -> memref<80x128xf32, #tpu.memory_space<vmem_shared>>
    %dma_start3A_417 = arith.constant 0 : i32
    %dma_start3A_418 = tpu.memref_slice %arg6[%add3A_414, %dma_start3A_417] : memref<10240x128xf32, #tpu.memory_space<vmem_shared>> -> memref<80x128xf32, #tpu.memory_space<vmem_shared>>
    tpu.enqueue_dma source(%dma_start3A_418 : memref<80x128xf32, #tpu.memory_space<vmem_shared>>) target(%arg8 : memref<80x128xf32, #tpu.memory_space<vmem>>) target_semaphore(%arg12 : memref<!tpu.dma_semaphore, #tpu.memory_space<semaphore_mem>>)
    %mul3A_419 = arith.constant 640 : i32
    %mul3A_420 = arith.muli %arg1, %mul3A_419 : i32
    %add3A_421 = arith.constant 480 : i32
    %add3A_422 = arith.addi %mul3A_420, %add3A_421 : i32
    %dma_start3A_423 = arith.constant 0 : i32
    %dma_start3A_424 = tpu.memref_slice %arg5[%arg0, %add3A_422, %dma_start3A_423] : memref<2x10240x128xf32, #tpu.memory_space<hbm>> -> memref<1x80x128xf32, #tpu.memory_space<hbm>>
    %dma_start3A_425 = tpu.memref_squeeze %dma_start3A_424 : memref<1x80x128xf32, #tpu.memory_space<hbm>> -> memref<80x128xf32, #tpu.memory_space<hbm>>
    %dma_start3A_426 = arith.constant 0 : i32
    %dma_start3A_427 = tpu.memref_slice %arg5[%arg0, %add3A_422, %dma_start3A_426] : memref<2x10240x128xf32, #tpu.memory_space<hbm>> -> memref<1x80x128xf32, #tpu.memory_space<hbm>>
    %dma_start3A_428 = tpu.memref_squeeze %dma_start3A_427 : memref<1x80x128xf32, #tpu.memory_space<hbm>> -> memref<80x128xf32, #tpu.memory_space<hbm>>
    tpu.enqueue_dma source(%arg7 : memref<80x128xf32, #tpu.memory_space<vmem>>) target(%dma_start3A_428 : memref<80x128xf32, #tpu.memory_space<hbm>>) target_semaphore(%arg11 : memref<!tpu.dma_semaphore, #tpu.memory_space<semaphore_mem>>)
    %mul3A_429 = arith.constant 640 : i32
    %mul3A_430 = arith.muli %arg1, %mul3A_429 : i32
    %add3A_431 = arith.constant 560 : i32
    %add3A_432 = arith.addi %mul3A_430, %add3A_431 : i32
    %dma_wait3A_433 = arith.constant 0 : i32
    %dma_wait3A_434 = tpu.memref_slice %arg6[%add3A_432, %dma_wait3A_433] : memref<10240x128xf32, #tpu.memory_space<vmem_shared>> -> memref<80x128xf32, #tpu.memory_space<vmem_shared>>
    %dma_wait3A_435 = arith.constant 0 : i32
    %dma_wait3A_436 = tpu.memref_slice %arg6[%add3A_432, %dma_wait3A_435] : memref<10240x128xf32, #tpu.memory_space<vmem_shared>> -> memref<80x128xf32, #tpu.memory_space<vmem_shared>>
    tpu.wait_dma2 semaphore(%arg12 : memref<!tpu.dma_semaphore, #tpu.memory_space<semaphore_mem>>) src(%dma_wait3A_436 : memref<80x128xf32, #tpu.memory_space<vmem_shared>>) dst(%arg8 : memref<80x128xf32, #tpu.memory_space<vmem>>)
    %mul3A_437 = arith.constant 640 : i32
    %mul3A_438 = arith.muli %arg1, %mul3A_437 : i32
    %add3A_439 = arith.constant 480 : i32
    %add3A_440 = arith.addi %mul3A_438, %add3A_439 : i32
    %dma_wait3A_441 = arith.constant 0 : i32
    %dma_wait3A_442 = tpu.memref_slice %arg5[%arg0, %add3A_440, %dma_wait3A_441] : memref<2x10240x128xf32, #tpu.memory_space<hbm>> -> memref<1x80x128xf32, #tpu.memory_space<hbm>>
    %dma_wait3A_443 = tpu.memref_squeeze %dma_wait3A_442 : memref<1x80x128xf32, #tpu.memory_space<hbm>> -> memref<80x128xf32, #tpu.memory_space<hbm>>
    %dma_wait3A_444 = arith.constant 0 : i32
    %dma_wait3A_445 = tpu.memref_slice %arg5[%arg0, %add3A_440, %dma_wait3A_444] : memref<2x10240x128xf32, #tpu.memory_space<hbm>> -> memref<1x80x128xf32, #tpu.memory_space<hbm>>
    %dma_wait3A_446 = tpu.memref_squeeze %dma_wait3A_445 : memref<1x80x128xf32, #tpu.memory_space<hbm>> -> memref<80x128xf32, #tpu.memory_space<hbm>>
    tpu.wait_dma2 semaphore(%arg11 : memref<!tpu.dma_semaphore, #tpu.memory_space<semaphore_mem>>) src(%arg7 : memref<80x128xf32, #tpu.memory_space<vmem>>) dst(%dma_wait3A_446 : memref<80x128xf32, #tpu.memory_space<hbm>>)
    %mul3A_447 = arith.constant 640 : i32
    %mul3A_448 = arith.muli %arg1, %mul3A_447 : i32
    %add3A_449 = arith.constant 560 : i32
    %add3A_450 = arith.addi %mul3A_448, %add3A_449 : i32
    %dma_start3A_451 = arith.constant 0 : i32
    %dma_start3A_452 = tpu.memref_slice %arg5[%arg0, %add3A_450, %dma_start3A_451] : memref<2x10240x128xf32, #tpu.memory_space<hbm>> -> memref<1x80x128xf32, #tpu.memory_space<hbm>>
    %dma_start3A_453 = tpu.memref_squeeze %dma_start3A_452 : memref<1x80x128xf32, #tpu.memory_space<hbm>> -> memref<80x128xf32, #tpu.memory_space<hbm>>
    %dma_start3A_454 = arith.constant 0 : i32
    %dma_start3A_455 = tpu.memref_slice %arg5[%arg0, %add3A_450, %dma_start3A_454] : memref<2x10240x128xf32, #tpu.memory_space<hbm>> -> memref<1x80x128xf32, #tpu.memory_space<hbm>>
    %dma_start3A_456 = tpu.memref_squeeze %dma_start3A_455 : memref<1x80x128xf32, #tpu.memory_space<hbm>> -> memref<80x128xf32, #tpu.memory_space<hbm>>
    tpu.enqueue_dma source(%arg8 : memref<80x128xf32, #tpu.memory_space<vmem>>) target(%dma_start3A_456 : memref<80x128xf32, #tpu.memory_space<hbm>>) target_semaphore(%arg12 : memref<!tpu.dma_semaphore, #tpu.memory_space<semaphore_mem>>)
    %mul3A_457 = arith.constant 640 : i32
    %mul3A_458 = arith.muli %arg1, %mul3A_457 : i32
    %add3A_459 = arith.constant 560 : i32
    %add3A_460 = arith.addi %mul3A_458, %add3A_459 : i32
    %dma_wait3A_461 = arith.constant 0 : i32
    %dma_wait3A_462 = tpu.memref_slice %arg5[%arg0, %add3A_460, %dma_wait3A_461] : memref<2x10240x128xf32, #tpu.memory_space<hbm>> -> memref<1x80x128xf32, #tpu.memory_space<hbm>>
    %dma_wait3A_463 = tpu.memref_squeeze %dma_wait3A_462 : memref<1x80x128xf32, #tpu.memory_space<hbm>> -> memref<80x128xf32, #tpu.memory_space<hbm>>
    %dma_wait3A_464 = arith.constant 0 : i32
    %dma_wait3A_465 = tpu.memref_slice %arg5[%arg0, %add3A_460, %dma_wait3A_464] : memref<2x10240x128xf32, #tpu.memory_space<hbm>> -> memref<1x80x128xf32, #tpu.memory_space<hbm>>
    %dma_wait3A_466 = tpu.memref_squeeze %dma_wait3A_465 : memref<1x80x128xf32, #tpu.memory_space<hbm>> -> memref<80x128xf32, #tpu.memory_space<hbm>>
    tpu.wait_dma2 semaphore(%arg12 : memref<!tpu.dma_semaphore, #tpu.memory_space<semaphore_mem>>) src(%arg8 : memref<80x128xf32, #tpu.memory_space<vmem>>) dst(%dma_wait3A_466 : memref<80x128xf32, #tpu.memory_space<hbm>>)
    return
  }
}

#map = affine_map<(d0, d1) -> (0, 0)>
#map1 = affine_map<(d0, d1) -> (0, 0, 0)>
module attributes {stable_mosaic.version = 14 : i64} {
  func.func @_deg_body(%arg0: i32, %arg1: i32, %arg2: memref<4000x80xi32, #tpu.memory_space<hbm>>, %arg3: memref<2x80x128xf32, #tpu.memory_space<hbm>>, %arg4: memref<80x128xf32, #tpu.memory_space<vmem_shared>>, %arg5: memref<80x128xf32, #tpu.memory_space<vmem>>, %arg6: memref<80xi32, #tpu.memory_space<vmem>>, %arg7: memref<125x80xi32, #tpu.memory_space<vmem>>, %arg8: memref<5x128xf32, #tpu.memory_space<vmem>>) attributes {dimension_semantics = [#tpu.dimension_semantics<core_parallel>, #tpu.dimension_semantics<subcore_parallel>], iteration_bounds = array<i64: 2, 16>, scalar_prefetch = 0 : i64, scratch_operands = 5 : i64, tpu.core_type = #tpu.core_type<sc_vector_subcore>, window_params = [{transform_indices = #map}, {transform_indices = #map1}]} {
    %scan3A = arith.constant 0 : i32
    %scan3A_0 = arith.constant 0 : i32
    %scan3A_1 = arith.constant 80 : i32
    %scan3A_2 = arith.addi %scan3A_0, %scan3A_1 : i32
    %scan3A_3 = arith.constant 1 : i32
    %scan3A_4 = scf.for %scan3A_32 = %scan3A_0 to %scan3A_2 step %scan3A_3 iter_args(%scan3A_33 = %scan3A) -> (i32)  : i32 {
      %broadcast_in_dim3A_34 = arith.constant 0.000000e+00 : f32
      %broadcast_in_dim3A_35 = vector.broadcast %broadcast_in_dim3A_34 : f32 to vector<16xf32>
      %swap3A = arith.index_cast %scan3A_32 : i32 to index
      %swap3A_36 = arith.constant 0 : index
      %swap3A_37 = tpu.vector_load %arg5[%swap3A, %swap3A_36] {strides = array<i32>} : memref<80x128xf32, #tpu.memory_space<vmem>>, vector<16xf32>,
      tpu.vector_store %arg5[%swap3A, %swap3A_36], %broadcast_in_dim3A_35 {strides = array<i32>} : memref<80x128xf32, #tpu.memory_space<vmem>>, vector<16xf32>,
      %broadcast_in_dim3A_38 = arith.constant 0.000000e+00 : f32
      %broadcast_in_dim3A_39 = vector.broadcast %broadcast_in_dim3A_38 : f32 to vector<16xf32>
      %swap3A_40 = arith.index_cast %scan3A_32 : i32 to index
      %swap3A_41 = arith.constant 16 : index
      %swap3A_42 = tpu.vector_load %arg5[%swap3A_40, %swap3A_41] {strides = array<i32>} : memref<80x128xf32, #tpu.memory_space<vmem>>, vector<16xf32>,
      tpu.vector_store %arg5[%swap3A_40, %swap3A_41], %broadcast_in_dim3A_39 {strides = array<i32>} : memref<80x128xf32, #tpu.memory_space<vmem>>, vector<16xf32>,
      %broadcast_in_dim3A_43 = arith.constant 0.000000e+00 : f32
      %broadcast_in_dim3A_44 = vector.broadcast %broadcast_in_dim3A_43 : f32 to vector<16xf32>
      %swap3A_45 = arith.index_cast %scan3A_32 : i32 to index
      %swap3A_46 = arith.constant 32 : index
      %swap3A_47 = tpu.vector_load %arg5[%swap3A_45, %swap3A_46] {strides = array<i32>} : memref<80x128xf32, #tpu.memory_space<vmem>>, vector<16xf32>,
      tpu.vector_store %arg5[%swap3A_45, %swap3A_46], %broadcast_in_dim3A_44 {strides = array<i32>} : memref<80x128xf32, #tpu.memory_space<vmem>>, vector<16xf32>,
      %broadcast_in_dim3A_48 = arith.constant 0.000000e+00 : f32
      %broadcast_in_dim3A_49 = vector.broadcast %broadcast_in_dim3A_48 : f32 to vector<16xf32>
      %swap3A_50 = arith.index_cast %scan3A_32 : i32 to index
      %swap3A_51 = arith.constant 48 : index
      %swap3A_52 = tpu.vector_load %arg5[%swap3A_50, %swap3A_51] {strides = array<i32>} : memref<80x128xf32, #tpu.memory_space<vmem>>, vector<16xf32>,
      tpu.vector_store %arg5[%swap3A_50, %swap3A_51], %broadcast_in_dim3A_49 {strides = array<i32>} : memref<80x128xf32, #tpu.memory_space<vmem>>, vector<16xf32>,
      %broadcast_in_dim3A_53 = arith.constant 0.000000e+00 : f32
      %broadcast_in_dim3A_54 = vector.broadcast %broadcast_in_dim3A_53 : f32 to vector<16xf32>
      %swap3A_55 = arith.index_cast %scan3A_32 : i32 to index
      %swap3A_56 = arith.constant 64 : index
      %swap3A_57 = tpu.vector_load %arg5[%swap3A_55, %swap3A_56] {strides = array<i32>} : memref<80x128xf32, #tpu.memory_space<vmem>>, vector<16xf32>,
      tpu.vector_store %arg5[%swap3A_55, %swap3A_56], %broadcast_in_dim3A_54 {strides = array<i32>} : memref<80x128xf32, #tpu.memory_space<vmem>>, vector<16xf32>,
      %broadcast_in_dim3A_58 = arith.constant 0.000000e+00 : f32
      %broadcast_in_dim3A_59 = vector.broadcast %broadcast_in_dim3A_58 : f32 to vector<16xf32>
      %swap3A_60 = arith.index_cast %scan3A_32 : i32 to index
      %swap3A_61 = arith.constant 80 : index
      %swap3A_62 = tpu.vector_load %arg5[%swap3A_60, %swap3A_61] {strides = array<i32>} : memref<80x128xf32, #tpu.memory_space<vmem>>, vector<16xf32>,
      tpu.vector_store %arg5[%swap3A_60, %swap3A_61], %broadcast_in_dim3A_59 {strides = array<i32>} : memref<80x128xf32, #tpu.memory_space<vmem>>, vector<16xf32>,
      %broadcast_in_dim3A_63 = arith.constant 0.000000e+00 : f32
      %broadcast_in_dim3A_64 = vector.broadcast %broadcast_in_dim3A_63 : f32 to vector<16xf32>
      %swap3A_65 = arith.index_cast %scan3A_32 : i32 to index
      %swap3A_66 = arith.constant 96 : index
      %swap3A_67 = tpu.vector_load %arg5[%swap3A_65, %swap3A_66] {strides = array<i32>} : memref<80x128xf32, #tpu.memory_space<vmem>>, vector<16xf32>,
      tpu.vector_store %arg5[%swap3A_65, %swap3A_66], %broadcast_in_dim3A_64 {strides = array<i32>} : memref<80x128xf32, #tpu.memory_space<vmem>>, vector<16xf32>,
      %broadcast_in_dim3A_68 = arith.constant 0.000000e+00 : f32
      %broadcast_in_dim3A_69 = vector.broadcast %broadcast_in_dim3A_68 : f32 to vector<16xf32>
      %swap3A_70 = arith.index_cast %scan3A_32 : i32 to index
      %swap3A_71 = arith.constant 112 : index
      %swap3A_72 = tpu.vector_load %arg5[%swap3A_70, %swap3A_71] {strides = array<i32>} : memref<80x128xf32, #tpu.memory_space<vmem>>, vector<16xf32>,
      tpu.vector_store %arg5[%swap3A_70, %swap3A_71], %broadcast_in_dim3A_69 {strides = array<i32>} : memref<80x128xf32, #tpu.memory_space<vmem>>, vector<16xf32>,
      %scan3A_73 = arith.constant 0 : i32
      scf.yield %scan3A_73 : i32
    }
    %scan3A_5 = arith.constant 80 : i32
    %scan3A_6 = arith.constant 0 : i32
    %scan3A_7 = arith.constant 0 : i32
    %scan3A_8 = arith.constant 5 : i32
    %scan3A_9 = arith.addi %scan3A_7, %scan3A_8 : i32
    %scan3A_10 = arith.constant 1 : i32
    %scan3A_11 = scf.for %scan3A_32 = %scan3A_7 to %scan3A_9 step %scan3A_10 iter_args(%scan3A_33 = %scan3A_6) -> (i32)  : i32 {
      %iota3A = tpu.iota {dimensions = array<i32: 0>} : vector<16xi32>
      %mul3A_34 = arith.constant 16 : i32
      %mul3A_35 = arith.muli %scan3A_32, %mul3A_34 : i32
      %add3A_36 = vector.broadcast %mul3A_35 : i32 to vector<16xi32>
      %add3A_37 = arith.addi %iota3A, %add3A_36 : vector<16xi32>
      %mul3A_38 = arith.constant 16 : i32
      %mul3A_39 = arith.muli %scan3A_32, %mul3A_38 : i32
      %swap3A = arith.index_cast %mul3A_39 : i32 to index
      %swap3A_40 = tpu.vector_load %arg6[%swap3A] {strides = array<i32>} : memref<80xi32, #tpu.memory_space<vmem>>, vector<16xi32>,
      tpu.vector_store %arg6[%swap3A], %add3A_37 {strides = array<i32>} : memref<80xi32, #tpu.memory_space<vmem>>, vector<16xi32>,
      %scan3A_41 = arith.constant 0 : i32
      scf.yield %scan3A_41 : i32
    }
    %scan3A_12 = arith.constant 5 : i32
    %mul3A = arith.constant 5 : i32
    %mul3A_13 = arith.muli %arg1, %mul3A : i32
    "tpu.region"() ({
      %run_scoped3A = tpu.sem_alloc : memref<!tpu.dma_semaphore, #tpu.memory_space<semaphore_mem>>
      %dma_start3A = arith.constant 0 : i32
      %dma_start3A_32 = arith.constant 0 : i32
      %dma_start3A_33 = tpu.memref_slice %arg5[%dma_start3A, %dma_start3A_32] : memref<80x128xf32, #tpu.memory_space<vmem>> -> memref<5x128xf32, #tpu.memory_space<vmem>>
      %dma_start3A_34 = arith.constant 0 : i32
      %dma_start3A_35 = tpu.memref_slice %arg4[%mul3A_13, %dma_start3A_34] : memref<80x128xf32, #tpu.memory_space<vmem_shared>> -> memref<5x128xf32, #tpu.memory_space<vmem_shared>>
      %dma_start3A_36 = arith.constant 0 : i32
      %dma_start3A_37 = tpu.memref_slice %arg4[%mul3A_13, %dma_start3A_36] : memref<80x128xf32, #tpu.memory_space<vmem_shared>> -> memref<5x128xf32, #tpu.memory_space<vmem_shared>>
      %dma_start3A_38 = arith.constant 0 : i32
      %dma_start3A_39 = arith.constant 0 : i32
      %dma_start3A_40 = tpu.memref_slice %arg5[%dma_start3A_38, %dma_start3A_39] : memref<80x128xf32, #tpu.memory_space<vmem>> -> memref<5x128xf32, #tpu.memory_space<vmem>>
      tpu.enqueue_dma source(%dma_start3A_40 : memref<5x128xf32, #tpu.memory_space<vmem>>) target(%dma_start3A_37 : memref<5x128xf32, #tpu.memory_space<vmem_shared>>) target_semaphore(%run_scoped3A : memref<!tpu.dma_semaphore, #tpu.memory_space<semaphore_mem>>)
      %dma_wait3A = arith.constant 0 : i32
      %dma_wait3A_41 = arith.constant 0 : i32
      %dma_wait3A_42 = tpu.memref_slice %arg5[%dma_wait3A, %dma_wait3A_41] : memref<80x128xf32, #tpu.memory_space<vmem>> -> memref<5x128xf32, #tpu.memory_space<vmem>>
      %dma_wait3A_43 = arith.constant 0 : i32
      %dma_wait3A_44 = tpu.memref_slice %arg4[%mul3A_13, %dma_wait3A_43] : memref<80x128xf32, #tpu.memory_space<vmem_shared>> -> memref<5x128xf32, #tpu.memory_space<vmem_shared>>
      %dma_wait3A_45 = arith.constant 0 : i32
      %dma_wait3A_46 = tpu.memref_slice %arg4[%mul3A_13, %dma_wait3A_45] : memref<80x128xf32, #tpu.memory_space<vmem_shared>> -> memref<5x128xf32, #tpu.memory_space<vmem_shared>>
      %dma_wait3A_47 = arith.constant 0 : i32
      %dma_wait3A_48 = arith.constant 0 : i32
      %dma_wait3A_49 = tpu.memref_slice %arg5[%dma_wait3A_47, %dma_wait3A_48] : memref<80x128xf32, #tpu.memory_space<vmem>> -> memref<5x128xf32, #tpu.memory_space<vmem>>
      tpu.wait_dma2 semaphore(%run_scoped3A : memref<!tpu.dma_semaphore, #tpu.memory_space<semaphore_mem>>) src(%dma_wait3A_49 : memref<5x128xf32, #tpu.memory_space<vmem>>) dst(%dma_wait3A_46 : memref<5x128xf32, #tpu.memory_space<vmem_shared>>)
      tpu.yield
    }) : () -> ()
    %mul3A_14 = arith.constant 2 : i32
    %mul3A_15 = arith.muli %arg1, %mul3A_14 : i32
    %add3A = arith.addi %mul3A_15, %arg0 : i32
    %mul3A_16 = arith.constant 125 : i32
    %mul3A_17 = arith.muli %add3A, %mul3A_16 : i32
    "tpu.region"() ({
      %run_scoped3A = tpu.sem_alloc : memref<!tpu.dma_semaphore, #tpu.memory_space<semaphore_mem>>
      %dma_start3A = arith.constant 0 : i32
      %dma_start3A_32 = tpu.memref_slice %arg2[%mul3A_17, %dma_start3A] : memref<4000x80xi32, #tpu.memory_space<hbm>> -> memref<125x80xi32, #tpu.memory_space<hbm>>
      %dma_start3A_33 = arith.constant 0 : i32
      %dma_start3A_34 = tpu.memref_slice %arg2[%mul3A_17, %dma_start3A_33] : memref<4000x80xi32, #tpu.memory_space<hbm>> -> memref<125x80xi32, #tpu.memory_space<hbm>>
      tpu.enqueue_dma source(%dma_start3A_34 : memref<125x80xi32, #tpu.memory_space<hbm>>) target(%arg7 : memref<125x80xi32, #tpu.memory_space<vmem>>) target_semaphore(%run_scoped3A : memref<!tpu.dma_semaphore, #tpu.memory_space<semaphore_mem>>)
      %dma_wait3A = arith.constant 0 : i32
      %dma_wait3A_35 = tpu.memref_slice %arg2[%mul3A_17, %dma_wait3A] : memref<4000x80xi32, #tpu.memory_space<hbm>> -> memref<125x80xi32, #tpu.memory_space<hbm>>
      %dma_wait3A_36 = arith.constant 0 : i32
      %dma_wait3A_37 = tpu.memref_slice %arg2[%mul3A_17, %dma_wait3A_36] : memref<4000x80xi32, #tpu.memory_space<hbm>> -> memref<125x80xi32, #tpu.memory_space<hbm>>
      tpu.wait_dma2 semaphore(%run_scoped3A : memref<!tpu.dma_semaphore, #tpu.memory_space<semaphore_mem>>) src(%dma_wait3A_37 : memref<125x80xi32, #tpu.memory_space<hbm>>) dst(%arg7 : memref<125x80xi32, #tpu.memory_space<vmem>>)
      tpu.yield
    }) : () -> ()
    %barrier3A = arith.constant 0 : index
    tpu.barrier barrier_id(%barrier3A)
    %broadcast_in_dim3A = arith.constant 1.000000e+00 : f32
    %broadcast_in_dim3A_18 = vector.broadcast %broadcast_in_dim3A : f32 to vector<16xf32>
    %scan3A_19 = arith.constant 0 : i32
    %scan3A_20 = arith.constant 0 : i32
    %scan3A_21 = arith.constant 125 : i32
    %scan3A_22 = arith.addi %scan3A_20, %scan3A_21 : i32
    %scan3A_23 = arith.constant 1 : i32
    %scan3A_24 = scf.for %scan3A_32 = %scan3A_20 to %scan3A_22 step %scan3A_23 iter_args(%scan3A_33 = %scan3A_19) -> (i32)  : i32 {
      %get3A = arith.index_cast %scan3A_32 : i32 to index
      %get3A_34 = arith.constant 0 : index
      %get3A_35 = tpu.vector_load %arg7[%get3A, %get3A_34] {strides = array<i32>} : memref<125x80xi32, #tpu.memory_space<vmem>>, vector<16xi32>,
      %shift_right_logical3A = arith.constant 7 : i32
      %shift_right_logical3A_36 = vector.broadcast %shift_right_logical3A : i32 to vector<16xi32>
      %shift_right_logical3A_37 = arith.shrui %get3A_35, %shift_right_logical3A_36 : vector<16xi32>
      %and3A = arith.constant 127 : i32
      %and3A_38 = vector.broadcast %and3A : i32 to vector<16xi32>
      %and3A_39 = arith.andi %get3A_35, %and3A_38 : vector<16xi32>
      tpu.vector_store_idx %arg5[%shift_right_logical3A_37, %and3A_39], %broadcast_in_dim3A_18 {add = true} : memref<80x128xf32, #tpu.memory_space<vmem>>[vector<16xi32>, vector<16xi32>], vector<16xf32>,
      %get3A_40 = arith.index_cast %scan3A_32 : i32 to index
      %get3A_41 = arith.constant 16 : index
      %get3A_42 = tpu.vector_load %arg7[%get3A_40, %get3A_41] {strides = array<i32>} : memref<125x80xi32, #tpu.memory_space<vmem>>, vector<16xi32>,
      %shift_right_logical3A_43 = arith.constant 7 : i32
      %shift_right_logical3A_44 = vector.broadcast %shift_right_logical3A_43 : i32 to vector<16xi32>
      %shift_right_logical3A_45 = arith.shrui %get3A_42, %shift_right_logical3A_44 : vector<16xi32>
      %and3A_46 = arith.constant 127 : i32
      %and3A_47 = vector.broadcast %and3A_46 : i32 to vector<16xi32>
      %and3A_48 = arith.andi %get3A_42, %and3A_47 : vector<16xi32>
      tpu.vector_store_idx %arg5[%shift_right_logical3A_45, %and3A_48], %broadcast_in_dim3A_18 {add = true} : memref<80x128xf32, #tpu.memory_space<vmem>>[vector<16xi32>, vector<16xi32>], vector<16xf32>,
      %get3A_49 = arith.index_cast %scan3A_32 : i32 to index
      %get3A_50 = arith.constant 32 : index
      %get3A_51 = tpu.vector_load %arg7[%get3A_49, %get3A_50] {strides = array<i32>} : memref<125x80xi32, #tpu.memory_space<vmem>>, vector<16xi32>,
      %shift_right_logical3A_52 = arith.constant 7 : i32
      %shift_right_logical3A_53 = vector.broadcast %shift_right_logical3A_52 : i32 to vector<16xi32>
      %shift_right_logical3A_54 = arith.shrui %get3A_51, %shift_right_logical3A_53 : vector<16xi32>
      %and3A_55 = arith.constant 127 : i32
      %and3A_56 = vector.broadcast %and3A_55 : i32 to vector<16xi32>
      %and3A_57 = arith.andi %get3A_51, %and3A_56 : vector<16xi32>
      tpu.vector_store_idx %arg5[%shift_right_logical3A_54, %and3A_57], %broadcast_in_dim3A_18 {add = true} : memref<80x128xf32, #tpu.memory_space<vmem>>[vector<16xi32>, vector<16xi32>], vector<16xf32>,
      %get3A_58 = arith.index_cast %scan3A_32 : i32 to index
      %get3A_59 = arith.constant 48 : index
      %get3A_60 = tpu.vector_load %arg7[%get3A_58, %get3A_59] {strides = array<i32>} : memref<125x80xi32, #tpu.memory_space<vmem>>, vector<16xi32>,
      %shift_right_logical3A_61 = arith.constant 7 : i32
      %shift_right_logical3A_62 = vector.broadcast %shift_right_logical3A_61 : i32 to vector<16xi32>
      %shift_right_logical3A_63 = arith.shrui %get3A_60, %shift_right_logical3A_62 : vector<16xi32>
      %and3A_64 = arith.constant 127 : i32
      %and3A_65 = vector.broadcast %and3A_64 : i32 to vector<16xi32>
      %and3A_66 = arith.andi %get3A_60, %and3A_65 : vector<16xi32>
      tpu.vector_store_idx %arg5[%shift_right_logical3A_63, %and3A_66], %broadcast_in_dim3A_18 {add = true} : memref<80x128xf32, #tpu.memory_space<vmem>>[vector<16xi32>, vector<16xi32>], vector<16xf32>,
      %get3A_67 = arith.index_cast %scan3A_32 : i32 to index
      %get3A_68 = arith.constant 64 : index
      %get3A_69 = tpu.vector_load %arg7[%get3A_67, %get3A_68] {strides = array<i32>} : memref<125x80xi32, #tpu.memory_space<vmem>>, vector<16xi32>,
      %shift_right_logical3A_70 = arith.constant 7 : i32
      %shift_right_logical3A_71 = vector.broadcast %shift_right_logical3A_70 : i32 to vector<16xi32>
      %shift_right_logical3A_72 = arith.shrui %get3A_69, %shift_right_logical3A_71 : vector<16xi32>
      %and3A_73 = arith.constant 127 : i32
      %and3A_74 = vector.broadcast %and3A_73 : i32 to vector<16xi32>
      %and3A_75 = arith.andi %get3A_69, %and3A_74 : vector<16xi32>
      tpu.vector_store_idx %arg5[%shift_right_logical3A_72, %and3A_75], %broadcast_in_dim3A_18 {add = true} : memref<80x128xf32, #tpu.memory_space<vmem>>[vector<16xi32>, vector<16xi32>], vector<16xf32>,
      %scan3A_76 = arith.constant 0 : i32
      scf.yield %scan3A_76 : i32
    }
    %scan3A_25 = arith.constant 125 : i32
    %barrier3A_26 = arith.constant 0 : index
    tpu.barrier barrier_id(%barrier3A_26)
    "tpu.region"() ({
      %run_scoped3A = tpu.sem_alloc : memref<!tpu.dma_semaphore, #tpu.memory_space<semaphore_mem>>
      %dma_start3A = arith.constant 0 : i32
      %dma_start3A_32 = arith.constant 0 : i32
      %dma_start3A_33 = tpu.memref_slice %arg4[%dma_start3A, %dma_start3A_32] : memref<80x128xf32, #tpu.memory_space<vmem_shared>> -> memref<80x128xf32, #tpu.memory_space<vmem_shared>>
      tpu.enqueue_indirect_dma source(%arg5 : memref<80x128xf32, #tpu.memory_space<vmem>>) target(%dma_start3A_33 : memref<80x128xf32, #tpu.memory_space<vmem_shared>>) offsets(%arg6 : memref<80xi32, #tpu.memory_space<vmem>>) semaphore(%run_scoped3A : memref<!tpu.dma_semaphore, #tpu.memory_space<semaphore_mem>>) {add = true}
      %dma_wait3A = arith.constant 0 : i32
      %dma_wait3A_34 = arith.constant 0 : i32
      %dma_wait3A_35 = tpu.memref_slice %arg4[%dma_wait3A, %dma_wait3A_34] : memref<80x128xf32, #tpu.memory_space<vmem_shared>> -> memref<80x128xf32, #tpu.memory_space<vmem_shared>>
      tpu.wait_indirect_dma semaphore(%run_scoped3A : memref<!tpu.dma_semaphore, #tpu.memory_space<semaphore_mem>>) src(%arg5 : memref<80x128xf32, #tpu.memory_space<vmem>>) dst(%dma_wait3A_35 : memref<80x128xf32, #tpu.memory_space<vmem_shared>>)
      tpu.yield
    }) : () -> ()
    %barrier3A_27 = arith.constant 0 : index
    tpu.barrier barrier_id(%barrier3A_27)
    %mul3A_28 = arith.constant 5 : i32
    %mul3A_29 = arith.muli %arg1, %mul3A_28 : i32
    "tpu.region"() ({
      %run_scoped3A = tpu.sem_alloc : memref<!tpu.dma_semaphore, #tpu.memory_space<semaphore_mem>>
      %dma_start3A = arith.constant 0 : i32
      %dma_start3A_32 = tpu.memref_slice %arg4[%mul3A_29, %dma_start3A] : memref<80x128xf32, #tpu.memory_space<vmem_shared>> -> memref<5x128xf32, #tpu.memory_space<vmem_shared>>
      %dma_start3A_33 = arith.constant 0 : i32
      %dma_start3A_34 = tpu.memref_slice %arg4[%mul3A_29, %dma_start3A_33] : memref<80x128xf32, #tpu.memory_space<vmem_shared>> -> memref<5x128xf32, #tpu.memory_space<vmem_shared>>
      tpu.enqueue_dma source(%dma_start3A_34 : memref<5x128xf32, #tpu.memory_space<vmem_shared>>) target(%arg8 : memref<5x128xf32, #tpu.memory_space<vmem>>) target_semaphore(%run_scoped3A : memref<!tpu.dma_semaphore, #tpu.memory_space<semaphore_mem>>)
      %dma_wait3A = arith.constant 0 : i32
      %dma_wait3A_35 = tpu.memref_slice %arg4[%mul3A_29, %dma_wait3A] : memref<80x128xf32, #tpu.memory_space<vmem_shared>> -> memref<5x128xf32, #tpu.memory_space<vmem_shared>>
      %dma_wait3A_36 = arith.constant 0 : i32
      %dma_wait3A_37 = tpu.memref_slice %arg4[%mul3A_29, %dma_wait3A_36] : memref<80x128xf32, #tpu.memory_space<vmem_shared>> -> memref<5x128xf32, #tpu.memory_space<vmem_shared>>
      tpu.wait_dma2 semaphore(%run_scoped3A : memref<!tpu.dma_semaphore, #tpu.memory_space<semaphore_mem>>) src(%dma_wait3A_37 : memref<5x128xf32, #tpu.memory_space<vmem_shared>>) dst(%arg8 : memref<5x128xf32, #tpu.memory_space<vmem>>)
      tpu.yield
    }) : () -> ()
    %mul3A_30 = arith.constant 5 : i32
    %mul3A_31 = arith.muli %arg1, %mul3A_30 : i32
    "tpu.region"() ({
      %run_scoped3A = tpu.sem_alloc : memref<!tpu.dma_semaphore, #tpu.memory_space<semaphore_mem>>
      %dma_start3A = arith.constant 0 : i32
      %dma_start3A_32 = tpu.memref_slice %arg3[%arg0, %mul3A_31, %dma_start3A] : memref<2x80x128xf32, #tpu.memory_space<hbm>> -> memref<1x5x128xf32, #tpu.memory_space<hbm>>
      %dma_start3A_33 = tpu.memref_squeeze %dma_start3A_32 : memref<1x5x128xf32, #tpu.memory_space<hbm>> -> memref<5x128xf32, #tpu.memory_space<hbm>>
      %dma_start3A_34 = arith.constant 0 : i32
      %dma_start3A_35 = tpu.memref_slice %arg3[%arg0, %mul3A_31, %dma_start3A_34] : memref<2x80x128xf32, #tpu.memory_space<hbm>> -> memref<1x5x128xf32, #tpu.memory_space<hbm>>
      %dma_start3A_36 = tpu.memref_squeeze %dma_start3A_35 : memref<1x5x128xf32, #tpu.memory_space<hbm>> -> memref<5x128xf32, #tpu.memory_space<hbm>>
      tpu.enqueue_dma source(%arg8 : memref<5x128xf32, #tpu.memory_space<vmem>>) target(%dma_start3A_36 : memref<5x128xf32, #tpu.memory_space<hbm>>) target_semaphore(%run_scoped3A : memref<!tpu.dma_semaphore, #tpu.memory_space<semaphore_mem>>)
      %dma_wait3A = arith.constant 0 : i32
      %dma_wait3A_37 = tpu.memref_slice %arg3[%arg0, %mul3A_31, %dma_wait3A] : memref<2x80x128xf32, #tpu.memory_space<hbm>> -> memref<1x5x128xf32, #tpu.memory_space<hbm>>
      %dma_wait3A_38 = tpu.memref_squeeze %dma_wait3A_37 : memref<1x5x128xf32, #tpu.memory_space<hbm>> -> memref<5x128xf32, #tpu.memory_space<hbm>>
      %dma_wait3A_39 = arith.constant 0 : i32
      %dma_wait3A_40 = tpu.memref_slice %arg3[%arg0, %mul3A_31, %dma_wait3A_39] : memref<2x80x128xf32, #tpu.memory_space<hbm>> -> memref<1x5x128xf32, #tpu.memory_space<hbm>>
      %dma_wait3A_41 = tpu.memref_squeeze %dma_wait3A_40 : memref<1x5x128xf32, #tpu.memory_space<hbm>> -> memref<5x128xf32, #tpu.memory_space<hbm>>
      tpu.wait_dma2 semaphore(%run_scoped3A : memref<!tpu.dma_semaphore, #tpu.memory_space<semaphore_mem>>) src(%arg8 : memref<5x128xf32, #tpu.memory_space<vmem>>) dst(%dma_wait3A_41 : memref<5x128xf32, #tpu.memory_space<hbm>>)
      tpu.yield
    }) : () -> ()
    return
  }
}

#map = affine_map<(d0, d1) -> (0)>
#map1 = affine_map<(d0, d1) -> (0, 0)>
module attributes {stable_mosaic.version = 14 : i64} {
  func.func @_fin_body(%arg0: i32, %arg1: i32, %arg2: memref<10000xf32, #tpu.memory_space<hbm>>, %arg3: memref<4000x80xi32, #tpu.memory_space<hbm>>, %arg4: memref<4000x80xi32, #tpu.memory_space<hbm>>, %arg5: memref<10240xf32, #tpu.memory_space<hbm>>, %arg6: memref<16xf32, #tpu.memory_space<hbm>>, %arg7: memref<10240xf32, #tpu.memory_space<hbm>>, %arg8: memref<80x128xf32, #tpu.memory_space<vmem_shared>>, %arg9: memref<80x128xf32, #tpu.memory_space<vmem>>, %arg10: memref<10240xf32, #tpu.memory_space<vmem>>, %arg11: memref<80xi32, #tpu.memory_space<vmem>>, %arg12: memref<250x80xi32, #tpu.memory_space<vmem>>, %arg13: memref<250x80xi32, #tpu.memory_space<vmem>>, %arg14: memref<5x128xf32, #tpu.memory_space<vmem>>, %arg15: memref<640xf32, #tpu.memory_space<vmem>>, %arg16: memref<640xf32, #tpu.memory_space<vmem>>, %arg17: memref<16xf32, #tpu.memory_space<vmem>>) attributes {dimension_semantics = [#tpu.dimension_semantics<core_parallel>, #tpu.dimension_semantics<subcore_parallel>], iteration_bounds = array<i64: 2, 16>, scalar_prefetch = 0 : i64, scratch_operands = 10 : i64, tpu.core_type = #tpu.core_type<sc_vector_subcore>, window_params = [{transform_indices = #map}, {transform_indices = #map1}, {transform_indices = #map1}, {transform_indices = #map}, {transform_indices = #map}, {transform_indices = #map}]} {
    %scan3A = arith.constant 0 : i32
    %scan3A_0 = arith.constant 0 : i32
    %scan3A_1 = arith.constant 80 : i32
    %scan3A_2 = arith.addi %scan3A_0, %scan3A_1 : i32
    %scan3A_3 = arith.constant 1 : i32
    %scan3A_4 = scf.for %scan3A_29 = %scan3A_0 to %scan3A_2 step %scan3A_3 iter_args(%scan3A_30 = %scan3A) -> (i32)  : i32 {
      %broadcast_in_dim3A = arith.constant 0.000000e+00 : f32
      %broadcast_in_dim3A_31 = vector.broadcast %broadcast_in_dim3A : f32 to vector<16xf32>
      %swap3A = arith.index_cast %scan3A_29 : i32 to index
      %swap3A_32 = arith.constant 0 : index
      %swap3A_33 = tpu.vector_load %arg9[%swap3A, %swap3A_32] {strides = array<i32>} : memref<80x128xf32, #tpu.memory_space<vmem>>, vector<16xf32>,
      tpu.vector_store %arg9[%swap3A, %swap3A_32], %broadcast_in_dim3A_31 {strides = array<i32>} : memref<80x128xf32, #tpu.memory_space<vmem>>, vector<16xf32>,
      %broadcast_in_dim3A_34 = arith.constant 0.000000e+00 : f32
      %broadcast_in_dim3A_35 = vector.broadcast %broadcast_in_dim3A_34 : f32 to vector<16xf32>
      %swap3A_36 = arith.index_cast %scan3A_29 : i32 to index
      %swap3A_37 = arith.constant 16 : index
      %swap3A_38 = tpu.vector_load %arg9[%swap3A_36, %swap3A_37] {strides = array<i32>} : memref<80x128xf32, #tpu.memory_space<vmem>>, vector<16xf32>,
      tpu.vector_store %arg9[%swap3A_36, %swap3A_37], %broadcast_in_dim3A_35 {strides = array<i32>} : memref<80x128xf32, #tpu.memory_space<vmem>>, vector<16xf32>,
      %broadcast_in_dim3A_39 = arith.constant 0.000000e+00 : f32
      %broadcast_in_dim3A_40 = vector.broadcast %broadcast_in_dim3A_39 : f32 to vector<16xf32>
      %swap3A_41 = arith.index_cast %scan3A_29 : i32 to index
      %swap3A_42 = arith.constant 32 : index
      %swap3A_43 = tpu.vector_load %arg9[%swap3A_41, %swap3A_42] {strides = array<i32>} : memref<80x128xf32, #tpu.memory_space<vmem>>, vector<16xf32>,
      tpu.vector_store %arg9[%swap3A_41, %swap3A_42], %broadcast_in_dim3A_40 {strides = array<i32>} : memref<80x128xf32, #tpu.memory_space<vmem>>, vector<16xf32>,
      %broadcast_in_dim3A_44 = arith.constant 0.000000e+00 : f32
      %broadcast_in_dim3A_45 = vector.broadcast %broadcast_in_dim3A_44 : f32 to vector<16xf32>
      %swap3A_46 = arith.index_cast %scan3A_29 : i32 to index
      %swap3A_47 = arith.constant 48 : index
      %swap3A_48 = tpu.vector_load %arg9[%swap3A_46, %swap3A_47] {strides = array<i32>} : memref<80x128xf32, #tpu.memory_space<vmem>>, vector<16xf32>,
      tpu.vector_store %arg9[%swap3A_46, %swap3A_47], %broadcast_in_dim3A_45 {strides = array<i32>} : memref<80x128xf32, #tpu.memory_space<vmem>>, vector<16xf32>,
      %broadcast_in_dim3A_49 = arith.constant 0.000000e+00 : f32
      %broadcast_in_dim3A_50 = vector.broadcast %broadcast_in_dim3A_49 : f32 to vector<16xf32>
      %swap3A_51 = arith.index_cast %scan3A_29 : i32 to index
      %swap3A_52 = arith.constant 64 : index
      %swap3A_53 = tpu.vector_load %arg9[%swap3A_51, %swap3A_52] {strides = array<i32>} : memref<80x128xf32, #tpu.memory_space<vmem>>, vector<16xf32>,
      tpu.vector_store %arg9[%swap3A_51, %swap3A_52], %broadcast_in_dim3A_50 {strides = array<i32>} : memref<80x128xf32, #tpu.memory_space<vmem>>, vector<16xf32>,
      %broadcast_in_dim3A_54 = arith.constant 0.000000e+00 : f32
      %broadcast_in_dim3A_55 = vector.broadcast %broadcast_in_dim3A_54 : f32 to vector<16xf32>
      %swap3A_56 = arith.index_cast %scan3A_29 : i32 to index
      %swap3A_57 = arith.constant 80 : index
      %swap3A_58 = tpu.vector_load %arg9[%swap3A_56, %swap3A_57] {strides = array<i32>} : memref<80x128xf32, #tpu.memory_space<vmem>>, vector<16xf32>,
      tpu.vector_store %arg9[%swap3A_56, %swap3A_57], %broadcast_in_dim3A_55 {strides = array<i32>} : memref<80x128xf32, #tpu.memory_space<vmem>>, vector<16xf32>,
      %broadcast_in_dim3A_59 = arith.constant 0.000000e+00 : f32
      %broadcast_in_dim3A_60 = vector.broadcast %broadcast_in_dim3A_59 : f32 to vector<16xf32>
      %swap3A_61 = arith.index_cast %scan3A_29 : i32 to index
      %swap3A_62 = arith.constant 96 : index
      %swap3A_63 = tpu.vector_load %arg9[%swap3A_61, %swap3A_62] {strides = array<i32>} : memref<80x128xf32, #tpu.memory_space<vmem>>, vector<16xf32>,
      tpu.vector_store %arg9[%swap3A_61, %swap3A_62], %broadcast_in_dim3A_60 {strides = array<i32>} : memref<80x128xf32, #tpu.memory_space<vmem>>, vector<16xf32>,
      %broadcast_in_dim3A_64 = arith.constant 0.000000e+00 : f32
      %broadcast_in_dim3A_65 = vector.broadcast %broadcast_in_dim3A_64 : f32 to vector<16xf32>
      %swap3A_66 = arith.index_cast %scan3A_29 : i32 to index
      %swap3A_67 = arith.constant 112 : index
      %swap3A_68 = tpu.vector_load %arg9[%swap3A_66, %swap3A_67] {strides = array<i32>} : memref<80x128xf32, #tpu.memory_space<vmem>>, vector<16xf32>,
      tpu.vector_store %arg9[%swap3A_66, %swap3A_67], %broadcast_in_dim3A_65 {strides = array<i32>} : memref<80x128xf32, #tpu.memory_space<vmem>>, vector<16xf32>,
      %scan3A_69 = arith.constant 0 : i32
      scf.yield %scan3A_69 : i32
    }
    %scan3A_5 = arith.constant 80 : i32
    %scan3A_6 = arith.constant 0 : i32
    %scan3A_7 = arith.constant 0 : i32
    %scan3A_8 = arith.constant 5 : i32
    %scan3A_9 = arith.addi %scan3A_7, %scan3A_8 : i32
    %scan3A_10 = arith.constant 1 : i32
    %scan3A_11 = scf.for %scan3A_29 = %scan3A_7 to %scan3A_9 step %scan3A_10 iter_args(%scan3A_30 = %scan3A_6) -> (i32)  : i32 {
      %iota3A = tpu.iota {dimensions = array<i32: 0>} : vector<16xi32>
      %mul3A_31 = arith.constant 16 : i32
      %mul3A_32 = arith.muli %scan3A_29, %mul3A_31 : i32
      %add3A = vector.broadcast %mul3A_32 : i32 to vector<16xi32>
      %add3A_33 = arith.addi %iota3A, %add3A : vector<16xi32>
      %mul3A_34 = arith.constant 16 : i32
      %mul3A_35 = arith.muli %scan3A_29, %mul3A_34 : i32
      %swap3A = arith.index_cast %mul3A_35 : i32 to index
      %swap3A_36 = tpu.vector_load %arg11[%swap3A] {strides = array<i32>} : memref<80xi32, #tpu.memory_space<vmem>>, vector<16xi32>,
      tpu.vector_store %arg11[%swap3A], %add3A_33 {strides = array<i32>} : memref<80xi32, #tpu.memory_space<vmem>>, vector<16xi32>,
      %scan3A_37 = arith.constant 0 : i32
      scf.yield %scan3A_37 : i32
    }
    %scan3A_12 = arith.constant 5 : i32
    %mul3A = arith.constant 5 : i32
    %mul3A_13 = arith.muli %arg1, %mul3A : i32
    "tpu.region"() ({
      %run_scoped3A = tpu.sem_alloc : memref<!tpu.dma_semaphore, #tpu.memory_space<semaphore_mem>>
      %dma_start3A = arith.constant 0 : i32
      %dma_start3A_29 = arith.constant 0 : i32
      %dma_start3A_30 = tpu.memref_slice %arg9[%dma_start3A, %dma_start3A_29] : memref<80x128xf32, #tpu.memory_space<vmem>> -> memref<5x128xf32, #tpu.memory_space<vmem>>
      %dma_start3A_31 = arith.constant 0 : i32
      %dma_start3A_32 = tpu.memref_slice %arg8[%mul3A_13, %dma_start3A_31] : memref<80x128xf32, #tpu.memory_space<vmem_shared>> -> memref<5x128xf32, #tpu.memory_space<vmem_shared>>
      %dma_start3A_33 = arith.constant 0 : i32
      %dma_start3A_34 = tpu.memref_slice %arg8[%mul3A_13, %dma_start3A_33] : memref<80x128xf32, #tpu.memory_space<vmem_shared>> -> memref<5x128xf32, #tpu.memory_space<vmem_shared>>
      %dma_start3A_35 = arith.constant 0 : i32
      %dma_start3A_36 = arith.constant 0 : i32
      %dma_start3A_37 = tpu.memref_slice %arg9[%dma_start3A_35, %dma_start3A_36] : memref<80x128xf32, #tpu.memory_space<vmem>> -> memref<5x128xf32, #tpu.memory_space<vmem>>
      tpu.enqueue_dma source(%dma_start3A_37 : memref<5x128xf32, #tpu.memory_space<vmem>>) target(%dma_start3A_34 : memref<5x128xf32, #tpu.memory_space<vmem_shared>>) target_semaphore(%run_scoped3A : memref<!tpu.dma_semaphore, #tpu.memory_space<semaphore_mem>>)
      %dma_wait3A = arith.constant 0 : i32
      %dma_wait3A_38 = arith.constant 0 : i32
      %dma_wait3A_39 = tpu.memref_slice %arg9[%dma_wait3A, %dma_wait3A_38] : memref<80x128xf32, #tpu.memory_space<vmem>> -> memref<5x128xf32, #tpu.memory_space<vmem>>
      %dma_wait3A_40 = arith.constant 0 : i32
      %dma_wait3A_41 = tpu.memref_slice %arg8[%mul3A_13, %dma_wait3A_40] : memref<80x128xf32, #tpu.memory_space<vmem_shared>> -> memref<5x128xf32, #tpu.memory_space<vmem_shared>>
      %dma_wait3A_42 = arith.constant 0 : i32
      %dma_wait3A_43 = tpu.memref_slice %arg8[%mul3A_13, %dma_wait3A_42] : memref<80x128xf32, #tpu.memory_space<vmem_shared>> -> memref<5x128xf32, #tpu.memory_space<vmem_shared>>
      %dma_wait3A_44 = arith.constant 0 : i32
      %dma_wait3A_45 = arith.constant 0 : i32
      %dma_wait3A_46 = tpu.memref_slice %arg9[%dma_wait3A_44, %dma_wait3A_45] : memref<80x128xf32, #tpu.memory_space<vmem>> -> memref<5x128xf32, #tpu.memory_space<vmem>>
      tpu.wait_dma2 semaphore(%run_scoped3A : memref<!tpu.dma_semaphore, #tpu.memory_space<semaphore_mem>>) src(%dma_wait3A_46 : memref<5x128xf32, #tpu.memory_space<vmem>>) dst(%dma_wait3A_43 : memref<5x128xf32, #tpu.memory_space<vmem_shared>>)
      tpu.yield
    }) : () -> ()
    "tpu.region"() ({
      %run_scoped3A = tpu.sem_alloc : memref<!tpu.dma_semaphore, #tpu.memory_space<semaphore_mem>>
      %dma_start3A = arith.constant 0 : i32
      %dma_start3A_29 = tpu.memref_slice %arg10[%dma_start3A] : memref<10240xf32, #tpu.memory_space<vmem>> -> memref<10000xf32, #tpu.memory_space<vmem>>
      %dma_start3A_30 = arith.constant 0 : i32
      %dma_start3A_31 = tpu.memref_slice %arg10[%dma_start3A_30] : memref<10240xf32, #tpu.memory_space<vmem>> -> memref<10000xf32, #tpu.memory_space<vmem>>
      tpu.enqueue_dma source(%arg2 : memref<10000xf32, #tpu.memory_space<hbm>>) target(%dma_start3A_31 : memref<10000xf32, #tpu.memory_space<vmem>>) target_semaphore(%run_scoped3A : memref<!tpu.dma_semaphore, #tpu.memory_space<semaphore_mem>>)
      %dma_wait3A = arith.constant 0 : i32
      %dma_wait3A_32 = tpu.memref_slice %arg10[%dma_wait3A] : memref<10240xf32, #tpu.memory_space<vmem>> -> memref<10000xf32, #tpu.memory_space<vmem>>
      %dma_wait3A_33 = arith.constant 0 : i32
      %dma_wait3A_34 = tpu.memref_slice %arg10[%dma_wait3A_33] : memref<10240xf32, #tpu.memory_space<vmem>> -> memref<10000xf32, #tpu.memory_space<vmem>>
      tpu.wait_dma2 semaphore(%run_scoped3A : memref<!tpu.dma_semaphore, #tpu.memory_space<semaphore_mem>>) src(%arg2 : memref<10000xf32, #tpu.memory_space<hbm>>) dst(%dma_wait3A_34 : memref<10000xf32, #tpu.memory_space<vmem>>)
      tpu.yield
    }) : () -> ()
    %mul3A_14 = arith.constant 250 : i32
    %mul3A_15 = arith.muli %arg1, %mul3A_14 : i32
    "tpu.region"() ({
      %run_scoped3A = tpu.sem_alloc : memref<!tpu.dma_semaphore, #tpu.memory_space<semaphore_mem>>
      %dma_start3A = arith.constant 0 : i32
      %dma_start3A_29 = tpu.memref_slice %arg3[%mul3A_15, %dma_start3A] : memref<4000x80xi32, #tpu.memory_space<hbm>> -> memref<250x80xi32, #tpu.memory_space<hbm>>
      %dma_start3A_30 = arith.constant 0 : i32
      %dma_start3A_31 = tpu.memref_slice %arg3[%mul3A_15, %dma_start3A_30] : memref<4000x80xi32, #tpu.memory_space<hbm>> -> memref<250x80xi32, #tpu.memory_space<hbm>>
      tpu.enqueue_dma source(%dma_start3A_31 : memref<250x80xi32, #tpu.memory_space<hbm>>) target(%arg12 : memref<250x80xi32, #tpu.memory_space<vmem>>) target_semaphore(%run_scoped3A : memref<!tpu.dma_semaphore, #tpu.memory_space<semaphore_mem>>)
      %dma_wait3A = arith.constant 0 : i32
      %dma_wait3A_32 = tpu.memref_slice %arg3[%mul3A_15, %dma_wait3A] : memref<4000x80xi32, #tpu.memory_space<hbm>> -> memref<250x80xi32, #tpu.memory_space<hbm>>
      %dma_wait3A_33 = arith.constant 0 : i32
      %dma_wait3A_34 = tpu.memref_slice %arg3[%mul3A_15, %dma_wait3A_33] : memref<4000x80xi32, #tpu.memory_space<hbm>> -> memref<250x80xi32, #tpu.memory_space<hbm>>
      tpu.wait_dma2 semaphore(%run_scoped3A : memref<!tpu.dma_semaphore, #tpu.memory_space<semaphore_mem>>) src(%dma_wait3A_34 : memref<250x80xi32, #tpu.memory_space<hbm>>) dst(%arg12 : memref<250x80xi32, #tpu.memory_space<vmem>>)
      tpu.yield
    }) : () -> ()
    %mul3A_16 = arith.constant 250 : i32
    %mul3A_17 = arith.muli %arg1, %mul3A_16 : i32
    "tpu.region"() ({
      %run_scoped3A = tpu.sem_alloc : memref<!tpu.dma_semaphore, #tpu.memory_space<semaphore_mem>>
      %dma_start3A = arith.constant 0 : i32
      %dma_start3A_29 = tpu.memref_slice %arg4[%mul3A_17, %dma_start3A] : memref<4000x80xi32, #tpu.memory_space<hbm>> -> memref<250x80xi32, #tpu.memory_space<hbm>>
      %dma_start3A_30 = arith.constant 0 : i32
      %dma_start3A_31 = tpu.memref_slice %arg4[%mul3A_17, %dma_start3A_30] : memref<4000x80xi32, #tpu.memory_space<hbm>> -> memref<250x80xi32, #tpu.memory_space<hbm>>
      tpu.enqueue_dma source(%dma_start3A_31 : memref<250x80xi32, #tpu.memory_space<hbm>>) target(%arg13 : memref<250x80xi32, #tpu.memory_space<vmem>>) target_semaphore(%run_scoped3A : memref<!tpu.dma_semaphore, #tpu.memory_space<semaphore_mem>>)
      %dma_wait3A = arith.constant 0 : i32
      %dma_wait3A_32 = tpu.memref_slice %arg4[%mul3A_17, %dma_wait3A] : memref<4000x80xi32, #tpu.memory_space<hbm>> -> memref<250x80xi32, #tpu.memory_space<hbm>>
      %dma_wait3A_33 = arith.constant 0 : i32
      %dma_wait3A_34 = tpu.memref_slice %arg4[%mul3A_17, %dma_wait3A_33] : memref<4000x80xi32, #tpu.memory_space<hbm>> -> memref<250x80xi32, #tpu.memory_space<hbm>>
      tpu.wait_dma2 semaphore(%run_scoped3A : memref<!tpu.dma_semaphore, #tpu.memory_space<semaphore_mem>>) src(%dma_wait3A_34 : memref<250x80xi32, #tpu.memory_space<hbm>>) dst(%arg13 : memref<250x80xi32, #tpu.memory_space<vmem>>)
      tpu.yield
    }) : () -> ()
    %barrier3A = arith.constant 0 : index
    tpu.barrier barrier_id(%barrier3A)
    %scan3A_18 = arith.constant 0 : i32
    %scan3A_19 = arith.constant 0 : i32
    %scan3A_20 = arith.constant 250 : i32
    %scan3A_21 = arith.addi %scan3A_19, %scan3A_20 : i32
    %scan3A_22 = arith.constant 1 : i32
    %scan3A_23 = scf.for %scan3A_29 = %scan3A_19 to %scan3A_21 step %scan3A_22 iter_args(%scan3A_30 = %scan3A_18) -> (i32)  : i32 {
      %get3A = arith.index_cast %scan3A_29 : i32 to index
      %get3A_31 = arith.constant 0 : index
      %get3A_32 = tpu.vector_load %arg12[%get3A, %get3A_31] {strides = array<i32>} : memref<250x80xi32, #tpu.memory_space<vmem>>, vector<16xi32>,
      %get3A_33 = arith.index_cast %scan3A_29 : i32 to index
      %get3A_34 = arith.constant 0 : index
      %get3A_35 = tpu.vector_load %arg13[%get3A_33, %get3A_34] {strides = array<i32>} : memref<250x80xi32, #tpu.memory_space<vmem>>, vector<16xi32>,
      %gather3A = tpu.vector_load_idx %arg10[%get3A_32] : memref<10240xf32, #tpu.memory_space<vmem>>[vector<16xi32>], vector<16xf32>,
      %shift_right_logical3A = arith.constant 7 : i32
      %shift_right_logical3A_36 = vector.broadcast %shift_right_logical3A : i32 to vector<16xi32>
      %shift_right_logical3A_37 = arith.shrui %get3A_35, %shift_right_logical3A_36 : vector<16xi32>
      %and3A = arith.constant 127 : i32
      %and3A_38 = vector.broadcast %and3A : i32 to vector<16xi32>
      %and3A_39 = arith.andi %get3A_35, %and3A_38 : vector<16xi32>
      tpu.vector_store_idx %arg9[%shift_right_logical3A_37, %and3A_39], %gather3A {add = true} : memref<80x128xf32, #tpu.memory_space<vmem>>[vector<16xi32>, vector<16xi32>], vector<16xf32>,
      %get3A_40 = arith.index_cast %scan3A_29 : i32 to index
      %get3A_41 = arith.constant 16 : index
      %get3A_42 = tpu.vector_load %arg12[%get3A_40, %get3A_41] {strides = array<i32>} : memref<250x80xi32, #tpu.memory_space<vmem>>, vector<16xi32>,
      %get3A_43 = arith.index_cast %scan3A_29 : i32 to index
      %get3A_44 = arith.constant 16 : index
      %get3A_45 = tpu.vector_load %arg13[%get3A_43, %get3A_44] {strides = array<i32>} : memref<250x80xi32, #tpu.memory_space<vmem>>, vector<16xi32>,
      %gather3A_46 = tpu.vector_load_idx %arg10[%get3A_42] : memref<10240xf32, #tpu.memory_space<vmem>>[vector<16xi32>], vector<16xf32>,
      %shift_right_logical3A_47 = arith.constant 7 : i32
      %shift_right_logical3A_48 = vector.broadcast %shift_right_logical3A_47 : i32 to vector<16xi32>
      %shift_right_logical3A_49 = arith.shrui %get3A_45, %shift_right_logical3A_48 : vector<16xi32>
      %and3A_50 = arith.constant 127 : i32
      %and3A_51 = vector.broadcast %and3A_50 : i32 to vector<16xi32>
      %and3A_52 = arith.andi %get3A_45, %and3A_51 : vector<16xi32>
      tpu.vector_store_idx %arg9[%shift_right_logical3A_49, %and3A_52], %gather3A_46 {add = true} : memref<80x128xf32, #tpu.memory_space<vmem>>[vector<16xi32>, vector<16xi32>], vector<16xf32>,
      %get3A_53 = arith.index_cast %scan3A_29 : i32 to index
      %get3A_54 = arith.constant 32 : index
      %get3A_55 = tpu.vector_load %arg12[%get3A_53, %get3A_54] {strides = array<i32>} : memref<250x80xi32, #tpu.memory_space<vmem>>, vector<16xi32>,
      %get3A_56 = arith.index_cast %scan3A_29 : i32 to index
      %get3A_57 = arith.constant 32 : index
      %get3A_58 = tpu.vector_load %arg13[%get3A_56, %get3A_57] {strides = array<i32>} : memref<250x80xi32, #tpu.memory_space<vmem>>, vector<16xi32>,
      %gather3A_59 = tpu.vector_load_idx %arg10[%get3A_55] : memref<10240xf32, #tpu.memory_space<vmem>>[vector<16xi32>], vector<16xf32>,
      %shift_right_logical3A_60 = arith.constant 7 : i32
      %shift_right_logical3A_61 = vector.broadcast %shift_right_logical3A_60 : i32 to vector<16xi32>
      %shift_right_logical3A_62 = arith.shrui %get3A_58, %shift_right_logical3A_61 : vector<16xi32>
      %and3A_63 = arith.constant 127 : i32
      %and3A_64 = vector.broadcast %and3A_63 : i32 to vector<16xi32>
      %and3A_65 = arith.andi %get3A_58, %and3A_64 : vector<16xi32>
      tpu.vector_store_idx %arg9[%shift_right_logical3A_62, %and3A_65], %gather3A_59 {add = true} : memref<80x128xf32, #tpu.memory_space<vmem>>[vector<16xi32>, vector<16xi32>], vector<16xf32>,
      %get3A_66 = arith.index_cast %scan3A_29 : i32 to index
      %get3A_67 = arith.constant 48 : index
      %get3A_68 = tpu.vector_load %arg12[%get3A_66, %get3A_67] {strides = array<i32>} : memref<250x80xi32, #tpu.memory_space<vmem>>, vector<16xi32>,
      %get3A_69 = arith.index_cast %scan3A_29 : i32 to index
      %get3A_70 = arith.constant 48 : index
      %get3A_71 = tpu.vector_load %arg13[%get3A_69, %get3A_70] {strides = array<i32>} : memref<250x80xi32, #tpu.memory_space<vmem>>, vector<16xi32>,
      %gather3A_72 = tpu.vector_load_idx %arg10[%get3A_68] : memref<10240xf32, #tpu.memory_space<vmem>>[vector<16xi32>], vector<16xf32>,
      %shift_right_logical3A_73 = arith.constant 7 : i32
      %shift_right_logical3A_74 = vector.broadcast %shift_right_logical3A_73 : i32 to vector<16xi32>
      %shift_right_logical3A_75 = arith.shrui %get3A_71, %shift_right_logical3A_74 : vector<16xi32>
      %and3A_76 = arith.constant 127 : i32
      %and3A_77 = vector.broadcast %and3A_76 : i32 to vector<16xi32>
      %and3A_78 = arith.andi %get3A_71, %and3A_77 : vector<16xi32>
      tpu.vector_store_idx %arg9[%shift_right_logical3A_75, %and3A_78], %gather3A_72 {add = true} : memref<80x128xf32, #tpu.memory_space<vmem>>[vector<16xi32>, vector<16xi32>], vector<16xf32>,
      %get3A_79 = arith.index_cast %scan3A_29 : i32 to index
      %get3A_80 = arith.constant 64 : index
      %get3A_81 = tpu.vector_load %arg12[%get3A_79, %get3A_80] {strides = array<i32>} : memref<250x80xi32, #tpu.memory_space<vmem>>, vector<16xi32>,
      %get3A_82 = arith.index_cast %scan3A_29 : i32 to index
      %get3A_83 = arith.constant 64 : index
      %get3A_84 = tpu.vector_load %arg13[%get3A_82, %get3A_83] {strides = array<i32>} : memref<250x80xi32, #tpu.memory_space<vmem>>, vector<16xi32>,
      %gather3A_85 = tpu.vector_load_idx %arg10[%get3A_81] : memref<10240xf32, #tpu.memory_space<vmem>>[vector<16xi32>], vector<16xf32>,
      %shift_right_logical3A_86 = arith.constant 7 : i32
      %shift_right_logical3A_87 = vector.broadcast %shift_right_logical3A_86 : i32 to vector<16xi32>
      %shift_right_logical3A_88 = arith.shrui %get3A_84, %shift_right_logical3A_87 : vector<16xi32>
      %and3A_89 = arith.constant 127 : i32
      %and3A_90 = vector.broadcast %and3A_89 : i32 to vector<16xi32>
      %and3A_91 = arith.andi %get3A_84, %and3A_90 : vector<16xi32>
      tpu.vector_store_idx %arg9[%shift_right_logical3A_88, %and3A_91], %gather3A_85 {add = true} : memref<80x128xf32, #tpu.memory_space<vmem>>[vector<16xi32>, vector<16xi32>], vector<16xf32>,
      %scan3A_92 = arith.constant 0 : i32
      scf.yield %scan3A_92 : i32
    }
    %scan3A_24 = arith.constant 250 : i32
    %barrier3A_25 = arith.constant 0 : index
    tpu.barrier barrier_id(%barrier3A_25)
    "tpu.region"() ({
      %run_scoped3A = tpu.sem_alloc : memref<!tpu.dma_semaphore, #tpu.memory_space<semaphore_mem>>
      %dma_start3A = arith.constant 0 : i32
      %dma_start3A_29 = arith.constant 0 : i32
      %dma_start3A_30 = tpu.memref_slice %arg8[%dma_start3A, %dma_start3A_29] : memref<80x128xf32, #tpu.memory_space<vmem_shared>> -> memref<80x128xf32, #tpu.memory_space<vmem_shared>>
      tpu.enqueue_indirect_dma source(%arg9 : memref<80x128xf32, #tpu.memory_space<vmem>>) target(%dma_start3A_30 : memref<80x128xf32, #tpu.memory_space<vmem_shared>>) offsets(%arg11 : memref<80xi32, #tpu.memory_space<vmem>>) semaphore(%run_scoped3A : memref<!tpu.dma_semaphore, #tpu.memory_space<semaphore_mem>>) {add = true}
      %dma_wait3A = arith.constant 0 : i32
      %dma_wait3A_31 = arith.constant 0 : i32
      %dma_wait3A_32 = tpu.memref_slice %arg8[%dma_wait3A, %dma_wait3A_31] : memref<80x128xf32, #tpu.memory_space<vmem_shared>> -> memref<80x128xf32, #tpu.memory_space<vmem_shared>>
      tpu.wait_indirect_dma semaphore(%run_scoped3A : memref<!tpu.dma_semaphore, #tpu.memory_space<semaphore_mem>>) src(%arg9 : memref<80x128xf32, #tpu.memory_space<vmem>>) dst(%dma_wait3A_32 : memref<80x128xf32, #tpu.memory_space<vmem_shared>>)
      tpu.yield
    }) : () -> ()
    %barrier3A_26 = arith.constant 0 : index
    tpu.barrier barrier_id(%barrier3A_26)
    %eq3A = arith.constant 0 : i32
    %eq3A_27 = arith.cmpi eq, %arg0, %eq3A : i32
    %convert_element_type3A = arith.extui %eq3A_27 : i1 to i32
    %cond3A = arith.constant 0 : i32
    %cond3A_28 = arith.cmpi ne, %convert_element_type3A, %cond3A : i32
    scf.if %cond3A_28 {
      %mul3A_29 = arith.constant 5 : i32
      %mul3A_30 = arith.muli %arg1, %mul3A_29 : i32
      "tpu.region"() ({
        %run_scoped3A = tpu.sem_alloc : memref<!tpu.dma_semaphore, #tpu.memory_space<semaphore_mem>>
        %dma_start3A = arith.constant 0 : i32
        %dma_start3A_43 = tpu.memref_slice %arg8[%mul3A_30, %dma_start3A] : memref<80x128xf32, #tpu.memory_space<vmem_shared>> -> memref<5x128xf32, #tpu.memory_space<vmem_shared>>
        %dma_start3A_44 = arith.constant 0 : i32
        %dma_start3A_45 = tpu.memref_slice %arg8[%mul3A_30, %dma_start3A_44] : memref<80x128xf32, #tpu.memory_space<vmem_shared>> -> memref<5x128xf32, #tpu.memory_space<vmem_shared>>
        tpu.enqueue_dma source(%dma_start3A_45 : memref<5x128xf32, #tpu.memory_space<vmem_shared>>) target(%arg14 : memref<5x128xf32, #tpu.memory_space<vmem>>) target_semaphore(%run_scoped3A : memref<!tpu.dma_semaphore, #tpu.memory_space<semaphore_mem>>)
        %dma_wait3A = arith.constant 0 : i32
        %dma_wait3A_46 = tpu.memref_slice %arg8[%mul3A_30, %dma_wait3A] : memref<80x128xf32, #tpu.memory_space<vmem_shared>> -> memref<5x128xf32, #tpu.memory_space<vmem_shared>>
        %dma_wait3A_47 = arith.constant 0 : i32
        %dma_wait3A_48 = tpu.memref_slice %arg8[%mul3A_30, %dma_wait3A_47] : memref<80x128xf32, #tpu.memory_space<vmem_shared>> -> memref<5x128xf32, #tpu.memory_space<vmem_shared>>
        tpu.wait_dma2 semaphore(%run_scoped3A : memref<!tpu.dma_semaphore, #tpu.memory_space<semaphore_mem>>) src(%dma_wait3A_48 : memref<5x128xf32, #tpu.memory_space<vmem_shared>>) dst(%arg14 : memref<5x128xf32, #tpu.memory_space<vmem>>)
        tpu.yield
      }) : () -> ()
      %mul3A_31 = arith.constant 640 : i32
      %mul3A_32 = arith.muli %arg1, %mul3A_31 : i32
      "tpu.region"() ({
        %run_scoped3A = tpu.sem_alloc : memref<!tpu.dma_semaphore, #tpu.memory_space<semaphore_mem>>
        %dma_start3A = tpu.memref_slice %arg5[%mul3A_32] : memref<10240xf32, #tpu.memory_space<hbm>> -> memref<640xf32, #tpu.memory_space<hbm>>
        %dma_start3A_43 = tpu.memref_slice %arg5[%mul3A_32] : memref<10240xf32, #tpu.memory_space<hbm>> -> memref<640xf32, #tpu.memory_space<hbm>>
        tpu.enqueue_dma source(%dma_start3A_43 : memref<640xf32, #tpu.memory_space<hbm>>) target(%arg15 : memref<640xf32, #tpu.memory_space<vmem>>) target_semaphore(%run_scoped3A : memref<!tpu.dma_semaphore, #tpu.memory_space<semaphore_mem>>)
        %dma_wait3A = tpu.memref_slice %arg5[%mul3A_32] : memref<10240xf32, #tpu.memory_space<hbm>> -> memref<640xf32, #tpu.memory_space<hbm>>
        %dma_wait3A_44 = tpu.memref_slice %arg5[%mul3A_32] : memref<10240xf32, #tpu.memory_space<hbm>> -> memref<640xf32, #tpu.memory_space<hbm>>
        tpu.wait_dma2 semaphore(%run_scoped3A : memref<!tpu.dma_semaphore, #tpu.memory_space<semaphore_mem>>) src(%dma_wait3A_44 : memref<640xf32, #tpu.memory_space<hbm>>) dst(%arg15 : memref<640xf32, #tpu.memory_space<vmem>>)
        tpu.yield
      }) : () -> ()
      "tpu.region"() ({
        %run_scoped3A = tpu.sem_alloc : memref<!tpu.dma_semaphore, #tpu.memory_space<semaphore_mem>>
        tpu.enqueue_dma source(%arg6 : memref<16xf32, #tpu.memory_space<hbm>>) target(%arg17 : memref<16xf32, #tpu.memory_space<vmem>>) target_semaphore(%run_scoped3A : memref<!tpu.dma_semaphore, #tpu.memory_space<semaphore_mem>>)
        tpu.wait_dma2 semaphore(%run_scoped3A : memref<!tpu.dma_semaphore, #tpu.memory_space<semaphore_mem>>) src(%arg6 : memref<16xf32, #tpu.memory_space<hbm>>) dst(%arg17 : memref<16xf32, #tpu.memory_space<vmem>>)
        tpu.yield
      }) : () -> ()
      %get3A = arith.constant 0 : index
      %get3A_33 = tpu.vector_load %arg17[%get3A] {strides = array<i32>} : memref<16xf32, #tpu.memory_space<vmem>>, vector<16xf32>,
      %scan3A_34 = arith.constant 0 : i32
      %scan3A_35 = arith.constant 0 : i32
      %scan3A_36 = arith.constant 40 : i32
      %scan3A_37 = arith.addi %scan3A_35, %scan3A_36 : i32
      %scan3A_38 = arith.constant 1 : i32
      %scan3A_39 = scf.for %scan3A_43 = %scan3A_35 to %scan3A_37 step %scan3A_38 iter_args(%scan3A_44 = %scan3A_34) -> (i32)  : i32 {
        %shift_right_logical3A = arith.constant 3 : i32
        %shift_right_logical3A_45 = arith.shrui %scan3A_43, %shift_right_logical3A : i32
        %and3A = arith.constant 7 : i32
        %and3A_46 = arith.andi %scan3A_43, %and3A : i32
        %mul3A_47 = arith.constant 16 : i32
        %mul3A_48 = arith.muli %and3A_46, %mul3A_47 : i32
        %get3A_49 = arith.index_cast %shift_right_logical3A_45 : i32 to index
        %get3A_50 = arith.index_cast %mul3A_48 : i32 to index
        %get3A_51 = tpu.vector_load %arg14[%get3A_49, %get3A_50] {strides = array<i32>} : memref<5x128xf32, #tpu.memory_space<vmem>>, vector<16xf32>,
        %mul3A_52 = arith.constant 640 : i32
        %mul3A_53 = arith.muli %arg1, %mul3A_52 : i32
        %mul3A_54 = arith.constant 16 : i32
        %mul3A_55 = arith.muli %scan3A_43, %mul3A_54 : i32
        %add3A = arith.addi %mul3A_53, %mul3A_55 : i32
        %get3A_56 = arith.index_cast %add3A : i32 to index
        %get3A_57 = tpu.vector_load %arg10[%get3A_56] {strides = array<i32>} : memref<10240xf32, #tpu.memory_space<vmem>>, vector<16xf32>,
        %mul3A_58 = arith.constant 16 : i32
        %mul3A_59 = arith.muli %scan3A_43, %mul3A_58 : i32
        %get3A_60 = arith.index_cast %mul3A_59 : i32 to index
        %get3A_61 = tpu.vector_load %arg15[%get3A_60] {strides = array<i32>} : memref<640xf32, #tpu.memory_space<vmem>>, vector<16xf32>,
        %add3A_62 = arith.addf %get3A_51, %get3A_57 : vector<16xf32>
        %mul3A_63 = arith.mulf %get3A_61, %add3A_62 : vector<16xf32>
        %add3A_64 = arith.addf %mul3A_63, %get3A_33 : vector<16xf32>
        %mul3A_65 = arith.constant 16 : i32
        %mul3A_66 = arith.muli %scan3A_43, %mul3A_65 : i32
        %swap3A = arith.index_cast %mul3A_66 : i32 to index
        %swap3A_67 = tpu.vector_load %arg16[%swap3A] {strides = array<i32>} : memref<640xf32, #tpu.memory_space<vmem>>, vector<16xf32>,
        tpu.vector_store %arg16[%swap3A], %add3A_64 {strides = array<i32>} : memref<640xf32, #tpu.memory_space<vmem>>, vector<16xf32>,
        %scan3A_68 = arith.constant 0 : i32
        scf.yield %scan3A_68 : i32
      }
      %scan3A_40 = arith.constant 40 : i32
      %mul3A_41 = arith.constant 640 : i32
      %mul3A_42 = arith.muli %arg1, %mul3A_41 : i32
      "tpu.region"() ({
        %run_scoped3A = tpu.sem_alloc : memref<!tpu.dma_semaphore, #tpu.memory_space<semaphore_mem>>
        %dma_start3A = tpu.memref_slice %arg7[%mul3A_42] : memref<10240xf32, #tpu.memory_space<hbm>> -> memref<640xf32, #tpu.memory_space<hbm>>
        %dma_start3A_43 = tpu.memref_slice %arg7[%mul3A_42] : memref<10240xf32, #tpu.memory_space<hbm>> -> memref<640xf32, #tpu.memory_space<hbm>>
        tpu.enqueue_dma source(%arg16 : memref<640xf32, #tpu.memory_space<vmem>>) target(%dma_start3A_43 : memref<640xf32, #tpu.memory_space<hbm>>) target_semaphore(%run_scoped3A : memref<!tpu.dma_semaphore, #tpu.memory_space<semaphore_mem>>)
        %dma_wait3A = tpu.memref_slice %arg7[%mul3A_42] : memref<10240xf32, #tpu.memory_space<hbm>> -> memref<640xf32, #tpu.memory_space<hbm>>
        %dma_wait3A_44 = tpu.memref_slice %arg7[%mul3A_42] : memref<10240xf32, #tpu.memory_space<hbm>> -> memref<640xf32, #tpu.memory_space<hbm>>
        tpu.wait_dma2 semaphore(%run_scoped3A : memref<!tpu.dma_semaphore, #tpu.memory_space<semaphore_mem>>) src(%arg16 : memref<640xf32, #tpu.memory_space<vmem>>) dst(%dma_wait3A_44 : memref<640xf32, #tpu.memory_space<hbm>>)
        tpu.yield
      }) : () -> ()
    } else {
    }
    return
  }
}

#map = affine_map<(d0, d1) -> (0, 0)>
#map1 = affine_map<(d0, d1) -> (0, 0, 0)>
module attributes {stable_mosaic.version = 14 : i64} {
  func.func @_edge_body(%arg0: i32, %arg1: i32, %arg2: memref<10000x128xf32, #tpu.memory_space<hbm>>, %arg3: memref<4000x80xi32, #tpu.memory_space<hbm>>, %arg4: memref<4000x80xi32, #tpu.memory_space<hbm>>, %arg5: memref<2x10240x128xf32, #tpu.memory_space<hbm>>, %arg6: memref<10240x128xf32, #tpu.memory_space<vmem_shared>>, %arg7: memref<80x128xf32, #tpu.memory_space<vmem>>, %arg8: memref<80x128xf32, #tpu.memory_space<vmem>>, %arg9: memref<125x80xi32, #tpu.memory_space<vmem>>, %arg10: memref<125x80xi32, #tpu.memory_space<vmem>>, %arg11: memref<!tpu.dma_semaphore, #tpu.memory_space<semaphore_mem>>, %arg12: memref<!tpu.dma_semaphore, #tpu.memory_space<semaphore_mem>>, %arg13: memref<!tpu.dma_semaphore, #tpu.memory_space<semaphore_mem>>) attributes {dimension_semantics = [#tpu.dimension_semantics<core_parallel>, #tpu.dimension_semantics<subcore_parallel>], iteration_bounds = array<i64: 2, 16>, scalar_prefetch = 0 : i64, scratch_operands = 8 : i64, tpu.core_type = #tpu.core_type<sc_vector_subcore>, window_params = [{transform_indices = #map}, {transform_indices = #map}, {transform_indices = #map}, {transform_indices = #map1}]} {
    %mul3A = arith.constant 2 : i32
    %mul3A_0 = arith.muli %arg1, %mul3A : i32
    %add3A = arith.addi %mul3A_0, %arg0 : i32
    %mul3A_1 = arith.constant 125 : i32
    %mul3A_2 = arith.muli %add3A, %mul3A_1 : i32
    %dma_start3A = arith.constant 0 : i32
    %dma_start3A_3 = tpu.memref_slice %arg3[%mul3A_2, %dma_start3A] : memref<4000x80xi32, #tpu.memory_space<hbm>> -> memref<125x80xi32, #tpu.memory_space<hbm>>
    %dma_start3A_4 = arith.constant 0 : i32
    %dma_start3A_5 = tpu.memref_slice %arg3[%mul3A_2, %dma_start3A_4] : memref<4000x80xi32, #tpu.memory_space<hbm>> -> memref<125x80xi32, #tpu.memory_space<hbm>>
    tpu.enqueue_dma source(%dma_start3A_5 : memref<125x80xi32, #tpu.memory_space<hbm>>) target(%arg9 : memref<125x80xi32, #tpu.memory_space<vmem>>) target_semaphore(%arg11 : memref<!tpu.dma_semaphore, #tpu.memory_space<semaphore_mem>>)
    %mul3A_6 = arith.constant 125 : i32
    %mul3A_7 = arith.muli %add3A, %mul3A_6 : i32
    %dma_start3A_8 = arith.constant 0 : i32
    %dma_start3A_9 = tpu.memref_slice %arg4[%mul3A_7, %dma_start3A_8] : memref<4000x80xi32, #tpu.memory_space<hbm>> -> memref<125x80xi32, #tpu.memory_space<hbm>>
    %dma_start3A_10 = arith.constant 0 : i32
    %dma_start3A_11 = tpu.memref_slice %arg4[%mul3A_7, %dma_start3A_10] : memref<4000x80xi32, #tpu.memory_space<hbm>> -> memref<125x80xi32, #tpu.memory_space<hbm>>
    tpu.enqueue_dma source(%dma_start3A_11 : memref<125x80xi32, #tpu.memory_space<hbm>>) target(%arg10 : memref<125x80xi32, #tpu.memory_space<vmem>>) target_semaphore(%arg12 : memref<!tpu.dma_semaphore, #tpu.memory_space<semaphore_mem>>)
    %scan3A = arith.constant 0 : i32
    %scan3A_12 = arith.constant 0 : i32
    %scan3A_13 = arith.constant 80 : i32
    %scan3A_14 = arith.addi %scan3A_12, %scan3A_13 : i32
    %scan3A_15 = arith.constant 1 : i32
    %scan3A_16 = scf.for %scan3A_467 = %scan3A_12 to %scan3A_14 step %scan3A_15 iter_args(%scan3A_468 = %scan3A) -> (i32)  : i32 {
      %broadcast_in_dim3A = arith.constant 0.000000e+00 : f32
      %broadcast_in_dim3A_469 = vector.broadcast %broadcast_in_dim3A : f32 to vector<16xf32>
      %swap3A = arith.index_cast %scan3A_467 : i32 to index
      %swap3A_470 = arith.constant 0 : index
      %swap3A_471 = tpu.vector_load %arg7[%swap3A, %swap3A_470] {strides = array<i32>} : memref<80x128xf32, #tpu.memory_space<vmem>>, vector<16xf32>,
      tpu.vector_store %arg7[%swap3A, %swap3A_470], %broadcast_in_dim3A_469 {strides = array<i32>} : memref<80x128xf32, #tpu.memory_space<vmem>>, vector<16xf32>,
      %broadcast_in_dim3A_472 = arith.constant 0.000000e+00 : f32
      %broadcast_in_dim3A_473 = vector.broadcast %broadcast_in_dim3A_472 : f32 to vector<16xf32>
      %swap3A_474 = arith.index_cast %scan3A_467 : i32 to index
      %swap3A_475 = arith.constant 16 : index
      %swap3A_476 = tpu.vector_load %arg7[%swap3A_474, %swap3A_475] {strides = array<i32>} : memref<80x128xf32, #tpu.memory_space<vmem>>, vector<16xf32>,
      tpu.vector_store %arg7[%swap3A_474, %swap3A_475], %broadcast_in_dim3A_473 {strides = array<i32>} : memref<80x128xf32, #tpu.memory_space<vmem>>, vector<16xf32>,
      %broadcast_in_dim3A_477 = arith.constant 0.000000e+00 : f32
      %broadcast_in_dim3A_478 = vector.broadcast %broadcast_in_dim3A_477 : f32 to vector<16xf32>
      %swap3A_479 = arith.index_cast %scan3A_467 : i32 to index
      %swap3A_480 = arith.constant 32 : index
      %swap3A_481 = tpu.vector_load %arg7[%swap3A_479, %swap3A_480] {strides = array<i32>} : memref<80x128xf32, #tpu.memory_space<vmem>>, vector<16xf32>,
      tpu.vector_store %arg7[%swap3A_479, %swap3A_480], %broadcast_in_dim3A_478 {strides = array<i32>} : memref<80x128xf32, #tpu.memory_space<vmem>>, vector<16xf32>,
      %broadcast_in_dim3A_482 = arith.constant 0.000000e+00 : f32
      %broadcast_in_dim3A_483 = vector.broadcast %broadcast_in_dim3A_482 : f32 to vector<16xf32>
      %swap3A_484 = arith.index_cast %scan3A_467 : i32 to index
      %swap3A_485 = arith.constant 48 : index
      %swap3A_486 = tpu.vector_load %arg7[%swap3A_484, %swap3A_485] {strides = array<i32>} : memref<80x128xf32, #tpu.memory_space<vmem>>, vector<16xf32>,
      tpu.vector_store %arg7[%swap3A_484, %swap3A_485], %broadcast_in_dim3A_483 {strides = array<i32>} : memref<80x128xf32, #tpu.memory_space<vmem>>, vector<16xf32>,
      %broadcast_in_dim3A_487 = arith.constant 0.000000e+00 : f32
      %broadcast_in_dim3A_488 = vector.broadcast %broadcast_in_dim3A_487 : f32 to vector<16xf32>
      %swap3A_489 = arith.index_cast %scan3A_467 : i32 to index
      %swap3A_490 = arith.constant 64 : index
      %swap3A_491 = tpu.vector_load %arg7[%swap3A_489, %swap3A_490] {strides = array<i32>} : memref<80x128xf32, #tpu.memory_space<vmem>>, vector<16xf32>,
      tpu.vector_store %arg7[%swap3A_489, %swap3A_490], %broadcast_in_dim3A_488 {strides = array<i32>} : memref<80x128xf32, #tpu.memory_space<vmem>>, vector<16xf32>,
      %broadcast_in_dim3A_492 = arith.constant 0.000000e+00 : f32
      %broadcast_in_dim3A_493 = vector.broadcast %broadcast_in_dim3A_492 : f32 to vector<16xf32>
      %swap3A_494 = arith.index_cast %scan3A_467 : i32 to index
      %swap3A_495 = arith.constant 80 : index
      %swap3A_496 = tpu.vector_load %arg7[%swap3A_494, %swap3A_495] {strides = array<i32>} : memref<80x128xf32, #tpu.memory_space<vmem>>, vector<16xf32>,
      tpu.vector_store %arg7[%swap3A_494, %swap3A_495], %broadcast_in_dim3A_493 {strides = array<i32>} : memref<80x128xf32, #tpu.memory_space<vmem>>, vector<16xf32>,
      %broadcast_in_dim3A_497 = arith.constant 0.000000e+00 : f32
      %broadcast_in_dim3A_498 = vector.broadcast %broadcast_in_dim3A_497 : f32 to vector<16xf32>
      %swap3A_499 = arith.index_cast %scan3A_467 : i32 to index
      %swap3A_500 = arith.constant 96 : index
      %swap3A_501 = tpu.vector_load %arg7[%swap3A_499, %swap3A_500] {strides = array<i32>} : memref<80x128xf32, #tpu.memory_space<vmem>>, vector<16xf32>,
      tpu.vector_store %arg7[%swap3A_499, %swap3A_500], %broadcast_in_dim3A_498 {strides = array<i32>} : memref<80x128xf32, #tpu.memory_space<vmem>>, vector<16xf32>,
      %broadcast_in_dim3A_502 = arith.constant 0.000000e+00 : f32
      %broadcast_in_dim3A_503 = vector.broadcast %broadcast_in_dim3A_502 : f32 to vector<16xf32>
      %swap3A_504 = arith.index_cast %scan3A_467 : i32 to index
      %swap3A_505 = arith.constant 112 : index
      %swap3A_506 = tpu.vector_load %arg7[%swap3A_504, %swap3A_505] {strides = array<i32>} : memref<80x128xf32, #tpu.memory_space<vmem>>, vector<16xf32>,
      tpu.vector_store %arg7[%swap3A_504, %swap3A_505], %broadcast_in_dim3A_503 {strides = array<i32>} : memref<80x128xf32, #tpu.memory_space<vmem>>, vector<16xf32>,
      %scan3A_507 = arith.constant 0 : i32
      scf.yield %scan3A_507 : i32
    }
    %scan3A_17 = arith.constant 80 : i32
    %mul3A_18 = arith.constant 640 : i32
    %mul3A_19 = arith.muli %arg1, %mul3A_18 : i32
    %add3A_20 = arith.constant 0 : i32
    %add3A_21 = arith.addi %mul3A_19, %add3A_20 : i32
    %dma_start3A_22 = arith.constant 0 : i32
    %dma_start3A_23 = tpu.memref_slice %arg6[%add3A_21, %dma_start3A_22] : memref<10240x128xf32, #tpu.memory_space<vmem_shared>> -> memref<80x128xf32, #tpu.memory_space<vmem_shared>>
    %dma_start3A_24 = arith.constant 0 : i32
    %dma_start3A_25 = tpu.memref_slice %arg6[%add3A_21, %dma_start3A_24] : memref<10240x128xf32, #tpu.memory_space<vmem_shared>> -> memref<80x128xf32, #tpu.memory_space<vmem_shared>>
    tpu.enqueue_dma source(%arg7 : memref<80x128xf32, #tpu.memory_space<vmem>>) target(%dma_start3A_25 : memref<80x128xf32, #tpu.memory_space<vmem_shared>>) target_semaphore(%arg13 : memref<!tpu.dma_semaphore, #tpu.memory_space<semaphore_mem>>)
    %mul3A_26 = arith.constant 640 : i32
    %mul3A_27 = arith.muli %arg1, %mul3A_26 : i32
    %add3A_28 = arith.constant 80 : i32
    %add3A_29 = arith.addi %mul3A_27, %add3A_28 : i32
    %dma_start3A_30 = arith.constant 0 : i32
    %dma_start3A_31 = tpu.memref_slice %arg6[%add3A_29, %dma_start3A_30] : memref<10240x128xf32, #tpu.memory_space<vmem_shared>> -> memref<80x128xf32, #tpu.memory_space<vmem_shared>>
    %dma_start3A_32 = arith.constant 0 : i32
    %dma_start3A_33 = tpu.memref_slice %arg6[%add3A_29, %dma_start3A_32] : memref<10240x128xf32, #tpu.memory_space<vmem_shared>> -> memref<80x128xf32, #tpu.memory_space<vmem_shared>>
    tpu.enqueue_dma source(%arg7 : memref<80x128xf32, #tpu.memory_space<vmem>>) target(%dma_start3A_33 : memref<80x128xf32, #tpu.memory_space<vmem_shared>>) target_semaphore(%arg13 : memref<!tpu.dma_semaphore, #tpu.memory_space<semaphore_mem>>)
    %mul3A_34 = arith.constant 640 : i32
    %mul3A_35 = arith.muli %arg1, %mul3A_34 : i32
    %add3A_36 = arith.constant 160 : i32
    %add3A_37 = arith.addi %mul3A_35, %add3A_36 : i32
    %dma_start3A_38 = arith.constant 0 : i32
    %dma_start3A_39 = tpu.memref_slice %arg6[%add3A_37, %dma_start3A_38] : memref<10240x128xf32, #tpu.memory_space<vmem_shared>> -> memref<80x128xf32, #tpu.memory_space<vmem_shared>>
    %dma_start3A_40 = arith.constant 0 : i32
    %dma_start3A_41 = tpu.memref_slice %arg6[%add3A_37, %dma_start3A_40] : memref<10240x128xf32, #tpu.memory_space<vmem_shared>> -> memref<80x128xf32, #tpu.memory_space<vmem_shared>>
    tpu.enqueue_dma source(%arg7 : memref<80x128xf32, #tpu.memory_space<vmem>>) target(%dma_start3A_41 : memref<80x128xf32, #tpu.memory_space<vmem_shared>>) target_semaphore(%arg13 : memref<!tpu.dma_semaphore, #tpu.memory_space<semaphore_mem>>)
    %mul3A_42 = arith.constant 640 : i32
    %mul3A_43 = arith.muli %arg1, %mul3A_42 : i32
    %add3A_44 = arith.constant 240 : i32
    %add3A_45 = arith.addi %mul3A_43, %add3A_44 : i32
    %dma_start3A_46 = arith.constant 0 : i32
    %dma_start3A_47 = tpu.memref_slice %arg6[%add3A_45, %dma_start3A_46] : memref<10240x128xf32, #tpu.memory_space<vmem_shared>> -> memref<80x128xf32, #tpu.memory_space<vmem_shared>>
    %dma_start3A_48 = arith.constant 0 : i32
    %dma_start3A_49 = tpu.memref_slice %arg6[%add3A_45, %dma_start3A_48] : memref<10240x128xf32, #tpu.memory_space<vmem_shared>> -> memref<80x128xf32, #tpu.memory_space<vmem_shared>>
    tpu.enqueue_dma source(%arg7 : memref<80x128xf32, #tpu.memory_space<vmem>>) target(%dma_start3A_49 : memref<80x128xf32, #tpu.memory_space<vmem_shared>>) target_semaphore(%arg13 : memref<!tpu.dma_semaphore, #tpu.memory_space<semaphore_mem>>)
    %mul3A_50 = arith.constant 640 : i32
    %mul3A_51 = arith.muli %arg1, %mul3A_50 : i32
    %add3A_52 = arith.constant 320 : i32
    %add3A_53 = arith.addi %mul3A_51, %add3A_52 : i32
    %dma_start3A_54 = arith.constant 0 : i32
    %dma_start3A_55 = tpu.memref_slice %arg6[%add3A_53, %dma_start3A_54] : memref<10240x128xf32, #tpu.memory_space<vmem_shared>> -> memref<80x128xf32, #tpu.memory_space<vmem_shared>>
    %dma_start3A_56 = arith.constant 0 : i32
    %dma_start3A_57 = tpu.memref_slice %arg6[%add3A_53, %dma_start3A_56] : memref<10240x128xf32, #tpu.memory_space<vmem_shared>> -> memref<80x128xf32, #tpu.memory_space<vmem_shared>>
    tpu.enqueue_dma source(%arg7 : memref<80x128xf32, #tpu.memory_space<vmem>>) target(%dma_start3A_57 : memref<80x128xf32, #tpu.memory_space<vmem_shared>>) target_semaphore(%arg13 : memref<!tpu.dma_semaphore, #tpu.memory_space<semaphore_mem>>)
    %mul3A_58 = arith.constant 640 : i32
    %mul3A_59 = arith.muli %arg1, %mul3A_58 : i32
    %add3A_60 = arith.constant 400 : i32
    %add3A_61 = arith.addi %mul3A_59, %add3A_60 : i32
    %dma_start3A_62 = arith.constant 0 : i32
    %dma_start3A_63 = tpu.memref_slice %arg6[%add3A_61, %dma_start3A_62] : memref<10240x128xf32, #tpu.memory_space<vmem_shared>> -> memref<80x128xf32, #tpu.memory_space<vmem_shared>>
    %dma_start3A_64 = arith.constant 0 : i32
    %dma_start3A_65 = tpu.memref_slice %arg6[%add3A_61, %dma_start3A_64] : memref<10240x128xf32, #tpu.memory_space<vmem_shared>> -> memref<80x128xf32, #tpu.memory_space<vmem_shared>>
    tpu.enqueue_dma source(%arg7 : memref<80x128xf32, #tpu.memory_space<vmem>>) target(%dma_start3A_65 : memref<80x128xf32, #tpu.memory_space<vmem_shared>>) target_semaphore(%arg13 : memref<!tpu.dma_semaphore, #tpu.memory_space<semaphore_mem>>)
    %mul3A_66 = arith.constant 640 : i32
    %mul3A_67 = arith.muli %arg1, %mul3A_66 : i32
    %add3A_68 = arith.constant 480 : i32
    %add3A_69 = arith.addi %mul3A_67, %add3A_68 : i32
    %dma_start3A_70 = arith.constant 0 : i32
    %dma_start3A_71 = tpu.memref_slice %arg6[%add3A_69, %dma_start3A_70] : memref<10240x128xf32, #tpu.memory_space<vmem_shared>> -> memref<80x128xf32, #tpu.memory_space<vmem_shared>>
    %dma_start3A_72 = arith.constant 0 : i32
    %dma_start3A_73 = tpu.memref_slice %arg6[%add3A_69, %dma_start3A_72] : memref<10240x128xf32, #tpu.memory_space<vmem_shared>> -> memref<80x128xf32, #tpu.memory_space<vmem_shared>>
    tpu.enqueue_dma source(%arg7 : memref<80x128xf32, #tpu.memory_space<vmem>>) target(%dma_start3A_73 : memref<80x128xf32, #tpu.memory_space<vmem_shared>>) target_semaphore(%arg13 : memref<!tpu.dma_semaphore, #tpu.memory_space<semaphore_mem>>)
    %mul3A_74 = arith.constant 640 : i32
    %mul3A_75 = arith.muli %arg1, %mul3A_74 : i32
    %add3A_76 = arith.constant 560 : i32
    %add3A_77 = arith.addi %mul3A_75, %add3A_76 : i32
    %dma_start3A_78 = arith.constant 0 : i32
    %dma_start3A_79 = tpu.memref_slice %arg6[%add3A_77, %dma_start3A_78] : memref<10240x128xf32, #tpu.memory_space<vmem_shared>> -> memref<80x128xf32, #tpu.memory_space<vmem_shared>>
    %dma_start3A_80 = arith.constant 0 : i32
    %dma_start3A_81 = tpu.memref_slice %arg6[%add3A_77, %dma_start3A_80] : memref<10240x128xf32, #tpu.memory_space<vmem_shared>> -> memref<80x128xf32, #tpu.memory_space<vmem_shared>>
    tpu.enqueue_dma source(%arg7 : memref<80x128xf32, #tpu.memory_space<vmem>>) target(%dma_start3A_81 : memref<80x128xf32, #tpu.memory_space<vmem_shared>>) target_semaphore(%arg13 : memref<!tpu.dma_semaphore, #tpu.memory_space<semaphore_mem>>)
    %mul3A_82 = arith.constant 640 : i32
    %mul3A_83 = arith.muli %arg1, %mul3A_82 : i32
    %add3A_84 = arith.constant 0 : i32
    %add3A_85 = arith.addi %mul3A_83, %add3A_84 : i32
    %dma_wait3A = arith.constant 0 : i32
    %dma_wait3A_86 = tpu.memref_slice %arg6[%add3A_85, %dma_wait3A] : memref<10240x128xf32, #tpu.memory_space<vmem_shared>> -> memref<80x128xf32, #tpu.memory_space<vmem_shared>>
    %dma_wait3A_87 = arith.constant 0 : i32
    %dma_wait3A_88 = tpu.memref_slice %arg6[%add3A_85, %dma_wait3A_87] : memref<10240x128xf32, #tpu.memory_space<vmem_shared>> -> memref<80x128xf32, #tpu.memory_space<vmem_shared>>
    tpu.wait_dma2 semaphore(%arg13 : memref<!tpu.dma_semaphore, #tpu.memory_space<semaphore_mem>>) src(%arg7 : memref<80x128xf32, #tpu.memory_space<vmem>>) dst(%dma_wait3A_88 : memref<80x128xf32, #tpu.memory_space<vmem_shared>>)
    %mul3A_89 = arith.constant 640 : i32
    %mul3A_90 = arith.muli %arg1, %mul3A_89 : i32
    %add3A_91 = arith.constant 80 : i32
    %add3A_92 = arith.addi %mul3A_90, %add3A_91 : i32
    %dma_wait3A_93 = arith.constant 0 : i32
    %dma_wait3A_94 = tpu.memref_slice %arg6[%add3A_92, %dma_wait3A_93] : memref<10240x128xf32, #tpu.memory_space<vmem_shared>> -> memref<80x128xf32, #tpu.memory_space<vmem_shared>>
    %dma_wait3A_95 = arith.constant 0 : i32
    %dma_wait3A_96 = tpu.memref_slice %arg6[%add3A_92, %dma_wait3A_95] : memref<10240x128xf32, #tpu.memory_space<vmem_shared>> -> memref<80x128xf32, #tpu.memory_space<vmem_shared>>
    tpu.wait_dma2 semaphore(%arg13 : memref<!tpu.dma_semaphore, #tpu.memory_space<semaphore_mem>>) src(%arg7 : memref<80x128xf32, #tpu.memory_space<vmem>>) dst(%dma_wait3A_96 : memref<80x128xf32, #tpu.memory_space<vmem_shared>>)
    %mul3A_97 = arith.constant 640 : i32
    %mul3A_98 = arith.muli %arg1, %mul3A_97 : i32
    %add3A_99 = arith.constant 160 : i32
    %add3A_100 = arith.addi %mul3A_98, %add3A_99 : i32
    %dma_wait3A_101 = arith.constant 0 : i32
    %dma_wait3A_102 = tpu.memref_slice %arg6[%add3A_100, %dma_wait3A_101] : memref<10240x128xf32, #tpu.memory_space<vmem_shared>> -> memref<80x128xf32, #tpu.memory_space<vmem_shared>>
    %dma_wait3A_103 = arith.constant 0 : i32
    %dma_wait3A_104 = tpu.memref_slice %arg6[%add3A_100, %dma_wait3A_103] : memref<10240x128xf32, #tpu.memory_space<vmem_shared>> -> memref<80x128xf32, #tpu.memory_space<vmem_shared>>
    tpu.wait_dma2 semaphore(%arg13 : memref<!tpu.dma_semaphore, #tpu.memory_space<semaphore_mem>>) src(%arg7 : memref<80x128xf32, #tpu.memory_space<vmem>>) dst(%dma_wait3A_104 : memref<80x128xf32, #tpu.memory_space<vmem_shared>>)
    %mul3A_105 = arith.constant 640 : i32
    %mul3A_106 = arith.muli %arg1, %mul3A_105 : i32
    %add3A_107 = arith.constant 240 : i32
    %add3A_108 = arith.addi %mul3A_106, %add3A_107 : i32
    %dma_wait3A_109 = arith.constant 0 : i32
    %dma_wait3A_110 = tpu.memref_slice %arg6[%add3A_108, %dma_wait3A_109] : memref<10240x128xf32, #tpu.memory_space<vmem_shared>> -> memref<80x128xf32, #tpu.memory_space<vmem_shared>>
    %dma_wait3A_111 = arith.constant 0 : i32
    %dma_wait3A_112 = tpu.memref_slice %arg6[%add3A_108, %dma_wait3A_111] : memref<10240x128xf32, #tpu.memory_space<vmem_shared>> -> memref<80x128xf32, #tpu.memory_space<vmem_shared>>
    tpu.wait_dma2 semaphore(%arg13 : memref<!tpu.dma_semaphore, #tpu.memory_space<semaphore_mem>>) src(%arg7 : memref<80x128xf32, #tpu.memory_space<vmem>>) dst(%dma_wait3A_112 : memref<80x128xf32, #tpu.memory_space<vmem_shared>>)
    %mul3A_113 = arith.constant 640 : i32
    %mul3A_114 = arith.muli %arg1, %mul3A_113 : i32
    %add3A_115 = arith.constant 320 : i32
    %add3A_116 = arith.addi %mul3A_114, %add3A_115 : i32
    %dma_wait3A_117 = arith.constant 0 : i32
    %dma_wait3A_118 = tpu.memref_slice %arg6[%add3A_116, %dma_wait3A_117] : memref<10240x128xf32, #tpu.memory_space<vmem_shared>> -> memref<80x128xf32, #tpu.memory_space<vmem_shared>>
    %dma_wait3A_119 = arith.constant 0 : i32
    %dma_wait3A_120 = tpu.memref_slice %arg6[%add3A_116, %dma_wait3A_119] : memref<10240x128xf32, #tpu.memory_space<vmem_shared>> -> memref<80x128xf32, #tpu.memory_space<vmem_shared>>
    tpu.wait_dma2 semaphore(%arg13 : memref<!tpu.dma_semaphore, #tpu.memory_space<semaphore_mem>>) src(%arg7 : memref<80x128xf32, #tpu.memory_space<vmem>>) dst(%dma_wait3A_120 : memref<80x128xf32, #tpu.memory_space<vmem_shared>>)
    %mul3A_121 = arith.constant 640 : i32
    %mul3A_122 = arith.muli %arg1, %mul3A_121 : i32
    %add3A_123 = arith.constant 400 : i32
    %add3A_124 = arith.addi %mul3A_122, %add3A_123 : i32
    %dma_wait3A_125 = arith.constant 0 : i32
    %dma_wait3A_126 = tpu.memref_slice %arg6[%add3A_124, %dma_wait3A_125] : memref<10240x128xf32, #tpu.memory_space<vmem_shared>> -> memref<80x128xf32, #tpu.memory_space<vmem_shared>>
    %dma_wait3A_127 = arith.constant 0 : i32
    %dma_wait3A_128 = tpu.memref_slice %arg6[%add3A_124, %dma_wait3A_127] : memref<10240x128xf32, #tpu.memory_space<vmem_shared>> -> memref<80x128xf32, #tpu.memory_space<vmem_shared>>
    tpu.wait_dma2 semaphore(%arg13 : memref<!tpu.dma_semaphore, #tpu.memory_space<semaphore_mem>>) src(%arg7 : memref<80x128xf32, #tpu.memory_space<vmem>>) dst(%dma_wait3A_128 : memref<80x128xf32, #tpu.memory_space<vmem_shared>>)
    %mul3A_129 = arith.constant 640 : i32
    %mul3A_130 = arith.muli %arg1, %mul3A_129 : i32
    %add3A_131 = arith.constant 480 : i32
    %add3A_132 = arith.addi %mul3A_130, %add3A_131 : i32
    %dma_wait3A_133 = arith.constant 0 : i32
    %dma_wait3A_134 = tpu.memref_slice %arg6[%add3A_132, %dma_wait3A_133] : memref<10240x128xf32, #tpu.memory_space<vmem_shared>> -> memref<80x128xf32, #tpu.memory_space<vmem_shared>>
    %dma_wait3A_135 = arith.constant 0 : i32
    %dma_wait3A_136 = tpu.memref_slice %arg6[%add3A_132, %dma_wait3A_135] : memref<10240x128xf32, #tpu.memory_space<vmem_shared>> -> memref<80x128xf32, #tpu.memory_space<vmem_shared>>
    tpu.wait_dma2 semaphore(%arg13 : memref<!tpu.dma_semaphore, #tpu.memory_space<semaphore_mem>>) src(%arg7 : memref<80x128xf32, #tpu.memory_space<vmem>>) dst(%dma_wait3A_136 : memref<80x128xf32, #tpu.memory_space<vmem_shared>>)
    %mul3A_137 = arith.constant 640 : i32
    %mul3A_138 = arith.muli %arg1, %mul3A_137 : i32
    %add3A_139 = arith.constant 560 : i32
    %add3A_140 = arith.addi %mul3A_138, %add3A_139 : i32
    %dma_wait3A_141 = arith.constant 0 : i32
    %dma_wait3A_142 = tpu.memref_slice %arg6[%add3A_140, %dma_wait3A_141] : memref<10240x128xf32, #tpu.memory_space<vmem_shared>> -> memref<80x128xf32, #tpu.memory_space<vmem_shared>>
    %dma_wait3A_143 = arith.constant 0 : i32
    %dma_wait3A_144 = tpu.memref_slice %arg6[%add3A_140, %dma_wait3A_143] : memref<10240x128xf32, #tpu.memory_space<vmem_shared>> -> memref<80x128xf32, #tpu.memory_space<vmem_shared>>
    tpu.wait_dma2 semaphore(%arg13 : memref<!tpu.dma_semaphore, #tpu.memory_space<semaphore_mem>>) src(%arg7 : memref<80x128xf32, #tpu.memory_space<vmem>>) dst(%dma_wait3A_144 : memref<80x128xf32, #tpu.memory_space<vmem_shared>>)
    %mul3A_145 = arith.constant 125 : i32
    %mul3A_146 = arith.muli %add3A, %mul3A_145 : i32
    %dma_wait3A_147 = arith.constant 0 : i32
    %dma_wait3A_148 = tpu.memref_slice %arg3[%mul3A_146, %dma_wait3A_147] : memref<4000x80xi32, #tpu.memory_space<hbm>> -> memref<125x80xi32, #tpu.memory_space<hbm>>
    %dma_wait3A_149 = arith.constant 0 : i32
    %dma_wait3A_150 = tpu.memref_slice %arg3[%mul3A_146, %dma_wait3A_149] : memref<4000x80xi32, #tpu.memory_space<hbm>> -> memref<125x80xi32, #tpu.memory_space<hbm>>
    tpu.wait_dma2 semaphore(%arg11 : memref<!tpu.dma_semaphore, #tpu.memory_space<semaphore_mem>>) src(%dma_wait3A_150 : memref<125x80xi32, #tpu.memory_space<hbm>>) dst(%arg9 : memref<125x80xi32, #tpu.memory_space<vmem>>)
    %mul3A_151 = arith.constant 125 : i32
    %mul3A_152 = arith.muli %add3A, %mul3A_151 : i32
    %dma_wait3A_153 = arith.constant 0 : i32
    %dma_wait3A_154 = tpu.memref_slice %arg4[%mul3A_152, %dma_wait3A_153] : memref<4000x80xi32, #tpu.memory_space<hbm>> -> memref<125x80xi32, #tpu.memory_space<hbm>>
    %dma_wait3A_155 = arith.constant 0 : i32
    %dma_wait3A_156 = tpu.memref_slice %arg4[%mul3A_152, %dma_wait3A_155] : memref<4000x80xi32, #tpu.memory_space<hbm>> -> memref<125x80xi32, #tpu.memory_space<hbm>>
    tpu.wait_dma2 semaphore(%arg12 : memref<!tpu.dma_semaphore, #tpu.memory_space<semaphore_mem>>) src(%dma_wait3A_156 : memref<125x80xi32, #tpu.memory_space<hbm>>) dst(%arg10 : memref<125x80xi32, #tpu.memory_space<vmem>>)
    %barrier3A = arith.constant 0 : index
    tpu.barrier barrier_id(%barrier3A)
    %dma_start3A_157 = arith.constant 0 : i32
    %dma_start3A_158 = arith.constant 0 : i32
    %dma_start3A_159 = tpu.memref_slice %arg9[%dma_start3A_157, %dma_start3A_158] : memref<125x80xi32, #tpu.memory_space<vmem>> -> memref<1x80xi32, #tpu.memory_space<vmem>>
    %dma_start3A_160 = tpu.memref_squeeze %dma_start3A_159 : memref<1x80xi32, #tpu.memory_space<vmem>> -> memref<80xi32, #tpu.memory_space<vmem>>
    %dma_start3A_161 = arith.constant 0 : i32
    %dma_start3A_162 = arith.constant 0 : i32
    %dma_start3A_163 = tpu.memref_slice %arg2[%dma_start3A_161, %dma_start3A_162] : memref<10000x128xf32, #tpu.memory_space<hbm>> -> memref<10000x128xf32, #tpu.memory_space<hbm>>
    tpu.enqueue_indirect_dma source(%dma_start3A_163 : memref<10000x128xf32, #tpu.memory_space<hbm>>) target(%arg7 : memref<80x128xf32, #tpu.memory_space<vmem>>) offsets(%dma_start3A_160 : memref<80xi32, #tpu.memory_space<vmem>>) semaphore(%arg11 : memref<!tpu.dma_semaphore, #tpu.memory_space<semaphore_mem>>)
    %scan3A_164 = arith.constant 0 : i32
    %scan3A_165 = arith.constant 0 : i32
    %scan3A_166 = arith.constant 62 : i32
    %scan3A_167 = arith.addi %scan3A_165, %scan3A_166 : i32
    %scan3A_168 = arith.constant 1 : i32
    %scan3A_169 = scf.for %scan3A_467 = %scan3A_165 to %scan3A_167 step %scan3A_168 iter_args(%scan3A_468 = %scan3A_164) -> (i32)  : i32 {
      %mul3A_469 = arith.constant 2 : i32
      %mul3A_470 = arith.muli %mul3A_469, %scan3A_467 : i32
      %add3A_471 = arith.constant 1 : i32
      %add3A_472 = arith.addi %mul3A_470, %add3A_471 : i32
      %dma_start3A_473 = arith.constant 0 : i32
      %dma_start3A_474 = tpu.memref_slice %arg9[%add3A_472, %dma_start3A_473] : memref<125x80xi32, #tpu.memory_space<vmem>> -> memref<1x80xi32, #tpu.memory_space<vmem>>
      %dma_start3A_475 = tpu.memref_squeeze %dma_start3A_474 : memref<1x80xi32, #tpu.memory_space<vmem>> -> memref<80xi32, #tpu.memory_space<vmem>>
      %dma_start3A_476 = arith.constant 0 : i32
      %dma_start3A_477 = arith.constant 0 : i32
      %dma_start3A_478 = tpu.memref_slice %arg2[%dma_start3A_476, %dma_start3A_477] : memref<10000x128xf32, #tpu.memory_space<hbm>> -> memref<10000x128xf32, #tpu.memory_space<hbm>>
      tpu.enqueue_indirect_dma source(%dma_start3A_478 : memref<10000x128xf32, #tpu.memory_space<hbm>>) target(%arg8 : memref<80x128xf32, #tpu.memory_space<vmem>>) offsets(%dma_start3A_475 : memref<80xi32, #tpu.memory_space<vmem>>) semaphore(%arg12 : memref<!tpu.dma_semaphore, #tpu.memory_space<semaphore_mem>>)
      %mul3A_479 = arith.constant 2 : i32
      %mul3A_480 = arith.muli %mul3A_479, %scan3A_467 : i32
      %dma_wait3A_481 = arith.constant 0 : i32
      %dma_wait3A_482 = tpu.memref_slice %arg9[%mul3A_480, %dma_wait3A_481] : memref<125x80xi32, #tpu.memory_space<vmem>> -> memref<1x80xi32, #tpu.memory_space<vmem>>
      %dma_wait3A_483 = tpu.memref_squeeze %dma_wait3A_482 : memref<1x80xi32, #tpu.memory_space<vmem>> -> memref<80xi32, #tpu.memory_space<vmem>>
      %dma_wait3A_484 = arith.constant 0 : i32
      %dma_wait3A_485 = arith.constant 0 : i32
      %dma_wait3A_486 = tpu.memref_slice %arg2[%dma_wait3A_484, %dma_wait3A_485] : memref<10000x128xf32, #tpu.memory_space<hbm>> -> memref<10000x128xf32, #tpu.memory_space<hbm>>
      tpu.wait_indirect_dma semaphore(%arg11 : memref<!tpu.dma_semaphore, #tpu.memory_space<semaphore_mem>>) src(%dma_wait3A_486 : memref<10000x128xf32, #tpu.memory_space<hbm>>) dst(%arg7 : memref<80x128xf32, #tpu.memory_space<vmem>>)
      "tpu.region"() ({
        %run_scoped3A_508 = tpu.sem_alloc : memref<!tpu.dma_semaphore, #tpu.memory_space<semaphore_mem>>
        %dma_start3A_509 = arith.constant 0 : i32
        %dma_start3A_510 = tpu.memref_slice %arg10[%mul3A_480, %dma_start3A_509] : memref<125x80xi32, #tpu.memory_space<vmem>> -> memref<1x80xi32, #tpu.memory_space<vmem>>
        %dma_start3A_511 = tpu.memref_squeeze %dma_start3A_510 : memref<1x80xi32, #tpu.memory_space<vmem>> -> memref<80xi32, #tpu.memory_space<vmem>>
        %dma_start3A_512 = arith.constant 0 : i32
        %dma_start3A_513 = arith.constant 0 : i32
        %dma_start3A_514 = tpu.memref_slice %arg6[%dma_start3A_512, %dma_start3A_513] : memref<10240x128xf32, #tpu.memory_space<vmem_shared>> -> memref<10240x128xf32, #tpu.memory_space<vmem_shared>>
        tpu.enqueue_indirect_dma source(%arg7 : memref<80x128xf32, #tpu.memory_space<vmem>>) target(%dma_start3A_514 : memref<10240x128xf32, #tpu.memory_space<vmem_shared>>) offsets(%dma_start3A_511 : memref<80xi32, #tpu.memory_space<vmem>>) semaphore(%run_scoped3A_508 : memref<!tpu.dma_semaphore, #tpu.memory_space<semaphore_mem>>) {add = true}
        %dma_wait3A_515 = arith.constant 0 : i32
        %dma_wait3A_516 = tpu.memref_slice %arg10[%mul3A_480, %dma_wait3A_515] : memref<125x80xi32, #tpu.memory_space<vmem>> -> memref<1x80xi32, #tpu.memory_space<vmem>>
        %dma_wait3A_517 = tpu.memref_squeeze %dma_wait3A_516 : memref<1x80xi32, #tpu.memory_space<vmem>> -> memref<80xi32, #tpu.memory_space<vmem>>
        %dma_wait3A_518 = arith.constant 0 : i32
        %dma_wait3A_519 = arith.constant 0 : i32
        %dma_wait3A_520 = tpu.memref_slice %arg6[%dma_wait3A_518, %dma_wait3A_519] : memref<10240x128xf32, #tpu.memory_space<vmem_shared>> -> memref<10240x128xf32, #tpu.memory_space<vmem_shared>>
        tpu.wait_indirect_dma semaphore(%run_scoped3A_508 : memref<!tpu.dma_semaphore, #tpu.memory_space<semaphore_mem>>) src(%arg7 : memref<80x128xf32, #tpu.memory_space<vmem>>) dst(%dma_wait3A_520 : memref<10240x128xf32, #tpu.memory_space<vmem_shared>>)
        tpu.yield
      }) : () -> ()
      %mul3A_487 = arith.constant 2 : i32
      %mul3A_488 = arith.muli %mul3A_487, %scan3A_467 : i32
      %add3A_489 = arith.constant 2 : i32
      %add3A_490 = arith.addi %mul3A_488, %add3A_489 : i32
      %dma_start3A_491 = arith.constant 0 : i32
      %dma_start3A_492 = tpu.memref_slice %arg9[%add3A_490, %dma_start3A_491] : memref<125x80xi32, #tpu.memory_space<vmem>> -> memref<1x80xi32, #tpu.memory_space<vmem>>
      %dma_start3A_493 = tpu.memref_squeeze %dma_start3A_492 : memref<1x80xi32, #tpu.memory_space<vmem>> -> memref<80xi32, #tpu.memory_space<vmem>>
      %dma_start3A_494 = arith.constant 0 : i32
      %dma_start3A_495 = arith.constant 0 : i32
      %dma_start3A_496 = tpu.memref_slice %arg2[%dma_start3A_494, %dma_start3A_495] : memref<10000x128xf32, #tpu.memory_space<hbm>> -> memref<10000x128xf32, #tpu.memory_space<hbm>>
      tpu.enqueue_indirect_dma source(%dma_start3A_496 : memref<10000x128xf32, #tpu.memory_space<hbm>>) target(%arg7 : memref<80x128xf32, #tpu.memory_space<vmem>>) offsets(%dma_start3A_493 : memref<80xi32, #tpu.memory_space<vmem>>) semaphore(%arg11 : memref<!tpu.dma_semaphore, #tpu.memory_space<semaphore_mem>>)
      %mul3A_497 = arith.constant 2 : i32
      %mul3A_498 = arith.muli %mul3A_497, %scan3A_467 : i32
      %add3A_499 = arith.constant 1 : i32
      %add3A_500 = arith.addi %mul3A_498, %add3A_499 : i32
      %dma_wait3A_501 = arith.constant 0 : i32
      %dma_wait3A_502 = tpu.memref_slice %arg9[%add3A_500, %dma_wait3A_501] : memref<125x80xi32, #tpu.memory_space<vmem>> -> memref<1x80xi32, #tpu.memory_space<vmem>>
      %dma_wait3A_503 = tpu.memref_squeeze %dma_wait3A_502 : memref<1x80xi32, #tpu.memory_space<vmem>> -> memref<80xi32, #tpu.memory_space<vmem>>
      %dma_wait3A_504 = arith.constant 0 : i32
      %dma_wait3A_505 = arith.constant 0 : i32
      %dma_wait3A_506 = tpu.memref_slice %arg2[%dma_wait3A_504, %dma_wait3A_505] : memref<10000x128xf32, #tpu.memory_space<hbm>> -> memref<10000x128xf32, #tpu.memory_space<hbm>>
      tpu.wait_indirect_dma semaphore(%arg12 : memref<!tpu.dma_semaphore, #tpu.memory_space<semaphore_mem>>) src(%dma_wait3A_506 : memref<10000x128xf32, #tpu.memory_space<hbm>>) dst(%arg8 : memref<80x128xf32, #tpu.memory_space<vmem>>)
      "tpu.region"() ({
        %run_scoped3A_508 = tpu.sem_alloc : memref<!tpu.dma_semaphore, #tpu.memory_space<semaphore_mem>>
        %dma_start3A_509 = arith.constant 0 : i32
        %dma_start3A_510 = tpu.memref_slice %arg10[%add3A_500, %dma_start3A_509] : memref<125x80xi32, #tpu.memory_space<vmem>> -> memref<1x80xi32, #tpu.memory_space<vmem>>
        %dma_start3A_511 = tpu.memref_squeeze %dma_start3A_510 : memref<1x80xi32, #tpu.memory_space<vmem>> -> memref<80xi32, #tpu.memory_space<vmem>>
        %dma_start3A_512 = arith.constant 0 : i32
        %dma_start3A_513 = arith.constant 0 : i32
        %dma_start3A_514 = tpu.memref_slice %arg6[%dma_start3A_512, %dma_start3A_513] : memref<10240x128xf32, #tpu.memory_space<vmem_shared>> -> memref<10240x128xf32, #tpu.memory_space<vmem_shared>>
        tpu.enqueue_indirect_dma source(%arg8 : memref<80x128xf32, #tpu.memory_space<vmem>>) target(%dma_start3A_514 : memref<10240x128xf32, #tpu.memory_space<vmem_shared>>) offsets(%dma_start3A_511 : memref<80xi32, #tpu.memory_space<vmem>>) semaphore(%run_scoped3A_508 : memref<!tpu.dma_semaphore, #tpu.memory_space<semaphore_mem>>) {add = true}
        %dma_wait3A_515 = arith.constant 0 : i32
        %dma_wait3A_516 = tpu.memref_slice %arg10[%add3A_500, %dma_wait3A_515] : memref<125x80xi32, #tpu.memory_space<vmem>> -> memref<1x80xi32, #tpu.memory_space<vmem>>
        %dma_wait3A_517 = tpu.memref_squeeze %dma_wait3A_516 : memref<1x80xi32, #tpu.memory_space<vmem>> -> memref<80xi32, #tpu.memory_space<vmem>>
        %dma_wait3A_518 = arith.constant 0 : i32
        %dma_wait3A_519 = arith.constant 0 : i32
        %dma_wait3A_520 = tpu.memref_slice %arg6[%dma_wait3A_518, %dma_wait3A_519] : memref<10240x128xf32, #tpu.memory_space<vmem_shared>> -> memref<10240x128xf32, #tpu.memory_space<vmem_shared>>
        tpu.wait_indirect_dma semaphore(%run_scoped3A_508 : memref<!tpu.dma_semaphore, #tpu.memory_space<semaphore_mem>>) src(%arg8 : memref<80x128xf32, #tpu.memory_space<vmem>>) dst(%dma_wait3A_520 : memref<10240x128xf32, #tpu.memory_space<vmem_shared>>)
        tpu.yield
      }) : () -> ()
      %scan3A_507 = arith.constant 0 : i32
      scf.yield %scan3A_507 : i32
    }
    %scan3A_170 = arith.constant 62 : i32
    %dma_wait3A_171 = arith.constant 124 : i32
    %dma_wait3A_172 = arith.constant 0 : i32
    %dma_wait3A_173 = tpu.memref_slice %arg9[%dma_wait3A_171, %dma_wait3A_172] : memref<125x80xi32, #tpu.memory_space<vmem>> -> memref<1x80xi32, #tpu.memory_space<vmem>>
    %dma_wait3A_174 = tpu.memref_squeeze %dma_wait3A_173 : memref<1x80xi32, #tpu.memory_space<vmem>> -> memref<80xi32, #tpu.memory_space<vmem>>
    %dma_wait3A_175 = arith.constant 0 : i32
    %dma_wait3A_176 = arith.constant 0 : i32
    %dma_wait3A_177 = tpu.memref_slice %arg2[%dma_wait3A_175, %dma_wait3A_176] : memref<10000x128xf32, #tpu.memory_space<hbm>> -> memref<10000x128xf32, #tpu.memory_space<hbm>>
    tpu.wait_indirect_dma semaphore(%arg11 : memref<!tpu.dma_semaphore, #tpu.memory_space<semaphore_mem>>) src(%dma_wait3A_177 : memref<10000x128xf32, #tpu.memory_space<hbm>>) dst(%arg7 : memref<80x128xf32, #tpu.memory_space<vmem>>)
    %run_scoped3A = arith.constant 124 : i32
    "tpu.region"() ({
      %run_scoped3A_467 = tpu.sem_alloc : memref<!tpu.dma_semaphore, #tpu.memory_space<semaphore_mem>>
      %dma_start3A_468 = arith.constant 0 : i32
      %dma_start3A_469 = tpu.memref_slice %arg10[%run_scoped3A, %dma_start3A_468] : memref<125x80xi32, #tpu.memory_space<vmem>> -> memref<1x80xi32, #tpu.memory_space<vmem>>
      %dma_start3A_470 = tpu.memref_squeeze %dma_start3A_469 : memref<1x80xi32, #tpu.memory_space<vmem>> -> memref<80xi32, #tpu.memory_space<vmem>>
      %dma_start3A_471 = arith.constant 0 : i32
      %dma_start3A_472 = arith.constant 0 : i32
      %dma_start3A_473 = tpu.memref_slice %arg6[%dma_start3A_471, %dma_start3A_472] : memref<10240x128xf32, #tpu.memory_space<vmem_shared>> -> memref<10240x128xf32, #tpu.memory_space<vmem_shared>>
      tpu.enqueue_indirect_dma source(%arg7 : memref<80x128xf32, #tpu.memory_space<vmem>>) target(%dma_start3A_473 : memref<10240x128xf32, #tpu.memory_space<vmem_shared>>) offsets(%dma_start3A_470 : memref<80xi32, #tpu.memory_space<vmem>>) semaphore(%run_scoped3A_467 : memref<!tpu.dma_semaphore, #tpu.memory_space<semaphore_mem>>) {add = true}
      %dma_wait3A_474 = arith.constant 0 : i32
      %dma_wait3A_475 = tpu.memref_slice %arg10[%run_scoped3A, %dma_wait3A_474] : memref<125x80xi32, #tpu.memory_space<vmem>> -> memref<1x80xi32, #tpu.memory_space<vmem>>
      %dma_wait3A_476 = tpu.memref_squeeze %dma_wait3A_475 : memref<1x80xi32, #tpu.memory_space<vmem>> -> memref<80xi32, #tpu.memory_space<vmem>>
      %dma_wait3A_477 = arith.constant 0 : i32
      %dma_wait3A_478 = arith.constant 0 : i32
      %dma_wait3A_479 = tpu.memref_slice %arg6[%dma_wait3A_477, %dma_wait3A_478] : memref<10240x128xf32, #tpu.memory_space<vmem_shared>> -> memref<10240x128xf32, #tpu.memory_space<vmem_shared>>
      tpu.wait_indirect_dma semaphore(%run_scoped3A_467 : memref<!tpu.dma_semaphore, #tpu.memory_space<semaphore_mem>>) src(%arg7 : memref<80x128xf32, #tpu.memory_space<vmem>>) dst(%dma_wait3A_479 : memref<10240x128xf32, #tpu.memory_space<vmem_shared>>)
      tpu.yield
    }) : () -> ()
    %barrier3A_178 = arith.constant 0 : index
    tpu.barrier barrier_id(%barrier3A_178)
    %mul3A_179 = arith.constant 640 : i32
    %mul3A_180 = arith.muli %arg1, %mul3A_179 : i32
    %add3A_181 = arith.constant 0 : i32
    %add3A_182 = arith.addi %mul3A_180, %add3A_181 : i32
    %dma_start3A_183 = arith.constant 0 : i32
    %dma_start3A_184 = tpu.memref_slice %arg6[%add3A_182, %dma_start3A_183] : memref<10240x128xf32, #tpu.memory_space<vmem_shared>> -> memref<80x128xf32, #tpu.memory_space<vmem_shared>>
    %dma_start3A_185 = arith.constant 0 : i32
    %dma_start3A_186 = tpu.memref_slice %arg6[%add3A_182, %dma_start3A_185] : memref<10240x128xf32, #tpu.memory_space<vmem_shared>> -> memref<80x128xf32, #tpu.memory_space<vmem_shared>>
    tpu.enqueue_dma source(%dma_start3A_186 : memref<80x128xf32, #tpu.memory_space<vmem_shared>>) target(%arg7 : memref<80x128xf32, #tpu.memory_space<vmem>>) target_semaphore(%arg11 : memref<!tpu.dma_semaphore, #tpu.memory_space<semaphore_mem>>)
    %mul3A_187 = arith.constant 640 : i32
    %mul3A_188 = arith.muli %arg1, %mul3A_187 : i32
    %add3A_189 = arith.constant 0 : i32
    %add3A_190 = arith.addi %mul3A_188, %add3A_189 : i32
    %dma_wait3A_191 = arith.constant 0 : i32
    %dma_wait3A_192 = tpu.memref_slice %arg6[%add3A_190, %dma_wait3A_191] : memref<10240x128xf32, #tpu.memory_space<vmem_shared>> -> memref<80x128xf32, #tpu.memory_space<vmem_shared>>
    %dma_wait3A_193 = arith.constant 0 : i32
    %dma_wait3A_194 = tpu.memref_slice %arg6[%add3A_190, %dma_wait3A_193] : memref<10240x128xf32, #tpu.memory_space<vmem_shared>> -> memref<80x128xf32, #tpu.memory_space<vmem_shared>>
    tpu.wait_dma2 semaphore(%arg11 : memref<!tpu.dma_semaphore, #tpu.memory_space<semaphore_mem>>) src(%dma_wait3A_194 : memref<80x128xf32, #tpu.memory_space<vmem_shared>>) dst(%arg7 : memref<80x128xf32, #tpu.memory_space<vmem>>)
    %mul3A_195 = arith.constant 640 : i32
    %mul3A_196 = arith.muli %arg1, %mul3A_195 : i32
    %add3A_197 = arith.constant 80 : i32
    %add3A_198 = arith.addi %mul3A_196, %add3A_197 : i32
    %dma_start3A_199 = arith.constant 0 : i32
    %dma_start3A_200 = tpu.memref_slice %arg6[%add3A_198, %dma_start3A_199] : memref<10240x128xf32, #tpu.memory_space<vmem_shared>> -> memref<80x128xf32, #tpu.memory_space<vmem_shared>>
    %dma_start3A_201 = arith.constant 0 : i32
    %dma_start3A_202 = tpu.memref_slice %arg6[%add3A_198, %dma_start3A_201] : memref<10240x128xf32, #tpu.memory_space<vmem_shared>> -> memref<80x128xf32, #tpu.memory_space<vmem_shared>>
    tpu.enqueue_dma source(%dma_start3A_202 : memref<80x128xf32, #tpu.memory_space<vmem_shared>>) target(%arg8 : memref<80x128xf32, #tpu.memory_space<vmem>>) target_semaphore(%arg12 : memref<!tpu.dma_semaphore, #tpu.memory_space<semaphore_mem>>)
    %mul3A_203 = arith.constant 640 : i32
    %mul3A_204 = arith.muli %arg1, %mul3A_203 : i32
    %add3A_205 = arith.constant 0 : i32
    %add3A_206 = arith.addi %mul3A_204, %add3A_205 : i32
    %dma_start3A_207 = arith.constant 0 : i32
    %dma_start3A_208 = tpu.memref_slice %arg5[%arg0, %add3A_206, %dma_start3A_207] : memref<2x10240x128xf32, #tpu.memory_space<hbm>> -> memref<1x80x128xf32, #tpu.memory_space<hbm>>
    %dma_start3A_209 = tpu.memref_squeeze %dma_start3A_208 : memref<1x80x128xf32, #tpu.memory_space<hbm>> -> memref<80x128xf32, #tpu.memory_space<hbm>>
    %dma_start3A_210 = arith.constant 0 : i32
    %dma_start3A_211 = tpu.memref_slice %arg5[%arg0, %add3A_206, %dma_start3A_210] : memref<2x10240x128xf32, #tpu.memory_space<hbm>> -> memref<1x80x128xf32, #tpu.memory_space<hbm>>
    %dma_start3A_212 = tpu.memref_squeeze %dma_start3A_211 : memref<1x80x128xf32, #tpu.memory_space<hbm>> -> memref<80x128xf32, #tpu.memory_space<hbm>>
    tpu.enqueue_dma source(%arg7 : memref<80x128xf32, #tpu.memory_space<vmem>>) target(%dma_start3A_212 : memref<80x128xf32, #tpu.memory_space<hbm>>) target_semaphore(%arg11 : memref<!tpu.dma_semaphore, #tpu.memory_space<semaphore_mem>>)
    %mul3A_213 = arith.constant 640 : i32
    %mul3A_214 = arith.muli %arg1, %mul3A_213 : i32
    %add3A_215 = arith.constant 80 : i32
    %add3A_216 = arith.addi %mul3A_214, %add3A_215 : i32
    %dma_wait3A_217 = arith.constant 0 : i32
    %dma_wait3A_218 = tpu.memref_slice %arg6[%add3A_216, %dma_wait3A_217] : memref<10240x128xf32, #tpu.memory_space<vmem_shared>> -> memref<80x128xf32, #tpu.memory_space<vmem_shared>>
    %dma_wait3A_219 = arith.constant 0 : i32
    %dma_wait3A_220 = tpu.memref_slice %arg6[%add3A_216, %dma_wait3A_219] : memref<10240x128xf32, #tpu.memory_space<vmem_shared>> -> memref<80x128xf32, #tpu.memory_space<vmem_shared>>
    tpu.wait_dma2 semaphore(%arg12 : memref<!tpu.dma_semaphore, #tpu.memory_space<semaphore_mem>>) src(%dma_wait3A_220 : memref<80x128xf32, #tpu.memory_space<vmem_shared>>) dst(%arg8 : memref<80x128xf32, #tpu.memory_space<vmem>>)
    %mul3A_221 = arith.constant 640 : i32
    %mul3A_222 = arith.muli %arg1, %mul3A_221 : i32
    %add3A_223 = arith.constant 0 : i32
    %add3A_224 = arith.addi %mul3A_222, %add3A_223 : i32
    %dma_wait3A_225 = arith.constant 0 : i32
    %dma_wait3A_226 = tpu.memref_slice %arg5[%arg0, %add3A_224, %dma_wait3A_225] : memref<2x10240x128xf32, #tpu.memory_space<hbm>> -> memref<1x80x128xf32, #tpu.memory_space<hbm>>
    %dma_wait3A_227 = tpu.memref_squeeze %dma_wait3A_226 : memref<1x80x128xf32, #tpu.memory_space<hbm>> -> memref<80x128xf32, #tpu.memory_space<hbm>>
    %dma_wait3A_228 = arith.constant 0 : i32
    %dma_wait3A_229 = tpu.memref_slice %arg5[%arg0, %add3A_224, %dma_wait3A_228] : memref<2x10240x128xf32, #tpu.memory_space<hbm>> -> memref<1x80x128xf32, #tpu.memory_space<hbm>>
    %dma_wait3A_230 = tpu.memref_squeeze %dma_wait3A_229 : memref<1x80x128xf32, #tpu.memory_space<hbm>> -> memref<80x128xf32, #tpu.memory_space<hbm>>
    tpu.wait_dma2 semaphore(%arg11 : memref<!tpu.dma_semaphore, #tpu.memory_space<semaphore_mem>>) src(%arg7 : memref<80x128xf32, #tpu.memory_space<vmem>>) dst(%dma_wait3A_230 : memref<80x128xf32, #tpu.memory_space<hbm>>)
    %mul3A_231 = arith.constant 640 : i32
    %mul3A_232 = arith.muli %arg1, %mul3A_231 : i32
    %add3A_233 = arith.constant 160 : i32
    %add3A_234 = arith.addi %mul3A_232, %add3A_233 : i32
    %dma_start3A_235 = arith.constant 0 : i32
    %dma_start3A_236 = tpu.memref_slice %arg6[%add3A_234, %dma_start3A_235] : memref<10240x128xf32, #tpu.memory_space<vmem_shared>> -> memref<80x128xf32, #tpu.memory_space<vmem_shared>>
    %dma_start3A_237 = arith.constant 0 : i32
    %dma_start3A_238 = tpu.memref_slice %arg6[%add3A_234, %dma_start3A_237] : memref<10240x128xf32, #tpu.memory_space<vmem_shared>> -> memref<80x128xf32, #tpu.memory_space<vmem_shared>>
    tpu.enqueue_dma source(%dma_start3A_238 : memref<80x128xf32, #tpu.memory_space<vmem_shared>>) target(%arg7 : memref<80x128xf32, #tpu.memory_space<vmem>>) target_semaphore(%arg11 : memref<!tpu.dma_semaphore, #tpu.memory_space<semaphore_mem>>)
    %mul3A_239 = arith.constant 640 : i32
    %mul3A_240 = arith.muli %arg1, %mul3A_239 : i32
    %add3A_241 = arith.constant 80 : i32
    %add3A_242 = arith.addi %mul3A_240, %add3A_241 : i32
    %dma_start3A_243 = arith.constant 0 : i32
    %dma_start3A_244 = tpu.memref_slice %arg5[%arg0, %add3A_242, %dma_start3A_243] : memref<2x10240x128xf32, #tpu.memory_space<hbm>> -> memref<1x80x128xf32, #tpu.memory_space<hbm>>
    %dma_start3A_245 = tpu.memref_squeeze %dma_start3A_244 : memref<1x80x128xf32, #tpu.memory_space<hbm>> -> memref<80x128xf32, #tpu.memory_space<hbm>>
    %dma_start3A_246 = arith.constant 0 : i32
    %dma_start3A_247 = tpu.memref_slice %arg5[%arg0, %add3A_242, %dma_start3A_246] : memref<2x10240x128xf32, #tpu.memory_space<hbm>> -> memref<1x80x128xf32, #tpu.memory_space<hbm>>
    %dma_start3A_248 = tpu.memref_squeeze %dma_start3A_247 : memref<1x80x128xf32, #tpu.memory_space<hbm>> -> memref<80x128xf32, #tpu.memory_space<hbm>>
    tpu.enqueue_dma source(%arg8 : memref<80x128xf32, #tpu.memory_space<vmem>>) target(%dma_start3A_248 : memref<80x128xf32, #tpu.memory_space<hbm>>) target_semaphore(%arg12 : memref<!tpu.dma_semaphore, #tpu.memory_space<semaphore_mem>>)
    %mul3A_249 = arith.constant 640 : i32
    %mul3A_250 = arith.muli %arg1, %mul3A_249 : i32
    %add3A_251 = arith.constant 160 : i32
    %add3A_252 = arith.addi %mul3A_250, %add3A_251 : i32
    %dma_wait3A_253 = arith.constant 0 : i32
    %dma_wait3A_254 = tpu.memref_slice %arg6[%add3A_252, %dma_wait3A_253] : memref<10240x128xf32, #tpu.memory_space<vmem_shared>> -> memref<80x128xf32, #tpu.memory_space<vmem_shared>>
    %dma_wait3A_255 = arith.constant 0 : i32
    %dma_wait3A_256 = tpu.memref_slice %arg6[%add3A_252, %dma_wait3A_255] : memref<10240x128xf32, #tpu.memory_space<vmem_shared>> -> memref<80x128xf32, #tpu.memory_space<vmem_shared>>
    tpu.wait_dma2 semaphore(%arg11 : memref<!tpu.dma_semaphore, #tpu.memory_space<semaphore_mem>>) src(%dma_wait3A_256 : memref<80x128xf32, #tpu.memory_space<vmem_shared>>) dst(%arg7 : memref<80x128xf32, #tpu.memory_space<vmem>>)
    %mul3A_257 = arith.constant 640 : i32
    %mul3A_258 = arith.muli %arg1, %mul3A_257 : i32
    %add3A_259 = arith.constant 80 : i32
    %add3A_260 = arith.addi %mul3A_258, %add3A_259 : i32
    %dma_wait3A_261 = arith.constant 0 : i32
    %dma_wait3A_262 = tpu.memref_slice %arg5[%arg0, %add3A_260, %dma_wait3A_261] : memref<2x10240x128xf32, #tpu.memory_space<hbm>> -> memref<1x80x128xf32, #tpu.memory_space<hbm>>
    %dma_wait3A_263 = tpu.memref_squeeze %dma_wait3A_262 : memref<1x80x128xf32, #tpu.memory_space<hbm>> -> memref<80x128xf32, #tpu.memory_space<hbm>>
    %dma_wait3A_264 = arith.constant 0 : i32
    %dma_wait3A_265 = tpu.memref_slice %arg5[%arg0, %add3A_260, %dma_wait3A_264] : memref<2x10240x128xf32, #tpu.memory_space<hbm>> -> memref<1x80x128xf32, #tpu.memory_space<hbm>>
    %dma_wait3A_266 = tpu.memref_squeeze %dma_wait3A_265 : memref<1x80x128xf32, #tpu.memory_space<hbm>> -> memref<80x128xf32, #tpu.memory_space<hbm>>
    tpu.wait_dma2 semaphore(%arg12 : memref<!tpu.dma_semaphore, #tpu.memory_space<semaphore_mem>>) src(%arg8 : memref<80x128xf32, #tpu.memory_space<vmem>>) dst(%dma_wait3A_266 : memref<80x128xf32, #tpu.memory_space<hbm>>)
    %mul3A_267 = arith.constant 640 : i32
    %mul3A_268 = arith.muli %arg1, %mul3A_267 : i32
    %add3A_269 = arith.constant 240 : i32
    %add3A_270 = arith.addi %mul3A_268, %add3A_269 : i32
    %dma_start3A_271 = arith.constant 0 : i32
    %dma_start3A_272 = tpu.memref_slice %arg6[%add3A_270, %dma_start3A_271] : memref<10240x128xf32, #tpu.memory_space<vmem_shared>> -> memref<80x128xf32, #tpu.memory_space<vmem_shared>>
    %dma_start3A_273 = arith.constant 0 : i32
    %dma_start3A_274 = tpu.memref_slice %arg6[%add3A_270, %dma_start3A_273] : memref<10240x128xf32, #tpu.memory_space<vmem_shared>> -> memref<80x128xf32, #tpu.memory_space<vmem_shared>>
    tpu.enqueue_dma source(%dma_start3A_274 : memref<80x128xf32, #tpu.memory_space<vmem_shared>>) target(%arg8 : memref<80x128xf32, #tpu.memory_space<vmem>>) target_semaphore(%arg12 : memref<!tpu.dma_semaphore, #tpu.memory_space<semaphore_mem>>)
    %mul3A_275 = arith.constant 640 : i32
    %mul3A_276 = arith.muli %arg1, %mul3A_275 : i32
    %add3A_277 = arith.constant 160 : i32
    %add3A_278 = arith.addi %mul3A_276, %add3A_277 : i32
    %dma_start3A_279 = arith.constant 0 : i32
    %dma_start3A_280 = tpu.memref_slice %arg5[%arg0, %add3A_278, %dma_start3A_279] : memref<2x10240x128xf32, #tpu.memory_space<hbm>> -> memref<1x80x128xf32, #tpu.memory_space<hbm>>
    %dma_start3A_281 = tpu.memref_squeeze %dma_start3A_280 : memref<1x80x128xf32, #tpu.memory_space<hbm>> -> memref<80x128xf32, #tpu.memory_space<hbm>>
    %dma_start3A_282 = arith.constant 0 : i32
    %dma_start3A_283 = tpu.memref_slice %arg5[%arg0, %add3A_278, %dma_start3A_282] : memref<2x10240x128xf32, #tpu.memory_space<hbm>> -> memref<1x80x128xf32, #tpu.memory_space<hbm>>
    %dma_start3A_284 = tpu.memref_squeeze %dma_start3A_283 : memref<1x80x128xf32, #tpu.memory_space<hbm>> -> memref<80x128xf32, #tpu.memory_space<hbm>>
    tpu.enqueue_dma source(%arg7 : memref<80x128xf32, #tpu.memory_space<vmem>>) target(%dma_start3A_284 : memref<80x128xf32, #tpu.memory_space<hbm>>) target_semaphore(%arg11 : memref<!tpu.dma_semaphore, #tpu.memory_space<semaphore_mem>>)
    %mul3A_285 = arith.constant 640 : i32
    %mul3A_286 = arith.muli %arg1, %mul3A_285 : i32
    %add3A_287 = arith.constant 240 : i32
    %add3A_288 = arith.addi %mul3A_286, %add3A_287 : i32
    %dma_wait3A_289 = arith.constant 0 : i32
    %dma_wait3A_290 = tpu.memref_slice %arg6[%add3A_288, %dma_wait3A_289] : memref<10240x128xf32, #tpu.memory_space<vmem_shared>> -> memref<80x128xf32, #tpu.memory_space<vmem_shared>>
    %dma_wait3A_291 = arith.constant 0 : i32
    %dma_wait3A_292 = tpu.memref_slice %arg6[%add3A_288, %dma_wait3A_291] : memref<10240x128xf32, #tpu.memory_space<vmem_shared>> -> memref<80x128xf32, #tpu.memory_space<vmem_shared>>
    tpu.wait_dma2 semaphore(%arg12 : memref<!tpu.dma_semaphore, #tpu.memory_space<semaphore_mem>>) src(%dma_wait3A_292 : memref<80x128xf32, #tpu.memory_space<vmem_shared>>) dst(%arg8 : memref<80x128xf32, #tpu.memory_space<vmem>>)
    %mul3A_293 = arith.constant 640 : i32
    %mul3A_294 = arith.muli %arg1, %mul3A_293 : i32
    %add3A_295 = arith.constant 160 : i32
    %add3A_296 = arith.addi %mul3A_294, %add3A_295 : i32
    %dma_wait3A_297 = arith.constant 0 : i32
    %dma_wait3A_298 = tpu.memref_slice %arg5[%arg0, %add3A_296, %dma_wait3A_297] : memref<2x10240x128xf32, #tpu.memory_space<hbm>> -> memref<1x80x128xf32, #tpu.memory_space<hbm>>
    %dma_wait3A_299 = tpu.memref_squeeze %dma_wait3A_298 : memref<1x80x128xf32, #tpu.memory_space<hbm>> -> memref<80x128xf32, #tpu.memory_space<hbm>>
    %dma_wait3A_300 = arith.constant 0 : i32
    %dma_wait3A_301 = tpu.memref_slice %arg5[%arg0, %add3A_296, %dma_wait3A_300] : memref<2x10240x128xf32, #tpu.memory_space<hbm>> -> memref<1x80x128xf32, #tpu.memory_space<hbm>>
    %dma_wait3A_302 = tpu.memref_squeeze %dma_wait3A_301 : memref<1x80x128xf32, #tpu.memory_space<hbm>> -> memref<80x128xf32, #tpu.memory_space<hbm>>
    tpu.wait_dma2 semaphore(%arg11 : memref<!tpu.dma_semaphore, #tpu.memory_space<semaphore_mem>>) src(%arg7 : memref<80x128xf32, #tpu.memory_space<vmem>>) dst(%dma_wait3A_302 : memref<80x128xf32, #tpu.memory_space<hbm>>)
    %mul3A_303 = arith.constant 640 : i32
    %mul3A_304 = arith.muli %arg1, %mul3A_303 : i32
    %add3A_305 = arith.constant 320 : i32
    %add3A_306 = arith.addi %mul3A_304, %add3A_305 : i32
    %dma_start3A_307 = arith.constant 0 : i32
    %dma_start3A_308 = tpu.memref_slice %arg6[%add3A_306, %dma_start3A_307] : memref<10240x128xf32, #tpu.memory_space<vmem_shared>> -> memref<80x128xf32, #tpu.memory_space<vmem_shared>>
    %dma_start3A_309 = arith.constant 0 : i32
    %dma_start3A_310 = tpu.memref_slice %arg6[%add3A_306, %dma_start3A_309] : memref<10240x128xf32, #tpu.memory_space<vmem_shared>> -> memref<80x128xf32, #tpu.memory_space<vmem_shared>>
    tpu.enqueue_dma source(%dma_start3A_310 : memref<80x128xf32, #tpu.memory_space<vmem_shared>>) target(%arg7 : memref<80x128xf32, #tpu.memory_space<vmem>>) target_semaphore(%arg11 : memref<!tpu.dma_semaphore, #tpu.memory_space<semaphore_mem>>)
    %mul3A_311 = arith.constant 640 : i32
    %mul3A_312 = arith.muli %arg1, %mul3A_311 : i32
    %add3A_313 = arith.constant 240 : i32
    %add3A_314 = arith.addi %mul3A_312, %add3A_313 : i32
    %dma_start3A_315 = arith.constant 0 : i32
    %dma_start3A_316 = tpu.memref_slice %arg5[%arg0, %add3A_314, %dma_start3A_315] : memref<2x10240x128xf32, #tpu.memory_space<hbm>> -> memref<1x80x128xf32, #tpu.memory_space<hbm>>
    %dma_start3A_317 = tpu.memref_squeeze %dma_start3A_316 : memref<1x80x128xf32, #tpu.memory_space<hbm>> -> memref<80x128xf32, #tpu.memory_space<hbm>>
    %dma_start3A_318 = arith.constant 0 : i32
    %dma_start3A_319 = tpu.memref_slice %arg5[%arg0, %add3A_314, %dma_start3A_318] : memref<2x10240x128xf32, #tpu.memory_space<hbm>> -> memref<1x80x128xf32, #tpu.memory_space<hbm>>
    %dma_start3A_320 = tpu.memref_squeeze %dma_start3A_319 : memref<1x80x128xf32, #tpu.memory_space<hbm>> -> memref<80x128xf32, #tpu.memory_space<hbm>>
    tpu.enqueue_dma source(%arg8 : memref<80x128xf32, #tpu.memory_space<vmem>>) target(%dma_start3A_320 : memref<80x128xf32, #tpu.memory_space<hbm>>) target_semaphore(%arg12 : memref<!tpu.dma_semaphore, #tpu.memory_space<semaphore_mem>>)
    %mul3A_321 = arith.constant 640 : i32
    %mul3A_322 = arith.muli %arg1, %mul3A_321 : i32
    %add3A_323 = arith.constant 320 : i32
    %add3A_324 = arith.addi %mul3A_322, %add3A_323 : i32
    %dma_wait3A_325 = arith.constant 0 : i32
    %dma_wait3A_326 = tpu.memref_slice %arg6[%add3A_324, %dma_wait3A_325] : memref<10240x128xf32, #tpu.memory_space<vmem_shared>> -> memref<80x128xf32, #tpu.memory_space<vmem_shared>>
    %dma_wait3A_327 = arith.constant 0 : i32
    %dma_wait3A_328 = tpu.memref_slice %arg6[%add3A_324, %dma_wait3A_327] : memref<10240x128xf32, #tpu.memory_space<vmem_shared>> -> memref<80x128xf32, #tpu.memory_space<vmem_shared>>
    tpu.wait_dma2 semaphore(%arg11 : memref<!tpu.dma_semaphore, #tpu.memory_space<semaphore_mem>>) src(%dma_wait3A_328 : memref<80x128xf32, #tpu.memory_space<vmem_shared>>) dst(%arg7 : memref<80x128xf32, #tpu.memory_space<vmem>>)
    %mul3A_329 = arith.constant 640 : i32
    %mul3A_330 = arith.muli %arg1, %mul3A_329 : i32
    %add3A_331 = arith.constant 240 : i32
    %add3A_332 = arith.addi %mul3A_330, %add3A_331 : i32
    %dma_wait3A_333 = arith.constant 0 : i32
    %dma_wait3A_334 = tpu.memref_slice %arg5[%arg0, %add3A_332, %dma_wait3A_333] : memref<2x10240x128xf32, #tpu.memory_space<hbm>> -> memref<1x80x128xf32, #tpu.memory_space<hbm>>
    %dma_wait3A_335 = tpu.memref_squeeze %dma_wait3A_334 : memref<1x80x128xf32, #tpu.memory_space<hbm>> -> memref<80x128xf32, #tpu.memory_space<hbm>>
    %dma_wait3A_336 = arith.constant 0 : i32
    %dma_wait3A_337 = tpu.memref_slice %arg5[%arg0, %add3A_332, %dma_wait3A_336] : memref<2x10240x128xf32, #tpu.memory_space<hbm>> -> memref<1x80x128xf32, #tpu.memory_space<hbm>>
    %dma_wait3A_338 = tpu.memref_squeeze %dma_wait3A_337 : memref<1x80x128xf32, #tpu.memory_space<hbm>> -> memref<80x128xf32, #tpu.memory_space<hbm>>
    tpu.wait_dma2 semaphore(%arg12 : memref<!tpu.dma_semaphore, #tpu.memory_space<semaphore_mem>>) src(%arg8 : memref<80x128xf32, #tpu.memory_space<vmem>>) dst(%dma_wait3A_338 : memref<80x128xf32, #tpu.memory_space<hbm>>)
    %mul3A_339 = arith.constant 640 : i32
    %mul3A_340 = arith.muli %arg1, %mul3A_339 : i32
    %add3A_341 = arith.constant 400 : i32
    %add3A_342 = arith.addi %mul3A_340, %add3A_341 : i32
    %dma_start3A_343 = arith.constant 0 : i32
    %dma_start3A_344 = tpu.memref_slice %arg6[%add3A_342, %dma_start3A_343] : memref<10240x128xf32, #tpu.memory_space<vmem_shared>> -> memref<80x128xf32, #tpu.memory_space<vmem_shared>>
    %dma_start3A_345 = arith.constant 0 : i32
    %dma_start3A_346 = tpu.memref_slice %arg6[%add3A_342, %dma_start3A_345] : memref<10240x128xf32, #tpu.memory_space<vmem_shared>> -> memref<80x128xf32, #tpu.memory_space<vmem_shared>>
    tpu.enqueue_dma source(%dma_start3A_346 : memref<80x128xf32, #tpu.memory_space<vmem_shared>>) target(%arg8 : memref<80x128xf32, #tpu.memory_space<vmem>>) target_semaphore(%arg12 : memref<!tpu.dma_semaphore, #tpu.memory_space<semaphore_mem>>)
    %mul3A_347 = arith.constant 640 : i32
    %mul3A_348 = arith.muli %arg1, %mul3A_347 : i32
    %add3A_349 = arith.constant 320 : i32
    %add3A_350 = arith.addi %mul3A_348, %add3A_349 : i32
    %dma_start3A_351 = arith.constant 0 : i32
    %dma_start3A_352 = tpu.memref_slice %arg5[%arg0, %add3A_350, %dma_start3A_351] : memref<2x10240x128xf32, #tpu.memory_space<hbm>> -> memref<1x80x128xf32, #tpu.memory_space<hbm>>
    %dma_start3A_353 = tpu.memref_squeeze %dma_start3A_352 : memref<1x80x128xf32, #tpu.memory_space<hbm>> -> memref<80x128xf32, #tpu.memory_space<hbm>>
    %dma_start3A_354 = arith.constant 0 : i32
    %dma_start3A_355 = tpu.memref_slice %arg5[%arg0, %add3A_350, %dma_start3A_354] : memref<2x10240x128xf32, #tpu.memory_space<hbm>> -> memref<1x80x128xf32, #tpu.memory_space<hbm>>
    %dma_start3A_356 = tpu.memref_squeeze %dma_start3A_355 : memref<1x80x128xf32, #tpu.memory_space<hbm>> -> memref<80x128xf32, #tpu.memory_space<hbm>>
    tpu.enqueue_dma source(%arg7 : memref<80x128xf32, #tpu.memory_space<vmem>>) target(%dma_start3A_356 : memref<80x128xf32, #tpu.memory_space<hbm>>) target_semaphore(%arg11 : memref<!tpu.dma_semaphore, #tpu.memory_space<semaphore_mem>>)
    %mul3A_357 = arith.constant 640 : i32
    %mul3A_358 = arith.muli %arg1, %mul3A_357 : i32
    %add3A_359 = arith.constant 400 : i32
    %add3A_360 = arith.addi %mul3A_358, %add3A_359 : i32
    %dma_wait3A_361 = arith.constant 0 : i32
    %dma_wait3A_362 = tpu.memref_slice %arg6[%add3A_360, %dma_wait3A_361] : memref<10240x128xf32, #tpu.memory_space<vmem_shared>> -> memref<80x128xf32, #tpu.memory_space<vmem_shared>>
    %dma_wait3A_363 = arith.constant 0 : i32
    %dma_wait3A_364 = tpu.memref_slice %arg6[%add3A_360, %dma_wait3A_363] : memref<10240x128xf32, #tpu.memory_space<vmem_shared>> -> memref<80x128xf32, #tpu.memory_space<vmem_shared>>
    tpu.wait_dma2 semaphore(%arg12 : memref<!tpu.dma_semaphore, #tpu.memory_space<semaphore_mem>>) src(%dma_wait3A_364 : memref<80x128xf32, #tpu.memory_space<vmem_shared>>) dst(%arg8 : memref<80x128xf32, #tpu.memory_space<vmem>>)
    %mul3A_365 = arith.constant 640 : i32
    %mul3A_366 = arith.muli %arg1, %mul3A_365 : i32
    %add3A_367 = arith.constant 320 : i32
    %add3A_368 = arith.addi %mul3A_366, %add3A_367 : i32
    %dma_wait3A_369 = arith.constant 0 : i32
    %dma_wait3A_370 = tpu.memref_slice %arg5[%arg0, %add3A_368, %dma_wait3A_369] : memref<2x10240x128xf32, #tpu.memory_space<hbm>> -> memref<1x80x128xf32, #tpu.memory_space<hbm>>
    %dma_wait3A_371 = tpu.memref_squeeze %dma_wait3A_370 : memref<1x80x128xf32, #tpu.memory_space<hbm>> -> memref<80x128xf32, #tpu.memory_space<hbm>>
    %dma_wait3A_372 = arith.constant 0 : i32
    %dma_wait3A_373 = tpu.memref_slice %arg5[%arg0, %add3A_368, %dma_wait3A_372] : memref<2x10240x128xf32, #tpu.memory_space<hbm>> -> memref<1x80x128xf32, #tpu.memory_space<hbm>>
    %dma_wait3A_374 = tpu.memref_squeeze %dma_wait3A_373 : memref<1x80x128xf32, #tpu.memory_space<hbm>> -> memref<80x128xf32, #tpu.memory_space<hbm>>
    tpu.wait_dma2 semaphore(%arg11 : memref<!tpu.dma_semaphore, #tpu.memory_space<semaphore_mem>>) src(%arg7 : memref<80x128xf32, #tpu.memory_space<vmem>>) dst(%dma_wait3A_374 : memref<80x128xf32, #tpu.memory_space<hbm>>)
    %mul3A_375 = arith.constant 640 : i32
    %mul3A_376 = arith.muli %arg1, %mul3A_375 : i32
    %add3A_377 = arith.constant 480 : i32
    %add3A_378 = arith.addi %mul3A_376, %add3A_377 : i32
    %dma_start3A_379 = arith.constant 0 : i32
    %dma_start3A_380 = tpu.memref_slice %arg6[%add3A_378, %dma_start3A_379] : memref<10240x128xf32, #tpu.memory_space<vmem_shared>> -> memref<80x128xf32, #tpu.memory_space<vmem_shared>>
    %dma_start3A_381 = arith.constant 0 : i32
    %dma_start3A_382 = tpu.memref_slice %arg6[%add3A_378, %dma_start3A_381] : memref<10240x128xf32, #tpu.memory_space<vmem_shared>> -> memref<80x128xf32, #tpu.memory_space<vmem_shared>>
    tpu.enqueue_dma source(%dma_start3A_382 : memref<80x128xf32, #tpu.memory_space<vmem_shared>>) target(%arg7 : memref<80x128xf32, #tpu.memory_space<vmem>>) target_semaphore(%arg11 : memref<!tpu.dma_semaphore, #tpu.memory_space<semaphore_mem>>)
    %mul3A_383 = arith.constant 640 : i32
    %mul3A_384 = arith.muli %arg1, %mul3A_383 : i32
    %add3A_385 = arith.constant 400 : i32
    %add3A_386 = arith.addi %mul3A_384, %add3A_385 : i32
    %dma_start3A_387 = arith.constant 0 : i32
    %dma_start3A_388 = tpu.memref_slice %arg5[%arg0, %add3A_386, %dma_start3A_387] : memref<2x10240x128xf32, #tpu.memory_space<hbm>> -> memref<1x80x128xf32, #tpu.memory_space<hbm>>
    %dma_start3A_389 = tpu.memref_squeeze %dma_start3A_388 : memref<1x80x128xf32, #tpu.memory_space<hbm>> -> memref<80x128xf32, #tpu.memory_space<hbm>>
    %dma_start3A_390 = arith.constant 0 : i32
    %dma_start3A_391 = tpu.memref_slice %arg5[%arg0, %add3A_386, %dma_start3A_390] : memref<2x10240x128xf32, #tpu.memory_space<hbm>> -> memref<1x80x128xf32, #tpu.memory_space<hbm>>
    %dma_start3A_392 = tpu.memref_squeeze %dma_start3A_391 : memref<1x80x128xf32, #tpu.memory_space<hbm>> -> memref<80x128xf32, #tpu.memory_space<hbm>>
    tpu.enqueue_dma source(%arg8 : memref<80x128xf32, #tpu.memory_space<vmem>>) target(%dma_start3A_392 : memref<80x128xf32, #tpu.memory_space<hbm>>) target_semaphore(%arg12 : memref<!tpu.dma_semaphore, #tpu.memory_space<semaphore_mem>>)
    %mul3A_393 = arith.constant 640 : i32
    %mul3A_394 = arith.muli %arg1, %mul3A_393 : i32
    %add3A_395 = arith.constant 480 : i32
    %add3A_396 = arith.addi %mul3A_394, %add3A_395 : i32
    %dma_wait3A_397 = arith.constant 0 : i32
    %dma_wait3A_398 = tpu.memref_slice %arg6[%add3A_396, %dma_wait3A_397] : memref<10240x128xf32, #tpu.memory_space<vmem_shared>> -> memref<80x128xf32, #tpu.memory_space<vmem_shared>>
    %dma_wait3A_399 = arith.constant 0 : i32
    %dma_wait3A_400 = tpu.memref_slice %arg6[%add3A_396, %dma_wait3A_399] : memref<10240x128xf32, #tpu.memory_space<vmem_shared>> -> memref<80x128xf32, #tpu.memory_space<vmem_shared>>
    tpu.wait_dma2 semaphore(%arg11 : memref<!tpu.dma_semaphore, #tpu.memory_space<semaphore_mem>>) src(%dma_wait3A_400 : memref<80x128xf32, #tpu.memory_space<vmem_shared>>) dst(%arg7 : memref<80x128xf32, #tpu.memory_space<vmem>>)
    %mul3A_401 = arith.constant 640 : i32
    %mul3A_402 = arith.muli %arg1, %mul3A_401 : i32
    %add3A_403 = arith.constant 400 : i32
    %add3A_404 = arith.addi %mul3A_402, %add3A_403 : i32
    %dma_wait3A_405 = arith.constant 0 : i32
    %dma_wait3A_406 = tpu.memref_slice %arg5[%arg0, %add3A_404, %dma_wait3A_405] : memref<2x10240x128xf32, #tpu.memory_space<hbm>> -> memref<1x80x128xf32, #tpu.memory_space<hbm>>
    %dma_wait3A_407 = tpu.memref_squeeze %dma_wait3A_406 : memref<1x80x128xf32, #tpu.memory_space<hbm>> -> memref<80x128xf32, #tpu.memory_space<hbm>>
    %dma_wait3A_408 = arith.constant 0 : i32
    %dma_wait3A_409 = tpu.memref_slice %arg5[%arg0, %add3A_404, %dma_wait3A_408] : memref<2x10240x128xf32, #tpu.memory_space<hbm>> -> memref<1x80x128xf32, #tpu.memory_space<hbm>>
    %dma_wait3A_410 = tpu.memref_squeeze %dma_wait3A_409 : memref<1x80x128xf32, #tpu.memory_space<hbm>> -> memref<80x128xf32, #tpu.memory_space<hbm>>
    tpu.wait_dma2 semaphore(%arg12 : memref<!tpu.dma_semaphore, #tpu.memory_space<semaphore_mem>>) src(%arg8 : memref<80x128xf32, #tpu.memory_space<vmem>>) dst(%dma_wait3A_410 : memref<80x128xf32, #tpu.memory_space<hbm>>)
    %mul3A_411 = arith.constant 640 : i32
    %mul3A_412 = arith.muli %arg1, %mul3A_411 : i32
    %add3A_413 = arith.constant 560 : i32
    %add3A_414 = arith.addi %mul3A_412, %add3A_413 : i32
    %dma_start3A_415 = arith.constant 0 : i32
    %dma_start3A_416 = tpu.memref_slice %arg6[%add3A_414, %dma_start3A_415] : memref<10240x128xf32, #tpu.memory_space<vmem_shared>> -> memref<80x128xf32, #tpu.memory_space<vmem_shared>>
    %dma_start3A_417 = arith.constant 0 : i32
    %dma_start3A_418 = tpu.memref_slice %arg6[%add3A_414, %dma_start3A_417] : memref<10240x128xf32, #tpu.memory_space<vmem_shared>> -> memref<80x128xf32, #tpu.memory_space<vmem_shared>>
    tpu.enqueue_dma source(%dma_start3A_418 : memref<80x128xf32, #tpu.memory_space<vmem_shared>>) target(%arg8 : memref<80x128xf32, #tpu.memory_space<vmem>>) target_semaphore(%arg12 : memref<!tpu.dma_semaphore, #tpu.memory_space<semaphore_mem>>)
    %mul3A_419 = arith.constant 640 : i32
    %mul3A_420 = arith.muli %arg1, %mul3A_419 : i32
    %add3A_421 = arith.constant 480 : i32
    %add3A_422 = arith.addi %mul3A_420, %add3A_421 : i32
    %dma_start3A_423 = arith.constant 0 : i32
    %dma_start3A_424 = tpu.memref_slice %arg5[%arg0, %add3A_422, %dma_start3A_423] : memref<2x10240x128xf32, #tpu.memory_space<hbm>> -> memref<1x80x128xf32, #tpu.memory_space<hbm>>
    %dma_start3A_425 = tpu.memref_squeeze %dma_start3A_424 : memref<1x80x128xf32, #tpu.memory_space<hbm>> -> memref<80x128xf32, #tpu.memory_space<hbm>>
    %dma_start3A_426 = arith.constant 0 : i32
    %dma_start3A_427 = tpu.memref_slice %arg5[%arg0, %add3A_422, %dma_start3A_426] : memref<2x10240x128xf32, #tpu.memory_space<hbm>> -> memref<1x80x128xf32, #tpu.memory_space<hbm>>
    %dma_start3A_428 = tpu.memref_squeeze %dma_start3A_427 : memref<1x80x128xf32, #tpu.memory_space<hbm>> -> memref<80x128xf32, #tpu.memory_space<hbm>>
    tpu.enqueue_dma source(%arg7 : memref<80x128xf32, #tpu.memory_space<vmem>>) target(%dma_start3A_428 : memref<80x128xf32, #tpu.memory_space<hbm>>) target_semaphore(%arg11 : memref<!tpu.dma_semaphore, #tpu.memory_space<semaphore_mem>>)
    %mul3A_429 = arith.constant 640 : i32
    %mul3A_430 = arith.muli %arg1, %mul3A_429 : i32
    %add3A_431 = arith.constant 560 : i32
    %add3A_432 = arith.addi %mul3A_430, %add3A_431 : i32
    %dma_wait3A_433 = arith.constant 0 : i32
    %dma_wait3A_434 = tpu.memref_slice %arg6[%add3A_432, %dma_wait3A_433] : memref<10240x128xf32, #tpu.memory_space<vmem_shared>> -> memref<80x128xf32, #tpu.memory_space<vmem_shared>>
    %dma_wait3A_435 = arith.constant 0 : i32
    %dma_wait3A_436 = tpu.memref_slice %arg6[%add3A_432, %dma_wait3A_435] : memref<10240x128xf32, #tpu.memory_space<vmem_shared>> -> memref<80x128xf32, #tpu.memory_space<vmem_shared>>
    tpu.wait_dma2 semaphore(%arg12 : memref<!tpu.dma_semaphore, #tpu.memory_space<semaphore_mem>>) src(%dma_wait3A_436 : memref<80x128xf32, #tpu.memory_space<vmem_shared>>) dst(%arg8 : memref<80x128xf32, #tpu.memory_space<vmem>>)
    %mul3A_437 = arith.constant 640 : i32
    %mul3A_438 = arith.muli %arg1, %mul3A_437 : i32
    %add3A_439 = arith.constant 480 : i32
    %add3A_440 = arith.addi %mul3A_438, %add3A_439 : i32
    %dma_wait3A_441 = arith.constant 0 : i32
    %dma_wait3A_442 = tpu.memref_slice %arg5[%arg0, %add3A_440, %dma_wait3A_441] : memref<2x10240x128xf32, #tpu.memory_space<hbm>> -> memref<1x80x128xf32, #tpu.memory_space<hbm>>
    %dma_wait3A_443 = tpu.memref_squeeze %dma_wait3A_442 : memref<1x80x128xf32, #tpu.memory_space<hbm>> -> memref<80x128xf32, #tpu.memory_space<hbm>>
    %dma_wait3A_444 = arith.constant 0 : i32
    %dma_wait3A_445 = tpu.memref_slice %arg5[%arg0, %add3A_440, %dma_wait3A_444] : memref<2x10240x128xf32, #tpu.memory_space<hbm>> -> memref<1x80x128xf32, #tpu.memory_space<hbm>>
    %dma_wait3A_446 = tpu.memref_squeeze %dma_wait3A_445 : memref<1x80x128xf32, #tpu.memory_space<hbm>> -> memref<80x128xf32, #tpu.memory_space<hbm>>
    tpu.wait_dma2 semaphore(%arg11 : memref<!tpu.dma_semaphore, #tpu.memory_space<semaphore_mem>>) src(%arg7 : memref<80x128xf32, #tpu.memory_space<vmem>>) dst(%dma_wait3A_446 : memref<80x128xf32, #tpu.memory_space<hbm>>)
    %mul3A_447 = arith.constant 640 : i32
    %mul3A_448 = arith.muli %arg1, %mul3A_447 : i32
    %add3A_449 = arith.constant 560 : i32
    %add3A_450 = arith.addi %mul3A_448, %add3A_449 : i32
    %dma_start3A_451 = arith.constant 0 : i32
    %dma_start3A_452 = tpu.memref_slice %arg5[%arg0, %add3A_450, %dma_start3A_451] : memref<2x10240x128xf32, #tpu.memory_space<hbm>> -> memref<1x80x128xf32, #tpu.memory_space<hbm>>
    %dma_start3A_453 = tpu.memref_squeeze %dma_start3A_452 : memref<1x80x128xf32, #tpu.memory_space<hbm>> -> memref<80x128xf32, #tpu.memory_space<hbm>>
    %dma_start3A_454 = arith.constant 0 : i32
    %dma_start3A_455 = tpu.memref_slice %arg5[%arg0, %add3A_450, %dma_start3A_454] : memref<2x10240x128xf32, #tpu.memory_space<hbm>> -> memref<1x80x128xf32, #tpu.memory_space<hbm>>
    %dma_start3A_456 = tpu.memref_squeeze %dma_start3A_455 : memref<1x80x128xf32, #tpu.memory_space<hbm>> -> memref<80x128xf32, #tpu.memory_space<hbm>>
    tpu.enqueue_dma source(%arg8 : memref<80x128xf32, #tpu.memory_space<vmem>>) target(%dma_start3A_456 : memref<80x128xf32, #tpu.memory_space<hbm>>) target_semaphore(%arg12 : memref<!tpu.dma_semaphore, #tpu.memory_space<semaphore_mem>>)
    %mul3A_457 = arith.constant 640 : i32
    %mul3A_458 = arith.muli %arg1, %mul3A_457 : i32
    %add3A_459 = arith.constant 560 : i32
    %add3A_460 = arith.addi %mul3A_458, %add3A_459 : i32
    %dma_wait3A_461 = arith.constant 0 : i32
    %dma_wait3A_462 = tpu.memref_slice %arg5[%arg0, %add3A_460, %dma_wait3A_461] : memref<2x10240x128xf32, #tpu.memory_space<hbm>> -> memref<1x80x128xf32, #tpu.memory_space<hbm>>
    %dma_wait3A_463 = tpu.memref_squeeze %dma_wait3A_462 : memref<1x80x128xf32, #tpu.memory_space<hbm>> -> memref<80x128xf32, #tpu.memory_space<hbm>>
    %dma_wait3A_464 = arith.constant 0 : i32
    %dma_wait3A_465 = tpu.memref_slice %arg5[%arg0, %add3A_460, %dma_wait3A_464] : memref<2x10240x128xf32, #tpu.memory_space<hbm>> -> memref<1x80x128xf32, #tpu.memory_space<hbm>>
    %dma_wait3A_466 = tpu.memref_squeeze %dma_wait3A_465 : memref<1x80x128xf32, #tpu.memory_space<hbm>> -> memref<80x128xf32, #tpu.memory_space<hbm>>
    tpu.wait_dma2 semaphore(%arg12 : memref<!tpu.dma_semaphore, #tpu.memory_space<semaphore_mem>>) src(%arg8 : memref<80x128xf32, #tpu.memory_space<vmem>>) dst(%dma_wait3A_466 : memref<80x128xf32, #tpu.memory_space<hbm>>)
    return
  }
}

module attributes {stable_mosaic.version = 14 : i64} {
  func.func @_tc2_body(%arg0: i32, %arg1: memref<1x5000x128xf32, #tpu.memory_space<vmem>>, %arg2: memref<1x5000x128xf32, #tpu.memory_space<vmem>>, %arg3: memref<5000x128xf32, #tpu.memory_space<vmem>>, %arg4: memref<5000x1xf32, #tpu.memory_space<vmem>>, %arg5: memref<1x128xf32, #tpu.memory_space<vmem>>, %arg6: memref<128x128xf32, #tpu.memory_space<vmem>>, %arg7: memref<5000x128xf32, #tpu.memory_space<vmem>>) attributes {dimension_semantics = [#tpu.dimension_semantics<arbitrary>], iteration_bounds = array<i64: 2>, scalar_prefetch = 0 : i64, scratch_operands = 0 : i64, tpu.core_type = #tpu.core_type<tc>, window_params = [{transform_indices = @transform_0, window_bounds = array<i64: 1, 5000, 128>}, {transform_indices = @transform_1, window_bounds = array<i64: 1, 5000, 128>}, {transform_indices = @transform_2, window_bounds = array<i64: 5000, 128>}, {transform_indices = @transform_3, window_bounds = array<i64: 5000, 1>}, {pipeline_mode = #tpu.pipeline_mode<synchronous>, transform_indices = @transform_4, window_bounds = array<i64: 1, 128>}, {pipeline_mode = #tpu.pipeline_mode<synchronous>, transform_indices = @transform_5, window_bounds = array<i64: 128, 128>}, {transform_indices = @transform_6, window_bounds = array<i64: 5000, 128>}]} {
    %get3A = arith.constant 0 : index
    %get3A_0 = arith.constant 0 : index
    %get3A_1 = vector.load %arg4[%get3A, %get3A_0] : memref<5000x1xf32, #tpu.memory_space<vmem>>, vector<5000x1xf32>
    %get3A_2 = arith.constant 0 : index
    %get3A_3 = arith.constant 0 : index
    %get3A_4 = arith.constant 0 : index
    %get3A_5 = vector.load %arg1[%get3A_2, %get3A_3, %get3A_4] : memref<1x5000x128xf32, #tpu.memory_space<vmem>>, vector<1x5000x128xf32>
    %get3A_6 = vector.shape_cast %get3A_5 : vector<1x5000x128xf32> to vector<5000x128xf32>
    %get3A_7 = arith.constant 0 : index
    %get3A_8 = arith.constant 0 : index
    %get3A_9 = arith.constant 0 : index
    %get3A_10 = vector.load %arg2[%get3A_7, %get3A_8, %get3A_9] : memref<1x5000x128xf32, #tpu.memory_space<vmem>>, vector<1x5000x128xf32>
    %get3A_11 = vector.shape_cast %get3A_10 : vector<1x5000x128xf32> to vector<5000x128xf32>
    %add3A = arith.addf %get3A_6, %get3A_11 : vector<5000x128xf32>
    %get3A_12 = arith.constant 0 : index
    %get3A_13 = arith.constant 0 : index
    %get3A_14 = vector.load %arg3[%get3A_12, %get3A_13] : memref<5000x128xf32, #tpu.memory_space<vmem>>, vector<5000x128xf32>
    %add3A_15 = arith.addf %add3A, %get3A_14 : vector<5000x128xf32>
    %mul3A = vector.broadcast %get3A_1 : vector<5000x1xf32> to vector<5000x128xf32>
    %mul3A_16 = arith.mulf %mul3A, %add3A_15 : vector<5000x128xf32>
    %get3A_17 = arith.constant 0 : index
    %get3A_18 = arith.constant 0 : index
    %get3A_19 = vector.load %arg5[%get3A_17, %get3A_18] : memref<1x128xf32, #tpu.memory_space<vmem>>, vector<1x128xf32>
    %add3A_20 = vector.broadcast %get3A_19 : vector<1x128xf32> to vector<5000x128xf32>
    %add3A_21 = arith.addf %mul3A_16, %add3A_20 : vector<5000x128xf32>
    %max3A = arith.constant 0.000000e+00 : f32
    %max3A_22 = vector.broadcast %max3A : f32 to vector<5000x128xf32>
    %max3A_23 = arith.maximumf %add3A_21, %max3A_22 : vector<5000x128xf32>
    %get3A_24 = arith.constant 0 : index
    %get3A_25 = arith.constant 0 : index
    %get3A_26 = vector.load %arg6[%get3A_24, %get3A_25] : memref<128x128xf32, #tpu.memory_space<vmem>>, vector<128x128xf32>
    %dot_general3A = arith.constant dense<0.000000e+00> : vector<5000x128xf32>
    %dot_general3A_27 = tpu.matmul %max3A_23, %get3A_26, %dot_general3A {dimension_numbers = #tpu.dot_dimension_numbers<[1], [0], [0], [1], [0, 0, 1, 1], [], []>, transpose_lhs_hint = false} : vector<5000x128xf32>, vector<128x128xf32>, vector<5000x128xf32> -> vector<5000x128xf32>
    %mul3A_28 = vector.broadcast %get3A_1 : vector<5000x1xf32> to vector<5000x128xf32>
    %mul3A_29 = arith.mulf %dot_general3A_27, %mul3A_28 : vector<5000x128xf32>
    %swap3A = arith.constant 0 : index
    %swap3A_30 = arith.constant 0 : index
    %swap3A_31 = vector.load %arg7[%swap3A, %swap3A_30] : memref<5000x128xf32, #tpu.memory_space<vmem>>, vector<5000x128xf32>
    tpu.vector_store %arg7[%swap3A, %swap3A_30], %mul3A_29 {strides = array<i32>} : memref<5000x128xf32, #tpu.memory_space<vmem>>, vector<5000x128xf32>,
    return
  }
  func.func @transform_0(%arg0: i32) -> (i32, i32, i32) {
    %c0_i32 = arith.constant 0 : i32
    %c0_i32_0 = arith.constant 0 : i32
    %c0_i32_1 = arith.constant 0 : i32
    return %c0_i32, %arg0, %c0_i32_0 : i32, i32, i32
  }
  func.func @transform_1(%arg0: i32) -> (i32, i32, i32) {
    %c1_i32 = arith.constant 1 : i32
    %c0_i32 = arith.constant 0 : i32
    %c0_i32_0 = arith.constant 0 : i32
    return %c1_i32, %arg0, %c0_i32 : i32, i32, i32
  }
  func.func @transform_2(%arg0: i32) -> (i32, i32) {
    %c0_i32 = arith.constant 0 : i32
    %c0_i32_0 = arith.constant 0 : i32
    return %arg0, %c0_i32 : i32, i32
  }
  func.func @transform_3(%arg0: i32) -> (i32, i32) {
    %c0_i32 = arith.constant 0 : i32
    %c0_i32_0 = arith.constant 0 : i32
    return %arg0, %c0_i32 : i32, i32
  }
  func.func @transform_4(%arg0: i32) -> (i32, i32) {
    %c0_i32 = arith.constant 0 : i32
    %c0_i32_0 = arith.constant 0 : i32
    %c0_i32_1 = arith.constant 0 : i32
    return %c0_i32, %c0_i32_0 : i32, i32
  }
  func.func @transform_5(%arg0: i32) -> (i32, i32) {
    %c0_i32 = arith.constant 0 : i32
    %c0_i32_0 = arith.constant 0 : i32
    %c0_i32_1 = arith.constant 0 : i32
    return %c0_i32, %c0_i32_0 : i32, i32
  }
  func.func @transform_6(%arg0: i32) -> (i32, i32) {
    %c0_i32 = arith.constant 0 : i32
    %c0_i32_0 = arith.constant 0 : i32
    return %arg0, %c0_i32 : i32, i32
  }
}

module attributes {stable_mosaic.version = 14 : i64} {
  func.func @_tc1_body(%arg0: i32, %arg1: memref<5000x128xf32, #tpu.memory_space<vmem>>, %arg2: memref<128x128xf32, #tpu.memory_space<vmem>>, %arg3: memref<1x5000x1xf32, #tpu.memory_space<vmem>>, %arg4: memref<1x5000x1xf32, #tpu.memory_space<vmem>>, %arg5: memref<5000x128xf32, #tpu.memory_space<vmem>>, %arg6: memref<5000x1xf32, #tpu.memory_space<vmem>>) attributes {dimension_semantics = [#tpu.dimension_semantics<arbitrary>], iteration_bounds = array<i64: 2>, scalar_prefetch = 0 : i64, scratch_operands = 0 : i64, tpu.core_type = #tpu.core_type<tc>, window_params = [{transform_indices = @transform_0, window_bounds = array<i64: 5000, 128>}, {pipeline_mode = #tpu.pipeline_mode<synchronous>, transform_indices = @transform_1, window_bounds = array<i64: 128, 128>}, {transform_indices = @transform_2, window_bounds = array<i64: 1, 5000, 1>}, {transform_indices = @transform_3, window_bounds = array<i64: 1, 5000, 1>}, {transform_indices = @transform_4, window_bounds = array<i64: 5000, 128>}, {transform_indices = @transform_5, window_bounds = array<i64: 5000, 1>}]} {
    %get3A = arith.constant 0 : index
    %get3A_0 = arith.constant 0 : index
    %get3A_1 = arith.constant 0 : index
    %get3A_2 = vector.load %arg3[%get3A, %get3A_0, %get3A_1] : memref<1x5000x1xf32, #tpu.memory_space<vmem>>, vector<1x5000x1xf32>
    %get3A_3 = vector.shape_cast %get3A_2 : vector<1x5000x1xf32> to vector<5000x1xf32>
    %get3A_4 = arith.constant 0 : index
    %get3A_5 = arith.constant 0 : index
    %get3A_6 = arith.constant 0 : index
    %get3A_7 = vector.load %arg4[%get3A_4, %get3A_5, %get3A_6] : memref<1x5000x1xf32, #tpu.memory_space<vmem>>, vector<1x5000x1xf32>
    %get3A_8 = vector.shape_cast %get3A_7 : vector<1x5000x1xf32> to vector<5000x1xf32>
    %add3A = arith.addf %get3A_3, %get3A_8 : vector<5000x1xf32>
    %add3A_9 = arith.constant 1.000000e+00 : f32
    %add3A_10 = vector.broadcast %add3A_9 : f32 to vector<5000x1xf32>
    %add3A_11 = arith.addf %add3A, %add3A_10 : vector<5000x1xf32>
    %rsqrt3A = math.rsqrt %add3A_11 : vector<5000x1xf32>
    %get3A_12 = arith.constant 0 : index
    %get3A_13 = arith.constant 0 : index
    %get3A_14 = vector.load %arg1[%get3A_12, %get3A_13] : memref<5000x128xf32, #tpu.memory_space<vmem>>, vector<5000x128xf32>
    %get3A_15 = arith.constant 0 : index
    %get3A_16 = arith.constant 0 : index
    %get3A_17 = vector.load %arg2[%get3A_15, %get3A_16] : memref<128x128xf32, #tpu.memory_space<vmem>>, vector<128x128xf32>
    %dot_general3A = arith.constant dense<0.000000e+00> : vector<5000x128xf32>
    %dot_general3A_18 = tpu.matmul %get3A_14, %get3A_17, %dot_general3A {dimension_numbers = #tpu.dot_dimension_numbers<[1], [0], [0], [1], [0, 0, 1, 1], [], []>, transpose_lhs_hint = false} : vector<5000x128xf32>, vector<128x128xf32>, vector<5000x128xf32> -> vector<5000x128xf32>
    %mul3A = vector.broadcast %rsqrt3A : vector<5000x1xf32> to vector<5000x128xf32>
    %mul3A_19 = arith.mulf %dot_general3A_18, %mul3A : vector<5000x128xf32>
    %swap3A = arith.constant 0 : index
    %swap3A_20 = arith.constant 0 : index
    %swap3A_21 = vector.load %arg5[%swap3A, %swap3A_20] : memref<5000x128xf32, #tpu.memory_space<vmem>>, vector<5000x128xf32>
    tpu.vector_store %arg5[%swap3A, %swap3A_20], %mul3A_19 {strides = array<i32>} : memref<5000x128xf32, #tpu.memory_space<vmem>>, vector<5000x128xf32>,
    %swap3A_22 = arith.constant 0 : index
    %swap3A_23 = arith.constant 0 : index
    %swap3A_24 = vector.load %arg6[%swap3A_22, %swap3A_23] : memref<5000x1xf32, #tpu.memory_space<vmem>>, vector<5000x1xf32>
    tpu.vector_store %arg6[%swap3A_22, %swap3A_23], %rsqrt3A {strides = array<i32>} : memref<5000x1xf32, #tpu.memory_space<vmem>>, vector<5000x1xf32>,
    return
  }
  func.func @transform_0(%arg0: i32) -> (i32, i32) {
    %c0_i32 = arith.constant 0 : i32
    %c0_i32_0 = arith.constant 0 : i32
    return %arg0, %c0_i32 : i32, i32
  }
  func.func @transform_1(%arg0: i32) -> (i32, i32) {
    %c0_i32 = arith.constant 0 : i32
    %c0_i32_0 = arith.constant 0 : i32
    %c0_i32_1 = arith.constant 0 : i32
    return %c0_i32, %c0_i32_0 : i32, i32
  }
  func.func @transform_2(%arg0: i32) -> (i32, i32, i32) {
    %c0_i32 = arith.constant 0 : i32
    %c0_i32_0 = arith.constant 0 : i32
    %c0_i32_1 = arith.constant 0 : i32
    return %c0_i32, %arg0, %c0_i32_0 : i32, i32, i32
  }
  func.func @transform_3(%arg0: i32) -> (i32, i32, i32) {
    %c1_i32 = arith.constant 1 : i32
    %c0_i32 = arith.constant 0 : i32
    %c0_i32_0 = arith.constant 0 : i32
    return %c1_i32, %arg0, %c0_i32 : i32, i32, i32
  }
  func.func @transform_4(%arg0: i32) -> (i32, i32) {
    %c0_i32 = arith.constant 0 : i32
    %c0_i32_0 = arith.constant 0 : i32
    return %arg0, %c0_i32 : i32, i32
  }
  func.func @transform_5(%arg0: i32) -> (i32, i32) {
    %c0_i32 = arith.constant 0 : i32
    %c0_i32_0 = arith.constant 0 : i32
    return %arg0, %c0_i32 : i32, i32
  }
}

module attributes {stable_mosaic.version = 14 : i64} {
  func.func @_tc2_body(%arg0: i32, %arg1: memref<1x5000x128xf32, #tpu.memory_space<vmem>>, %arg2: memref<1x5000x128xf32, #tpu.memory_space<vmem>>, %arg3: memref<5000x128xf32, #tpu.memory_space<vmem>>, %arg4: memref<5000x1xf32, #tpu.memory_space<vmem>>, %arg5: memref<1x128xf32, #tpu.memory_space<vmem>>, %arg6: memref<128x1xf32, #tpu.memory_space<vmem>>, %arg7: memref<5000x1xf32, #tpu.memory_space<vmem>>) attributes {dimension_semantics = [#tpu.dimension_semantics<arbitrary>], iteration_bounds = array<i64: 2>, scalar_prefetch = 0 : i64, scratch_operands = 0 : i64, tpu.core_type = #tpu.core_type<tc>, window_params = [{transform_indices = @transform_0, window_bounds = array<i64: 1, 5000, 128>}, {transform_indices = @transform_1, window_bounds = array<i64: 1, 5000, 128>}, {transform_indices = @transform_2, window_bounds = array<i64: 5000, 128>}, {transform_indices = @transform_3, window_bounds = array<i64: 5000, 1>}, {pipeline_mode = #tpu.pipeline_mode<synchronous>, transform_indices = @transform_4, window_bounds = array<i64: 1, 128>}, {pipeline_mode = #tpu.pipeline_mode<synchronous>, transform_indices = @transform_5, window_bounds = array<i64: 128, 1>}, {transform_indices = @transform_6, window_bounds = array<i64: 5000, 1>}]} {
    %get3A = arith.constant 0 : index
    %get3A_0 = arith.constant 0 : index
    %get3A_1 = vector.load %arg4[%get3A, %get3A_0] : memref<5000x1xf32, #tpu.memory_space<vmem>>, vector<5000x1xf32>
    %get3A_2 = arith.constant 0 : index
    %get3A_3 = arith.constant 0 : index
    %get3A_4 = arith.constant 0 : index
    %get3A_5 = vector.load %arg1[%get3A_2, %get3A_3, %get3A_4] : memref<1x5000x128xf32, #tpu.memory_space<vmem>>, vector<1x5000x128xf32>
    %get3A_6 = vector.shape_cast %get3A_5 : vector<1x5000x128xf32> to vector<5000x128xf32>
    %get3A_7 = arith.constant 0 : index
    %get3A_8 = arith.constant 0 : index
    %get3A_9 = arith.constant 0 : index
    %get3A_10 = vector.load %arg2[%get3A_7, %get3A_8, %get3A_9] : memref<1x5000x128xf32, #tpu.memory_space<vmem>>, vector<1x5000x128xf32>
    %get3A_11 = vector.shape_cast %get3A_10 : vector<1x5000x128xf32> to vector<5000x128xf32>
    %add3A = arith.addf %get3A_6, %get3A_11 : vector<5000x128xf32>
    %get3A_12 = arith.constant 0 : index
    %get3A_13 = arith.constant 0 : index
    %get3A_14 = vector.load %arg3[%get3A_12, %get3A_13] : memref<5000x128xf32, #tpu.memory_space<vmem>>, vector<5000x128xf32>
    %add3A_15 = arith.addf %add3A, %get3A_14 : vector<5000x128xf32>
    %mul3A = vector.broadcast %get3A_1 : vector<5000x1xf32> to vector<5000x128xf32>
    %mul3A_16 = arith.mulf %mul3A, %add3A_15 : vector<5000x128xf32>
    %get3A_17 = arith.constant 0 : index
    %get3A_18 = arith.constant 0 : index
    %get3A_19 = vector.load %arg5[%get3A_17, %get3A_18] : memref<1x128xf32, #tpu.memory_space<vmem>>, vector<1x128xf32>
    %add3A_20 = vector.broadcast %get3A_19 : vector<1x128xf32> to vector<5000x128xf32>
    %add3A_21 = arith.addf %mul3A_16, %add3A_20 : vector<5000x128xf32>
    %max3A = arith.constant 0.000000e+00 : f32
    %max3A_22 = vector.broadcast %max3A : f32 to vector<5000x128xf32>
    %max3A_23 = arith.maximumf %add3A_21, %max3A_22 : vector<5000x128xf32>
    %get3A_24 = arith.constant 0 : index
    %get3A_25 = arith.constant 0 : index
    %get3A_26 = vector.load %arg6[%get3A_24, %get3A_25] : memref<128x1xf32, #tpu.memory_space<vmem>>, vector<128x1xf32>
    %dot_general3A = arith.constant dense<0.000000e+00> : vector<5000x1xf32>
    %dot_general3A_27 = tpu.matmul %max3A_23, %get3A_26, %dot_general3A {dimension_numbers = #tpu.dot_dimension_numbers<[1], [0], [0], [1], [0, 0, 1, 1], [], []>, transpose_lhs_hint = false} : vector<5000x128xf32>, vector<128x1xf32>, vector<5000x1xf32> -> vector<5000x1xf32>
    %mul3A_28 = arith.mulf %dot_general3A_27, %get3A_1 : vector<5000x1xf32>
    %swap3A = arith.constant 0 : index
    %swap3A_29 = arith.constant 0 : index
    %swap3A_30 = vector.load %arg7[%swap3A, %swap3A_29] : memref<5000x1xf32, #tpu.memory_space<vmem>>, vector<5000x1xf32>
    tpu.vector_store %arg7[%swap3A, %swap3A_29], %mul3A_28 {strides = array<i32>} : memref<5000x1xf32, #tpu.memory_space<vmem>>, vector<5000x1xf32>,
    return
  }
  func.func @transform_0(%arg0: i32) -> (i32, i32, i32) {
    %c0_i32 = arith.constant 0 : i32
    %c0_i32_0 = arith.constant 0 : i32
    %c0_i32_1 = arith.constant 0 : i32
    return %c0_i32, %arg0, %c0_i32_0 : i32, i32, i32
  }
  func.func @transform_1(%arg0: i32) -> (i32, i32, i32) {
    %c1_i32 = arith.constant 1 : i32
    %c0_i32 = arith.constant 0 : i32
    %c0_i32_0 = arith.constant 0 : i32
    return %c1_i32, %arg0, %c0_i32 : i32, i32, i32
  }
  func.func @transform_2(%arg0: i32) -> (i32, i32) {
    %c0_i32 = arith.constant 0 : i32
    %c0_i32_0 = arith.constant 0 : i32
    return %arg0, %c0_i32 : i32, i32
  }
  func.func @transform_3(%arg0: i32) -> (i32, i32) {
    %c0_i32 = arith.constant 0 : i32
    %c0_i32_0 = arith.constant 0 : i32
    return %arg0, %c0_i32 : i32, i32
  }
  func.func @transform_4(%arg0: i32) -> (i32, i32) {
    %c0_i32 = arith.constant 0 : i32
    %c0_i32_0 = arith.constant 0 : i32
    %c0_i32_1 = arith.constant 0 : i32
    return %c0_i32, %c0_i32_0 : i32, i32
  }
  func.func @transform_5(%arg0: i32) -> (i32, i32) {
    %c0_i32 = arith.constant 0 : i32
    %c0_i32_0 = arith.constant 0 : i32
    %c0_i32_1 = arith.constant 0 : i32
    return %c0_i32, %c0_i32_0 : i32, i32
  }
  func.func @transform_6(%arg0: i32) -> (i32, i32) {
    %c0_i32 = arith.constant 0 : i32
    %c0_i32_0 = arith.constant 0 : i32
    return %arg0, %c0_i32 : i32, i32
  }
}

</mosaic_0001>

<sc_bundles>
// kernel: kernel.12.cloned.1.call-start
scs
__scs_entry_jumppad:
0x0: {  	(pc) =	sbr.rel $0x88, $3  }
0x1: {  	(tag) =	ssettag $0x0;
	lr =	simm.s32 $0x1  }
0x2: {  	[smem:$0x3F99] =	sst lr;
	_ =	strace $0xD0000000  }
0x3: {  	_ = 	snop  }
0x4: {  	_ = 	snop  }
0x5: {  	_ = 	snop  }
0x6: {  	_ = 	snop  }
0x7: {  	_ = 	snop  }
__scs_overlays_trampoline_lowered:
0x8: {  	[smem:$0x3FA8] =	sst s0  }
0x9: {  	[smem:$0x3FA9] =	sst s1  }
0xa: {  	[smem:$0x3FAA] =	sst s2  }
0xb: {  	[smem:$0x3FAB] =	sst s3  }
0xc: {  	[smem:$0x3FAC] =	sst s4  }
0xd: {  	[smem:$0x3FAD] =	sst s5  }
0xe: {  	[smem:$0x3FAE] =	sst s6  }
0xf: {  	[smem:$0x3FAF] =	sst s7  }
0x10: {  	[smem:$0x3FB0] =	sst s8  }
0x11: {  	[smem:$0x3FB1] =	sst s9;
	s0 =	simm.s32 @!p0 $0x0  }
0x12: {  	s1 =	sld [smem:$0x3F97];
	s0 =	simm.s32 @p0 $0x1  }
0x13: {  	[smem:$0x3FB2] =	sst s0;
	s0 =	simm.s32 @!p1 $0x0  }
0x14: {  	s2 =	sld [smem:$0x3F96];
	s0 =	simm.s32 @p1 $0x1  }
0x15: {  	[smem:$0x3FB3] =	sst s0;
	s0 =	simm.s32 @!p2 $0x0  }
0x16: {  	s3 =	sld [smem:$0x3FDB];
	s0 =	simm.s32 @p2 $0x1  }
0x17: {  	s4 =	simm.s32 $0x1BF5;
	[smem:$0x3FB5] =	sst s0  }
0x18: {  	s0 =	sld [smem:$0x3F98];
	_ =	swait.ge [sflag:s4], $0x0  }
0x19: {  	s7 =	sld [smem:$0x3F99]  }
0x1a: {  	s8 =	sadd.s32 $0xFFFFE003, lr  }
0x1b: {  	s9 =	sadd.s32 $0xFFFFFEF7, lr;
	s5 =	simm.s32 $0xFFFFFFFF;
	p2 =	slt.u32 s8, $0xFFFFF086  }
0x1c: {  	p1 =	slt.u32 s9, $0xF7A;
	s5 =	simm.s32 @!p2 $0x0  }
0x1d: {  	s5 =	simm.s32 @p1 $0x1;
	p0 =	seq.s32 s7, s2  }
0x1e: {  	s7 =	smul.u32 @!p0 $0xF7A, s2;
	p2 =	seq.s32 @!p0 s5, $0x0  }
0x1f: {  	s9 =	smul.u32 $0xF7A, s1;
	s8 =	simm.s32 @!p0 $0x1BF5;
	p2 =	por !p2, p0  }
0x20: {  	[sflag:s8] =	ssyncset.s32 @!p0 $0xFFFFF086;
	s6 =	sadd.s32 @!p0 s3, s7;
	s7 =	simm.s32 @!p0 $0x108  }
0x21: {  	s3 =	sadd.s32 s3, s9;
	s6 =	sadd.s32 @!p0 $0x88, s6;
	s7 =	simm.s32 @p2 $0x1082  }
0x22: {  	[simem:s7], [sflag:s8] =	dma.local @!p0 [hbm:s6], $0xF7A  }
0x23: {  	s9 =	sor.u32 $0xD0000000, s2;
	s6 =	simm.s32 $0x108;
	_ =	swait.ge @!p0 [sflag:s8], $0x0  }
0x24: {  	s3 =	sadd.s32 $0x88, s3;
	s6 =	simm.s32 @!p1 $0x1082;
	[sflag:s4] =	ssyncset.s32 $0xFFFFF086  }
0x25: {  	[simem:s6], [sflag:s4] =	dma.local [hbm:s3], $0xF7A  }
0x26: {  	[smem:$0x3F99] =	sst s1;
	(tag) =	ssettag s2;
	_ =	strace s9  }
0x27: {  	s1 =	sld [smem:$0x3FA9]  }
0x28: {  	s2 =	sld [smem:$0x3FAA]  }
0x29: {  	s4 =	sld [smem:$0x3FAC]  }
0x2a: {  	p0 =	seq.s32 s5, $0x0;
	s5 =	sld [smem:$0x3FAD]  }
0x2b: {  	s6 =	sld [smem:$0x3FAE]  }
0x2c: {  	s7 =	sld [smem:$0x3FAF]  }
0x2d: {  	s3 =	simm.s32 $0x108;
	s8 =	sld [smem:$0x3FB0]  }
0x2e: {  	s3 =	simm.s32 @!p0 $0x1082;
	s9 =	sld [smem:$0x3FB1]  }
0x2f: {  	lr =	sadd.s32 s0, s3;
	s0 =	sld [smem:$0x3FA8]  }
0x30: {  	s3 =	sld [smem:$0x3FAB]  }
0x31: {  	[smem:$0x3FB4] =	sst s10  }
0x32: {  	s10 =	sld [smem:$0x3FB2];
	_ =	sdelay $0x3  }
0x33: {  	p0 =	seq.s32 s10, $0x1;
	s10 =	sld [smem:$0x3FB4];
	_ =	sdelay $0x3  }
0x34: {  	[smem:$0x3FB4] =	sst s10  }
0x35: {  	s10 =	sld [smem:$0x3FB3];
	_ =	sdelay $0x3  }
0x36: {  	p1 =	seq.s32 s10, $0x1;
	s10 =	sld [smem:$0x3FB4];
	_ =	sdelay $0x3  }
0x37: {  	[smem:$0x3FB4] =	sst s10  }
0x38: {  	s10 =	sld [smem:$0x3FB5]  }
0x39: {  	_ = 	snop;
	(pc) =	sbr.ind lr, $3  }
0x3a: {  	_ = 	snop  }
0x3b: {  	_ = 	snop  }
0x3c: {  	p2 =	seq.s32 s10, $0x1;
	s10 =	sld [smem:$0x3FB4]  }
0x3d: {  	_ =	shalt  }
0x3e: {  	_ =	shalt  }
0x3f: {  	_ =	shalt  }
0x40: {  	_ =	shalt  }
0x41: {  	_ =	shalt  }
0x42: {  	_ =	shalt  }
0x43: {  	_ =	shalt  }
0x44: {  	_ =	shalt  }
0x45: {  	_ =	shalt  }
0x46: {  	_ =	shalt  }
0x47: {  	_ =	shalt  }
0x48: {  	_ =	shalt  }
0x49: {  	_ =	shalt  }
0x4a: {  	_ =	shalt  }
0x4b: {  	_ =	shalt  }
0x4c: {  	_ =	shalt  }
0x4d: {  	_ =	shalt  }
0x4e: {  	_ =	shalt  }
0x4f: {  	_ =	shalt  }
0x50: {  	_ =	shalt  }
0x51: {  	_ =	shalt  }
0x52: {  	_ =	shalt  }
0x53: {  	_ =	shalt  }
0x54: {  	_ =	shalt  }
0x55: {  	_ =	shalt  }
0x56: {  	_ =	shalt  }
0x57: {  	_ =	shalt  }
0x58: {  	_ =	shalt  }
0x59: {  	_ =	shalt  }
0x5a: {  	_ =	shalt  }
0x5b: {  	_ =	shalt  }
0x5c: {  	_ =	shalt  }
0x5d: {  	_ =	shalt  }
0x5e: {  	_ =	shalt  }
0x5f: {  	_ =	shalt  }
0x60: {  	_ =	shalt  }
0x61: {  	_ =	shalt  }
0x62: {  	_ =	shalt  }
0x63: {  	_ =	shalt  }
0x64: {  	_ =	shalt  }
0x65: {  	_ =	shalt  }
0x66: {  	_ =	shalt  }
0x67: {  	_ =	shalt  }
0x68: {  	_ =	shalt  }
0x69: {  	_ =	shalt  }
0x6a: {  	_ =	shalt  }
0x6b: {  	_ =	shalt  }
0x6c: {  	_ =	shalt  }
0x6d: {  	_ =	shalt  }
0x6e: {  	_ =	shalt  }
0x6f: {  	_ =	shalt  }
0x70: {  	_ =	shalt  }
0x71: {  	_ =	shalt  }
0x72: {  	_ =	shalt  }
0x73: {  	_ =	shalt  }
0x74: {  	_ =	shalt  }
0x75: {  	_ =	shalt  }
0x76: {  	_ =	shalt  }
0x77: {  	_ =	shalt  }
0x78: {  	_ =	shalt  }
0x79: {  	_ =	shalt  }
0x7a: {  	_ =	shalt  }
0x7b: {  	_ =	shalt  }
0x7c: {  	_ =	shalt  }
0x7d: {  	_ =	shalt  }
0x7e: {  	_ =	shalt  }
0x7f: {  	_ =	shalt  }
0x80: {  	_ =	shalt  }
0x81: {  	_ =	shalt  }
0x82: {  	_ =	shalt  }
0x83: {  	_ =	shalt  }
0x84: {  	_ =	shalt  }
0x85: {  	_ =	shalt  }
0x86: {  	_ =	shalt  }
0x87: {  	_ =	shalt  }
.Lfunc_end0:
.L_simem_size_0:
called_computation.1_lowered:
.L_overlay_start_0:
0x88: {  	s2 =	sld [smem:$0x3FD9]  }
0x89: {  	s3 =	sld [smem:$0x3FFE];
	_ =	sdelay $0x1  }
0x8a: {  	s1 =	srdreg.scid  }
0x8b: {  	s0 =	sand.u32 $0x1, s1  }
0x8c: {  	s16 =	sshll.u32 s0, $0xA;
	s2 =	sadd.s32 s3, s2  }
0x8d: {  	s2 =	sadd.s32 s2, s16  }
0x8e: {  	[smem:$0x3FC0] =	sst s2  }
0x8f: {  	_ = 	snop  }
0x90: {  	(tm) =	ssettm $0x1  }
0x91: {  	s17 =	sld [smem:$0x3FFB];
	_ =	sdelay $0x3  }
0x92: {  	_ =	strace s17  }
0x93: {  	s2 =	sld [smem:$0x3FFC];
	_ =	sdelay $0x3  }
0x94: {  	_ =	strace s2  }
0x95: {  	s2 =	sld [smem:$0x3FFD];
	_ =	sdelay $0x3  }
0x96: {  	_ =	strace s2  }
0x97: {  	_ =	strace $0x8FFFFFFF  }
0x98: {  	s18 =	sld [smem:$0x3FDB];
	_ =	sdelay $0x1  }
0x99: {  	s19 =	simm.s32 $_scs_section_size  }
0x9a: {  	s4 =	simm.s32 $_size__tile_overlayer_lowered;
	s5 =	simm.s32 $_tile_overlayer_lowered  }
0x9b: {  	s22 =	simm.s32 $0x1BFF;
	s21 =	sshll.u32 s5, $0x1;
	s2 =	sadd.s32 s19, s18  }
0x9c: {  	s6 =	simm.s32 $0x0;
	s20 =	sshll.u32 s4, $0x1;
	s4 =	sadd.s32 s21, s2  }
0x9d: {  	[timem:s6], [sflag:s22] =	dma.local [hbm:s4], s20  }
0x9e: {  	_ =	swait.ge [sflag:s22], s20  }
0x9f: {  	s3 =	ssub.s32 $0x0, s20;
	[sflag:s22] =	ssyncset.done $0x0  }
0xa0: {  	[sflag:s22] =	ssyncadd.s32 s3;
	_ =	sdelay $0x1  }
0xa1: {  	s23 =	simm.s32 $0x1B8B  }
0xa2: {  	_ =	swait.ge [sflag:s23], $0x1  }
0xa3: {  	[sflag:s23] =	ssyncset.done $0x0  }
0xa4: {  	s25 =	simm.s32 $0x1B8E;
	s24 =	sld [smem:$0x3FFE];
	[sflag:s23] =	ssyncadd.s32 $0xFFFFFFFF  }
0xa5: {  	s26 =	simm.s32 $execute0_lowered;
	[smem:$0x3FD2] =	sst s25  }
0xa6: {  	s4 =	sshll.u32 s26, $0x1;
	_ =	strace $0x80000049;
	[dreg:$0x1] =	wrdreg $0xFFFFFFFF  }
0xa7: {  	s28 =	simm.s32 $_size_execute0_lowered;
	s2 =	sadd.s32 s2, s4;
	[dreg:$0x0] =	wrdreg $0x0  }
0xa8: {  	s4 =	sshll.u32 s28, $0x1;
	[dreg:$0x2] =	wrdreg s2  }
0xa9: {  	[dreg:$0x3] =	wrdreg s4  }
0xaa: {  	[dreg:$0x4] =	wrdreg $0xC0  }
0xab: {  	_ =	task [dreg:s6], $0x5FFFF  }
0xac: {  	[dreg:$0x1] =	wrdreg $0xFFFFFFFF  }
0xad: {  	[dreg:$0x0] =	wrdreg $0x60  }
0xae: {  	[dreg:$0x2] =	wrdreg s24  }
0xaf: {  	[dreg:$0x3] =	wrdreg $0x0  }
0xb0: {  	[dreg:$0x4] =	wrdreg $0x9  }
0xb1: {  	_ =	task.clear_ibuf [dreg:s6], $0x5FFFF;
	_ =	strace $0x90000049  }
0xb2: {  	s29 =	simm.s32 $0x9;
	_ =	strace $0x8000004B  }
0xb3: {  	_ =	swait.ge [sflag:s29], $0x1  }
0xb4: {  	[sflag:s29] =	ssyncadd.s32 $0xFFFFFFFF  }
0xb5: {  	_ =	strace $0x9000004B  }
0xb6: {  	_ =	sfence  }
0xb7: {  	s30 =	sld [smem:$0x0];
	_ =	sdelay $0x2  }
0xb8: {  	s31 =	sshll.u32 s1, $0xD;
	s1 =	sshrl.u32 s1, $0x2  }
0xb9: {  	s3 =	sand.u32 $0x4000, s31;
	s1 =	sadd.s32 s1, s30  }
0xba: {  	s0 =	sor.u32 s3, s0;
	s1 =	sshll.u32 s1, $0x11  }
0xbb: {  	s0 =	sor.u32 s1, s0  }
0xbc: {  	s0 =	sadd.s32 $0x8F2B, s0  }
0xbd: {  	[sflag:s0] =	ssyncadd.remote.s32 $0x1  }
0xbe: {  	_ =	sfence.sel $0xFFFF  }
0xbf: {  	[dreg:$0x0] =	wrdreg $0xFFFFFFFF;
	(pc) =	sbr.abs _section_cstart, $3  }
0xc0: {  	[dreg:$0x1] =	wrdreg $0xFFFFFFFF  }
0xc1: {  	_ =	task.clear_ibuf [dreg:s6], $0x2FFFF;
	_ =	strace $0x9FFFFFFF  }
0xc2: {  	(tm) =	ssettm $0x7FFFFFFF  }
0xc3: {  	_ =	shalt  }
tec
execute0_lowered:
.L_overlay_start_1:
0x0: {  	(tag) =	ssettag $0x1  }
0x1: {  	s0 =	rddreg [dreg:$0x0]  }
0x2: {  	s2 =	rddreg [dreg:$0x1];
	s1 =	srdreg.scid  }
0x3: {  	s8 =	stileid.u32;
	s3 =	simm.s32 $0x0;
	s28 =	simm.s32 $0x3  }
0x4: {  	s29 =	simm.s32 $0x1;
	s30 =	simm.s32 $0x2;
	s1 =	sand.u32 $0x1, s1  }
0x5: {  	s4 =	sshll.u32 s8, $0x1;
	[smem:$0x7FF] =	sst s3;
	s14 =	smul.u32 $0x14000, s8  }
0x6: {  	s4 =	sor.u32 s1, s4;
	s6 =	ssub.s32 $0x2, s1;
	s1 =	smul.u32 $0x140000, s1  }
0x7: {  	s31 =	simm.s32 $0x50;
	_ =	strace $0x8000004A;
	s5 =	smul.u32 $0x4E2, s4  }
0x8: {  	s4 =	sadd.s32 $0x15A00, s0;
	s7 =	sshrl.u32 s6, $0x1;
	s16 =	sor.u32 $0x2800, s14  }
0x9: {  	s17 =	sadd.s32 $0x5000, s14;
	s18 =	sadd.s32 $0x7800, s14;
	s19 =	sadd.s32 $0xA000, s14  }
0xa: {  	s20 =	sadd.s32 $0xC800, s14;
	s21 =	sadd.s32 $0xF000, s14;
	s22 =	sadd.s32 $0x11800, s14  }
0xb: {  	s6 =	ssub.s32 s6, s7;
	s7 =	sadd.s32 s14, s2;
	s8 =	sadd.s32 s16, s2  }
0xc: {  	s9 =	sadd.s32 s17, s2;
	s10 =	sadd.s32 s18, s2;
	s11 =	sadd.s32 s19, s2  }
0xd: {  	s12 =	sadd.s32 s20, s2;
	s13 =	sadd.s32 s21, s2;
	s17 =	sadd.s32 s1, s17  }
0xe: {  	s18 =	sadd.s32 s1, s18;
	s23 =	sadd.s32 s1, s19;
	s25 =	sadd.s32 s1, s20  }
0xf: {  	s26 =	sadd.s32 s1, s21;
	s5 =	sadd.s32 s5, s0;
	s0 =	sadd.s32 $0x3CC00, s0  }
0x10: {  	s24 =	sshrl.u32 s18, $0x3;
	s23 =	sshrl.u32 s23, $0x3;
	s21 =	sshrl.u32 s26, $0x3  }
0x11: {  	s26 =	simm.s32 $0x14000;
	s15 =	sadd.s32 $0x1E00, s5;
	s5 =	sadd.s32 $0xBC00, s5  }
0x12: {  	s18 =	sadd.s32 s0, s24;
	s19 =	sadd.s32 s0, s23;
	s21 =	sadd.s32 s0, s21  }
0x13: {  	s23 =	smax.u32 s6, $0x1;
	s24 =	simm.s32 $0x19000;
	[dreg:$0x3] =	wrdreg s15  }
0x14: {  	[dreg:$0x4] =	wrdreg s5;
	s15 =	sadd.s32 s14, s1;
	s5 =	sadd.s32 s1, s16  }
0x15: {  	s14 =	sadd.s32 s22, s2;
	s1 =	sadd.s32 s1, s22;
	s5 =	sshrl.u32 s5, $0x3  }
0x16: {  	s15 =	sshrl.u32 s15, $0x3;
	s1 =	sshrl.u32 s1, $0x3;
	s5 =	sadd.s32 s0, s5  }
0x17: {  	s15 =	sadd.s32 s0, s15;
	[dreg:$0x6] =	wrdreg s5;
	s5 =	sshrl.u32 s17, $0x3  }
0x18: {  	s22 =	sadd.s32 s0, s1;
	[dreg:$0x5] =	wrdreg s15;
	s5 =	sadd.s32 s0, s5  }
0x19: {  	s1 =	simm.s32 $0x4;
	[dreg:$0x7] =	wrdreg s5;
	s5 =	sshrl.u32 s25, $0x3  }
0x1a: {  	v0 =	vimm.f32 $0.0e+00;
	s25 =	simm.s32 $0x0;
	s20 =	sadd.s32 s0, s5;
	s0 =	simm.s32 $0x16800  }
.LBB2_1:
0x1b: {  	s5 =	rddreg [dreg:$0x3]  }
0x1c: {  	[tilespmem:s24], [sflag:$0x1] =	stream.linear.gather [hbm4b:s5+s3], $0x2710, $0x38;
	[tilespmem:$0x1DE20] =	vst v63  }
0x1d: {  	s17 =	rddreg [dreg:$0x4];
	s6 =	simm.s32 $0x1B710  }
0x1e: {  	[tilespmem:s6], [sflag:$0x2] =	stream.linear.gather [hbm4b:s17+s3], $0x2710, $0x38;
	[tilespmem:$0x1DE20] =	vst v63  }
0x1f: {  	s5 =	simm.s32 $0x0;
	s6 =	simm.s32 $0x200  }
.LBB2_2:
0x20: {  	p0 =	sne.s32 s6, $0x9E00;
	[tilespmem:s5+$0x14070] =	vst v0  }
0x21: {  	[tilespmem:s5+$0x14000] =	vst v0  }
0x22: {  	[tilespmem:s5+$0x14010] =	vst v0  }
.Ltmp0:
0x23: {  	[tilespmem:s5+$0x14020] =	vst v0;
	(pc) =	sbr.rel @p0 .LBB2_2-.Ltmp0, $4  }
0x24: {  	[tilespmem:s5+$0x14030] =	vst v0  }
0x25: {  	[tilespmem:s5+$0x14040] =	vst v0  }
0x26: {  	[tilespmem:s5+$0x14050] =	vst v0  }
0x27: {  	[tilespmem:s5+$0x14060] =	vst v0;
	s5 =	sshra.s32 s6, $0x2;
	s6 =	sadd.s32 $0x200, s6  }
0x28: {  	[tilespmem:s5+$0x14070] =	vst v0  }
0x29: {  	[tilespmem:s5+$0x14000] =	vst v0  }
0x2a: {  	[tilespmem:s5+$0x14010] =	vst v0  }
0x2b: {  	[tilespmem:s5+$0x14020] =	vst v0  }
0x2c: {  	[tilespmem:s5+$0x14030] =	vst v0  }
0x2d: {  	[tilespmem:s5+$0x14040] =	vst v0  }
0x2e: {  	[tilespmem:s5+$0x14050] =	vst v0  }
0x2f: {  	[tilespmem:s5+$0x14060] =	vst v0  }
0x30: {  	[spmem:s7] =	stream.linear.scatter [tilespmem:s26], [sflag:$0x3], $0x2800, $0x38;
	[tilespmem:$0x1DE20] =	vst v63  }
0x31: {  	_ = 	snop  }
0x32: {  	[spmem:s8] =	stream.linear.scatter [tilespmem:s26], [sflag:$0x3], $0x2800, $0x38;
	[tilespmem:$0x1DE20] =	vst v63  }
0x33: {  	_ = 	snop  }
0x34: {  	[spmem:s9] =	stream.linear.scatter [tilespmem:s26], [sflag:$0x3], $0x2800, $0x38;
	[tilespmem:$0x1DE20] =	vst v63  }
0x35: {  	_ = 	snop  }
0x36: {  	[spmem:s10] =	stream.linear.scatter [tilespmem:s26], [sflag:$0x3], $0x2800, $0x38;
	[tilespmem:$0x1DE20] =	vst v63  }
0x37: {  	_ = 	snop  }
0x38: {  	[spmem:s11] =	stream.linear.scatter [tilespmem:s26], [sflag:$0x3], $0x2800, $0x38;
	[tilespmem:$0x1DE20] =	vst v63  }
0x39: {  	_ = 	snop  }
0x3a: {  	[spmem:s12] =	stream.linear.scatter [tilespmem:s26], [sflag:$0x3], $0x2800, $0x38;
	[tilespmem:$0x1DE20] =	vst v63  }
0x3b: {  	_ = 	snop  }
0x3c: {  	[spmem:s13] =	stream.linear.scatter [tilespmem:s26], [sflag:$0x3], $0x2800, $0x38;
	[tilespmem:$0x1DE20] =	vst v63  }
0x3d: {  	_ = 	snop  }
0x3e: {  	[spmem:s14] =	stream.linear.scatter [tilespmem:s26], [sflag:$0x3], $0x2800, $0x38;
	[tilespmem:$0x1DE20] =	vst v63  }
0x3f: {  	_ =	swait.ge [sflag:s28], $0x2800  }
0x40: {  	[sflag:s28] =	ssyncset.done $0x0  }
0x41: {  	[sflag:s28] =	ssyncadd.s32 $0xFFFFD800  }
0x42: {  	_ =	swait.ge [sflag:s28], $0x2800  }
0x43: {  	[sflag:s28] =	ssyncset.done $0x0  }
0x44: {  	[sflag:s28] =	ssyncadd.s32 $0xFFFFD800  }
0x45: {  	_ =	swait.ge [sflag:s28], $0x2800  }
0x46: {  	[sflag:s28] =	ssyncset.done $0x0  }
0x47: {  	[sflag:s28] =	ssyncadd.s32 $0xFFFFD800  }
0x48: {  	_ =	swait.ge [sflag:s28], $0x2800  }
0x49: {  	[sflag:s28] =	ssyncset.done $0x0  }
0x4a: {  	[sflag:s28] =	ssyncadd.s32 $0xFFFFD800  }
0x4b: {  	_ =	swait.ge [sflag:s28], $0x2800  }
0x4c: {  	[sflag:s28] =	ssyncset.done $0x0  }
0x4d: {  	[sflag:s28] =	ssyncadd.s32 $0xFFFFD800  }
0x4e: {  	_ =	swait.ge [sflag:s28], $0x2800  }
0x4f: {  	[sflag:s28] =	ssyncset.done $0x0  }
0x50: {  	[sflag:s28] =	ssyncadd.s32 $0xFFFFD800  }
0x51: {  	_ =	swait.ge [sflag:s28], $0x2800  }
0x52: {  	[sflag:s28] =	ssyncset.done $0x0  }
0x53: {  	[sflag:s28] =	ssyncadd.s32 $0xFFFFD800  }
0x54: {  	_ =	swait.ge [sflag:s28], $0x2800  }
0x55: {  	[sflag:s28] =	ssyncset.done $0x0  }
0x56: {  	[sflag:s28] =	ssyncadd.s32 $0xFFFFD800  }
0x57: {  	_ =	swait.ge [sflag:s29], $0x2710  }
0x58: {  	[sflag:s29] =	ssyncset.done $0x0  }
0x59: {  	[sflag:s29] =	ssyncadd.s32 $0xFFFFD8F0  }
0x5a: {  	_ =	swait.ge [sflag:s30], $0x2710  }
0x5b: {  	[sflag:s30] =	ssyncset.done $0x0  }
0x5c: {  	[sflag:s30] =	ssyncadd.s32 $0xFFFFD8F0  }
0x5d: {  	[bflag:$0x0] =	sbarrier.arrive $0xFFFF  }
0x5e: {  	[tilespmem:s26], [sflag:$0x1] =	stream.indirect.gather [hbm4b:s4+s31], $0x80, s24, s31, $0xb8;
	[tilespmem:$0x1DE20] =	vst v63  }
0x5f: {  	s6 =	simm.s32 $0x19050  }
0x60: {  	[tilespmem:s0], [sflag:$0x2] =	stream.indirect.gather [hbm4b:s4+s31], $0x80, s6, s31, $0xb8;
	[tilespmem:$0x1DE20] =	vst v63  }
0x61: {  	_ =	swait.ge [sflag:s29], $0x2800  }
0x62: {  	[sflag:s29] =	ssyncset.done $0x0  }
0x63: {  	s15 =	simm.s32 $0x1B710;
	[sflag:s29] =	ssyncadd.s32 $0xFFFFD800  }
0x64: {  	[spmem:s2] =	stream.indirect.scatter.add.f32 [tilespmem:s26], [sflag:$0x4], $0x80, s15, s31, $0xb8;
	[tilespmem:$0x1DE20] =	vst v63  }
0x65: {  	_ =	swait.ge [sflag:s1], $0x2800  }
0x66: {  	[sflag:s1] =	ssyncset.done $0x0  }
0x67: {  	s16 =	simm.s32 $0x190A0;
	[sflag:s1] =	ssyncadd.s32 $0xFFFFD800  }
0x68: {  	[tilespmem:s26], [sflag:$0x1] =	stream.indirect.gather [hbm4b:s4+s31], $0x80, s16, s31, $0xb8;
	[tilespmem:$0x1DE20] =	vst v63  }
0x69: {  	_ =	swait.ge [sflag:s30], $0x2800  }
0x6a: {  	[sflag:s30] =	ssyncset.done $0x0  }
0x6b: {  	s17 =	simm.s32 $0x1B760;
	[sflag:s30] =	ssyncadd.s32 $0xFFFFD800  }
0x6c: {  	[spmem:s2] =	stream.indirect.scatter.add.f32 [tilespmem:s0], [sflag:$0x4], $0x80, s17, s31, $0xb8;
	[tilespmem:$0x1DE20] =	vst v63  }
0x6d: {  	_ =	swait.ge [sflag:s1], $0x2800  }
0x6e: {  	s5 =	simm.s32 $0xA0;
	s6 =	simm.s32 $0x500;
	[sflag:s1] =	ssyncset.done $0x0  }
.LBB2_4:
0x6f: {  	s15 =	sadd.s32 $0x19050, s5  }
0x70: {  	[sflag:s1] =	ssyncadd.s32 $0xFFFFD800;
	s16 =	smov.u32 s6;
	s17 =	sadd.s32 $0x280, s6  }
0x71: {  	[tilespmem:s0], [sflag:$0x2] =	stream.indirect.gather [hbm4b:s4+s31], $0x80, s15, s31, $0xb8;
	[tilespmem:$0x1DE20] =	vst v63  }
0x72: {  	p0 =	sne.s32 s6, $0x9880;
	_ =	swait.ge [sflag:s29], $0x2800  }
0x73: {  	[sflag:s29] =	ssyncset.done $0x0  }
0x74: {  	s6 =	sadd.s32 $0x1B710, s5;
	[sflag:s29] =	ssyncadd.s32 $0xFFFFD800  }
0x75: {  	[spmem:s2] =	stream.indirect.scatter.add.f32 [tilespmem:s26], [sflag:$0x4], $0x80, s6, s31, $0xb8;
	[tilespmem:$0x1DE20] =	vst v63  }
0x76: {  	_ =	swait.ge [sflag:s1], $0x2800  }
0x77: {  	[sflag:s1] =	ssyncset.done $0x0  }
0x78: {  	s6 =	sadd.s32 $0x190A0, s5;
	[sflag:s1] =	ssyncadd.s32 $0xFFFFD800  }
0x79: {  	[tilespmem:s26], [sflag:$0x1] =	stream.indirect.gather [hbm4b:s4+s31], $0x80, s6, s31, $0xb8;
	[tilespmem:$0x1DE20] =	vst v63  }
0x7a: {  	_ =	swait.ge [sflag:s30], $0x2800  }
.Ltmp1:
0x7b: {  	[sflag:s30] =	ssyncset.done $0x0;
	(pc) =	sbr.rel @p0 .LBB2_4-.Ltmp1, $4  }
0x7c: {  	s5 =	sadd.s32 $0x1B760, s5;
	[sflag:s30] =	ssyncadd.s32 $0xFFFFD800  }
0x7d: {  	[spmem:s2] =	stream.indirect.scatter.add.f32 [tilespmem:s0], [sflag:$0x4], $0x80, s5, s31, $0xb8;
	[tilespmem:$0x1DE20] =	vst v63  }
0x7e: {  	_ =	swait.ge [sflag:s1], $0x2800  }
0x7f: {  	s6 =	smov.u32 s17;
	s5 =	sshra.s32 s16, $0x2;
	[sflag:s1] =	ssyncset.done $0x0  }
0x80: {  	s6 =	sadd.s32 $0x19050, s5;
	[sflag:s1] =	ssyncadd.s32 $0xFFFFD800  }
0x81: {  	[tilespmem:s0], [sflag:$0x2] =	stream.indirect.gather [hbm4b:s4+s31], $0x80, s6, s31, $0xb8;
	[tilespmem:$0x1DE20] =	vst v63  }
0x82: {  	_ =	swait.ge [sflag:s29], $0x2800  }
0x83: {  	[sflag:s29] =	ssyncset.done $0x0  }
0x84: {  	s15 =	sadd.s32 $0x1B710, s5;
	[sflag:s29] =	ssyncadd.s32 $0xFFFFD800  }
0x85: {  	[spmem:s2] =	stream.indirect.scatter.add.f32 [tilespmem:s26], [sflag:$0x4], $0x80, s15, s31, $0xb8;
	[tilespmem:$0x1DE20] =	vst v63  }
0x86: {  	_ =	swait.ge [sflag:s1], $0x2800  }
0x87: {  	[sflag:s1] =	ssyncset.done $0x0  }
0x88: {  	s16 =	sadd.s32 $0x190A0, s5;
	[sflag:s1] =	ssyncadd.s32 $0xFFFFD800  }
0x89: {  	[tilespmem:s26], [sflag:$0x1] =	stream.indirect.gather [hbm4b:s4+s31], $0x80, s16, s31, $0xb8;
	[tilespmem:$0x1DE20] =	vst v63  }
0x8a: {  	_ =	swait.ge [sflag:s30], $0x2800  }
0x8b: {  	[sflag:s30] =	ssyncset.done $0x0  }
0x8c: {  	s17 =	sadd.s32 $0x1B760, s5;
	[sflag:s30] =	ssyncadd.s32 $0xFFFFD800  }
0x8d: {  	[spmem:s2] =	stream.indirect.scatter.add.f32 [tilespmem:s0], [sflag:$0x4], $0x80, s17, s31, $0xb8;
	[tilespmem:$0x1DE20] =	vst v63  }
0x8e: {  	_ =	swait.ge [sflag:s1], $0x2800  }
0x8f: {  	[sflag:s1] =	ssyncset.done $0x0  }
0x90: {  	[sflag:s1] =	ssyncadd.s32 $0xFFFFD800  }
0x91: {  	_ =	swait.ge [sflag:s29], $0x2800  }
0x92: {  	[sflag:s29] =	ssyncset.done $0x0  }
0x93: {  	s6 =	simm.s32 $0x1DDD0;
	[sflag:s29] =	ssyncadd.s32 $0xFFFFD800  }
0x94: {  	[spmem:s2] =	stream.indirect.scatter.add.f32 [tilespmem:s26], [sflag:$0x4], $0x80, s6, s31, $0xb8;
	[tilespmem:$0x1DE20] =	vst v63  }
0x95: {  	_ =	swait.ge [sflag:s1], $0x2800  }
0x96: {  	[sflag:s1] =	ssyncset.done $0x0  }
0x97: {  	[sflag:s1] =	ssyncadd.s32 $0xFFFFD800  }
0x98: {  	[bflag:$0x0] =	sbarrier.arrive $0xFFFF  }
0x99: {  	[tilespmem:s26], [sflag:$0x1] =	stream.linear.gather [spmem:s7], $0x2800, $0x38;
	[tilespmem:$0x1DE20] =	vst v63  }
0x9a: {  	_ =	swait.ge [sflag:s29], $0x2800  }
0x9b: {  	[sflag:s29] =	ssyncset.done $0x0  }
0x9c: {  	[sflag:s29] =	ssyncadd.s32 $0xFFFFD800  }
0x9d: {  	[tilespmem:s0], [sflag:$0x2] =	stream.linear.gather [spmem:s8], $0x2800, $0x38;
	[tilespmem:$0x1DE20] =	vst v63  }
0x9e: {  	s15 =	rddreg [dreg:$0x5]  }
0x9f: {  	[hbm4b:s15+s3] =	stream.linear.scatter [tilespmem:s26], [sflag:$0x1], $0x2800, $0x38;
	[tilespmem:$0x1DE20] =	vst v63  }
0xa0: {  	_ =	swait.ge [sflag:s30], $0x2800  }
0xa1: {  	[sflag:s30] =	ssyncset.done $0x0  }
0xa2: {  	[sflag:s30] =	ssyncadd.s32 $0xFFFFD800  }
0xa3: {  	_ =	swait.ge [sflag:s29], $0x2800  }
0xa4: {  	[sflag:s29] =	ssyncset.done $0x0  }
0xa5: {  	[sflag:s29] =	ssyncadd.s32 $0xFFFFD800  }
0xa6: {  	[tilespmem:s26], [sflag:$0x1] =	stream.linear.gather [spmem:s9], $0x2800, $0x38;
	[tilespmem:$0x1DE20] =	vst v63  }
0xa7: {  	s16 =	rddreg [dreg:$0x6]  }
0xa8: {  	[hbm4b:s16+s3] =	stream.linear.scatter [tilespmem:s0], [sflag:$0x2], $0x2800, $0x38;
	[tilespmem:$0x1DE20] =	vst v63  }
0xa9: {  	_ =	swait.ge [sflag:s29], $0x2800  }
0xaa: {  	[sflag:s29] =	ssyncset.done $0x0  }
0xab: {  	[sflag:s29] =	ssyncadd.s32 $0xFFFFD800  }
0xac: {  	_ =	swait.ge [sflag:s30], $0x2800  }
0xad: {  	[sflag:s30] =	ssyncset.done $0x0  }
0xae: {  	[sflag:s30] =	ssyncadd.s32 $0xFFFFD800  }
0xaf: {  	[tilespmem:s0], [sflag:$0x2] =	stream.linear.gather [spmem:s10], $0x2800, $0x38;
	[tilespmem:$0x1DE20] =	vst v63  }
0xb0: {  	s17 =	rddreg [dreg:$0x7]  }
0xb1: {  	[hbm4b:s17+s3] =	stream.linear.scatter [tilespmem:s26], [sflag:$0x1], $0x2800, $0x38;
	[tilespmem:$0x1DE20] =	vst v63  }
0xb2: {  	_ =	swait.ge [sflag:s30], $0x2800  }
0xb3: {  	[sflag:s30] =	ssyncset.done $0x0  }
0xb4: {  	[sflag:s30] =	ssyncadd.s32 $0xFFFFD800  }
0xb5: {  	_ =	swait.ge [sflag:s29], $0x2800  }
0xb6: {  	[sflag:s29] =	ssyncset.done $0x0  }
0xb7: {  	[sflag:s29] =	ssyncadd.s32 $0xFFFFD800  }
0xb8: {  	[tilespmem:s26], [sflag:$0x1] =	stream.linear.gather [spmem:s11], $0x2800, $0x38;
	[tilespmem:$0x1DE20] =	vst v63  }
0xb9: {  	_ = 	snop  }
0xba: {  	[hbm4b:s18+s3] =	stream.linear.scatter [tilespmem:s0], [sflag:$0x2], $0x2800, $0x38;
	[tilespmem:$0x1DE20] =	vst v63  }
0xbb: {  	_ =	swait.ge [sflag:s29], $0x2800  }
0xbc: {  	[sflag:s29] =	ssyncset.done $0x0  }
0xbd: {  	[sflag:s29] =	ssyncadd.s32 $0xFFFFD800  }
0xbe: {  	_ =	swait.ge [sflag:s30], $0x2800  }
0xbf: {  	[sflag:s30] =	ssyncset.done $0x0  }
0xc0: {  	[sflag:s30] =	ssyncadd.s32 $0xFFFFD800  }
0xc1: {  	[tilespmem:s0], [sflag:$0x2] =	stream.linear.gather [spmem:s12], $0x2800, $0x38;
	[tilespmem:$0x1DE20] =	vst v63  }
0xc2: {  	_ = 	snop  }
0xc3: {  	[hbm4b:s19+s3] =	stream.linear.scatter [tilespmem:s26], [sflag:$0x1], $0x2800, $0x38;
	[tilespmem:$0x1DE20] =	vst v63  }
0xc4: {  	_ =	swait.ge [sflag:s30], $0x2800  }
0xc5: {  	[sflag:s30] =	ssyncset.done $0x0  }
0xc6: {  	[sflag:s30] =	ssyncadd.s32 $0xFFFFD800  }
0xc7: {  	_ =	swait.ge [sflag:s29], $0x2800  }
0xc8: {  	[sflag:s29] =	ssyncset.done $0x0  }
0xc9: {  	[sflag:s29] =	ssyncadd.s32 $0xFFFFD800  }
0xca: {  	[tilespmem:s26], [sflag:$0x1] =	stream.linear.gather [spmem:s13], $0x2800, $0x38;
	[tilespmem:$0x1DE20] =	vst v63  }
0xcb: {  	_ = 	snop  }
0xcc: {  	[hbm4b:s20+s3] =	stream.linear.scatter [tilespmem:s0], [sflag:$0x2], $0x2800, $0x38;
	[tilespmem:$0x1DE20] =	vst v63  }
0xcd: {  	_ =	swait.ge [sflag:s29], $0x2800  }
0xce: {  	[sflag:s29] =	ssyncset.done $0x0  }
0xcf: {  	[sflag:s29] =	ssyncadd.s32 $0xFFFFD800  }
0xd0: {  	_ =	swait.ge [sflag:s30], $0x2800  }
0xd1: {  	[sflag:s30] =	ssyncset.done $0x0  }
0xd2: {  	[sflag:s30] =	ssyncadd.s32 $0xFFFFD800  }
0xd3: {  	[tilespmem:s0], [sflag:$0x2] =	stream.linear.gather [spmem:s14], $0x2800, $0x38;
	[tilespmem:$0x1DE20] =	vst v63  }
0xd4: {  	_ = 	snop  }
0xd5: {  	[hbm4b:s21+s3] =	stream.linear.scatter [tilespmem:s26], [sflag:$0x1], $0x2800, $0x38;
	[tilespmem:$0x1DE20] =	vst v63  }
0xd6: {  	_ =	swait.ge [sflag:s30], $0x2800  }
0xd7: {  	[sflag:s30] =	ssyncset.done $0x0  }
0xd8: {  	[sflag:s30] =	ssyncadd.s32 $0xFFFFD800  }
0xd9: {  	s25 =	sadd.s32 $0x1, s25;
	_ =	swait.ge [sflag:s29], $0x2800  }
0xda: {  	p0 =	sne.s32 s25, s23;
	[sflag:s29] =	ssyncset.done $0x0  }
.Ltmp2:
0xdb: {  	[sflag:s29] =	ssyncadd.s32 $0xFFFFD800;
	(pc) =	sbr.rel @p0 .LBB2_1-.Ltmp2, $4  }
0xdc: {  	[hbm4b:s22+s3] =	stream.linear.scatter [tilespmem:s0], [sflag:$0x2], $0x2800, $0x38;
	[tilespmem:$0x1DE20] =	vst v63  }
0xdd: {  	_ =	swait.ge [sflag:s30], $0x2800  }
0xde: {  	[sflag:s30] =	ssyncset.done $0x0  }
0xdf: {  	[sflag:s30] =	ssyncadd.s32 $0xFFFFD800  }
0xe0: {  	_ =	sfence.sel $0x180000  }
0xe1: {  	[bflag:$0x0] =	sbarrier.arrive $0xFFFF  }
0xe2: {  	_ =	strace $0x9000004A  }
0xe3: {  	s0 =	stileid.u32;
	[bflag:$0x2] =	sbarrier.arrive $0xFFFF  }
0xe4: {  	p0 =	sne.s32 s0, $0x0;
	s0 =	rddreg [dreg:$0x2]  }
0xe5: {  	s0 =	sadd.s32 @!p0 $0x100000, s0  }
0xe6: {  	[sflag:s0] =	ssyncadd.tile.s32 @!p0 $0x1;
	_ =	shalt  }
.Lfunc_end2:
_tile_overlayer_lowered:
.L_overlay_start_2:
0xe7: {  	(tag) =	ssettag $0x2  }
0xe8: {  	s0 =	rddreg [dreg:$0x0];
	s2 =	stileid.u32  }
0xe9: {  	s1 =	rddreg [dreg:$0x1];
	p0 =	sne.s32 s2, $0x0  }
0xea: {  	s3 =	rddreg [dreg:$0x2];
	[bflag:$0x3] =	sbarrier.arrive $0xFFFF;
	s2 =	simm.s32 @!p0 $0x1C04  }
0xeb: {  	[timem:s3], [sflag:s2] =	dma.local @!p0 [hbm:s0], s1  }
0xec: {  	s0 =	simm.s32 @!p0 $0x4  }
0xed: {  	_ =	swait.ge @!p0 [sflag:s0], s1  }
0xee: {  	s1 =	ssub.s32 @!p0 $0x0, s1;
	[sflag:s0] =	ssyncset.done @!p0 $0x0  }
0xef: {  	[sflag:s0] =	ssyncadd.s32 @!p0 s1  }
0xf0: {  	[bflag:$0x3] =	sbarrier.arrive $0xFFFF  }
0xf1: {  	_ =	shalt  }

// kernel: kernel.15.cloned.1.call-start
scs
__scs_entry_jumppad:
0x0: {  	(pc) =	sbr.rel $0x88, $3  }
0x1: {  	(tag) =	ssettag $0x0;
	lr =	simm.s32 $0x1  }
0x2: {  	[smem:$0x3F99] =	sst lr;
	_ =	strace $0xD0000000  }
0x3: {  	_ = 	snop  }
0x4: {  	_ = 	snop  }
0x5: {  	_ = 	snop  }
0x6: {  	_ = 	snop  }
0x7: {  	_ = 	snop  }
__scs_overlays_trampoline_lowered:
0x8: {  	[smem:$0x3FA8] =	sst s0  }
0x9: {  	[smem:$0x3FA9] =	sst s1  }
0xa: {  	[smem:$0x3FAA] =	sst s2  }
0xb: {  	[smem:$0x3FAB] =	sst s3  }
0xc: {  	[smem:$0x3FAC] =	sst s4  }
0xd: {  	[smem:$0x3FAD] =	sst s5  }
0xe: {  	[smem:$0x3FAE] =	sst s6  }
0xf: {  	[smem:$0x3FAF] =	sst s7  }
0x10: {  	[smem:$0x3FB0] =	sst s8  }
0x11: {  	[smem:$0x3FB1] =	sst s9;
	s0 =	simm.s32 @!p0 $0x0  }
0x12: {  	s1 =	sld [smem:$0x3F97];
	s0 =	simm.s32 @p0 $0x1  }
0x13: {  	[smem:$0x3FB2] =	sst s0;
	s0 =	simm.s32 @!p1 $0x0  }
0x14: {  	s2 =	sld [smem:$0x3F96];
	s0 =	simm.s32 @p1 $0x1  }
0x15: {  	[smem:$0x3FB3] =	sst s0;
	s0 =	simm.s32 @!p2 $0x0  }
0x16: {  	s3 =	sld [smem:$0x3FDB];
	s0 =	simm.s32 @p2 $0x1  }
0x17: {  	s4 =	simm.s32 $0x1BF5;
	[smem:$0x3FB5] =	sst s0  }
0x18: {  	s0 =	sld [smem:$0x3F98];
	_ =	swait.ge [sflag:s4], $0x0  }
0x19: {  	s7 =	sld [smem:$0x3F99]  }
0x1a: {  	s8 =	sadd.s32 $0xFFFFE003, lr  }
0x1b: {  	s9 =	sadd.s32 $0xFFFFFEF7, lr;
	s5 =	simm.s32 $0xFFFFFFFF;
	p2 =	slt.u32 s8, $0xFFFFF086  }
0x1c: {  	p1 =	slt.u32 s9, $0xF7A;
	s5 =	simm.s32 @!p2 $0x0  }
0x1d: {  	s5 =	simm.s32 @p1 $0x1;
	p0 =	seq.s32 s7, s2  }
0x1e: {  	s7 =	smul.u32 @!p0 $0xF7A, s2;
	p2 =	seq.s32 @!p0 s5, $0x0  }
0x1f: {  	s9 =	smul.u32 $0xF7A, s1;
	s8 =	simm.s32 @!p0 $0x1BF5;
	p2 =	por !p2, p0  }
0x20: {  	[sflag:s8] =	ssyncset.s32 @!p0 $0xFFFFF086;
	s6 =	sadd.s32 @!p0 s3, s7;
	s7 =	simm.s32 @!p0 $0x108  }
0x21: {  	s3 =	sadd.s32 s3, s9;
	s6 =	sadd.s32 @!p0 $0x88, s6;
	s7 =	simm.s32 @p2 $0x1082  }
0x22: {  	[simem:s7], [sflag:s8] =	dma.local @!p0 [hbm:s6], $0xF7A  }
0x23: {  	s9 =	sor.u32 $0xD0000000, s2;
	s6 =	simm.s32 $0x108;
	_ =	swait.ge @!p0 [sflag:s8], $0x0  }
0x24: {  	s3 =	sadd.s32 $0x88, s3;
	s6 =	simm.s32 @!p1 $0x1082;
	[sflag:s4] =	ssyncset.s32 $0xFFFFF086  }
0x25: {  	[simem:s6], [sflag:s4] =	dma.local [hbm:s3], $0xF7A  }
0x26: {  	[smem:$0x3F99] =	sst s1;
	(tag) =	ssettag s2;
	_ =	strace s9  }
0x27: {  	s1 =	sld [smem:$0x3FA9]  }
0x28: {  	s2 =	sld [smem:$0x3FAA]  }
0x29: {  	s4 =	sld [smem:$0x3FAC]  }
0x2a: {  	p0 =	seq.s32 s5, $0x0;
	s5 =	sld [smem:$0x3FAD]  }
0x2b: {  	s6 =	sld [smem:$0x3FAE]  }
0x2c: {  	s7 =	sld [smem:$0x3FAF]  }
0x2d: {  	s3 =	simm.s32 $0x108;
	s8 =	sld [smem:$0x3FB0]  }
0x2e: {  	s3 =	simm.s32 @!p0 $0x1082;
	s9 =	sld [smem:$0x3FB1]  }
0x2f: {  	lr =	sadd.s32 s0, s3;
	s0 =	sld [smem:$0x3FA8]  }
0x30: {  	s3 =	sld [smem:$0x3FAB]  }
0x31: {  	[smem:$0x3FB4] =	sst s10  }
0x32: {  	s10 =	sld [smem:$0x3FB2];
	_ =	sdelay $0x3  }
0x33: {  	p0 =	seq.s32 s10, $0x1;
	s10 =	sld [smem:$0x3FB4];
	_ =	sdelay $0x3  }
0x34: {  	[smem:$0x3FB4] =	sst s10  }
0x35: {  	s10 =	sld [smem:$0x3FB3];
	_ =	sdelay $0x3  }
0x36: {  	p1 =	seq.s32 s10, $0x1;
	s10 =	sld [smem:$0x3FB4];
	_ =	sdelay $0x3  }
0x37: {  	[smem:$0x3FB4] =	sst s10  }
0x38: {  	s10 =	sld [smem:$0x3FB5]  }
0x39: {  	_ = 	snop;
	(pc) =	sbr.ind lr, $3  }
0x3a: {  	_ = 	snop  }
0x3b: {  	_ = 	snop  }
0x3c: {  	p2 =	seq.s32 s10, $0x1;
	s10 =	sld [smem:$0x3FB4]  }
0x3d: {  	_ =	shalt  }
0x3e: {  	_ =	shalt  }
0x3f: {  	_ =	shalt  }
0x40: {  	_ =	shalt  }
0x41: {  	_ =	shalt  }
0x42: {  	_ =	shalt  }
0x43: {  	_ =	shalt  }
0x44: {  	_ =	shalt  }
0x45: {  	_ =	shalt  }
0x46: {  	_ =	shalt  }
0x47: {  	_ =	shalt  }
0x48: {  	_ =	shalt  }
0x49: {  	_ =	shalt  }
0x4a: {  	_ =	shalt  }
0x4b: {  	_ =	shalt  }
0x4c: {  	_ =	shalt  }
0x4d: {  	_ =	shalt  }
0x4e: {  	_ =	shalt  }
0x4f: {  	_ =	shalt  }
0x50: {  	_ =	shalt  }
0x51: {  	_ =	shalt  }
0x52: {  	_ =	shalt  }
0x53: {  	_ =	shalt  }
0x54: {  	_ =	shalt  }
0x55: {  	_ =	shalt  }
0x56: {  	_ =	shalt  }
0x57: {  	_ =	shalt  }
0x58: {  	_ =	shalt  }
0x59: {  	_ =	shalt  }
0x5a: {  	_ =	shalt  }
0x5b: {  	_ =	shalt  }
0x5c: {  	_ =	shalt  }
0x5d: {  	_ =	shalt  }
0x5e: {  	_ =	shalt  }
0x5f: {  	_ =	shalt  }
0x60: {  	_ =	shalt  }
0x61: {  	_ =	shalt  }
0x62: {  	_ =	shalt  }
0x63: {  	_ =	shalt  }
0x64: {  	_ =	shalt  }
0x65: {  	_ =	shalt  }
0x66: {  	_ =	shalt  }
0x67: {  	_ =	shalt  }
0x68: {  	_ =	shalt  }
0x69: {  	_ =	shalt  }
0x6a: {  	_ =	shalt  }
0x6b: {  	_ =	shalt  }
0x6c: {  	_ =	shalt  }
0x6d: {  	_ =	shalt  }
0x6e: {  	_ =	shalt  }
0x6f: {  	_ =	shalt  }
0x70: {  	_ =	shalt  }
0x71: {  	_ =	shalt  }
0x72: {  	_ =	shalt  }
0x73: {  	_ =	shalt  }
0x74: {  	_ =	shalt  }
0x75: {  	_ =	shalt  }
0x76: {  	_ =	shalt  }
0x77: {  	_ =	shalt  }
0x78: {  	_ =	shalt  }
0x79: {  	_ =	shalt  }
0x7a: {  	_ =	shalt  }
0x7b: {  	_ =	shalt  }
0x7c: {  	_ =	shalt  }
0x7d: {  	_ =	shalt  }
0x7e: {  	_ =	shalt  }
0x7f: {  	_ =	shalt  }
0x80: {  	_ =	shalt  }
0x81: {  	_ =	shalt  }
0x82: {  	_ =	shalt  }
0x83: {  	_ =	shalt  }
0x84: {  	_ =	shalt  }
0x85: {  	_ =	shalt  }
0x86: {  	_ =	shalt  }
0x87: {  	_ =	shalt  }
.Lfunc_end0:
.L_simem_size_0:
called_computation.2_lowered:
.L_overlay_start_0:
0x88: {  	s2 =	sld [smem:$0x3FD9]  }
0x89: {  	s3 =	sld [smem:$0x3FFE];
	_ =	sdelay $0x1  }
0x8a: {  	s1 =	srdreg.scid  }
0x8b: {  	s0 =	sand.u32 $0x1, s1  }
0x8c: {  	s16 =	sshll.u32 s0, $0xA;
	s2 =	sadd.s32 s3, s2  }
0x8d: {  	s2 =	sadd.s32 s2, s16  }
0x8e: {  	[smem:$0x3FC0] =	sst s2  }
0x8f: {  	_ = 	snop  }
0x90: {  	(tm) =	ssettm $0x1  }
0x91: {  	s17 =	sld [smem:$0x3FFB];
	_ =	sdelay $0x3  }
0x92: {  	_ =	strace s17  }
0x93: {  	s2 =	sld [smem:$0x3FFC];
	_ =	sdelay $0x3  }
0x94: {  	_ =	strace s2  }
0x95: {  	s2 =	sld [smem:$0x3FFD];
	_ =	sdelay $0x3  }
0x96: {  	_ =	strace s2  }
0x97: {  	_ =	strace $0x8FFFFFFF  }
0x98: {  	s18 =	sld [smem:$0x3FDB];
	_ =	sdelay $0x1  }
0x99: {  	s19 =	simm.s32 $_scs_section_size  }
0x9a: {  	s4 =	simm.s32 $_size__tile_overlayer_lowered;
	s5 =	simm.s32 $_tile_overlayer_lowered  }
0x9b: {  	s22 =	simm.s32 $0x1BFF;
	s21 =	sshll.u32 s5, $0x1;
	s2 =	sadd.s32 s19, s18  }
0x9c: {  	s6 =	simm.s32 $0x0;
	s20 =	sshll.u32 s4, $0x1;
	s4 =	sadd.s32 s21, s2  }
0x9d: {  	[timem:s6], [sflag:s22] =	dma.local [hbm:s4], s20  }
0x9e: {  	_ =	swait.ge [sflag:s22], s20  }
0x9f: {  	s3 =	ssub.s32 $0x0, s20;
	[sflag:s22] =	ssyncset.done $0x0  }
0xa0: {  	[sflag:s22] =	ssyncadd.s32 s3;
	_ =	sdelay $0x1  }
0xa1: {  	s23 =	simm.s32 $0x1B8B  }
0xa2: {  	_ =	swait.ge [sflag:s23], $0x1  }
0xa3: {  	[sflag:s23] =	ssyncset.done $0x0  }
0xa4: {  	s25 =	simm.s32 $0x1B8E;
	s24 =	sld [smem:$0x3FFE];
	[sflag:s23] =	ssyncadd.s32 $0xFFFFFFFF  }
0xa5: {  	s26 =	simm.s32 $execute0_lowered;
	[smem:$0x3FD2] =	sst s25  }
0xa6: {  	s4 =	sshll.u32 s26, $0x1;
	_ =	strace $0x8000004C;
	[dreg:$0x1] =	wrdreg $0xFFFFFFFF  }
0xa7: {  	s28 =	simm.s32 $_size_execute0_lowered;
	s2 =	sadd.s32 s2, s4;
	[dreg:$0x0] =	wrdreg $0x0  }
0xa8: {  	s4 =	sshll.u32 s28, $0x1;
	[dreg:$0x2] =	wrdreg s2  }
0xa9: {  	[dreg:$0x3] =	wrdreg s4  }
0xaa: {  	[dreg:$0x4] =	wrdreg $0xC0  }
0xab: {  	_ =	task [dreg:s6], $0x5FFFF  }
0xac: {  	[dreg:$0x1] =	wrdreg $0xFFFFFFFF  }
0xad: {  	[dreg:$0x0] =	wrdreg $0x60  }
0xae: {  	[dreg:$0x2] =	wrdreg s24  }
0xaf: {  	[dreg:$0x3] =	wrdreg $0x0  }
0xb0: {  	[dreg:$0x4] =	wrdreg $0x9  }
0xb1: {  	_ =	task.clear_ibuf [dreg:s6], $0x5FFFF;
	_ =	strace $0x9000004C  }
0xb2: {  	s29 =	simm.s32 $0x9;
	_ =	strace $0x8000004E  }
0xb3: {  	_ =	swait.ge [sflag:s29], $0x1  }
0xb4: {  	[sflag:s29] =	ssyncadd.s32 $0xFFFFFFFF  }
0xb5: {  	_ =	strace $0x9000004E  }
0xb6: {  	_ =	sfence  }
0xb7: {  	s30 =	sld [smem:$0x0];
	_ =	sdelay $0x2  }
0xb8: {  	s31 =	sshll.u32 s1, $0xD;
	s1 =	sshrl.u32 s1, $0x2  }
0xb9: {  	s3 =	sand.u32 $0x4000, s31;
	s1 =	sadd.s32 s1, s30  }
0xba: {  	s0 =	sor.u32 s3, s0;
	s1 =	sshll.u32 s1, $0x11  }
0xbb: {  	s0 =	sor.u32 s1, s0  }
0xbc: {  	s0 =	sadd.s32 $0x8F2B, s0  }
0xbd: {  	[sflag:s0] =	ssyncadd.remote.s32 $0x1  }
0xbe: {  	_ =	sfence.sel $0xFFFF  }
0xbf: {  	[dreg:$0x0] =	wrdreg $0xFFFFFFFF;
	(pc) =	sbr.abs _section_cstart, $3  }
0xc0: {  	[dreg:$0x1] =	wrdreg $0xFFFFFFFF  }
0xc1: {  	_ =	task.clear_ibuf [dreg:s6], $0x2FFFF;
	_ =	strace $0x9FFFFFFF  }
0xc2: {  	(tm) =	ssettm $0x7FFFFFFF  }
0xc3: {  	_ =	shalt  }
tec
execute0_lowered:
.L_overlay_start_1:
0x0: {  	(tag) =	ssettag $0x1  }
0x1: {  	s0 =	rddreg [dreg:$0x0]  }
0x2: {  	s2 =	rddreg [dreg:$0x1];
	s1 =	srdreg.scid  }
0x3: {  	s8 =	stileid.u32;
	s3 =	simm.s32 $0x0;
	s28 =	simm.s32 $0x3  }
0x4: {  	s29 =	simm.s32 $0x1;
	s30 =	simm.s32 $0x2;
	s1 =	sand.u32 $0x1, s1  }
0x5: {  	s4 =	sshll.u32 s8, $0x1;
	[smem:$0x7FF] =	sst s3;
	s14 =	smul.u32 $0x14000, s8  }
0x6: {  	s4 =	sor.u32 s1, s4;
	s6 =	ssub.s32 $0x2, s1;
	s1 =	smul.u32 $0x140000, s1  }
0x7: {  	s31 =	simm.s32 $0x50;
	_ =	strace $0x8000004D;
	s5 =	smul.u32 $0x4E2, s4  }
0x8: {  	s4 =	sadd.s32 $0x15A00, s0;
	s7 =	sshrl.u32 s6, $0x1;
	s16 =	sor.u32 $0x2800, s14  }
0x9: {  	s17 =	sadd.s32 $0x5000, s14;
	s18 =	sadd.s32 $0x7800, s14;
	s19 =	sadd.s32 $0xA000, s14  }
0xa: {  	s20 =	sadd.s32 $0xC800, s14;
	s21 =	sadd.s32 $0xF000, s14;
	s22 =	sadd.s32 $0x11800, s14  }
0xb: {  	s6 =	ssub.s32 s6, s7;
	s7 =	sadd.s32 s14, s2;
	s8 =	sadd.s32 s16, s2  }
0xc: {  	s9 =	sadd.s32 s17, s2;
	s10 =	sadd.s32 s18, s2;
	s11 =	sadd.s32 s19, s2  }
0xd: {  	s12 =	sadd.s32 s20, s2;
	s13 =	sadd.s32 s21, s2;
	s17 =	sadd.s32 s1, s17  }
0xe: {  	s18 =	sadd.s32 s1, s18;
	s23 =	sadd.s32 s1, s19;
	s25 =	sadd.s32 s1, s20  }
0xf: {  	s26 =	sadd.s32 s1, s21;
	s5 =	sadd.s32 s5, s0;
	s0 =	sadd.s32 $0x3CC00, s0  }
0x10: {  	s24 =	sshrl.u32 s18, $0x3;
	s23 =	sshrl.u32 s23, $0x3;
	s21 =	sshrl.u32 s26, $0x3  }
0x11: {  	s26 =	simm.s32 $0x14000;
	s15 =	sadd.s32 $0x1E00, s5;
	s5 =	sadd.s32 $0xBC00, s5  }
0x12: {  	s18 =	sadd.s32 s0, s24;
	s19 =	sadd.s32 s0, s23;
	s21 =	sadd.s32 s0, s21  }
0x13: {  	s23 =	smax.u32 s6, $0x1;
	s24 =	simm.s32 $0x19000;
	[dreg:$0x3] =	wrdreg s15  }
0x14: {  	[dreg:$0x4] =	wrdreg s5;
	s15 =	sadd.s32 s14, s1;
	s5 =	sadd.s32 s1, s16  }
0x15: {  	s14 =	sadd.s32 s22, s2;
	s1 =	sadd.s32 s1, s22;
	s5 =	sshrl.u32 s5, $0x3  }
0x16: {  	s15 =	sshrl.u32 s15, $0x3;
	s1 =	sshrl.u32 s1, $0x3;
	s5 =	sadd.s32 s0, s5  }
0x17: {  	s15 =	sadd.s32 s0, s15;
	[dreg:$0x6] =	wrdreg s5;
	s5 =	sshrl.u32 s17, $0x3  }
0x18: {  	s22 =	sadd.s32 s0, s1;
	[dreg:$0x5] =	wrdreg s15;
	s5 =	sadd.s32 s0, s5  }
0x19: {  	s1 =	simm.s32 $0x4;
	[dreg:$0x7] =	wrdreg s5;
	s5 =	sshrl.u32 s25, $0x3  }
0x1a: {  	v0 =	vimm.f32 $0.0e+00;
	s25 =	simm.s32 $0x0;
	s20 =	sadd.s32 s0, s5;
	s0 =	simm.s32 $0x16800  }
.LBB2_1:
0x1b: {  	s5 =	rddreg [dreg:$0x3]  }
0x1c: {  	[tilespmem:s24], [sflag:$0x1] =	stream.linear.gather [hbm4b:s5+s3], $0x2710, $0x38;
	[tilespmem:$0x1DE20] =	vst v63  }
0x1d: {  	s17 =	rddreg [dreg:$0x4];
	s6 =	simm.s32 $0x1B710  }
0x1e: {  	[tilespmem:s6], [sflag:$0x2] =	stream.linear.gather [hbm4b:s17+s3], $0x2710, $0x38;
	[tilespmem:$0x1DE20] =	vst v63  }
0x1f: {  	s5 =	simm.s32 $0x0;
	s6 =	simm.s32 $0x200  }
.LBB2_2:
0x20: {  	p0 =	sne.s32 s6, $0x9E00;
	[tilespmem:s5+$0x14070] =	vst v0  }
0x21: {  	[tilespmem:s5+$0x14000] =	vst v0  }
0x22: {  	[tilespmem:s5+$0x14010] =	vst v0  }
.Ltmp0:
0x23: {  	[tilespmem:s5+$0x14020] =	vst v0;
	(pc) =	sbr.rel @p0 .LBB2_2-.Ltmp0, $4  }
0x24: {  	[tilespmem:s5+$0x14030] =	vst v0  }
0x25: {  	[tilespmem:s5+$0x14040] =	vst v0  }
0x26: {  	[tilespmem:s5+$0x14050] =	vst v0  }
0x27: {  	[tilespmem:s5+$0x14060] =	vst v0;
	s5 =	sshra.s32 s6, $0x2;
	s6 =	sadd.s32 $0x200, s6  }
0x28: {  	[tilespmem:s5+$0x14070] =	vst v0  }
0x29: {  	[tilespmem:s5+$0x14000] =	vst v0  }
0x2a: {  	[tilespmem:s5+$0x14010] =	vst v0  }
0x2b: {  	[tilespmem:s5+$0x14020] =	vst v0  }
0x2c: {  	[tilespmem:s5+$0x14030] =	vst v0  }
0x2d: {  	[tilespmem:s5+$0x14040] =	vst v0  }
0x2e: {  	[tilespmem:s5+$0x14050] =	vst v0  }
0x2f: {  	[tilespmem:s5+$0x14060] =	vst v0  }
0x30: {  	[spmem:s7] =	stream.linear.scatter [tilespmem:s26], [sflag:$0x3], $0x2800, $0x38;
	[tilespmem:$0x1DE20] =	vst v63  }
0x31: {  	_ = 	snop  }
0x32: {  	[spmem:s8] =	stream.linear.scatter [tilespmem:s26], [sflag:$0x3], $0x2800, $0x38;
	[tilespmem:$0x1DE20] =	vst v63  }
0x33: {  	_ = 	snop  }
0x34: {  	[spmem:s9] =	stream.linear.scatter [tilespmem:s26], [sflag:$0x3], $0x2800, $0x38;
	[tilespmem:$0x1DE20] =	vst v63  }
0x35: {  	_ = 	snop  }
0x36: {  	[spmem:s10] =	stream.linear.scatter [tilespmem:s26], [sflag:$0x3], $0x2800, $0x38;
	[tilespmem:$0x1DE20] =	vst v63  }
0x37: {  	_ = 	snop  }
0x38: {  	[spmem:s11] =	stream.linear.scatter [tilespmem:s26], [sflag:$0x3], $0x2800, $0x38;
	[tilespmem:$0x1DE20] =	vst v63  }
0x39: {  	_ = 	snop  }
0x3a: {  	[spmem:s12] =	stream.linear.scatter [tilespmem:s26], [sflag:$0x3], $0x2800, $0x38;
	[tilespmem:$0x1DE20] =	vst v63  }
0x3b: {  	_ = 	snop  }
0x3c: {  	[spmem:s13] =	stream.linear.scatter [tilespmem:s26], [sflag:$0x3], $0x2800, $0x38;
	[tilespmem:$0x1DE20] =	vst v63  }
0x3d: {  	_ = 	snop  }
0x3e: {  	[spmem:s14] =	stream.linear.scatter [tilespmem:s26], [sflag:$0x3], $0x2800, $0x38;
	[tilespmem:$0x1DE20] =	vst v63  }
0x3f: {  	_ =	swait.ge [sflag:s28], $0x2800  }
0x40: {  	[sflag:s28] =	ssyncset.done $0x0  }
0x41: {  	[sflag:s28] =	ssyncadd.s32 $0xFFFFD800  }
0x42: {  	_ =	swait.ge [sflag:s28], $0x2800  }
0x43: {  	[sflag:s28] =	ssyncset.done $0x0  }
0x44: {  	[sflag:s28] =	ssyncadd.s32 $0xFFFFD800  }
0x45: {  	_ =	swait.ge [sflag:s28], $0x2800  }
0x46: {  	[sflag:s28] =	ssyncset.done $0x0  }
0x47: {  	[sflag:s28] =	ssyncadd.s32 $0xFFFFD800  }
0x48: {  	_ =	swait.ge [sflag:s28], $0x2800  }
0x49: {  	[sflag:s28] =	ssyncset.done $0x0  }
0x4a: {  	[sflag:s28] =	ssyncadd.s32 $0xFFFFD800  }
0x4b: {  	_ =	swait.ge [sflag:s28], $0x2800  }
0x4c: {  	[sflag:s28] =	ssyncset.done $0x0  }
0x4d: {  	[sflag:s28] =	ssyncadd.s32 $0xFFFFD800  }
0x4e: {  	_ =	swait.ge [sflag:s28], $0x2800  }
0x4f: {  	[sflag:s28] =	ssyncset.done $0x0  }
0x50: {  	[sflag:s28] =	ssyncadd.s32 $0xFFFFD800  }
0x51: {  	_ =	swait.ge [sflag:s28], $0x2800  }
0x52: {  	[sflag:s28] =	ssyncset.done $0x0  }
0x53: {  	[sflag:s28] =	ssyncadd.s32 $0xFFFFD800  }
0x54: {  	_ =	swait.ge [sflag:s28], $0x2800  }
0x55: {  	[sflag:s28] =	ssyncset.done $0x0  }
0x56: {  	[sflag:s28] =	ssyncadd.s32 $0xFFFFD800  }
0x57: {  	_ =	swait.ge [sflag:s29], $0x2710  }
0x58: {  	[sflag:s29] =	ssyncset.done $0x0  }
0x59: {  	[sflag:s29] =	ssyncadd.s32 $0xFFFFD8F0  }
0x5a: {  	_ =	swait.ge [sflag:s30], $0x2710  }
0x5b: {  	[sflag:s30] =	ssyncset.done $0x0  }
0x5c: {  	[sflag:s30] =	ssyncadd.s32 $0xFFFFD8F0  }
0x5d: {  	[bflag:$0x0] =	sbarrier.arrive $0xFFFF  }
0x5e: {  	[tilespmem:s26], [sflag:$0x1] =	stream.indirect.gather [hbm4b:s4+s31], $0x80, s24, s31, $0xb8;
	[tilespmem:$0x1DE20] =	vst v63  }
0x5f: {  	s6 =	simm.s32 $0x19050  }
0x60: {  	[tilespmem:s0], [sflag:$0x2] =	stream.indirect.gather [hbm4b:s4+s31], $0x80, s6, s31, $0xb8;
	[tilespmem:$0x1DE20] =	vst v63  }
0x61: {  	_ =	swait.ge [sflag:s29], $0x2800  }
0x62: {  	[sflag:s29] =	ssyncset.done $0x0  }
0x63: {  	s15 =	simm.s32 $0x1B710;
	[sflag:s29] =	ssyncadd.s32 $0xFFFFD800  }
0x64: {  	[spmem:s2] =	stream.indirect.scatter.add.f32 [tilespmem:s26], [sflag:$0x4], $0x80, s15, s31, $0xb8;
	[tilespmem:$0x1DE20] =	vst v63  }
0x65: {  	_ =	swait.ge [sflag:s1], $0x2800  }
0x66: {  	[sflag:s1] =	ssyncset.done $0x0  }
0x67: {  	s16 =	simm.s32 $0x190A0;
	[sflag:s1] =	ssyncadd.s32 $0xFFFFD800  }
0x68: {  	[tilespmem:s26], [sflag:$0x1] =	stream.indirect.gather [hbm4b:s4+s31], $0x80, s16, s31, $0xb8;
	[tilespmem:$0x1DE20] =	vst v63  }
0x69: {  	_ =	swait.ge [sflag:s30], $0x2800  }
0x6a: {  	[sflag:s30] =	ssyncset.done $0x0  }
0x6b: {  	s17 =	simm.s32 $0x1B760;
	[sflag:s30] =	ssyncadd.s32 $0xFFFFD800  }
0x6c: {  	[spmem:s2] =	stream.indirect.scatter.add.f32 [tilespmem:s0], [sflag:$0x4], $0x80, s17, s31, $0xb8;
	[tilespmem:$0x1DE20] =	vst v63  }
0x6d: {  	_ =	swait.ge [sflag:s1], $0x2800  }
0x6e: {  	s5 =	simm.s32 $0xA0;
	s6 =	simm.s32 $0x500;
	[sflag:s1] =	ssyncset.done $0x0  }
.LBB2_4:
0x6f: {  	s15 =	sadd.s32 $0x19050, s5  }
0x70: {  	[sflag:s1] =	ssyncadd.s32 $0xFFFFD800;
	s16 =	smov.u32 s6;
	s17 =	sadd.s32 $0x280, s6  }
0x71: {  	[tilespmem:s0], [sflag:$0x2] =	stream.indirect.gather [hbm4b:s4+s31], $0x80, s15, s31, $0xb8;
	[tilespmem:$0x1DE20] =	vst v63  }
0x72: {  	p0 =	sne.s32 s6, $0x9880;
	_ =	swait.ge [sflag:s29], $0x2800  }
0x73: {  	[sflag:s29] =	ssyncset.done $0x0  }
0x74: {  	s6 =	sadd.s32 $0x1B710, s5;
	[sflag:s29] =	ssyncadd.s32 $0xFFFFD800  }
0x75: {  	[spmem:s2] =	stream.indirect.scatter.add.f32 [tilespmem:s26], [sflag:$0x4], $0x80, s6, s31, $0xb8;
	[tilespmem:$0x1DE20] =	vst v63  }
0x76: {  	_ =	swait.ge [sflag:s1], $0x2800  }
0x77: {  	[sflag:s1] =	ssyncset.done $0x0  }
0x78: {  	s6 =	sadd.s32 $0x190A0, s5;
	[sflag:s1] =	ssyncadd.s32 $0xFFFFD800  }
0x79: {  	[tilespmem:s26], [sflag:$0x1] =	stream.indirect.gather [hbm4b:s4+s31], $0x80, s6, s31, $0xb8;
	[tilespmem:$0x1DE20] =	vst v63  }
0x7a: {  	_ =	swait.ge [sflag:s30], $0x2800  }
.Ltmp1:
0x7b: {  	[sflag:s30] =	ssyncset.done $0x0;
	(pc) =	sbr.rel @p0 .LBB2_4-.Ltmp1, $4  }
0x7c: {  	s5 =	sadd.s32 $0x1B760, s5;
	[sflag:s30] =	ssyncadd.s32 $0xFFFFD800  }
0x7d: {  	[spmem:s2] =	stream.indirect.scatter.add.f32 [tilespmem:s0], [sflag:$0x4], $0x80, s5, s31, $0xb8;
	[tilespmem:$0x1DE20] =	vst v63  }
0x7e: {  	_ =	swait.ge [sflag:s1], $0x2800  }
0x7f: {  	s6 =	smov.u32 s17;
	s5 =	sshra.s32 s16, $0x2;
	[sflag:s1] =	ssyncset.done $0x0  }
0x80: {  	s6 =	sadd.s32 $0x19050, s5;
	[sflag:s1] =	ssyncadd.s32 $0xFFFFD800  }
0x81: {  	[tilespmem:s0], [sflag:$0x2] =	stream.indirect.gather [hbm4b:s4+s31], $0x80, s6, s31, $0xb8;
	[tilespmem:$0x1DE20] =	vst v63  }
0x82: {  	_ =	swait.ge [sflag:s29], $0x2800  }
0x83: {  	[sflag:s29] =	ssyncset.done $0x0  }
0x84: {  	s15 =	sadd.s32 $0x1B710, s5;
	[sflag:s29] =	ssyncadd.s32 $0xFFFFD800  }
0x85: {  	[spmem:s2] =	stream.indirect.scatter.add.f32 [tilespmem:s26], [sflag:$0x4], $0x80, s15, s31, $0xb8;
	[tilespmem:$0x1DE20] =	vst v63  }
0x86: {  	_ =	swait.ge [sflag:s1], $0x2800  }
0x87: {  	[sflag:s1] =	ssyncset.done $0x0  }
0x88: {  	s16 =	sadd.s32 $0x190A0, s5;
	[sflag:s1] =	ssyncadd.s32 $0xFFFFD800  }
0x89: {  	[tilespmem:s26], [sflag:$0x1] =	stream.indirect.gather [hbm4b:s4+s31], $0x80, s16, s31, $0xb8;
	[tilespmem:$0x1DE20] =	vst v63  }
0x8a: {  	_ =	swait.ge [sflag:s30], $0x2800  }
0x8b: {  	[sflag:s30] =	ssyncset.done $0x0  }
0x8c: {  	s17 =	sadd.s32 $0x1B760, s5;
	[sflag:s30] =	ssyncadd.s32 $0xFFFFD800  }
0x8d: {  	[spmem:s2] =	stream.indirect.scatter.add.f32 [tilespmem:s0], [sflag:$0x4], $0x80, s17, s31, $0xb8;
	[tilespmem:$0x1DE20] =	vst v63  }
0x8e: {  	_ =	swait.ge [sflag:s1], $0x2800  }
0x8f: {  	[sflag:s1] =	ssyncset.done $0x0  }
0x90: {  	[sflag:s1] =	ssyncadd.s32 $0xFFFFD800  }
0x91: {  	_ =	swait.ge [sflag:s29], $0x2800  }
0x92: {  	[sflag:s29] =	ssyncset.done $0x0  }
0x93: {  	s6 =	simm.s32 $0x1DDD0;
	[sflag:s29] =	ssyncadd.s32 $0xFFFFD800  }
0x94: {  	[spmem:s2] =	stream.indirect.scatter.add.f32 [tilespmem:s26], [sflag:$0x4], $0x80, s6, s31, $0xb8;
	[tilespmem:$0x1DE20] =	vst v63  }
0x95: {  	_ =	swait.ge [sflag:s1], $0x2800  }
0x96: {  	[sflag:s1] =	ssyncset.done $0x0  }
0x97: {  	[sflag:s1] =	ssyncadd.s32 $0xFFFFD800  }
0x98: {  	[bflag:$0x0] =	sbarrier.arrive $0xFFFF  }
0x99: {  	[tilespmem:s26], [sflag:$0x1] =	stream.linear.gather [spmem:s7], $0x2800, $0x38;
	[tilespmem:$0x1DE20] =	vst v63  }
0x9a: {  	_ =	swait.ge [sflag:s29], $0x2800  }
0x9b: {  	[sflag:s29] =	ssyncset.done $0x0  }
0x9c: {  	[sflag:s29] =	ssyncadd.s32 $0xFFFFD800  }
0x9d: {  	[tilespmem:s0], [sflag:$0x2] =	stream.linear.gather [spmem:s8], $0x2800, $0x38;
	[tilespmem:$0x1DE20] =	vst v63  }
0x9e: {  	s15 =	rddreg [dreg:$0x5]  }
0x9f: {  	[hbm4b:s15+s3] =	stream.linear.scatter [tilespmem:s26], [sflag:$0x1], $0x2800, $0x38;
	[tilespmem:$0x1DE20] =	vst v63  }
0xa0: {  	_ =	swait.ge [sflag:s30], $0x2800  }
0xa1: {  	[sflag:s30] =	ssyncset.done $0x0  }
0xa2: {  	[sflag:s30] =	ssyncadd.s32 $0xFFFFD800  }
0xa3: {  	_ =	swait.ge [sflag:s29], $0x2800  }
0xa4: {  	[sflag:s29] =	ssyncset.done $0x0  }
0xa5: {  	[sflag:s29] =	ssyncadd.s32 $0xFFFFD800  }
0xa6: {  	[tilespmem:s26], [sflag:$0x1] =	stream.linear.gather [spmem:s9], $0x2800, $0x38;
	[tilespmem:$0x1DE20] =	vst v63  }
0xa7: {  	s16 =	rddreg [dreg:$0x6]  }
0xa8: {  	[hbm4b:s16+s3] =	stream.linear.scatter [tilespmem:s0], [sflag:$0x2], $0x2800, $0x38;
	[tilespmem:$0x1DE20] =	vst v63  }
0xa9: {  	_ =	swait.ge [sflag:s29], $0x2800  }
0xaa: {  	[sflag:s29] =	ssyncset.done $0x0  }
0xab: {  	[sflag:s29] =	ssyncadd.s32 $0xFFFFD800  }
0xac: {  	_ =	swait.ge [sflag:s30], $0x2800  }
0xad: {  	[sflag:s30] =	ssyncset.done $0x0  }
0xae: {  	[sflag:s30] =	ssyncadd.s32 $0xFFFFD800  }
0xaf: {  	[tilespmem:s0], [sflag:$0x2] =	stream.linear.gather [spmem:s10], $0x2800, $0x38;
	[tilespmem:$0x1DE20] =	vst v63  }
0xb0: {  	s17 =	rddreg [dreg:$0x7]  }
0xb1: {  	[hbm4b:s17+s3] =	stream.linear.scatter [tilespmem:s26], [sflag:$0x1], $0x2800, $0x38;
	[tilespmem:$0x1DE20] =	vst v63  }
0xb2: {  	_ =	swait.ge [sflag:s30], $0x2800  }
0xb3: {  	[sflag:s30] =	ssyncset.done $0x0  }
0xb4: {  	[sflag:s30] =	ssyncadd.s32 $0xFFFFD800  }
0xb5: {  	_ =	swait.ge [sflag:s29], $0x2800  }
0xb6: {  	[sflag:s29] =	ssyncset.done $0x0  }
0xb7: {  	[sflag:s29] =	ssyncadd.s32 $0xFFFFD800  }
0xb8: {  	[tilespmem:s26], [sflag:$0x1] =	stream.linear.gather [spmem:s11], $0x2800, $0x38;
	[tilespmem:$0x1DE20] =	vst v63  }
0xb9: {  	_ = 	snop  }
0xba: {  	[hbm4b:s18+s3] =	stream.linear.scatter [tilespmem:s0], [sflag:$0x2], $0x2800, $0x38;
	[tilespmem:$0x1DE20] =	vst v63  }
0xbb: {  	_ =	swait.ge [sflag:s29], $0x2800  }
0xbc: {  	[sflag:s29] =	ssyncset.done $0x0  }
0xbd: {  	[sflag:s29] =	ssyncadd.s32 $0xFFFFD800  }
0xbe: {  	_ =	swait.ge [sflag:s30], $0x2800  }
0xbf: {  	[sflag:s30] =	ssyncset.done $0x0  }
0xc0: {  	[sflag:s30] =	ssyncadd.s32 $0xFFFFD800  }
0xc1: {  	[tilespmem:s0], [sflag:$0x2] =	stream.linear.gather [spmem:s12], $0x2800, $0x38;
	[tilespmem:$0x1DE20] =	vst v63  }
0xc2: {  	_ = 	snop  }
0xc3: {  	[hbm4b:s19+s3] =	stream.linear.scatter [tilespmem:s26], [sflag:$0x1], $0x2800, $0x38;
	[tilespmem:$0x1DE20] =	vst v63  }
0xc4: {  	_ =	swait.ge [sflag:s30], $0x2800  }
0xc5: {  	[sflag:s30] =	ssyncset.done $0x0  }
0xc6: {  	[sflag:s30] =	ssyncadd.s32 $0xFFFFD800  }
0xc7: {  	_ =	swait.ge [sflag:s29], $0x2800  }
0xc8: {  	[sflag:s29] =	ssyncset.done $0x0  }
0xc9: {  	[sflag:s29] =	ssyncadd.s32 $0xFFFFD800  }
0xca: {  	[tilespmem:s26], [sflag:$0x1] =	stream.linear.gather [spmem:s13], $0x2800, $0x38;
	[tilespmem:$0x1DE20] =	vst v63  }
0xcb: {  	_ = 	snop  }
0xcc: {  	[hbm4b:s20+s3] =	stream.linear.scatter [tilespmem:s0], [sflag:$0x2], $0x2800, $0x38;
	[tilespmem:$0x1DE20] =	vst v63  }
0xcd: {  	_ =	swait.ge [sflag:s29], $0x2800  }
0xce: {  	[sflag:s29] =	ssyncset.done $0x0  }
0xcf: {  	[sflag:s29] =	ssyncadd.s32 $0xFFFFD800  }
0xd0: {  	_ =	swait.ge [sflag:s30], $0x2800  }
0xd1: {  	[sflag:s30] =	ssyncset.done $0x0  }
0xd2: {  	[sflag:s30] =	ssyncadd.s32 $0xFFFFD800  }
0xd3: {  	[tilespmem:s0], [sflag:$0x2] =	stream.linear.gather [spmem:s14], $0x2800, $0x38;
	[tilespmem:$0x1DE20] =	vst v63  }
0xd4: {  	_ = 	snop  }
0xd5: {  	[hbm4b:s21+s3] =	stream.linear.scatter [tilespmem:s26], [sflag:$0x1], $0x2800, $0x38;
	[tilespmem:$0x1DE20] =	vst v63  }
0xd6: {  	_ =	swait.ge [sflag:s30], $0x2800  }
0xd7: {  	[sflag:s30] =	ssyncset.done $0x0  }
0xd8: {  	[sflag:s30] =	ssyncadd.s32 $0xFFFFD800  }
0xd9: {  	s25 =	sadd.s32 $0x1, s25;
	_ =	swait.ge [sflag:s29], $0x2800  }
0xda: {  	p0 =	sne.s32 s25, s23;
	[sflag:s29] =	ssyncset.done $0x0  }
.Ltmp2:
0xdb: {  	[sflag:s29] =	ssyncadd.s32 $0xFFFFD800;
	(pc) =	sbr.rel @p0 .LBB2_1-.Ltmp2, $4  }
0xdc: {  	[hbm4b:s22+s3] =	stream.linear.scatter [tilespmem:s0], [sflag:$0x2], $0x2800, $0x38;
	[tilespmem:$0x1DE20] =	vst v63  }
0xdd: {  	_ =	swait.ge [sflag:s30], $0x2800  }
0xde: {  	[sflag:s30] =	ssyncset.done $0x0  }
0xdf: {  	[sflag:s30] =	ssyncadd.s32 $0xFFFFD800  }
0xe0: {  	_ =	sfence.sel $0x180000  }
0xe1: {  	[bflag:$0x0] =	sbarrier.arrive $0xFFFF  }
0xe2: {  	_ =	strace $0x9000004D  }
0xe3: {  	s0 =	stileid.u32;
	[bflag:$0x2] =	sbarrier.arrive $0xFFFF  }
0xe4: {  	p0 =	sne.s32 s0, $0x0;
	s0 =	rddreg [dreg:$0x2]  }
0xe5: {  	s0 =	sadd.s32 @!p0 $0x100000, s0  }
0xe6: {  	[sflag:s0] =	ssyncadd.tile.s32 @!p0 $0x1;
	_ =	shalt  }
.Lfunc_end2:
_tile_overlayer_lowered:
.L_overlay_start_2:
0xe7: {  	(tag) =	ssettag $0x2  }
0xe8: {  	s0 =	rddreg [dreg:$0x0];
	s2 =	stileid.u32  }
0xe9: {  	s1 =	rddreg [dreg:$0x1];
	p0 =	sne.s32 s2, $0x0  }
0xea: {  	s3 =	rddreg [dreg:$0x2];
	[bflag:$0x3] =	sbarrier.arrive $0xFFFF;
	s2 =	simm.s32 @!p0 $0x1C04  }
0xeb: {  	[timem:s3], [sflag:s2] =	dma.local @!p0 [hbm:s0], s1  }
0xec: {  	s0 =	simm.s32 @!p0 $0x4  }
0xed: {  	_ =	swait.ge @!p0 [sflag:s0], s1  }
0xee: {  	s1 =	ssub.s32 @!p0 $0x0, s1;
	[sflag:s0] =	ssyncset.done @!p0 $0x0  }
0xef: {  	[sflag:s0] =	ssyncadd.s32 @!p0 s1  }
0xf0: {  	[bflag:$0x3] =	sbarrier.arrive $0xFFFF  }
0xf1: {  	_ =	shalt  }

// kernel: kernel.18.cloned.1.call-start
scs
__scs_entry_jumppad:
0x0: {  	(pc) =	sbr.rel $0x88, $3  }
0x1: {  	(tag) =	ssettag $0x0;
	lr =	simm.s32 $0x1  }
0x2: {  	[smem:$0x3F99] =	sst lr;
	_ =	strace $0xD0000000  }
0x3: {  	_ = 	snop  }
0x4: {  	_ = 	snop  }
0x5: {  	_ = 	snop  }
0x6: {  	_ = 	snop  }
0x7: {  	_ = 	snop  }
__scs_overlays_trampoline_lowered:
0x8: {  	[smem:$0x3FA8] =	sst s0  }
0x9: {  	[smem:$0x3FA9] =	sst s1  }
0xa: {  	[smem:$0x3FAA] =	sst s2  }
0xb: {  	[smem:$0x3FAB] =	sst s3  }
0xc: {  	[smem:$0x3FAC] =	sst s4  }
0xd: {  	[smem:$0x3FAD] =	sst s5  }
0xe: {  	[smem:$0x3FAE] =	sst s6  }
0xf: {  	[smem:$0x3FAF] =	sst s7  }
0x10: {  	[smem:$0x3FB0] =	sst s8  }
0x11: {  	[smem:$0x3FB1] =	sst s9;
	s0 =	simm.s32 @!p0 $0x0  }
0x12: {  	s1 =	sld [smem:$0x3F97];
	s0 =	simm.s32 @p0 $0x1  }
0x13: {  	[smem:$0x3FB2] =	sst s0;
	s0 =	simm.s32 @!p1 $0x0  }
0x14: {  	s2 =	sld [smem:$0x3F96];
	s0 =	simm.s32 @p1 $0x1  }
0x15: {  	[smem:$0x3FB3] =	sst s0;
	s0 =	simm.s32 @!p2 $0x0  }
0x16: {  	s3 =	sld [smem:$0x3FDB];
	s0 =	simm.s32 @p2 $0x1  }
0x17: {  	s4 =	simm.s32 $0x1BF5;
	[smem:$0x3FB5] =	sst s0  }
0x18: {  	s0 =	sld [smem:$0x3F98];
	_ =	swait.ge [sflag:s4], $0x0  }
0x19: {  	s7 =	sld [smem:$0x3F99]  }
0x1a: {  	s8 =	sadd.s32 $0xFFFFE003, lr  }
0x1b: {  	s9 =	sadd.s32 $0xFFFFFEF7, lr;
	s5 =	simm.s32 $0xFFFFFFFF;
	p2 =	slt.u32 s8, $0xFFFFF086  }
0x1c: {  	p1 =	slt.u32 s9, $0xF7A;
	s5 =	simm.s32 @!p2 $0x0  }
0x1d: {  	s5 =	simm.s32 @p1 $0x1;
	p0 =	seq.s32 s7, s2  }
0x1e: {  	s7 =	smul.u32 @!p0 $0xF7A, s2;
	p2 =	seq.s32 @!p0 s5, $0x0  }
0x1f: {  	s9 =	smul.u32 $0xF7A, s1;
	s8 =	simm.s32 @!p0 $0x1BF5;
	p2 =	por !p2, p0  }
0x20: {  	[sflag:s8] =	ssyncset.s32 @!p0 $0xFFFFF086;
	s6 =	sadd.s32 @!p0 s3, s7;
	s7 =	simm.s32 @!p0 $0x108  }
0x21: {  	s3 =	sadd.s32 s3, s9;
	s6 =	sadd.s32 @!p0 $0x88, s6;
	s7 =	simm.s32 @p2 $0x1082  }
0x22: {  	[simem:s7], [sflag:s8] =	dma.local @!p0 [hbm:s6], $0xF7A  }
0x23: {  	s9 =	sor.u32 $0xD0000000, s2;
	s6 =	simm.s32 $0x108;
	_ =	swait.ge @!p0 [sflag:s8], $0x0  }
0x24: {  	s3 =	sadd.s32 $0x88, s3;
	s6 =	simm.s32 @!p1 $0x1082;
	[sflag:s4] =	ssyncset.s32 $0xFFFFF086  }
0x25: {  	[simem:s6], [sflag:s4] =	dma.local [hbm:s3], $0xF7A  }
0x26: {  	[smem:$0x3F99] =	sst s1;
	(tag) =	ssettag s2;
	_ =	strace s9  }
0x27: {  	s1 =	sld [smem:$0x3FA9]  }
0x28: {  	s2 =	sld [smem:$0x3FAA]  }
0x29: {  	s4 =	sld [smem:$0x3FAC]  }
0x2a: {  	p0 =	seq.s32 s5, $0x0;
	s5 =	sld [smem:$0x3FAD]  }
0x2b: {  	s6 =	sld [smem:$0x3FAE]  }
0x2c: {  	s7 =	sld [smem:$0x3FAF]  }
0x2d: {  	s3 =	simm.s32 $0x108;
	s8 =	sld [smem:$0x3FB0]  }
0x2e: {  	s3 =	simm.s32 @!p0 $0x1082;
	s9 =	sld [smem:$0x3FB1]  }
0x2f: {  	lr =	sadd.s32 s0, s3;
	s0 =	sld [smem:$0x3FA8]  }
0x30: {  	s3 =	sld [smem:$0x3FAB]  }
0x31: {  	[smem:$0x3FB4] =	sst s10  }
0x32: {  	s10 =	sld [smem:$0x3FB2];
	_ =	sdelay $0x3  }
0x33: {  	p0 =	seq.s32 s10, $0x1;
	s10 =	sld [smem:$0x3FB4];
	_ =	sdelay $0x3  }
0x34: {  	[smem:$0x3FB4] =	sst s10  }
0x35: {  	s10 =	sld [smem:$0x3FB3];
	_ =	sdelay $0x3  }
0x36: {  	p1 =	seq.s32 s10, $0x1;
	s10 =	sld [smem:$0x3FB4];
	_ =	sdelay $0x3  }
0x37: {  	[smem:$0x3FB4] =	sst s10  }
0x38: {  	s10 =	sld [smem:$0x3FB5]  }
0x39: {  	_ = 	snop;
	(pc) =	sbr.ind lr, $3  }
0x3a: {  	_ = 	snop  }
0x3b: {  	_ = 	snop  }
0x3c: {  	p2 =	seq.s32 s10, $0x1;
	s10 =	sld [smem:$0x3FB4]  }
0x3d: {  	_ =	shalt  }
0x3e: {  	_ =	shalt  }
0x3f: {  	_ =	shalt  }
0x40: {  	_ =	shalt  }
0x41: {  	_ =	shalt  }
0x42: {  	_ =	shalt  }
0x43: {  	_ =	shalt  }
0x44: {  	_ =	shalt  }
0x45: {  	_ =	shalt  }
0x46: {  	_ =	shalt  }
0x47: {  	_ =	shalt  }
0x48: {  	_ =	shalt  }
0x49: {  	_ =	shalt  }
0x4a: {  	_ =	shalt  }
0x4b: {  	_ =	shalt  }
0x4c: {  	_ =	shalt  }
0x4d: {  	_ =	shalt  }
0x4e: {  	_ =	shalt  }
0x4f: {  	_ =	shalt  }
0x50: {  	_ =	shalt  }
0x51: {  	_ =	shalt  }
0x52: {  	_ =	shalt  }
0x53: {  	_ =	shalt  }
0x54: {  	_ =	shalt  }
0x55: {  	_ =	shalt  }
0x56: {  	_ =	shalt  }
0x57: {  	_ =	shalt  }
0x58: {  	_ =	shalt  }
0x59: {  	_ =	shalt  }
0x5a: {  	_ =	shalt  }
0x5b: {  	_ =	shalt  }
0x5c: {  	_ =	shalt  }
0x5d: {  	_ =	shalt  }
0x5e: {  	_ =	shalt  }
0x5f: {  	_ =	shalt  }
0x60: {  	_ =	shalt  }
0x61: {  	_ =	shalt  }
0x62: {  	_ =	shalt  }
0x63: {  	_ =	shalt  }
0x64: {  	_ =	shalt  }
0x65: {  	_ =	shalt  }
0x66: {  	_ =	shalt  }
0x67: {  	_ =	shalt  }
0x68: {  	_ =	shalt  }
0x69: {  	_ =	shalt  }
0x6a: {  	_ =	shalt  }
0x6b: {  	_ =	shalt  }
0x6c: {  	_ =	shalt  }
0x6d: {  	_ =	shalt  }
0x6e: {  	_ =	shalt  }
0x6f: {  	_ =	shalt  }
0x70: {  	_ =	shalt  }
0x71: {  	_ =	shalt  }
0x72: {  	_ =	shalt  }
0x73: {  	_ =	shalt  }
0x74: {  	_ =	shalt  }
0x75: {  	_ =	shalt  }
0x76: {  	_ =	shalt  }
0x77: {  	_ =	shalt  }
0x78: {  	_ =	shalt  }
0x79: {  	_ =	shalt  }
0x7a: {  	_ =	shalt  }
0x7b: {  	_ =	shalt  }
0x7c: {  	_ =	shalt  }
0x7d: {  	_ =	shalt  }
0x7e: {  	_ =	shalt  }
0x7f: {  	_ =	shalt  }
0x80: {  	_ =	shalt  }
0x81: {  	_ =	shalt  }
0x82: {  	_ =	shalt  }
0x83: {  	_ =	shalt  }
0x84: {  	_ =	shalt  }
0x85: {  	_ =	shalt  }
0x86: {  	_ =	shalt  }
0x87: {  	_ =	shalt  }
.Lfunc_end0:
.L_simem_size_0:
called_computation.3_lowered:
.L_overlay_start_0:
0x88: {  	s2 =	sld [smem:$0x3FD9]  }
0x89: {  	s3 =	sld [smem:$0x3FFE];
	_ =	sdelay $0x1  }
0x8a: {  	s1 =	srdreg.scid  }
0x8b: {  	s0 =	sand.u32 $0x1, s1  }
0x8c: {  	s16 =	sshll.u32 s0, $0xA;
	s2 =	sadd.s32 s3, s2  }
0x8d: {  	s2 =	sadd.s32 s2, s16  }
0x8e: {  	[smem:$0x3FC0] =	sst s2  }
0x8f: {  	_ = 	snop  }
0x90: {  	(tm) =	ssettm $0x1  }
0x91: {  	s17 =	sld [smem:$0x3FFB];
	_ =	sdelay $0x3  }
0x92: {  	_ =	strace s17  }
0x93: {  	s2 =	sld [smem:$0x3FFC];
	_ =	sdelay $0x3  }
0x94: {  	_ =	strace s2  }
0x95: {  	s2 =	sld [smem:$0x3FFD];
	_ =	sdelay $0x3  }
0x96: {  	_ =	strace s2  }
0x97: {  	_ =	strace $0x8FFFFFFF  }
0x98: {  	s18 =	sld [smem:$0x3FDB];
	_ =	sdelay $0x1  }
0x99: {  	s19 =	simm.s32 $_scs_section_size  }
0x9a: {  	s4 =	simm.s32 $_size__tile_overlayer_lowered;
	s5 =	simm.s32 $_tile_overlayer_lowered  }
0x9b: {  	s22 =	simm.s32 $0x1BFF;
	s21 =	sshll.u32 s5, $0x1;
	s2 =	sadd.s32 s19, s18  }
0x9c: {  	s6 =	simm.s32 $0x0;
	s20 =	sshll.u32 s4, $0x1;
	s4 =	sadd.s32 s21, s2  }
0x9d: {  	[timem:s6], [sflag:s22] =	dma.local [hbm:s4], s20  }
0x9e: {  	_ =	swait.ge [sflag:s22], s20  }
0x9f: {  	s3 =	ssub.s32 $0x0, s20;
	[sflag:s22] =	ssyncset.done $0x0  }
0xa0: {  	[sflag:s22] =	ssyncadd.s32 s3;
	_ =	sdelay $0x1  }
0xa1: {  	s23 =	simm.s32 $0x1B8B  }
0xa2: {  	_ =	swait.ge [sflag:s23], $0x1  }
0xa3: {  	[sflag:s23] =	ssyncset.done $0x0  }
0xa4: {  	s25 =	simm.s32 $0x1B8E;
	s24 =	sld [smem:$0x3FFE];
	[sflag:s23] =	ssyncadd.s32 $0xFFFFFFFF  }
0xa5: {  	s26 =	simm.s32 $execute0_lowered;
	[smem:$0x3FD2] =	sst s25  }
0xa6: {  	s4 =	sshll.u32 s26, $0x1;
	_ =	strace $0x8000004F;
	[dreg:$0x1] =	wrdreg $0xFFFFFFFF  }
0xa7: {  	s28 =	simm.s32 $_size_execute0_lowered;
	s2 =	sadd.s32 s2, s4;
	[dreg:$0x0] =	wrdreg $0x0  }
0xa8: {  	s4 =	sshll.u32 s28, $0x1;
	[dreg:$0x2] =	wrdreg s2  }
0xa9: {  	[dreg:$0x3] =	wrdreg s4  }
0xaa: {  	[dreg:$0x4] =	wrdreg $0xC0  }
0xab: {  	_ =	task [dreg:s6], $0x5FFFF  }
0xac: {  	[dreg:$0x1] =	wrdreg $0xFFFFFFFF  }
0xad: {  	[dreg:$0x0] =	wrdreg $0x60  }
0xae: {  	[dreg:$0x2] =	wrdreg s24  }
0xaf: {  	[dreg:$0x3] =	wrdreg $0x0  }
0xb0: {  	[dreg:$0x4] =	wrdreg $0x9  }
0xb1: {  	_ =	task.clear_ibuf [dreg:s6], $0x5FFFF;
	_ =	strace $0x9000004F  }
0xb2: {  	s29 =	simm.s32 $0x9;
	_ =	strace $0x80000051  }
0xb3: {  	_ =	swait.ge [sflag:s29], $0x1  }
0xb4: {  	[sflag:s29] =	ssyncadd.s32 $0xFFFFFFFF  }
0xb5: {  	_ =	strace $0x90000051  }
0xb6: {  	_ =	sfence  }
0xb7: {  	s30 =	sld [smem:$0x0];
	_ =	sdelay $0x2  }
0xb8: {  	s31 =	sshll.u32 s1, $0xD;
	s1 =	sshrl.u32 s1, $0x2  }
0xb9: {  	s3 =	sand.u32 $0x4000, s31;
	s1 =	sadd.s32 s1, s30  }
0xba: {  	s0 =	sor.u32 s3, s0;
	s1 =	sshll.u32 s1, $0x11  }
0xbb: {  	s0 =	sor.u32 s1, s0  }
0xbc: {  	s0 =	sadd.s32 $0x8F2B, s0  }
0xbd: {  	[sflag:s0] =	ssyncadd.remote.s32 $0x1  }
0xbe: {  	_ =	sfence.sel $0xFFFF  }
0xbf: {  	[dreg:$0x0] =	wrdreg $0xFFFFFFFF;
	(pc) =	sbr.abs _section_cstart, $3  }
0xc0: {  	[dreg:$0x1] =	wrdreg $0xFFFFFFFF  }
0xc1: {  	_ =	task.clear_ibuf [dreg:s6], $0x2FFFF;
	_ =	strace $0x9FFFFFFF  }
0xc2: {  	(tm) =	ssettm $0x7FFFFFFF  }
0xc3: {  	_ =	shalt  }
tec
execute0_lowered:
.L_overlay_start_1:
0x0: {  	(tag) =	ssettag $0x1  }
0x1: {  	s6 =	rddreg [dreg:$0x0]  }
0x2: {  	s2 =	rddreg [dreg:$0x1]  }
0x3: {  	s0 =	rddreg [dreg:$0x2];
	s3 =	simm.s32 $0x0;
	s1 =	stileid.u32  }
0x4: {  	s7 =	srdreg.scid;
	s13 =	simm.s32 $0x280;
	s14 =	simm.s32 $0x1  }
0x5: {  	s15 =	simm.s32 $0x2A80;
	s16 =	simm.s32 $0x52D0;
	s17 =	simm.s32 $0xA0F0  }
0x6: {  	s19 =	simm.s32 $0x5280;
	s20 =	simm.s32 $0xEF10;
	s21 =	simm.s32 $0xF690  }
0x7: {  	s22 =	simm.s32 $0xF410;
	s23 =	simm.s32 $0x0;
	s5 =	smul.u32 $0x9C4, s1  }
0x8: {  	[smem:$0x7FF] =	sst s3;
	s10 =	smul.u32 $0x280, s1;
	s4 =	sadd.s32 $0x15A00, s6  }
0x9: {  	s18 =	sand.u32 $0x1, s7;
	s31 =	smul.u32 $0xA00, s1;
	_ =	strace $0x80000050  }
0xa: {  	s9 =	ssub.s32 $0x2, s18;
	p0 =	sne.s32 s18, $0x0;
	s18 =	simm.s32 $0x50  }
.Ltmp0:
0xb: {  	s8 =	sadd.s32 s5, s6;
	s5 =	sadd.s32 $0x16000, s6;
	(pc) =	sbr.rel .LBB2_1-.Ltmp0, $4  }
0xc: {  	s11 =	sshrl.u32 s10, $0x3;
	s12 =	sshrl.u32 s9, $0x1;
	s7 =	sshrl.u32 s31, $0x2  }
0xd: {  	v0 =	vlaneseq.u32;
	s10 =	sadd.s32 $0x2A80, s10;
	s11 =	sadd.s32 s11, s6;
	s12 =	ssub.s32 s9, s12  }
0xe: {  	v1 =	vimm.f32 $0.0e+00;
	v2 =	vor.u32 $0x10, v0;
	s6 =	sadd.s32 s7, s2;
	s7 =	sadd.s32 $0x1E00, s8;
	s8 =	sadd.s32 $0xBC00, s8  }
0xf: {  	v3 =	vor.u32 $0x20, v0;
	v4 =	vor.u32 $0x30, v0;
	v5 =	vor.u32 $0x40, v0;
	s9 =	sadd.s32 $0x8CC00, s11;
	s11 =	sadd.s32 $0x16200, s11;
	s12 =	smax.u32 s12, $0x1  }
.LBB2_8:
0x10: {  	v8 =	vld [tilespmem:s29+$0xEF10]  }
0x11: {  	s24 =	sadd.s32 $0x10, s24  }
0x12: {  	v9 =	vld [tilespmem:s24+$0x0];
	_ =	sdelay $0x2  }
0x13: {  	v7 =	vadd.f32 v7, v8;
	_ =	sdelay $0x1  }
0x14: {  	v7 =	vmul.f32 v7, v9;
	_ =	sdelay $0x1  }
0x15: {  	v6 =	vadd.f32 v7, v6  }
0x16: {  	s31 =	sadd.s32 $0x10, s25  }
0x17: {  	[tilespmem:s31+$0x0] =	vst v6  }
0x18: {  	[hbm4b:s11+s3] =	stream.linear.scatter [tilespmem:s22], [sflag:$0x1], $0x280, $0x38;
	[tilespmem:$0xF6A0] =	vst v63  }
0x19: {  	_ =	swait.ge [sflag:s14], $0x280  }
0x1a: {  	[sflag:s14] =	ssyncset.done $0x0  }
0x1b: {  	[sflag:s14] =	ssyncadd.s32 $0xFFFFFD80  }
.LBB2_9:
0x1c: {  	s23 =	sadd.s32 $0x1, s23  }
0x1d: {  	p1 =	sne.s32 s23, s12  }
.Ltmp1:
0x1e: {  	_ = 	snop;
	(pc) =	sbr.rel @!p1 .LBB2_10-.Ltmp1, $1  }
0x1f: {  	_ =	sdelay $0x3  }
.LBB2_1:
0x20: {  	s24 =	simm.s32 $0x0;
	s25 =	simm.s32 $0x200  }
.LBB2_2:
0x21: {  	p1 =	sne.s32 s25, $0x9E00;
	[tilespmem:s24+$0x2F0] =	vst v1  }
0x22: {  	[tilespmem:s24+$0x280] =	vst v1  }
0x23: {  	[tilespmem:s24+$0x290] =	vst v1  }
.Ltmp2:
0x24: {  	[tilespmem:s24+$0x2A0] =	vst v1;
	(pc) =	sbr.rel @p1 .LBB2_2-.Ltmp2, $4  }
0x25: {  	[tilespmem:s24+$0x2B0] =	vst v1  }
0x26: {  	[tilespmem:s24+$0x2C0] =	vst v1  }
0x27: {  	[tilespmem:s24+$0x2D0] =	vst v1  }
0x28: {  	[tilespmem:s24+$0x2E0] =	vst v1;
	s24 =	sshra.s32 s25, $0x2;
	s25 =	sadd.s32 $0x200, s25  }
0x29: {  	[tilespmem:s24+$0x2F0] =	vst v1  }
0x2a: {  	[tilespmem:s24+$0x280] =	vst v1  }
0x2b: {  	[tilespmem:s24+$0x290] =	vst v1  }
0x2c: {  	[tilespmem:s24+$0x2A0] =	vst v1  }
0x2d: {  	[tilespmem:s24+$0x2B0] =	vst v1  }
0x2e: {  	[tilespmem:s24+$0x2C0] =	vst v1  }
0x2f: {  	[tilespmem:s24+$0x2D0] =	vst v1  }
0x30: {  	[tilespmem:s24+$0x2E0] =	vst v1  }
0x31: {  	[tilespmem:$0x5280] =	vst v0  }
0x32: {  	[tilespmem:$0x5290] =	vst v2  }
0x33: {  	[tilespmem:$0x52A0] =	vst v3  }
0x34: {  	[tilespmem:$0x52B0] =	vst v4  }
0x35: {  	[tilespmem:$0x52C0] =	vst v5  }
0x36: {  	[spmem:s6] =	stream.linear.scatter [tilespmem:s13], [sflag:$0x1], $0x280, $0x38;
	[tilespmem:$0xF6A0] =	vst v63  }
0x37: {  	_ =	swait.ge [sflag:s14], $0x280  }
0x38: {  	[sflag:s14] =	ssyncset.done $0x0  }
0x39: {  	s24 =	simm.s32 $0x0;
	[sflag:s14] =	ssyncadd.s32 $0xFFFFFD80  }
0x3a: {  	[tilespmem:s15], [sflag:$0x1] =	stream.linear.gather [hbm4b:s4+s24], $0x2710, $0x38;
	[tilespmem:$0xF6A0] =	vst v63  }
0x3b: {  	_ =	swait.ge [sflag:s14], $0x2710  }
0x3c: {  	[sflag:s14] =	ssyncset.done $0x0  }
0x3d: {  	[sflag:s14] =	ssyncadd.s32 $0xFFFFD8F0  }
0x3e: {  	[tilespmem:s16], [sflag:$0x1] =	stream.linear.gather [hbm4b:s7+s24], $0x4E20, $0x38;
	[tilespmem:$0xF6A0] =	vst v63  }
0x3f: {  	_ =	swait.ge [sflag:s14], $0x4E20  }
0x40: {  	[sflag:s14] =	ssyncset.done $0x0  }
0x41: {  	[sflag:s14] =	ssyncadd.s32 $0xFFFFB1E0  }
0x42: {  	[tilespmem:s17], [sflag:$0x1] =	stream.linear.gather [hbm4b:s8+s24], $0x4E20, $0x38;
	[tilespmem:$0xF6A0] =	vst v63  }
0x43: {  	_ =	swait.ge [sflag:s14], $0x4E20  }
0x44: {  	[sflag:s14] =	ssyncset.done $0x0  }
0x45: {  	[sflag:s14] =	ssyncadd.s32 $0xFFFFB1E0  }
0x46: {  	[bflag:$0x0] =	sbarrier.arrive $0xFFFF  }
.LBB2_4:
0x47: {  	s25 =	sshra.s32 s24, $0x2  }
0x48: {  	v6 =	vld [tilespmem:s25+$0x52D0];
	_ =	sdelay $0x4  }
0x49: {  	v7 =	vld [tilespmem:s25+$0xA0F0];
	_ =	sdelay $0x2  }
0x4a: {  	v6 =	vld.idx.msk [tilespmem:v6+s15+$0x0], $0xffff;
	_ =	sdelay $0x4  }
0x4b: {  	[tilespmem:v7+s13+$0x0] =	vst.idx.add.f32.msk $0xffff, v6  }
0x4c: {  	v6 =	vld [tilespmem:s25+$0x52E0];
	_ =	sdelay $0x4  }
0x4d: {  	v7 =	vld [tilespmem:s25+$0xA100];
	_ =	sdelay $0x2  }
0x4e: {  	v6 =	vld.idx.msk [tilespmem:v6+s15+$0x0], $0xffff;
	_ =	sdelay $0x4  }
0x4f: {  	[tilespmem:v7+s13+$0x0] =	vst.idx.add.f32.msk $0xffff, v6  }
0x50: {  	v6 =	vld [tilespmem:s25+$0x52F0];
	_ =	sdelay $0x4  }
0x51: {  	v7 =	vld [tilespmem:s25+$0xA110];
	_ =	sdelay $0x2  }
0x52: {  	v6 =	vld.idx.msk [tilespmem:v6+s15+$0x0], $0xffff;
	_ =	sdelay $0x4  }
0x53: {  	[tilespmem:v7+s13+$0x0] =	vst.idx.add.f32.msk $0xffff, v6  }
0x54: {  	v6 =	vld [tilespmem:s25+$0x5300];
	_ =	sdelay $0x4  }
0x55: {  	v7 =	vld [tilespmem:s25+$0xA120];
	_ =	sdelay $0x2  }
0x56: {  	v6 =	vld.idx.msk [tilespmem:v6+s15+$0x0], $0xffff;
	_ =	sdelay $0x4  }
0x57: {  	[tilespmem:v7+s13+$0x0] =	vst.idx.add.f32.msk $0xffff, v6  }
0x58: {  	v6 =	vld [tilespmem:s25+$0x5310];
	_ =	sdelay $0x4  }
0x59: {  	v7 =	vld [tilespmem:s25+$0xA130];
	_ =	sdelay $0x2  }
0x5a: {  	p1 =	sne.s32 s24, $0x13740;
	v6 =	vld.idx.msk [tilespmem:v6+s15+$0x0], $0xffff  }
.Ltmp3:
0x5b: {  	_ = 	snop;
	(pc) =	sbr.rel @p1 .LBB2_4-.Ltmp3, $2  }
0x5c: {  	_ =	sdelay $0x2  }
0x5d: {  	s24 =	sadd.s32 $0x140, s24;
	[tilespmem:v7+s13+$0x0] =	vst.idx.add.f32.msk $0xffff, v6  }
0x5e: {  	[bflag:$0x0] =	sbarrier.arrive $0xFFFF  }
0x5f: {  	[spmem:s2] =	stream.indirect.scatter.add.f32 [tilespmem:s13], [sflag:$0x1], $0x80, s19, s18, $0xb8;
	[tilespmem:$0xF6A0] =	vst v63  }
.Ltmp4:
0x60: {  	_ =	swait.ge [sflag:s14], $0x2800;
	(pc) =	sbr.rel @p0 .LBB2_9-.Ltmp4, $3  }
0x61: {  	[sflag:s14] =	ssyncset.done $0x0  }
0x62: {  	[sflag:s14] =	ssyncadd.s32 $0xFFFFD800  }
0x63: {  	[bflag:$0x0] =	sbarrier.arrive $0xFFFF;
	_ =	sdelay $0x1  }
0x64: {  	[tilespmem:s20], [sflag:$0x1] =	stream.linear.gather [spmem:s6], $0x280, $0x38;
	[tilespmem:$0xF6A0] =	vst v63  }
0x65: {  	_ =	swait.ge [sflag:s14], $0x280  }
0x66: {  	[sflag:s14] =	ssyncset.done $0x0  }
0x67: {  	s25 =	simm.s32 $0x0;
	s24 =	simm.s32 $0xF190;
	[sflag:s14] =	ssyncadd.s32 $0xFFFFFD80  }
0x68: {  	[tilespmem:s24], [sflag:$0x1] =	stream.linear.gather [hbm4b:s9+s25], $0x280, $0x38;
	[tilespmem:$0xF6A0] =	vst v63  }
0x69: {  	_ =	swait.ge [sflag:s14], $0x280  }
0x6a: {  	[sflag:s14] =	ssyncset.done $0x0  }
0x6b: {  	[sflag:s14] =	ssyncadd.s32 $0xFFFFFD80  }
0x6c: {  	[tilespmem:s21], [sflag:$0x1] =	stream.linear.gather [hbm4b:s5+s25], $0x10, $0x38;
	[tilespmem:$0xF6A0] =	vst v63  }
0x6d: {  	_ =	swait.ge [sflag:s14], $0x10  }
0x6e: {  	[sflag:s14] =	ssyncset.done $0x0  }
0x6f: {  	[sflag:s14] =	ssyncadd.s32 $0xFFFFFFF0  }
0x70: {  	s25 =	sand.u32 $0x3F0, s25;
	v7 =	vld [tilespmem:s10+$0x0]  }
0x71: {  	v8 =	vld [tilespmem:s25+$0xEF10];
	_ =	sdelay $0x1  }
0x72: {  	v9 =	vld [tilespmem:s24+$0x0];
	_ =	sdelay $0x1  }
0x73: {  	v6 =	vld [tilespmem:$0xF690]  }
0x74: {  	v7 =	vadd.f32 v7, v8;
	_ =	sdelay $0x1  }
0x75: {  	v7 =	vmul.f32 v7, v9;
	_ =	sdelay $0x1  }
0x76: {  	v7 =	vadd.f32 v7, v6  }
0x77: {  	s25 =	simm.s32 $0xF410  }
0x78: {  	s28 =	simm.s32 $0x10;
	s26 =	sadd.s32 $0x10, s10;
	[tilespmem:s25+$0x0] =	vst v7  }
0x79: {  	s29 =	sand.u32 $0x3F0, s28;
	s28 =	simm.s32 $0x20;
	v7 =	vld [tilespmem:s26+$0x0]  }
.LBB2_7:
0x7a: {  	p1 =	sne.s32 s28, $0x270;
	v8 =	vld [tilespmem:s29+$0xEF10]  }
0x7b: {  	s24 =	sadd.s32 $0x10, s24  }
0x7c: {  	v9 =	vld [tilespmem:s24+$0x0];
	_ =	sdelay $0x2  }
0x7d: {  	v7 =	vadd.f32 v7, v8;
	_ =	sdelay $0x1  }
0x7e: {  	v7 =	vmul.f32 v7, v9  }
.Ltmp5:
0x7f: {  	(pc) =	sbr.rel @p1 .LBB2_7-.Ltmp5, $4  }
0x80: {  	v7 =	vadd.f32 v7, v6  }
0x81: {  	s25 =	sadd.s32 $0x10, s25  }
0x82: {  	s26 =	sadd.s32 $0x10, s26;
	[tilespmem:s25+$0x0] =	vst v7  }
0x83: {  	s29 =	sand.u32 $0x3F0, s28;
	s28 =	sadd.s32 $0x10, s28;
	v7 =	vld [tilespmem:s26+$0x0]  }
.Ltmp6:
0x84: {  	_ = 	snop;
	(pc) =	sbr.rel .LBB2_8-.Ltmp6, $1  }
0x85: {  	_ =	sdelay $0x3  }
.LBB2_10:
0x86: {  	_ =	sfence.sel $0x180000  }
0x87: {  	[bflag:$0x0] =	sbarrier.arrive $0xFFFF  }
0x88: {  	p0 =	sne.s32 s1, $0x0;
	_ =	strace $0x90000050  }
0x89: {  	s0 =	sadd.s32 @!p0 $0x100000, s0;
	[bflag:$0x2] =	sbarrier.arrive $0xFFFF  }
0x8a: {  	[sflag:s0] =	ssyncadd.tile.s32 @!p0 $0x1;
	_ =	shalt  }
.Lfunc_end2:
_tile_overlayer_lowered:
.L_overlay_start_2:
0x8b: {  	(tag) =	ssettag $0x2  }
0x8c: {  	s0 =	rddreg [dreg:$0x0];
	s2 =	stileid.u32  }
0x8d: {  	s1 =	rddreg [dreg:$0x1];
	p0 =	sne.s32 s2, $0x0  }
0x8e: {  	s3 =	rddreg [dreg:$0x2];
	[bflag:$0x3] =	sbarrier.arrive $0xFFFF;
	s2 =	simm.s32 @!p0 $0x1C01  }
0x8f: {  	[timem:s3], [sflag:s2] =	dma.local @!p0 [hbm:s0], s1  }
0x90: {  	s0 =	simm.s32 @!p0 $0x1  }
0x91: {  	_ =	swait.ge @!p0 [sflag:s0], s1  }
0x92: {  	s1 =	ssub.s32 @!p0 $0x0, s1;
	[sflag:s0] =	ssyncset.done @!p0 $0x0  }
0x93: {  	[sflag:s0] =	ssyncadd.s32 @!p0 s1  }
0x94: {  	[bflag:$0x3] =	sbarrier.arrive $0xFFFF  }
0x95: {  	_ =	shalt  }

// kernel: kernel.9.cloned.1.call-start
scs
__scs_entry_jumppad:
0x0: {  	(pc) =	sbr.rel $0x88, $3  }
0x1: {  	(tag) =	ssettag $0x0;
	lr =	simm.s32 $0x1  }
0x2: {  	[smem:$0x3F99] =	sst lr;
	_ =	strace $0xD0000000  }
0x3: {  	_ = 	snop  }
0x4: {  	_ = 	snop  }
0x5: {  	_ = 	snop  }
0x6: {  	_ = 	snop  }
0x7: {  	_ = 	snop  }
__scs_overlays_trampoline_lowered:
0x8: {  	[smem:$0x3FA8] =	sst s0  }
0x9: {  	[smem:$0x3FA9] =	sst s1  }
0xa: {  	[smem:$0x3FAA] =	sst s2  }
0xb: {  	[smem:$0x3FAB] =	sst s3  }
0xc: {  	[smem:$0x3FAC] =	sst s4  }
0xd: {  	[smem:$0x3FAD] =	sst s5  }
0xe: {  	[smem:$0x3FAE] =	sst s6  }
0xf: {  	[smem:$0x3FAF] =	sst s7  }
0x10: {  	[smem:$0x3FB0] =	sst s8  }
0x11: {  	[smem:$0x3FB1] =	sst s9;
	s0 =	simm.s32 @!p0 $0x0  }
0x12: {  	s1 =	sld [smem:$0x3F97];
	s0 =	simm.s32 @p0 $0x1  }
0x13: {  	[smem:$0x3FB2] =	sst s0;
	s0 =	simm.s32 @!p1 $0x0  }
0x14: {  	s2 =	sld [smem:$0x3F96];
	s0 =	simm.s32 @p1 $0x1  }
0x15: {  	[smem:$0x3FB3] =	sst s0;
	s0 =	simm.s32 @!p2 $0x0  }
0x16: {  	s3 =	sld [smem:$0x3FDB];
	s0 =	simm.s32 @p2 $0x1  }
0x17: {  	s4 =	simm.s32 $0x1BF5;
	[smem:$0x3FB5] =	sst s0  }
0x18: {  	s0 =	sld [smem:$0x3F98];
	_ =	swait.ge [sflag:s4], $0x0  }
0x19: {  	s7 =	sld [smem:$0x3F99]  }
0x1a: {  	s8 =	sadd.s32 $0xFFFFE003, lr  }
0x1b: {  	s9 =	sadd.s32 $0xFFFFFEF7, lr;
	s5 =	simm.s32 $0xFFFFFFFF;
	p2 =	slt.u32 s8, $0xFFFFF086  }
0x1c: {  	p1 =	slt.u32 s9, $0xF7A;
	s5 =	simm.s32 @!p2 $0x0  }
0x1d: {  	s5 =	simm.s32 @p1 $0x1;
	p0 =	seq.s32 s7, s2  }
0x1e: {  	s7 =	smul.u32 @!p0 $0xF7A, s2;
	p2 =	seq.s32 @!p0 s5, $0x0  }
0x1f: {  	s9 =	smul.u32 $0xF7A, s1;
	s8 =	simm.s32 @!p0 $0x1BF5;
	p2 =	por !p2, p0  }
0x20: {  	[sflag:s8] =	ssyncset.s32 @!p0 $0xFFFFF086;
	s6 =	sadd.s32 @!p0 s3, s7;
	s7 =	simm.s32 @!p0 $0x108  }
0x21: {  	s3 =	sadd.s32 s3, s9;
	s6 =	sadd.s32 @!p0 $0x88, s6;
	s7 =	simm.s32 @p2 $0x1082  }
0x22: {  	[simem:s7], [sflag:s8] =	dma.local @!p0 [hbm:s6], $0xF7A  }
0x23: {  	s9 =	sor.u32 $0xD0000000, s2;
	s6 =	simm.s32 $0x108;
	_ =	swait.ge @!p0 [sflag:s8], $0x0  }
0x24: {  	s3 =	sadd.s32 $0x88, s3;
	s6 =	simm.s32 @!p1 $0x1082;
	[sflag:s4] =	ssyncset.s32 $0xFFFFF086  }
0x25: {  	[simem:s6], [sflag:s4] =	dma.local [hbm:s3], $0xF7A  }
0x26: {  	[smem:$0x3F99] =	sst s1;
	(tag) =	ssettag s2;
	_ =	strace s9  }
0x27: {  	s1 =	sld [smem:$0x3FA9]  }
0x28: {  	s2 =	sld [smem:$0x3FAA]  }
0x29: {  	s4 =	sld [smem:$0x3FAC]  }
0x2a: {  	p0 =	seq.s32 s5, $0x0;
	s5 =	sld [smem:$0x3FAD]  }
0x2b: {  	s6 =	sld [smem:$0x3FAE]  }
0x2c: {  	s7 =	sld [smem:$0x3FAF]  }
0x2d: {  	s3 =	simm.s32 $0x108;
	s8 =	sld [smem:$0x3FB0]  }
0x2e: {  	s3 =	simm.s32 @!p0 $0x1082;
	s9 =	sld [smem:$0x3FB1]  }
0x2f: {  	lr =	sadd.s32 s0, s3;
	s0 =	sld [smem:$0x3FA8]  }
0x30: {  	s3 =	sld [smem:$0x3FAB]  }
0x31: {  	[smem:$0x3FB4] =	sst s10  }
0x32: {  	s10 =	sld [smem:$0x3FB2];
	_ =	sdelay $0x3  }
0x33: {  	p0 =	seq.s32 s10, $0x1;
	s10 =	sld [smem:$0x3FB4];
	_ =	sdelay $0x3  }
0x34: {  	[smem:$0x3FB4] =	sst s10  }
0x35: {  	s10 =	sld [smem:$0x3FB3];
	_ =	sdelay $0x3  }
0x36: {  	p1 =	seq.s32 s10, $0x1;
	s10 =	sld [smem:$0x3FB4];
	_ =	sdelay $0x3  }
0x37: {  	[smem:$0x3FB4] =	sst s10  }
0x38: {  	s10 =	sld [smem:$0x3FB5]  }
0x39: {  	_ = 	snop;
	(pc) =	sbr.ind lr, $3  }
0x3a: {  	_ = 	snop  }
0x3b: {  	_ = 	snop  }
0x3c: {  	p2 =	seq.s32 s10, $0x1;
	s10 =	sld [smem:$0x3FB4]  }
0x3d: {  	_ =	shalt  }
0x3e: {  	_ =	shalt  }
0x3f: {  	_ =	shalt  }
0x40: {  	_ =	shalt  }
0x41: {  	_ =	shalt  }
0x42: {  	_ =	shalt  }
0x43: {  	_ =	shalt  }
0x44: {  	_ =	shalt  }
0x45: {  	_ =	shalt  }
0x46: {  	_ =	shalt  }
0x47: {  	_ =	shalt  }
0x48: {  	_ =	shalt  }
0x49: {  	_ =	shalt  }
0x4a: {  	_ =	shalt  }
0x4b: {  	_ =	shalt  }
0x4c: {  	_ =	shalt  }
0x4d: {  	_ =	shalt  }
0x4e: {  	_ =	shalt  }
0x4f: {  	_ =	shalt  }
0x50: {  	_ =	shalt  }
0x51: {  	_ =	shalt  }
0x52: {  	_ =	shalt  }
0x53: {  	_ =	shalt  }
0x54: {  	_ =	shalt  }
0x55: {  	_ =	shalt  }
0x56: {  	_ =	shalt  }
0x57: {  	_ =	shalt  }
0x58: {  	_ =	shalt  }
0x59: {  	_ =	shalt  }
0x5a: {  	_ =	shalt  }
0x5b: {  	_ =	shalt  }
0x5c: {  	_ =	shalt  }
0x5d: {  	_ =	shalt  }
0x5e: {  	_ =	shalt  }
0x5f: {  	_ =	shalt  }
0x60: {  	_ =	shalt  }
0x61: {  	_ =	shalt  }
0x62: {  	_ =	shalt  }
0x63: {  	_ =	shalt  }
0x64: {  	_ =	shalt  }
0x65: {  	_ =	shalt  }
0x66: {  	_ =	shalt  }
0x67: {  	_ =	shalt  }
0x68: {  	_ =	shalt  }
0x69: {  	_ =	shalt  }
0x6a: {  	_ =	shalt  }
0x6b: {  	_ =	shalt  }
0x6c: {  	_ =	shalt  }
0x6d: {  	_ =	shalt  }
0x6e: {  	_ =	shalt  }
0x6f: {  	_ =	shalt  }
0x70: {  	_ =	shalt  }
0x71: {  	_ =	shalt  }
0x72: {  	_ =	shalt  }
0x73: {  	_ =	shalt  }
0x74: {  	_ =	shalt  }
0x75: {  	_ =	shalt  }
0x76: {  	_ =	shalt  }
0x77: {  	_ =	shalt  }
0x78: {  	_ =	shalt  }
0x79: {  	_ =	shalt  }
0x7a: {  	_ =	shalt  }
0x7b: {  	_ =	shalt  }
0x7c: {  	_ =	shalt  }
0x7d: {  	_ =	shalt  }
0x7e: {  	_ =	shalt  }
0x7f: {  	_ =	shalt  }
0x80: {  	_ =	shalt  }
0x81: {  	_ =	shalt  }
0x82: {  	_ =	shalt  }
0x83: {  	_ =	shalt  }
0x84: {  	_ =	shalt  }
0x85: {  	_ =	shalt  }
0x86: {  	_ =	shalt  }
0x87: {  	_ =	shalt  }
.Lfunc_end0:
.L_simem_size_0:
called_computation_lowered:
.L_overlay_start_0:
0x88: {  	s2 =	sld [smem:$0x3FD9]  }
0x89: {  	s3 =	sld [smem:$0x3FFE];
	_ =	sdelay $0x1  }
0x8a: {  	s1 =	srdreg.scid  }
0x8b: {  	s0 =	sand.u32 $0x1, s1  }
0x8c: {  	s16 =	sshll.u32 s0, $0xA;
	s2 =	sadd.s32 s3, s2  }
0x8d: {  	s2 =	sadd.s32 s2, s16  }
0x8e: {  	[smem:$0x3FC0] =	sst s2  }
0x8f: {  	_ = 	snop  }
0x90: {  	(tm) =	ssettm $0x1  }
0x91: {  	s17 =	sld [smem:$0x3FFB];
	_ =	sdelay $0x3  }
0x92: {  	_ =	strace s17  }
0x93: {  	s2 =	sld [smem:$0x3FFC];
	_ =	sdelay $0x3  }
0x94: {  	_ =	strace s2  }
0x95: {  	s2 =	sld [smem:$0x3FFD];
	_ =	sdelay $0x3  }
0x96: {  	_ =	strace s2  }
0x97: {  	_ =	strace $0x8FFFFFFF  }
0x98: {  	s18 =	sld [smem:$0x3FDB];
	_ =	sdelay $0x1  }
0x99: {  	s19 =	simm.s32 $_scs_section_size  }
0x9a: {  	s4 =	simm.s32 $_size__tile_overlayer_lowered;
	s5 =	simm.s32 $_tile_overlayer_lowered  }
0x9b: {  	s22 =	simm.s32 $0x1BFF;
	s21 =	sshll.u32 s5, $0x1;
	s2 =	sadd.s32 s19, s18  }
0x9c: {  	s6 =	simm.s32 $0x0;
	s20 =	sshll.u32 s4, $0x1;
	s4 =	sadd.s32 s21, s2  }
0x9d: {  	[timem:s6], [sflag:s22] =	dma.local [hbm:s4], s20  }
0x9e: {  	_ =	swait.ge [sflag:s22], s20  }
0x9f: {  	s3 =	ssub.s32 $0x0, s20;
	[sflag:s22] =	ssyncset.done $0x0  }
0xa0: {  	[sflag:s22] =	ssyncadd.s32 s3;
	_ =	sdelay $0x1  }
0xa1: {  	s23 =	simm.s32 $0x1B8B  }
0xa2: {  	_ =	swait.ge [sflag:s23], $0x1  }
0xa3: {  	[sflag:s23] =	ssyncset.done $0x0  }
0xa4: {  	s25 =	simm.s32 $0x1B8E;
	s24 =	sld [smem:$0x3FFE];
	[sflag:s23] =	ssyncadd.s32 $0xFFFFFFFF  }
0xa5: {  	s26 =	simm.s32 $execute0_lowered;
	[smem:$0x3FD2] =	sst s25  }
0xa6: {  	s4 =	sshll.u32 s26, $0x1;
	_ =	strace $0x80000046;
	[dreg:$0x1] =	wrdreg $0xFFFFFFFF  }
0xa7: {  	s28 =	simm.s32 $_size_execute0_lowered;
	s2 =	sadd.s32 s2, s4;
	[dreg:$0x0] =	wrdreg $0x0  }
0xa8: {  	s4 =	sshll.u32 s28, $0x1;
	[dreg:$0x2] =	wrdreg s2  }
0xa9: {  	[dreg:$0x3] =	wrdreg s4  }
0xaa: {  	[dreg:$0x4] =	wrdreg $0xC0  }
0xab: {  	_ =	task [dreg:s6], $0x5FFFF  }
0xac: {  	[dreg:$0x1] =	wrdreg $0xFFFFFFFF  }
0xad: {  	[dreg:$0x0] =	wrdreg $0x60  }
0xae: {  	[dreg:$0x2] =	wrdreg s24  }
0xaf: {  	[dreg:$0x3] =	wrdreg $0x0  }
0xb0: {  	[dreg:$0x4] =	wrdreg $0x9  }
0xb1: {  	_ =	task.clear_ibuf [dreg:s6], $0x5FFFF;
	_ =	strace $0x90000046  }
0xb2: {  	s29 =	simm.s32 $0x9;
	_ =	strace $0x80000048  }
0xb3: {  	_ =	swait.ge [sflag:s29], $0x1  }
0xb4: {  	[sflag:s29] =	ssyncadd.s32 $0xFFFFFFFF  }
0xb5: {  	_ =	strace $0x90000048  }
0xb6: {  	_ =	sfence  }
0xb7: {  	s30 =	sld [smem:$0x0];
	_ =	sdelay $0x2  }
0xb8: {  	s31 =	sshll.u32 s1, $0xD;
	s1 =	sshrl.u32 s1, $0x2  }
0xb9: {  	s3 =	sand.u32 $0x4000, s31;
	s1 =	sadd.s32 s1, s30  }
0xba: {  	s0 =	sor.u32 s3, s0;
	s1 =	sshll.u32 s1, $0x11  }
0xbb: {  	s0 =	sor.u32 s1, s0  }
0xbc: {  	s0 =	sadd.s32 $0x8F2B, s0  }
0xbd: {  	[sflag:s0] =	ssyncadd.remote.s32 $0x1  }
0xbe: {  	_ =	sfence.sel $0xFFFF  }
0xbf: {  	[dreg:$0x0] =	wrdreg $0xFFFFFFFF;
	(pc) =	sbr.abs _section_cstart, $3  }
0xc0: {  	[dreg:$0x1] =	wrdreg $0xFFFFFFFF  }
0xc1: {  	_ =	task.clear_ibuf [dreg:s6], $0x2FFFF;
	_ =	strace $0x9FFFFFFF  }
0xc2: {  	(tm) =	ssettm $0x7FFFFFFF  }
0xc3: {  	_ =	shalt  }
tec
execute0_lowered:
.L_overlay_start_1:
0x0: {  	(tag) =	ssettag $0x1  }
0x1: {  	s1 =	srdreg.scid;
	s4 =	rddreg [dreg:$0x0]  }
0x2: {  	s0 =	stileid.u32;
	s2 =	rddreg [dreg:$0x1];
	s3 =	simm.s32 $0x0  }
0x3: {  	s10 =	simm.s32 $0x2AD0;
	s11 =	simm.s32 $0x50;
	s12 =	simm.s32 $0x2A80  }
0x4: {  	s13 =	simm.s32 $0x51E0;
	s5 =	sand.u32 $0x1, s1;
	s6 =	smul.u32 $0x280, s0  }
0x5: {  	s7 =	sshll.u32 s0, $0x1;
	s1 =	rddreg [dreg:$0x2];
	s8 =	smul.u32 $0x2800, s5  }
0x6: {  	s14 =	simm.s32 $0x0;
	[smem:$0x7FF] =	sst s3;
	s7 =	sor.u32 s5, s7  }
0x7: {  	s5 =	ssub.s32 $0x2, s5;
	s7 =	smul.u32 $0x4E2, s7;
	s8 =	sadd.s32 s6, s8  }
0x8: {  	_ =	strace $0x80000047;
	s31 =	sshrl.u32 s5, $0x1;
	s8 =	sshrl.u32 s8, $0x3  }
0x9: {  	v0 =	vlaneseq.u32;
	s9 =	ssub.s32 s5, s31;
	s7 =	sadd.s32 s7, s4;
	s8 =	sadd.s32 s8, s4  }
0xa: {  	v1 =	vimm.f32 $0.0e+00;
	v6 =	vimm.f32 $1.000000000e+00;
	v2 =	vor.u32 $0x10, v0;
	s4 =	sadd.s32 s6, s2;
	s5 =	sadd.s32 $0xBC00, s7;
	s7 =	smax.u32 s9, $0x1  }
0xb: {  	v3 =	vor.u32 $0x20, v0;
	v4 =	vor.u32 $0x30, v0;
	v5 =	vor.u32 $0x40, v0;
	s9 =	simm.s32 $0x1;
	s6 =	sadd.s32 $0x15A00, s8;
	s8 =	simm.s32 $0x280  }
.LBB2_1:
0xc: {  	s15 =	simm.s32 $0x0;
	s16 =	simm.s32 $0x200  }
.LBB2_2:
0xd: {  	p0 =	sne.s32 s16, $0x9E00;
	[tilespmem:s15+$0x2F0] =	vst v1  }
0xe: {  	[tilespmem:s15+$0x280] =	vst v1  }
0xf: {  	[tilespmem:s15+$0x290] =	vst v1  }
.Ltmp0:
0x10: {  	[tilespmem:s15+$0x2A0] =	vst v1;
	(pc) =	sbr.rel @p0 .LBB2_2-.Ltmp0, $4  }
0x11: {  	[tilespmem:s15+$0x2B0] =	vst v1  }
0x12: {  	[tilespmem:s15+$0x2C0] =	vst v1  }
0x13: {  	[tilespmem:s15+$0x2D0] =	vst v1  }
0x14: {  	[tilespmem:s15+$0x2E0] =	vst v1;
	s15 =	sshra.s32 s16, $0x2;
	s16 =	sadd.s32 $0x200, s16  }
0x15: {  	[tilespmem:s15+$0x2F0] =	vst v1  }
0x16: {  	[tilespmem:s15+$0x280] =	vst v1  }
0x17: {  	[tilespmem:s15+$0x290] =	vst v1  }
0x18: {  	[tilespmem:s15+$0x2A0] =	vst v1  }
0x19: {  	[tilespmem:s15+$0x2B0] =	vst v1  }
0x1a: {  	[tilespmem:s15+$0x2C0] =	vst v1  }
0x1b: {  	[tilespmem:s15+$0x2D0] =	vst v1  }
0x1c: {  	[tilespmem:s15+$0x2E0] =	vst v1  }
0x1d: {  	[tilespmem:$0x2A80] =	vst v0  }
0x1e: {  	[tilespmem:$0x2A90] =	vst v2  }
0x1f: {  	[tilespmem:$0x2AA0] =	vst v3  }
0x20: {  	[tilespmem:$0x2AB0] =	vst v4  }
0x21: {  	[tilespmem:$0x2AC0] =	vst v5  }
0x22: {  	[spmem:s4] =	stream.linear.scatter [tilespmem:s8], [sflag:$0x1], $0x280, $0x38;
	[tilespmem:$0x5460] =	vst v63  }
0x23: {  	_ =	swait.ge [sflag:s9], $0x280  }
0x24: {  	[sflag:s9] =	ssyncset.done $0x0  }
0x25: {  	s15 =	simm.s32 $0x0;
	[sflag:s9] =	ssyncadd.s32 $0xFFFFFD80  }
0x26: {  	[tilespmem:s10], [sflag:$0x1] =	stream.linear.gather [hbm4b:s5+s15], $0x2710, $0x38;
	[tilespmem:$0x5460] =	vst v63  }
0x27: {  	_ =	swait.ge [sflag:s9], $0x2710  }
0x28: {  	[sflag:s9] =	ssyncset.done $0x0  }
0x29: {  	[sflag:s9] =	ssyncadd.s32 $0xFFFFD8F0  }
0x2a: {  	[bflag:$0x0] =	sbarrier.arrive $0xFFFF  }
.LBB2_4:
0x2b: {  	s16 =	sshra.s32 s15, $0x2  }
0x2c: {  	v7 =	vld [tilespmem:s16+$0x2AD0];
	_ =	sdelay $0x7  }
0x2d: {  	[tilespmem:v7+s8+$0x0] =	vst.idx.add.f32.msk $0xffff, v6  }
0x2e: {  	v7 =	vld [tilespmem:s16+$0x2AE0];
	_ =	sdelay $0x7  }
0x2f: {  	[tilespmem:v7+s8+$0x0] =	vst.idx.add.f32.msk $0xffff, v6  }
0x30: {  	v7 =	vld [tilespmem:s16+$0x2AF0];
	_ =	sdelay $0x7  }
0x31: {  	[tilespmem:v7+s8+$0x0] =	vst.idx.add.f32.msk $0xffff, v6  }
0x32: {  	v7 =	vld [tilespmem:s16+$0x2B00];
	_ =	sdelay $0x7  }
0x33: {  	[tilespmem:v7+s8+$0x0] =	vst.idx.add.f32.msk $0xffff, v6  }
0x34: {  	v7 =	vld [tilespmem:s16+$0x2B10];
	_ =	sdelay $0x2  }
0x35: {  	p0 =	sne.s32 s15, $0x9B00  }
.Ltmp1:
0x36: {  	_ = 	snop;
	(pc) =	sbr.rel @p0 .LBB2_4-.Ltmp1, $2  }
0x37: {  	_ =	sdelay $0x2  }
0x38: {  	s15 =	sadd.s32 $0x140, s15;
	[tilespmem:v7+s8+$0x0] =	vst.idx.add.f32.msk $0xffff, v6  }
0x39: {  	[bflag:$0x0] =	sbarrier.arrive $0xFFFF  }
0x3a: {  	[spmem:s2] =	stream.indirect.scatter.add.f32 [tilespmem:s8], [sflag:$0x1], $0x80, s12, s11, $0xb8;
	[tilespmem:$0x5460] =	vst v63  }
0x3b: {  	_ =	swait.ge [sflag:s9], $0x2800  }
0x3c: {  	[sflag:s9] =	ssyncset.done $0x0  }
0x3d: {  	[sflag:s9] =	ssyncadd.s32 $0xFFFFD800  }
0x3e: {  	[bflag:$0x0] =	sbarrier.arrive $0xFFFF  }
0x3f: {  	[tilespmem:s13], [sflag:$0x1] =	stream.linear.gather [spmem:s4], $0x280, $0x38;
	[tilespmem:$0x5460] =	vst v63  }
0x40: {  	s14 =	sadd.s32 $0x1, s14;
	_ =	swait.ge [sflag:s9], $0x280  }
0x41: {  	p0 =	sne.s32 s14, s7;
	[sflag:s9] =	ssyncset.done $0x0  }
.Ltmp2:
0x42: {  	[sflag:s9] =	ssyncadd.s32 $0xFFFFFD80;
	(pc) =	sbr.rel @p0 .LBB2_1-.Ltmp2, $4  }
0x43: {  	[hbm4b:s6+s3] =	stream.linear.scatter [tilespmem:s13], [sflag:$0x1], $0x280, $0x38;
	[tilespmem:$0x5460] =	vst v63  }
0x44: {  	_ =	swait.ge [sflag:s9], $0x280  }
0x45: {  	[sflag:s9] =	ssyncset.done $0x0  }
0x46: {  	[sflag:s9] =	ssyncadd.s32 $0xFFFFFD80  }
0x47: {  	_ =	sfence.sel $0x180000  }
0x48: {  	[bflag:$0x0] =	sbarrier.arrive $0xFFFF  }
0x49: {  	p0 =	sne.s32 s0, $0x0;
	_ =	strace $0x90000047  }
0x4a: {  	s0 =	sadd.s32 @!p0 $0x100000, s1;
	[bflag:$0x2] =	sbarrier.arrive $0xFFFF  }
0x4b: {  	[sflag:s0] =	ssyncadd.tile.s32 @!p0 $0x1;
	_ =	shalt  }
.Lfunc_end2:
_tile_overlayer_lowered:
.L_overlay_start_2:
0x4c: {  	(tag) =	ssettag $0x2  }
0x4d: {  	s0 =	rddreg [dreg:$0x0];
	s2 =	stileid.u32  }
0x4e: {  	s1 =	rddreg [dreg:$0x1];
	p0 =	sne.s32 s2, $0x0  }
0x4f: {  	s3 =	rddreg [dreg:$0x2];
	[bflag:$0x3] =	sbarrier.arrive $0xFFFF;
	s2 =	simm.s32 @!p0 $0x1C01  }
0x50: {  	[timem:s3], [sflag:s2] =	dma.local @!p0 [hbm:s0], s1  }
0x51: {  	s0 =	simm.s32 @!p0 $0x1  }
0x52: {  	_ =	swait.ge @!p0 [sflag:s0], s1  }
0x53: {  	s1 =	ssub.s32 @!p0 $0x0, s1;
	[sflag:s0] =	ssyncset.done @!p0 $0x0  }
0x54: {  	[sflag:s0] =	ssyncadd.s32 @!p0 s1  }
0x55: {  	[bflag:$0x3] =	sbarrier.arrive $0xFFFF  }
0x56: {  	_ =	shalt  }

</sc_bundles>
